<compile_context>
chip_gen: v7x
topology: tpu7x:2x2x1
jax: 0.10.2.dev20260603
libtpu: 0.0.44.dev20260713+nightly
codegen_flags: <defaults>
</compile_context>

<pallas_src>
import jax
import jax.numpy as jnp
from jax import lax
from jax.experimental import pallas as pl
from jax.experimental.pallas import tpu as pltpu
from jax.experimental.pallas import tpu_sc as plsc

f32 = jnp.float32
i32 = jnp.int32

N_NODES = 10000
D = 128
NG = 64
NCLS = 18
NSC = 2
NT = 16
NW = NSC * NT
FPT = D // NW
N_PAD = 10240
EC = 4096
E_CHUNKS = 80
E_PAD = EC * E_CHUNKS
DEG_CHUNKS = E_PAD // NW // 128
ROW_BLK = 512
N_BLKS = N_PAD // ROW_BLK

_SC_MESH = plsc.VectorSubcoreMesh(core_axis_name="c", subcore_axis_name="s")
_SC_PARAMS = pltpu.CompilerParams(needs_layout_passes=False)



def _spmm_body(gt_hbm, src_hbm, dst_hbm, w_hbm, out,
               slab, accv, src0, src1, dst0, dst1, w0, w1, sem0, sem1):
    c = lax.axis_index("c")
    s = lax.axis_index("s")
    wid = c * NT + s
    srcb = (src0, src1)
    dstb = (dst0, dst1)
    wb = (w0, w1)
    sem = (sem0, sem1)

    pltpu.sync_copy(gt_hbm.at[pl.ds(wid * FPT, FPT)], slab)

    def az(i, carry):
        for f in range(FPT):
            accv[f, pl.ds(i * 16, 16)] = jnp.zeros((16,), f32)
        return carry
    lax.fori_loop(0, N_PAD // 16, az, 0)

    def fire(ch, b):
        es = pl.ds(ch * EC, EC)
        pltpu.async_copy(src_hbm.at[es], srcb[b], sem[b])
        pltpu.async_copy(dst_hbm.at[es], dstb[b], sem[b])
        pltpu.async_copy(w_hbm.at[es], wb[b], sem[b])

    def drain(ch, b):
        es = pl.ds(ch * EC, EC)
        pltpu.make_async_copy(src_hbm.at[es], srcb[b], sem[b]).wait()
        pltpu.make_async_copy(dst_hbm.at[es], dstb[b], sem[b]).wait()
        pltpu.make_async_copy(w_hbm.at[es], wb[b], sem[b]).wait()

    fire(0, 0)
    fire(1, 1)

    def pair(p, carry):
        for b in range(2):
            ch = p * 2 + b
            drain(ch, b)

            @plsc.parallel_loop(0, EC // 16, unroll=4)
            def grp(i):
                sl = pl.ds(i * 16, 16)
                s16 = srcb[b][sl]
                d16 = dstb[b][sl]
                w16 = wb[b][sl]
                for f in range(FPT):
                    ff = jnp.full((16,), f, i32)
                    vals = plsc.load_gather(slab, [ff, s16])
                    plsc.addupdate_scatter(accv, [ff, d16], vals * w16)
            nxt = ch + 2

            @pl.when(nxt < E_CHUNKS)
            def _():
                fire(nxt, b)
        return carry
    lax.fori_loop(0, E_CHUNKS // 2, pair, 0)

    pltpu.sync_copy(accv, out.at[pl.ds(wid * FPT, FPT)])


def _spmm(gt, srcf, dstf, wf):
    return pl.kernel(
        _spmm_body,
        out_type=jax.ShapeDtypeStruct((D, N_PAD), f32),
        mesh=_SC_MESH,
        compiler_params=_SC_PARAMS,
        scratch_types=[
            pltpu.VMEM((FPT, N_PAD), f32),
            pltpu.VMEM((FPT, N_PAD), f32),
            pltpu.VMEM((EC,), i32),
            pltpu.VMEM((EC,), i32),
            pltpu.VMEM((EC,), i32),
            pltpu.VMEM((EC,), i32),
            pltpu.VMEM((EC,), f32),
            pltpu.VMEM((EC,), f32),
            pltpu.SemaphoreType.DMA,
            pltpu.SemaphoreType.DMA,
        ],
    )(gt, srcf, dstf, wf)



def _deg_body(dst_hbm, w_hbm, out, degp, dst_v, w_v):
    c = lax.axis_index("c")
    s = lax.axis_index("s")
    wid = c * NT + s

    def dz(i, carry):
        degp[pl.ds(i * 16, 16)] = jnp.zeros((16,), f32)
        return carry
    lax.fori_loop(0, N_PAD // 16, dz, 0)

    pltpu.sync_copy(dst_hbm.at[wid], dst_v)
    pltpu.sync_copy(w_hbm.at[wid], w_v)

    @plsc.parallel_loop(0, DEG_CHUNKS, unroll=2)
    def eb(r):
        for gi in range(8):
            sl = pl.ds(gi * 16, 16)
            plsc.addupdate_scatter(degp, [dst_v[r, sl]], w_v[r, sl])

    pltpu.sync_copy(degp, out.at[wid])


def _deg(dst3, w3):
    return pl.kernel(
        _deg_body,
        out_type=jax.ShapeDtypeStruct((NW, N_PAD), f32),
        mesh=_SC_MESH,
        compiler_params=_SC_PARAMS,
        scratch_types=[
            pltpu.VMEM((N_PAD,), f32),
            pltpu.VMEM((DEG_CHUNKS, 128), i32),
            pltpu.VMEM((DEG_CHUNKS, 128), f32),
        ],
    )(dst3, w3)



def _dred_body(degp_ref, out_ref):
    out_ref[...] = lax.rsqrt(1.0 + jnp.sum(degp_ref[...], axis=0,
                                           keepdims=True))


def _dred(degp):
    return pl.pallas_call(
        _dred_body,
        grid=(N_BLKS,),
        in_specs=[pl.BlockSpec((NW, ROW_BLK), lambda i: (0, i))],
        out_specs=pl.BlockSpec((1, ROW_BLK), lambda i: (0, i)),
        out_shape=jax.ShapeDtypeStruct((1, N_PAD), f32),
    )(degp)


def _g0_body(x_ref, w0t_ref, dinv_ref, g0_ref):
    xw = lax.dot_general(w0t_ref[...], x_ref[...],
                         (((1,), (1,)), ((), ())),
                         preferred_element_type=f32)
    g0_ref[...] = dinv_ref[...] * xw


def _g0(x_pad, w0t, dinvT):
    return pl.pallas_call(
        _g0_body,
        grid=(N_BLKS,),
        in_specs=[
            pl.BlockSpec((ROW_BLK, D), lambda i: (i, 0)),
            pl.BlockSpec((D, D), lambda i: (0, 0)),
            pl.BlockSpec((1, ROW_BLK), lambda i: (0, i)),
        ],
        out_specs=pl.BlockSpec((D, ROW_BLK), lambda i: (0, i)),
        out_shape=jax.ShapeDtypeStruct((D, N_PAD), f32),
    )(x_pad, w0t, dinvT)


def _layer_body(p_ref, g_ref, dinv_ref, b_ref, wt_ref, out_ref):
    dv = dinv_ref[...]
    h = dv * (p_ref[...] + g_ref[...]) + b_ref[...]
    h = jnp.maximum(h, 0.0)
    out_ref[...] = dv * jnp.dot(wt_ref[...], h, preferred_element_type=f32)


def _layer(p, g, dinvT, bcol, wt):
    return pl.pallas_call(
        _layer_body,
        grid=(N_BLKS,),
        in_specs=[
            pl.BlockSpec((D, ROW_BLK), lambda i: (0, i)),
            pl.BlockSpec((D, ROW_BLK), lambda i: (0, i)),
            pl.BlockSpec((1, ROW_BLK), lambda i: (0, i)),
            pl.BlockSpec((D, 1), lambda i: (0, 0)),
            pl.BlockSpec((D, D), lambda i: (0, 0)),
        ],
        out_specs=pl.BlockSpec((D, ROW_BLK), lambda i: (0, i)),
        out_shape=jax.ShapeDtypeStruct((D, N_PAD), f32),
    )(p, g, dinvT, bcol, wt)


def _pool_body(p_ref, g_ref, dinv_ref, b_ref, batch_ref, out_ref):
    i = pl.program_id(0)
    h = dinv_ref[...] * (p_ref[...] + g_ref[...]) + b_ref[...]
    onehot = (batch_ref[...] ==
              lax.broadcasted_iota(i32, (ROW_BLK, NG), 1)).astype(f32)
    acc = jnp.dot(h, onehot, preferred_element_type=f32)

    @pl.when(i == 0)
    def _():
        out_ref[...] = acc

    @pl.when(i != 0)
    def _():
        out_ref[...] += acc


def _pool(p, g, dinvT, bcol, batch_col):
    return pl.pallas_call(
        _pool_body,
        grid=(N_BLKS,),
        in_specs=[
            pl.BlockSpec((D, ROW_BLK), lambda i: (0, i)),
            pl.BlockSpec((D, ROW_BLK), lambda i: (0, i)),
            pl.BlockSpec((1, ROW_BLK), lambda i: (0, i)),
            pl.BlockSpec((D, 1), lambda i: (0, 0)),
            pl.BlockSpec((ROW_BLK, 1), lambda i: (i, 0)),
        ],
        out_specs=pl.BlockSpec((D, NG), lambda i: (0, 0)),
        out_shape=jax.ShapeDtypeStruct((D, NG), f32),
    )(p, g, dinvT, bcol, batch_col)


def _head_body(pooled_ref, fc1wt_ref, fc1b_ref, fc2wt_ref, fc2b_ref,
               gam_ref, bet_ref, out_ref):
    p = pooled_ref[...]
    mean = jnp.mean(p, axis=1, keepdims=True)
    var = jnp.mean((p - mean) ** 2, axis=1, keepdims=True)
    hn = (p - mean) * lax.rsqrt(var + 1e-5) * gam_ref[...] + bet_ref[...]
    hf = jnp.dot(fc1wt_ref[...], hn, preferred_element_type=f32) + fc1b_ref[...]
    hf = jnp.maximum(hf, 0.0)
    logits = jnp.dot(fc2wt_ref[...], hf, preferred_element_type=f32) + fc2b_ref[...]
    row = lax.broadcasted_iota(i32, (D, NG), 0)
    lm = jnp.where(row < NCLS, logits, -1e30)
    mx = jnp.max(lm, axis=0, keepdims=True)
    lse = jnp.log(jnp.sum(jnp.exp(lm - mx), axis=0, keepdims=True)) + mx
    out_ref[...] = logits - lse


def _head(pooledT, fc1wt, fc1b_col, fc2wt_pad, fc2b_col, gam_col, bet_col):
    return pl.pallas_call(
        _head_body,
        out_shape=jax.ShapeDtypeStruct((D, NG), f32),
    )(pooledT, fc1wt, fc1b_col, fc2wt_pad, fc2b_col, gam_col, bet_col)



def kernel(x, edge_index, edge_type, batch, W, b,
           fc1_W, fc1_b, fc2_W, fc2_b, bn_gamma, bn_beta):
    n = x.shape[0]
    ne = edge_index.shape[1]
    n_conv = W.shape[0]

    src = edge_index[0].astype(i32)
    dst = edge_index[1].astype(i32)
    w = edge_type.astype(f32)

    epad = E_PAD - ne
    srcf = jnp.concatenate([src, jnp.zeros((epad,), i32)])
    dstf = jnp.concatenate([dst, jnp.zeros((epad,), i32)])
    wf = jnp.concatenate([w, jnp.zeros((epad,), f32)])
    dst3 = dstf.reshape(NW, DEG_CHUNKS, 128)
    w3 = wf.reshape(NW, DEG_CHUNKS, 128)

    x_pad = jnp.concatenate([x.astype(f32), jnp.zeros((N_PAD - n, D), f32)])
    batch_col = jnp.concatenate([batch.astype(i32),
                                 jnp.full((N_PAD - n,), NG, i32)]).reshape(N_PAD, 1)

    Wt = jnp.swapaxes(W, 1, 2).astype(f32)

    degp = _deg(dst3, w3)
    dinvT = _dred(degp)
    g = _g0(x_pad, Wt[0], dinvT)

    p = None
    for i in range(n_conv):
        p = _spmm(g, srcf, dstf, wf)
        if i + 1 < n_conv:
            g = _layer(p, g, dinvT, b[i].reshape(D, 1), Wt[i + 1])

    pooledT = _pool(p, g, dinvT, b[n_conv - 1].reshape(D, 1), batch_col)

    fc2wt_pad = jnp.zeros((D, D), f32).at[:NCLS, :].set(fc2_W.T.astype(f32))
    fc2b_col = jnp.zeros((D, 1), f32).at[:NCLS, 0].set(fc2_b.astype(f32))
    outT = _head(pooledT, fc1_W.T.astype(f32), fc1_b.reshape(D, 1).astype(f32),
                 fc2wt_pad, fc2b_col, bn_gamma.reshape(D, 1).astype(f32),
                 bn_beta.reshape(D, 1).astype(f32))
    return outT[:NCLS, :].T

# --- scband reference (transcript-rebuilt; emitter-appended) ---
"""Pipeline reference for scband-gcn-86947317940591 (READ-ONLY COPY).

The authoritative reference and input builder live on the scoring server;
editing this copy changes nothing except your own understanding.
"""

import jax, jax.numpy as jnp
import numpy as np

N_NODES = 10000
N_EDGES = 320000
D_IN = 128
D_HID = 128
N_CLASSES = 18
N_GRAPHS = 64
N_CONV = 6
BN_EPS = 1e-5


def setup_inputs(seed: int = 0) -> dict:
    key = jax.random.key(seed)
    ks = jax.random.split(key, 12)
    x = jax.random.normal(ks[0], (N_NODES, D_IN), dtype=jnp.float32)
    edge_index = jax.random.randint(ks[1], (2, N_EDGES), 0, N_NODES)
    edge_type = jax.random.uniform(ks[2], (N_EDGES,), dtype=jnp.float32)
    batch = jnp.sort(jax.random.randint(ks[3], (N_NODES,), 0, N_GRAPHS))
    # 6 GCNConv layers: first_conv + 4 hidden + last_conv, all 128->128
    W = jax.random.normal(ks[4], (N_CONV, D_HID, D_HID), dtype=jnp.float32) / np.sqrt(D_HID)
    b = jnp.zeros((N_CONV, D_HID), dtype=jnp.float32)
    fc1_W = jax.random.normal(ks[5], (D_HID, D_HID), dtype=jnp.float32) / np.sqrt(D_HID)
    fc1_b = jnp.zeros((D_HID,), dtype=jnp.float32)
    fc2_W = jax.random.normal(ks[6], (D_HID, N_CLASSES), dtype=jnp.float32) / np.sqrt(D_HID)
    fc2_b = jnp.zeros((N_CLASSES,), dtype=jnp.float32)
    bn_gamma = jnp.ones((D_HID,), dtype=jnp.float32)
    bn_beta = jnp.zeros((D_HID,), dtype=jnp.float32)
    return {"x": x, "edge_index": edge_index, "edge_type": edge_type, "batch": batch,
            "W": W, "b": b, "fc1_W": fc1_W, "fc1_b": fc1_b, "fc2_W": fc2_W,
            "fc2_b": fc2_b, "bn_gamma": bn_gamma, "bn_beta": bn_beta}


def _gcn_conv(x, src, dst, ew, W, b):
    # PyG GCNConv with edge_weight=edge_type: add self-loops (weight 1),
    # symmetric normalization D^-1/2 (A+I) D^-1/2, then linear + bias.
    n = x.shape[0]
    h = x @ W
    loop = jnp.arange(n)
    s = jnp.concatenate([src, loop])
    d = jnp.concatenate([dst, loop])
    w = jnp.concatenate([ew, jnp.ones((n,), dtype=ew.dtype)])
    deg = jnp.zeros((n,), dtype=h.dtype).at[d].add(w)
    deg_safe = jnp.where(deg > 0, deg, 1.0)
    dinv = jnp.where(deg > 0, 1.0 / jnp.sqrt(deg_safe), 0.0)
    norm = dinv[s] * w * dinv[d]
    msg = h[s] * norm[:, None]
    out = jnp.zeros_like(h).at[d].add(msg)
    return out + b


def reference(x, edge_index, edge_type, batch, W, b, fc1_W, fc1_b, fc2_W, fc2_b, bn_gamma, bn_beta):
    src = edge_index[0]
    dst = edge_index[1]
    # first_conv + relu (dropout is identity in eval)
    h = jax.nn.relu(_gcn_conv(x, src, dst, edge_type, W[0], b[0]))
    # 4 hidden convs + relu
    for i in range(1, 5):
        h = jax.nn.relu(_gcn_conv(h, src, dst, edge_type, W[i], b[i]))
    # last conv, no relu
    h = _gcn_conv(h, src, dst, edge_type, W[5], b[5])
    # global_add_pool over graph assignment
    pooled = jax.ops.segment_sum(h, batch, num_segments=N_GRAPHS)
    # BatchNorm1d (training forward: batch statistics)
    mean = jnp.mean(pooled, axis=0)
    var = jnp.var(pooled, axis=0)
    hn = (pooled - mean) / jnp.sqrt(var + BN_EPS) * bn_gamma + bn_beta
    hf = jax.nn.relu(hn @ fc1_W + fc1_b)
    logits = hf @ fc2_W + fc2_b
    return jax.nn.log_softmax(logits, axis=1)

if __name__ == "__main__":
    import jax
    _d = setup_inputs()
    print(jax.jit(kernel)(*tuple(_d.values())))

</pallas_src>

<mosaic_0001>
#map = affine_map<(d0, d1) -> (0, 0)>
#map1 = affine_map<(d0, d1) -> (0)>
module attributes {stable_mosaic.version = 14 : i64} {
  func.func @_spmm_body(%arg0: i32, %arg1: i32, %arg2: memref<128x10240xf32, #tpu.memory_space<hbm>>, %arg3: memref<327680xi32, #tpu.memory_space<hbm>>, %arg4: memref<327680xi32, #tpu.memory_space<hbm>>, %arg5: memref<327680xf32, #tpu.memory_space<hbm>>, %arg6: memref<128x10240xf32, #tpu.memory_space<hbm>>, %arg7: memref<4x10240xf32, #tpu.memory_space<vmem>>, %arg8: memref<4x10240xf32, #tpu.memory_space<vmem>>, %arg9: memref<4096xi32, #tpu.memory_space<vmem>>, %arg10: memref<4096xi32, #tpu.memory_space<vmem>>, %arg11: memref<4096xi32, #tpu.memory_space<vmem>>, %arg12: memref<4096xi32, #tpu.memory_space<vmem>>, %arg13: memref<4096xf32, #tpu.memory_space<vmem>>, %arg14: memref<4096xf32, #tpu.memory_space<vmem>>, %arg15: memref<!tpu.dma_semaphore, #tpu.memory_space<semaphore_mem>>, %arg16: memref<!tpu.dma_semaphore, #tpu.memory_space<semaphore_mem>>) attributes {dimension_semantics = [#tpu.dimension_semantics<core_parallel>, #tpu.dimension_semantics<subcore_parallel>], iteration_bounds = array<i64: 2, 16>, scalar_prefetch = 0 : i64, scratch_operands = 10 : i64, tpu.core_type = #tpu.core_type<sc_vector_subcore>, window_params = [{transform_indices = #map}, {transform_indices = #map1}, {transform_indices = #map1}, {transform_indices = #map1}, {transform_indices = #map}]} {
    %mul3A = arith.constant 16 : i32
    %mul3A_0 = arith.muli %arg0, %mul3A : i32
    %add3A = arith.addi %mul3A_0, %arg1 : i32
    %mul3A_1 = arith.constant 4 : i32
    %mul3A_2 = arith.muli %add3A, %mul3A_1 : i32
    "tpu.region"() ({
      %run_scoped3A = tpu.sem_alloc : memref<!tpu.dma_semaphore, #tpu.memory_space<semaphore_mem>>
      %dma_start3A_39 = arith.constant 0 : i32
      %dma_start3A_40 = tpu.memref_slice %arg2[%mul3A_2, %dma_start3A_39] : memref<128x10240xf32, #tpu.memory_space<hbm>> -> memref<4x10240xf32, #tpu.memory_space<hbm>>
      %dma_start3A_41 = arith.constant 0 : i32
      %dma_start3A_42 = tpu.memref_slice %arg2[%mul3A_2, %dma_start3A_41] : memref<128x10240xf32, #tpu.memory_space<hbm>> -> memref<4x10240xf32, #tpu.memory_space<hbm>>
      tpu.enqueue_dma source(%dma_start3A_42 : memref<4x10240xf32, #tpu.memory_space<hbm>>) target(%arg7 : memref<4x10240xf32, #tpu.memory_space<vmem>>) target_semaphore(%run_scoped3A : memref<!tpu.dma_semaphore, #tpu.memory_space<semaphore_mem>>)
      %dma_wait3A = arith.constant 0 : i32
      %dma_wait3A_43 = tpu.memref_slice %arg2[%mul3A_2, %dma_wait3A] : memref<128x10240xf32, #tpu.memory_space<hbm>> -> memref<4x10240xf32, #tpu.memory_space<hbm>>
      %dma_wait3A_44 = arith.constant 0 : i32
      %dma_wait3A_45 = tpu.memref_slice %arg2[%mul3A_2, %dma_wait3A_44] : memref<128x10240xf32, #tpu.memory_space<hbm>> -> memref<4x10240xf32, #tpu.memory_space<hbm>>
      tpu.wait_dma2 semaphore(%run_scoped3A : memref<!tpu.dma_semaphore, #tpu.memory_space<semaphore_mem>>) src(%dma_wait3A_45 : memref<4x10240xf32, #tpu.memory_space<hbm>>) dst(%arg7 : memref<4x10240xf32, #tpu.memory_space<vmem>>)
      tpu.yield
    }) : () -> ()
    %scan3A = arith.constant 0 : i32
    %scan3A_3 = arith.constant 0 : i32
    %scan3A_4 = arith.constant 640 : i32
    %scan3A_5 = arith.addi %scan3A_3, %scan3A_4 : i32
    %scan3A_6 = arith.constant 1 : i32
    scf.for %scan3A_39 = %scan3A_3 to %scan3A_5 step %scan3A_6  : i32 {
      %broadcast_in_dim3A = arith.constant 0.000000e+00 : f32
      %broadcast_in_dim3A_40 = vector.broadcast %broadcast_in_dim3A : f32 to vector<16xf32>
      %mul3A_41 = arith.constant 16 : i32
      %mul3A_42 = arith.muli %scan3A_39, %mul3A_41 : i32
      %swap3A = arith.constant 0 : i32
      %swap3A_43 = arith.index_cast %swap3A : i32 to index
      %swap3A_44 = arith.index_cast %mul3A_42 : i32 to index
      %swap3A_45 = tpu.vector_load %arg8[%swap3A_43, %swap3A_44] {strides = array<i32>} : memref<4x10240xf32, #tpu.memory_space<vmem>>, vector<16xf32>,
      tpu.vector_store %arg8[%swap3A_43, %swap3A_44], %broadcast_in_dim3A_40 {strides = array<i32>} : memref<4x10240xf32, #tpu.memory_space<vmem>>, vector<16xf32>,
      %broadcast_in_dim3A_46 = arith.constant 0.000000e+00 : f32
      %broadcast_in_dim3A_47 = vector.broadcast %broadcast_in_dim3A_46 : f32 to vector<16xf32>
      %mul3A_48 = arith.constant 16 : i32
      %mul3A_49 = arith.muli %scan3A_39, %mul3A_48 : i32
      %swap3A_50 = arith.constant 1 : i32
      %swap3A_51 = arith.index_cast %swap3A_50 : i32 to index
      %swap3A_52 = arith.index_cast %mul3A_49 : i32 to index
      %swap3A_53 = tpu.vector_load %arg8[%swap3A_51, %swap3A_52] {strides = array<i32>} : memref<4x10240xf32, #tpu.memory_space<vmem>>, vector<16xf32>,
      tpu.vector_store %arg8[%swap3A_51, %swap3A_52], %broadcast_in_dim3A_47 {strides = array<i32>} : memref<4x10240xf32, #tpu.memory_space<vmem>>, vector<16xf32>,
      %broadcast_in_dim3A_54 = arith.constant 0.000000e+00 : f32
      %broadcast_in_dim3A_55 = vector.broadcast %broadcast_in_dim3A_54 : f32 to vector<16xf32>
      %mul3A_56 = arith.constant 16 : i32
      %mul3A_57 = arith.muli %scan3A_39, %mul3A_56 : i32
      %swap3A_58 = arith.constant 2 : i32
      %swap3A_59 = arith.index_cast %swap3A_58 : i32 to index
      %swap3A_60 = arith.index_cast %mul3A_57 : i32 to index
      %swap3A_61 = tpu.vector_load %arg8[%swap3A_59, %swap3A_60] {strides = array<i32>} : memref<4x10240xf32, #tpu.memory_space<vmem>>, vector<16xf32>,
      tpu.vector_store %arg8[%swap3A_59, %swap3A_60], %broadcast_in_dim3A_55 {strides = array<i32>} : memref<4x10240xf32, #tpu.memory_space<vmem>>, vector<16xf32>,
      %broadcast_in_dim3A_62 = arith.constant 0.000000e+00 : f32
      %broadcast_in_dim3A_63 = vector.broadcast %broadcast_in_dim3A_62 : f32 to vector<16xf32>
      %mul3A_64 = arith.constant 16 : i32
      %mul3A_65 = arith.muli %scan3A_39, %mul3A_64 : i32
      %swap3A_66 = arith.constant 3 : i32
      %swap3A_67 = arith.index_cast %swap3A_66 : i32 to index
      %swap3A_68 = arith.index_cast %mul3A_65 : i32 to index
      %swap3A_69 = tpu.vector_load %arg8[%swap3A_67, %swap3A_68] {strides = array<i32>} : memref<4x10240xf32, #tpu.memory_space<vmem>>, vector<16xf32>,
      tpu.vector_store %arg8[%swap3A_67, %swap3A_68], %broadcast_in_dim3A_63 {strides = array<i32>} : memref<4x10240xf32, #tpu.memory_space<vmem>>, vector<16xf32>,
    }
    %scan3A_7 = arith.constant 640 : i32
    %dma_start3A = arith.constant 0 : i32
    %dma_start3A_8 = tpu.memref_slice %arg3[%dma_start3A] : memref<327680xi32, #tpu.memory_space<hbm>> -> memref<4096xi32, #tpu.memory_space<hbm>>
    %dma_start3A_9 = arith.constant 0 : i32
    %dma_start3A_10 = tpu.memref_slice %arg3[%dma_start3A_9] : memref<327680xi32, #tpu.memory_space<hbm>> -> memref<4096xi32, #tpu.memory_space<hbm>>
    tpu.enqueue_dma source(%dma_start3A_10 : memref<4096xi32, #tpu.memory_space<hbm>>) target(%arg9 : memref<4096xi32, #tpu.memory_space<vmem>>) target_semaphore(%arg15 : memref<!tpu.dma_semaphore, #tpu.memory_space<semaphore_mem>>)
    %dma_start3A_11 = arith.constant 0 : i32
    %dma_start3A_12 = tpu.memref_slice %arg4[%dma_start3A_11] : memref<327680xi32, #tpu.memory_space<hbm>> -> memref<4096xi32, #tpu.memory_space<hbm>>
    %dma_start3A_13 = arith.constant 0 : i32
    %dma_start3A_14 = tpu.memref_slice %arg4[%dma_start3A_13] : memref<327680xi32, #tpu.memory_space<hbm>> -> memref<4096xi32, #tpu.memory_space<hbm>>
    tpu.enqueue_dma source(%dma_start3A_14 : memref<4096xi32, #tpu.memory_space<hbm>>) target(%arg11 : memref<4096xi32, #tpu.memory_space<vmem>>) target_semaphore(%arg15 : memref<!tpu.dma_semaphore, #tpu.memory_space<semaphore_mem>>)
    %dma_start3A_15 = arith.constant 0 : i32
    %dma_start3A_16 = tpu.memref_slice %arg5[%dma_start3A_15] : memref<327680xf32, #tpu.memory_space<hbm>> -> memref<4096xf32, #tpu.memory_space<hbm>>
    %dma_start3A_17 = arith.constant 0 : i32
    %dma_start3A_18 = tpu.memref_slice %arg5[%dma_start3A_17] : memref<327680xf32, #tpu.memory_space<hbm>> -> memref<4096xf32, #tpu.memory_space<hbm>>
    tpu.enqueue_dma source(%dma_start3A_18 : memref<4096xf32, #tpu.memory_space<hbm>>) target(%arg13 : memref<4096xf32, #tpu.memory_space<vmem>>) target_semaphore(%arg15 : memref<!tpu.dma_semaphore, #tpu.memory_space<semaphore_mem>>)
    %dma_start3A_19 = arith.constant 4096 : i32
    %dma_start3A_20 = tpu.memref_slice %arg3[%dma_start3A_19] : memref<327680xi32, #tpu.memory_space<hbm>> -> memref<4096xi32, #tpu.memory_space<hbm>>
    %dma_start3A_21 = arith.constant 4096 : i32
    %dma_start3A_22 = tpu.memref_slice %arg3[%dma_start3A_21] : memref<327680xi32, #tpu.memory_space<hbm>> -> memref<4096xi32, #tpu.memory_space<hbm>>
    tpu.enqueue_dma source(%dma_start3A_22 : memref<4096xi32, #tpu.memory_space<hbm>>) target(%arg10 : memref<4096xi32, #tpu.memory_space<vmem>>) target_semaphore(%arg16 : memref<!tpu.dma_semaphore, #tpu.memory_space<semaphore_mem>>)
    %dma_start3A_23 = arith.constant 4096 : i32
    %dma_start3A_24 = tpu.memref_slice %arg4[%dma_start3A_23] : memref<327680xi32, #tpu.memory_space<hbm>> -> memref<4096xi32, #tpu.memory_space<hbm>>
    %dma_start3A_25 = arith.constant 4096 : i32
    %dma_start3A_26 = tpu.memref_slice %arg4[%dma_start3A_25] : memref<327680xi32, #tpu.memory_space<hbm>> -> memref<4096xi32, #tpu.memory_space<hbm>>
    tpu.enqueue_dma source(%dma_start3A_26 : memref<4096xi32, #tpu.memory_space<hbm>>) target(%arg12 : memref<4096xi32, #tpu.memory_space<vmem>>) target_semaphore(%arg16 : memref<!tpu.dma_semaphore, #tpu.memory_space<semaphore_mem>>)
    %dma_start3A_27 = arith.constant 4096 : i32
    %dma_start3A_28 = tpu.memref_slice %arg5[%dma_start3A_27] : memref<327680xf32, #tpu.memory_space<hbm>> -> memref<4096xf32, #tpu.memory_space<hbm>>
    %dma_start3A_29 = arith.constant 4096 : i32
    %dma_start3A_30 = tpu.memref_slice %arg5[%dma_start3A_29] : memref<327680xf32, #tpu.memory_space<hbm>> -> memref<4096xf32, #tpu.memory_space<hbm>>
    tpu.enqueue_dma source(%dma_start3A_30 : memref<4096xf32, #tpu.memory_space<hbm>>) target(%arg14 : memref<4096xf32, #tpu.memory_space<vmem>>) target_semaphore(%arg16 : memref<!tpu.dma_semaphore, #tpu.memory_space<semaphore_mem>>)
    %scan3A_31 = arith.constant 0 : i32
    %scan3A_32 = arith.constant 0 : i32
    %scan3A_33 = arith.constant 40 : i32
    %scan3A_34 = arith.addi %scan3A_32, %scan3A_33 : i32
    %scan3A_35 = arith.constant 1 : i32
    scf.for %scan3A_39 = %scan3A_32 to %scan3A_34 step %scan3A_35  : i32 {
      %mul3A_40 = arith.constant 2 : i32
      %mul3A_41 = arith.muli %scan3A_39, %mul3A_40 : i32
      %add3A_42 = arith.constant 0 : i32
      %add3A_43 = arith.addi %mul3A_41, %add3A_42 : i32
      %mul3A_44 = arith.constant 4096 : i32
      %mul3A_45 = arith.muli %add3A_43, %mul3A_44 : i32
      %dma_wait3A = tpu.memref_slice %arg3[%mul3A_45] : memref<327680xi32, #tpu.memory_space<hbm>> -> memref<4096xi32, #tpu.memory_space<hbm>>
      %dma_wait3A_46 = tpu.memref_slice %arg3[%mul3A_45] : memref<327680xi32, #tpu.memory_space<hbm>> -> memref<4096xi32, #tpu.memory_space<hbm>>
      tpu.wait_dma2 semaphore(%arg15 : memref<!tpu.dma_semaphore, #tpu.memory_space<semaphore_mem>>) src(%dma_wait3A_46 : memref<4096xi32, #tpu.memory_space<hbm>>) dst(%arg9 : memref<4096xi32, #tpu.memory_space<vmem>>)
      %dma_wait3A_47 = tpu.memref_slice %arg4[%mul3A_45] : memref<327680xi32, #tpu.memory_space<hbm>> -> memref<4096xi32, #tpu.memory_space<hbm>>
      %dma_wait3A_48 = tpu.memref_slice %arg4[%mul3A_45] : memref<327680xi32, #tpu.memory_space<hbm>> -> memref<4096xi32, #tpu.memory_space<hbm>>
      tpu.wait_dma2 semaphore(%arg15 : memref<!tpu.dma_semaphore, #tpu.memory_space<semaphore_mem>>) src(%dma_wait3A_48 : memref<4096xi32, #tpu.memory_space<hbm>>) dst(%arg11 : memref<4096xi32, #tpu.memory_space<vmem>>)
      %dma_wait3A_49 = tpu.memref_slice %arg5[%mul3A_45] : memref<327680xf32, #tpu.memory_space<hbm>> -> memref<4096xf32, #tpu.memory_space<hbm>>
      %dma_wait3A_50 = tpu.memref_slice %arg5[%mul3A_45] : memref<327680xf32, #tpu.memory_space<hbm>> -> memref<4096xf32, #tpu.memory_space<hbm>>
      tpu.wait_dma2 semaphore(%arg15 : memref<!tpu.dma_semaphore, #tpu.memory_space<semaphore_mem>>) src(%dma_wait3A_50 : memref<4096xf32, #tpu.memory_space<hbm>>) dst(%arg13 : memref<4096xf32, #tpu.memory_space<vmem>>)
      %parallel_loop3A = arith.constant 0 : i32
      %parallel_loop3A_51 = arith.constant 256 : i32
      %parallel_loop3A_52 = arith.constant 1 : i32
      scf.for %parallel_loop3A_79 = %parallel_loop3A to %parallel_loop3A_51 step %parallel_loop3A_52  : i32 {
        %parallel_loop3A_80 = arith.constant 16 : i32
        %parallel_loop3A_81 = arith.muli %parallel_loop3A_79, %parallel_loop3A_80 : i32
        %parallel_loop3A_82 = arith.index_cast %parallel_loop3A_81 : i32 to index
        %parallel_loop3A_83 = tpu.vector_load %arg9[%parallel_loop3A_82] {strides = array<i32>} : memref<4096xi32, #tpu.memory_space<vmem>>, vector<16xi32>,
        %parallel_loop3A_84 = arith.index_cast %parallel_loop3A_81 : i32 to index
        %parallel_loop3A_85 = tpu.vector_load %arg11[%parallel_loop3A_84] {strides = array<i32>} : memref<4096xi32, #tpu.memory_space<vmem>>, vector<16xi32>,
        %parallel_loop3A_86 = arith.index_cast %parallel_loop3A_81 : i32 to index
        %parallel_loop3A_87 = tpu.vector_load %arg13[%parallel_loop3A_86] {strides = array<i32>} : memref<4096xf32, #tpu.memory_space<vmem>>, vector<16xf32>,
        %parallel_loop3A_88 = arith.constant 0 : i32
        %parallel_loop3A_89 = vector.broadcast %parallel_loop3A_88 : i32 to vector<16xi32>
        %parallel_loop3A_90 = tpu.vector_load_idx %arg7[%parallel_loop3A_89, %parallel_loop3A_83] : memref<4x10240xf32, #tpu.memory_space<vmem>>[vector<16xi32>, vector<16xi32>], vector<16xf32>,
        %parallel_loop3A_91 = arith.mulf %parallel_loop3A_90, %parallel_loop3A_87 : vector<16xf32>
        tpu.vector_store_idx %arg8[%parallel_loop3A_89, %parallel_loop3A_85], %parallel_loop3A_91 {add = true} : memref<4x10240xf32, #tpu.memory_space<vmem>>[vector<16xi32>, vector<16xi32>], vector<16xf32>,
        %parallel_loop3A_92 = arith.constant 1 : i32
        %parallel_loop3A_93 = vector.broadcast %parallel_loop3A_92 : i32 to vector<16xi32>
        %parallel_loop3A_94 = tpu.vector_load_idx %arg7[%parallel_loop3A_93, %parallel_loop3A_83] : memref<4x10240xf32, #tpu.memory_space<vmem>>[vector<16xi32>, vector<16xi32>], vector<16xf32>,
        %parallel_loop3A_95 = arith.mulf %parallel_loop3A_94, %parallel_loop3A_87 : vector<16xf32>
        tpu.vector_store_idx %arg8[%parallel_loop3A_93, %parallel_loop3A_85], %parallel_loop3A_95 {add = true} : memref<4x10240xf32, #tpu.memory_space<vmem>>[vector<16xi32>, vector<16xi32>], vector<16xf32>,
        %parallel_loop3A_96 = arith.constant 2 : i32
        %parallel_loop3A_97 = vector.broadcast %parallel_loop3A_96 : i32 to vector<16xi32>
        %parallel_loop3A_98 = tpu.vector_load_idx %arg7[%parallel_loop3A_97, %parallel_loop3A_83] : memref<4x10240xf32, #tpu.memory_space<vmem>>[vector<16xi32>, vector<16xi32>], vector<16xf32>,
        %parallel_loop3A_99 = arith.mulf %parallel_loop3A_98, %parallel_loop3A_87 : vector<16xf32>
        tpu.vector_store_idx %arg8[%parallel_loop3A_97, %parallel_loop3A_85], %parallel_loop3A_99 {add = true} : memref<4x10240xf32, #tpu.memory_space<vmem>>[vector<16xi32>, vector<16xi32>], vector<16xf32>,
        %parallel_loop3A_100 = arith.constant 3 : i32
        %parallel_loop3A_101 = vector.broadcast %parallel_loop3A_100 : i32 to vector<16xi32>
        %parallel_loop3A_102 = tpu.vector_load_idx %arg7[%parallel_loop3A_101, %parallel_loop3A_83] : memref<4x10240xf32, #tpu.memory_space<vmem>>[vector<16xi32>, vector<16xi32>], vector<16xf32>,
        %parallel_loop3A_103 = arith.mulf %parallel_loop3A_102, %parallel_loop3A_87 : vector<16xf32>
        tpu.vector_store_idx %arg8[%parallel_loop3A_101, %parallel_loop3A_85], %parallel_loop3A_103 {add = true} : memref<4x10240xf32, #tpu.memory_space<vmem>>[vector<16xi32>, vector<16xi32>], vector<16xf32>,
      } {sc.loop_unroll_factor = 4 : i64, sc.parallel_access}
      %add3A_53 = arith.constant 2 : i32
      %add3A_54 = arith.addi %add3A_43, %add3A_53 : i32
      %lt3A = arith.constant 80 : i32
      %lt3A_55 = arith.cmpi slt, %add3A_54, %lt3A : i32
      %convert_element_type3A = arith.extui %lt3A_55 : i1 to i32
      %cond3A = arith.constant 0 : i32
      %cond3A_56 = arith.cmpi ne, %convert_element_type3A, %cond3A : i32
      scf.if %cond3A_56 {
        %mul3A_79 = arith.constant 4096 : i32
        %mul3A_80 = arith.muli %add3A_54, %mul3A_79 : i32
        %dma_start3A_81 = tpu.memref_slice %arg3[%mul3A_80] : memref<327680xi32, #tpu.memory_space<hbm>> -> memref<4096xi32, #tpu.memory_space<hbm>>
        %dma_start3A_82 = tpu.memref_slice %arg3[%mul3A_80] : memref<327680xi32, #tpu.memory_space<hbm>> -> memref<4096xi32, #tpu.memory_space<hbm>>
        tpu.enqueue_dma source(%dma_start3A_82 : memref<4096xi32, #tpu.memory_space<hbm>>) target(%arg9 : memref<4096xi32, #tpu.memory_space<vmem>>) target_semaphore(%arg15 : memref<!tpu.dma_semaphore, #tpu.memory_space<semaphore_mem>>)
        %dma_start3A_83 = tpu.memref_slice %arg4[%mul3A_80] : memref<327680xi32, #tpu.memory_space<hbm>> -> memref<4096xi32, #tpu.memory_space<hbm>>
        %dma_start3A_84 = tpu.memref_slice %arg4[%mul3A_80] : memref<327680xi32, #tpu.memory_space<hbm>> -> memref<4096xi32, #tpu.memory_space<hbm>>
        tpu.enqueue_dma source(%dma_start3A_84 : memref<4096xi32, #tpu.memory_space<hbm>>) target(%arg11 : memref<4096xi32, #tpu.memory_space<vmem>>) target_semaphore(%arg15 : memref<!tpu.dma_semaphore, #tpu.memory_space<semaphore_mem>>)
        %dma_start3A_85 = tpu.memref_slice %arg5[%mul3A_80] : memref<327680xf32, #tpu.memory_space<hbm>> -> memref<4096xf32, #tpu.memory_space<hbm>>
        %dma_start3A_86 = tpu.memref_slice %arg5[%mul3A_80] : memref<327680xf32, #tpu.memory_space<hbm>> -> memref<4096xf32, #tpu.memory_space<hbm>>
        tpu.enqueue_dma source(%dma_start3A_86 : memref<4096xf32, #tpu.memory_space<hbm>>) target(%arg13 : memref<4096xf32, #tpu.memory_space<vmem>>) target_semaphore(%arg15 : memref<!tpu.dma_semaphore, #tpu.memory_space<semaphore_mem>>)
      } else {
      }
      %mul3A_57 = arith.constant 2 : i32
      %mul3A_58 = arith.muli %scan3A_39, %mul3A_57 : i32
      %add3A_59 = arith.constant 1 : i32
      %add3A_60 = arith.addi %mul3A_58, %add3A_59 : i32
      %mul3A_61 = arith.constant 4096 : i32
      %mul3A_62 = arith.muli %add3A_60, %mul3A_61 : i32
      %dma_wait3A_63 = tpu.memref_slice %arg3[%mul3A_62] : memref<327680xi32, #tpu.memory_space<hbm>> -> memref<4096xi32, #tpu.memory_space<hbm>>
      %dma_wait3A_64 = tpu.memref_slice %arg3[%mul3A_62] : memref<327680xi32, #tpu.memory_space<hbm>> -> memref<4096xi32, #tpu.memory_space<hbm>>
      tpu.wait_dma2 semaphore(%arg16 : memref<!tpu.dma_semaphore, #tpu.memory_space<semaphore_mem>>) src(%dma_wait3A_64 : memref<4096xi32, #tpu.memory_space<hbm>>) dst(%arg10 : memref<4096xi32, #tpu.memory_space<vmem>>)
      %dma_wait3A_65 = tpu.memref_slice %arg4[%mul3A_62] : memref<327680xi32, #tpu.memory_space<hbm>> -> memref<4096xi32, #tpu.memory_space<hbm>>
      %dma_wait3A_66 = tpu.memref_slice %arg4[%mul3A_62] : memref<327680xi32, #tpu.memory_space<hbm>> -> memref<4096xi32, #tpu.memory_space<hbm>>
      tpu.wait_dma2 semaphore(%arg16 : memref<!tpu.dma_semaphore, #tpu.memory_space<semaphore_mem>>) src(%dma_wait3A_66 : memref<4096xi32, #tpu.memory_space<hbm>>) dst(%arg12 : memref<4096xi32, #tpu.memory_space<vmem>>)
      %dma_wait3A_67 = tpu.memref_slice %arg5[%mul3A_62] : memref<327680xf32, #tpu.memory_space<hbm>> -> memref<4096xf32, #tpu.memory_space<hbm>>
      %dma_wait3A_68 = tpu.memref_slice %arg5[%mul3A_62] : memref<327680xf32, #tpu.memory_space<hbm>> -> memref<4096xf32, #tpu.memory_space<hbm>>
      tpu.wait_dma2 semaphore(%arg16 : memref<!tpu.dma_semaphore, #tpu.memory_space<semaphore_mem>>) src(%dma_wait3A_68 : memref<4096xf32, #tpu.memory_space<hbm>>) dst(%arg14 : memref<4096xf32, #tpu.memory_space<vmem>>)
      %parallel_loop3A_69 = arith.constant 0 : i32
      %parallel_loop3A_70 = arith.constant 256 : i32
      %parallel_loop3A_71 = arith.constant 1 : i32
      scf.for %parallel_loop3A_79 = %parallel_loop3A_69 to %parallel_loop3A_70 step %parallel_loop3A_71  : i32 {
        %parallel_loop3A_80 = arith.constant 16 : i32
        %parallel_loop3A_81 = arith.muli %parallel_loop3A_79, %parallel_loop3A_80 : i32
        %parallel_loop3A_82 = arith.index_cast %parallel_loop3A_81 : i32 to index
        %parallel_loop3A_83 = tpu.vector_load %arg10[%parallel_loop3A_82] {strides = array<i32>} : memref<4096xi32, #tpu.memory_space<vmem>>, vector<16xi32>,
        %parallel_loop3A_84 = arith.index_cast %parallel_loop3A_81 : i32 to index
        %parallel_loop3A_85 = tpu.vector_load %arg12[%parallel_loop3A_84] {strides = array<i32>} : memref<4096xi32, #tpu.memory_space<vmem>>, vector<16xi32>,
        %parallel_loop3A_86 = arith.index_cast %parallel_loop3A_81 : i32 to index
        %parallel_loop3A_87 = tpu.vector_load %arg14[%parallel_loop3A_86] {strides = array<i32>} : memref<4096xf32, #tpu.memory_space<vmem>>, vector<16xf32>,
        %parallel_loop3A_88 = arith.constant 0 : i32
        %parallel_loop3A_89 = vector.broadcast %parallel_loop3A_88 : i32 to vector<16xi32>
        %parallel_loop3A_90 = tpu.vector_load_idx %arg7[%parallel_loop3A_89, %parallel_loop3A_83] : memref<4x10240xf32, #tpu.memory_space<vmem>>[vector<16xi32>, vector<16xi32>], vector<16xf32>,
        %parallel_loop3A_91 = arith.mulf %parallel_loop3A_90, %parallel_loop3A_87 : vector<16xf32>
        tpu.vector_store_idx %arg8[%parallel_loop3A_89, %parallel_loop3A_85], %parallel_loop3A_91 {add = true} : memref<4x10240xf32, #tpu.memory_space<vmem>>[vector<16xi32>, vector<16xi32>], vector<16xf32>,
        %parallel_loop3A_92 = arith.constant 1 : i32
        %parallel_loop3A_93 = vector.broadcast %parallel_loop3A_92 : i32 to vector<16xi32>
        %parallel_loop3A_94 = tpu.vector_load_idx %arg7[%parallel_loop3A_93, %parallel_loop3A_83] : memref<4x10240xf32, #tpu.memory_space<vmem>>[vector<16xi32>, vector<16xi32>], vector<16xf32>,
        %parallel_loop3A_95 = arith.mulf %parallel_loop3A_94, %parallel_loop3A_87 : vector<16xf32>
        tpu.vector_store_idx %arg8[%parallel_loop3A_93, %parallel_loop3A_85], %parallel_loop3A_95 {add = true} : memref<4x10240xf32, #tpu.memory_space<vmem>>[vector<16xi32>, vector<16xi32>], vector<16xf32>,
        %parallel_loop3A_96 = arith.constant 2 : i32
        %parallel_loop3A_97 = vector.broadcast %parallel_loop3A_96 : i32 to vector<16xi32>
        %parallel_loop3A_98 = tpu.vector_load_idx %arg7[%parallel_loop3A_97, %parallel_loop3A_83] : memref<4x10240xf32, #tpu.memory_space<vmem>>[vector<16xi32>, vector<16xi32>], vector<16xf32>,
        %parallel_loop3A_99 = arith.mulf %parallel_loop3A_98, %parallel_loop3A_87 : vector<16xf32>
        tpu.vector_store_idx %arg8[%parallel_loop3A_97, %parallel_loop3A_85], %parallel_loop3A_99 {add = true} : memref<4x10240xf32, #tpu.memory_space<vmem>>[vector<16xi32>, vector<16xi32>], vector<16xf32>,
        %parallel_loop3A_100 = arith.constant 3 : i32
        %parallel_loop3A_101 = vector.broadcast %parallel_loop3A_100 : i32 to vector<16xi32>
        %parallel_loop3A_102 = tpu.vector_load_idx %arg7[%parallel_loop3A_101, %parallel_loop3A_83] : memref<4x10240xf32, #tpu.memory_space<vmem>>[vector<16xi32>, vector<16xi32>], vector<16xf32>,
        %parallel_loop3A_103 = arith.mulf %parallel_loop3A_102, %parallel_loop3A_87 : vector<16xf32>
        tpu.vector_store_idx %arg8[%parallel_loop3A_101, %parallel_loop3A_85], %parallel_loop3A_103 {add = true} : memref<4x10240xf32, #tpu.memory_space<vmem>>[vector<16xi32>, vector<16xi32>], vector<16xf32>,
      } {sc.loop_unroll_factor = 4 : i64, sc.parallel_access}
      %add3A_72 = arith.constant 2 : i32
      %add3A_73 = arith.addi %add3A_60, %add3A_72 : i32
      %lt3A_74 = arith.constant 80 : i32
      %lt3A_75 = arith.cmpi slt, %add3A_73, %lt3A_74 : i32
      %convert_element_type3A_76 = arith.extui %lt3A_75 : i1 to i32
      %cond3A_77 = arith.constant 0 : i32
      %cond3A_78 = arith.cmpi ne, %convert_element_type3A_76, %cond3A_77 : i32
      scf.if %cond3A_78 {
        %mul3A_79 = arith.constant 4096 : i32
        %mul3A_80 = arith.muli %add3A_73, %mul3A_79 : i32
        %dma_start3A_81 = tpu.memref_slice %arg3[%mul3A_80] : memref<327680xi32, #tpu.memory_space<hbm>> -> memref<4096xi32, #tpu.memory_space<hbm>>
        %dma_start3A_82 = tpu.memref_slice %arg3[%mul3A_80] : memref<327680xi32, #tpu.memory_space<hbm>> -> memref<4096xi32, #tpu.memory_space<hbm>>
        tpu.enqueue_dma source(%dma_start3A_82 : memref<4096xi32, #tpu.memory_space<hbm>>) target(%arg10 : memref<4096xi32, #tpu.memory_space<vmem>>) target_semaphore(%arg16 : memref<!tpu.dma_semaphore, #tpu.memory_space<semaphore_mem>>)
        %dma_start3A_83 = tpu.memref_slice %arg4[%mul3A_80] : memref<327680xi32, #tpu.memory_space<hbm>> -> memref<4096xi32, #tpu.memory_space<hbm>>
        %dma_start3A_84 = tpu.memref_slice %arg4[%mul3A_80] : memref<327680xi32, #tpu.memory_space<hbm>> -> memref<4096xi32, #tpu.memory_space<hbm>>
        tpu.enqueue_dma source(%dma_start3A_84 : memref<4096xi32, #tpu.memory_space<hbm>>) target(%arg12 : memref<4096xi32, #tpu.memory_space<vmem>>) target_semaphore(%arg16 : memref<!tpu.dma_semaphore, #tpu.memory_space<semaphore_mem>>)
        %dma_start3A_85 = tpu.memref_slice %arg5[%mul3A_80] : memref<327680xf32, #tpu.memory_space<hbm>> -> memref<4096xf32, #tpu.memory_space<hbm>>
        %dma_start3A_86 = tpu.memref_slice %arg5[%mul3A_80] : memref<327680xf32, #tpu.memory_space<hbm>> -> memref<4096xf32, #tpu.memory_space<hbm>>
        tpu.enqueue_dma source(%dma_start3A_86 : memref<4096xf32, #tpu.memory_space<hbm>>) target(%arg14 : memref<4096xf32, #tpu.memory_space<vmem>>) target_semaphore(%arg16 : memref<!tpu.dma_semaphore, #tpu.memory_space<semaphore_mem>>)
      } else {
      }
    }
    %scan3A_36 = arith.constant 40 : i32
    %mul3A_37 = arith.constant 4 : i32
    %mul3A_38 = arith.muli %add3A, %mul3A_37 : i32
    "tpu.region"() ({
      %run_scoped3A = tpu.sem_alloc : memref<!tpu.dma_semaphore, #tpu.memory_space<semaphore_mem>>
      %dma_start3A_39 = arith.constant 0 : i32
      %dma_start3A_40 = tpu.memref_slice %arg6[%mul3A_38, %dma_start3A_39] : memref<128x10240xf32, #tpu.memory_space<hbm>> -> memref<4x10240xf32, #tpu.memory_space<hbm>>
      %dma_start3A_41 = arith.constant 0 : i32
      %dma_start3A_42 = tpu.memref_slice %arg6[%mul3A_38, %dma_start3A_41] : memref<128x10240xf32, #tpu.memory_space<hbm>> -> memref<4x10240xf32, #tpu.memory_space<hbm>>
      tpu.enqueue_dma source(%arg8 : memref<4x10240xf32, #tpu.memory_space<vmem>>) target(%dma_start3A_42 : memref<4x10240xf32, #tpu.memory_space<hbm>>) target_semaphore(%run_scoped3A : memref<!tpu.dma_semaphore, #tpu.memory_space<semaphore_mem>>)
      %dma_wait3A = arith.constant 0 : i32
      %dma_wait3A_43 = tpu.memref_slice %arg6[%mul3A_38, %dma_wait3A] : memref<128x10240xf32, #tpu.memory_space<hbm>> -> memref<4x10240xf32, #tpu.memory_space<hbm>>
      %dma_wait3A_44 = arith.constant 0 : i32
      %dma_wait3A_45 = tpu.memref_slice %arg6[%mul3A_38, %dma_wait3A_44] : memref<128x10240xf32, #tpu.memory_space<hbm>> -> memref<4x10240xf32, #tpu.memory_space<hbm>>
      tpu.wait_dma2 semaphore(%run_scoped3A : memref<!tpu.dma_semaphore, #tpu.memory_space<semaphore_mem>>) src(%arg8 : memref<4x10240xf32, #tpu.memory_space<vmem>>) dst(%dma_wait3A_45 : memref<4x10240xf32, #tpu.memory_space<hbm>>)
      tpu.yield
    }) : () -> ()
    return
  }
}

#map = affine_map<(d0, d1) -> (0, 0, 0)>
#map1 = affine_map<(d0, d1) -> (0, 0)>
module attributes {stable_mosaic.version = 14 : i64} {
  func.func @_deg_body(%arg0: i32, %arg1: i32, %arg2: memref<32x80x128xi32, #tpu.memory_space<hbm>>, %arg3: memref<32x80x128xf32, #tpu.memory_space<hbm>>, %arg4: memref<32x10240xf32, #tpu.memory_space<hbm>>, %arg5: memref<10240xf32, #tpu.memory_space<vmem>>, %arg6: memref<80x128xi32, #tpu.memory_space<vmem>>, %arg7: memref<80x128xf32, #tpu.memory_space<vmem>>) attributes {dimension_semantics = [#tpu.dimension_semantics<core_parallel>, #tpu.dimension_semantics<subcore_parallel>], iteration_bounds = array<i64: 2, 16>, scalar_prefetch = 0 : i64, scratch_operands = 3 : i64, tpu.core_type = #tpu.core_type<sc_vector_subcore>, window_params = [{transform_indices = #map}, {transform_indices = #map}, {transform_indices = #map1}]} {
    %mul3A = arith.constant 16 : i32
    %mul3A_0 = arith.muli %arg0, %mul3A : i32
    %add3A = arith.addi %mul3A_0, %arg1 : i32
    %scan3A = arith.constant 0 : i32
    %scan3A_1 = arith.constant 0 : i32
    %scan3A_2 = arith.constant 640 : i32
    %scan3A_3 = arith.addi %scan3A_1, %scan3A_2 : i32
    %scan3A_4 = arith.constant 1 : i32
    scf.for %scan3A_8 = %scan3A_1 to %scan3A_3 step %scan3A_4  : i32 {
      %broadcast_in_dim3A = arith.constant 0.000000e+00 : f32
      %broadcast_in_dim3A_9 = vector.broadcast %broadcast_in_dim3A : f32 to vector<16xf32>
      %mul3A_10 = arith.constant 16 : i32
      %mul3A_11 = arith.muli %scan3A_8, %mul3A_10 : i32
      %swap3A = arith.index_cast %mul3A_11 : i32 to index
      %swap3A_12 = tpu.vector_load %arg5[%swap3A] {strides = array<i32>} : memref<10240xf32, #tpu.memory_space<vmem>>, vector<16xf32>,
      tpu.vector_store %arg5[%swap3A], %broadcast_in_dim3A_9 {strides = array<i32>} : memref<10240xf32, #tpu.memory_space<vmem>>, vector<16xf32>,
    }
    %scan3A_5 = arith.constant 640 : i32
    "tpu.region"() ({
      %run_scoped3A = tpu.sem_alloc : memref<!tpu.dma_semaphore, #tpu.memory_space<semaphore_mem>>
      %dma_start3A = arith.constant 0 : i32
      %dma_start3A_8 = arith.constant 0 : i32
      %dma_start3A_9 = tpu.memref_slice %arg2[%add3A, %dma_start3A, %dma_start3A_8] : memref<32x80x128xi32, #tpu.memory_space<hbm>> -> memref<1x80x128xi32, #tpu.memory_space<hbm>>
      %dma_start3A_10 = tpu.memref_squeeze %dma_start3A_9 : memref<1x80x128xi32, #tpu.memory_space<hbm>> -> memref<80x128xi32, #tpu.memory_space<hbm>>
      %dma_start3A_11 = arith.constant 0 : i32
      %dma_start3A_12 = arith.constant 0 : i32
      %dma_start3A_13 = tpu.memref_slice %arg2[%add3A, %dma_start3A_11, %dma_start3A_12] : memref<32x80x128xi32, #tpu.memory_space<hbm>> -> memref<1x80x128xi32, #tpu.memory_space<hbm>>
      %dma_start3A_14 = tpu.memref_squeeze %dma_start3A_13 : memref<1x80x128xi32, #tpu.memory_space<hbm>> -> memref<80x128xi32, #tpu.memory_space<hbm>>
      tpu.enqueue_dma source(%dma_start3A_14 : memref<80x128xi32, #tpu.memory_space<hbm>>) target(%arg6 : memref<80x128xi32, #tpu.memory_space<vmem>>) target_semaphore(%run_scoped3A : memref<!tpu.dma_semaphore, #tpu.memory_space<semaphore_mem>>)
      %dma_wait3A = arith.constant 0 : i32
      %dma_wait3A_15 = arith.constant 0 : i32
      %dma_wait3A_16 = tpu.memref_slice %arg2[%add3A, %dma_wait3A, %dma_wait3A_15] : memref<32x80x128xi32, #tpu.memory_space<hbm>> -> memref<1x80x128xi32, #tpu.memory_space<hbm>>
      %dma_wait3A_17 = tpu.memref_squeeze %dma_wait3A_16 : memref<1x80x128xi32, #tpu.memory_space<hbm>> -> memref<80x128xi32, #tpu.memory_space<hbm>>
      %dma_wait3A_18 = arith.constant 0 : i32
      %dma_wait3A_19 = arith.constant 0 : i32
      %dma_wait3A_20 = tpu.memref_slice %arg2[%add3A, %dma_wait3A_18, %dma_wait3A_19] : memref<32x80x128xi32, #tpu.memory_space<hbm>> -> memref<1x80x128xi32, #tpu.memory_space<hbm>>
      %dma_wait3A_21 = tpu.memref_squeeze %dma_wait3A_20 : memref<1x80x128xi32, #tpu.memory_space<hbm>> -> memref<80x128xi32, #tpu.memory_space<hbm>>
      tpu.wait_dma2 semaphore(%run_scoped3A : memref<!tpu.dma_semaphore, #tpu.memory_space<semaphore_mem>>) src(%dma_wait3A_21 : memref<80x128xi32, #tpu.memory_space<hbm>>) dst(%arg6 : memref<80x128xi32, #tpu.memory_space<vmem>>)
      tpu.yield
    }) : () -> ()
    "tpu.region"() ({
      %run_scoped3A = tpu.sem_alloc : memref<!tpu.dma_semaphore, #tpu.memory_space<semaphore_mem>>
      %dma_start3A = arith.constant 0 : i32
      %dma_start3A_8 = arith.constant 0 : i32
      %dma_start3A_9 = tpu.memref_slice %arg3[%add3A, %dma_start3A, %dma_start3A_8] : memref<32x80x128xf32, #tpu.memory_space<hbm>> -> memref<1x80x128xf32, #tpu.memory_space<hbm>>
      %dma_start3A_10 = tpu.memref_squeeze %dma_start3A_9 : memref<1x80x128xf32, #tpu.memory_space<hbm>> -> memref<80x128xf32, #tpu.memory_space<hbm>>
      %dma_start3A_11 = arith.constant 0 : i32
      %dma_start3A_12 = arith.constant 0 : i32
      %dma_start3A_13 = tpu.memref_slice %arg3[%add3A, %dma_start3A_11, %dma_start3A_12] : memref<32x80x128xf32, #tpu.memory_space<hbm>> -> memref<1x80x128xf32, #tpu.memory_space<hbm>>
      %dma_start3A_14 = tpu.memref_squeeze %dma_start3A_13 : memref<1x80x128xf32, #tpu.memory_space<hbm>> -> memref<80x128xf32, #tpu.memory_space<hbm>>
      tpu.enqueue_dma source(%dma_start3A_14 : memref<80x128xf32, #tpu.memory_space<hbm>>) target(%arg7 : memref<80x128xf32, #tpu.memory_space<vmem>>) target_semaphore(%run_scoped3A : memref<!tpu.dma_semaphore, #tpu.memory_space<semaphore_mem>>)
      %dma_wait3A = arith.constant 0 : i32
      %dma_wait3A_15 = arith.constant 0 : i32
      %dma_wait3A_16 = tpu.memref_slice %arg3[%add3A, %dma_wait3A, %dma_wait3A_15] : memref<32x80x128xf32, #tpu.memory_space<hbm>> -> memref<1x80x128xf32, #tpu.memory_space<hbm>>
      %dma_wait3A_17 = tpu.memref_squeeze %dma_wait3A_16 : memref<1x80x128xf32, #tpu.memory_space<hbm>> -> memref<80x128xf32, #tpu.memory_space<hbm>>
      %dma_wait3A_18 = arith.constant 0 : i32
      %dma_wait3A_19 = arith.constant 0 : i32
      %dma_wait3A_20 = tpu.memref_slice %arg3[%add3A, %dma_wait3A_18, %dma_wait3A_19] : memref<32x80x128xf32, #tpu.memory_space<hbm>> -> memref<1x80x128xf32, #tpu.memory_space<hbm>>
      %dma_wait3A_21 = tpu.memref_squeeze %dma_wait3A_20 : memref<1x80x128xf32, #tpu.memory_space<hbm>> -> memref<80x128xf32, #tpu.memory_space<hbm>>
      tpu.wait_dma2 semaphore(%run_scoped3A : memref<!tpu.dma_semaphore, #tpu.memory_space<semaphore_mem>>) src(%dma_wait3A_21 : memref<80x128xf32, #tpu.memory_space<hbm>>) dst(%arg7 : memref<80x128xf32, #tpu.memory_space<vmem>>)
      tpu.yield
    }) : () -> ()
    %parallel_loop3A = arith.constant 0 : i32
    %parallel_loop3A_6 = arith.constant 80 : i32
    %parallel_loop3A_7 = arith.constant 1 : i32
    scf.for %parallel_loop3A_8 = %parallel_loop3A to %parallel_loop3A_6 step %parallel_loop3A_7  : i32 {
      %parallel_loop3A_9 = arith.index_cast %parallel_loop3A_8 : i32 to index
      %parallel_loop3A_10 = arith.constant 0 : index
      %parallel_loop3A_11 = tpu.vector_load %arg6[%parallel_loop3A_9, %parallel_loop3A_10] {strides = array<i32>} : memref<80x128xi32, #tpu.memory_space<vmem>>, vector<16xi32>,
      %parallel_loop3A_12 = arith.index_cast %parallel_loop3A_8 : i32 to index
      %parallel_loop3A_13 = arith.constant 0 : index
      %parallel_loop3A_14 = tpu.vector_load %arg7[%parallel_loop3A_12, %parallel_loop3A_13] {strides = array<i32>} : memref<80x128xf32, #tpu.memory_space<vmem>>, vector<16xf32>,
      tpu.vector_store_idx %arg5[%parallel_loop3A_11], %parallel_loop3A_14 {add = true} : memref<10240xf32, #tpu.memory_space<vmem>>[vector<16xi32>], vector<16xf32>,
      %parallel_loop3A_15 = arith.index_cast %parallel_loop3A_8 : i32 to index
      %parallel_loop3A_16 = arith.constant 16 : index
      %parallel_loop3A_17 = tpu.vector_load %arg6[%parallel_loop3A_15, %parallel_loop3A_16] {strides = array<i32>} : memref<80x128xi32, #tpu.memory_space<vmem>>, vector<16xi32>,
      %parallel_loop3A_18 = arith.index_cast %parallel_loop3A_8 : i32 to index
      %parallel_loop3A_19 = arith.constant 16 : index
      %parallel_loop3A_20 = tpu.vector_load %arg7[%parallel_loop3A_18, %parallel_loop3A_19] {strides = array<i32>} : memref<80x128xf32, #tpu.memory_space<vmem>>, vector<16xf32>,
      tpu.vector_store_idx %arg5[%parallel_loop3A_17], %parallel_loop3A_20 {add = true} : memref<10240xf32, #tpu.memory_space<vmem>>[vector<16xi32>], vector<16xf32>,
      %parallel_loop3A_21 = arith.index_cast %parallel_loop3A_8 : i32 to index
      %parallel_loop3A_22 = arith.constant 32 : index
      %parallel_loop3A_23 = tpu.vector_load %arg6[%parallel_loop3A_21, %parallel_loop3A_22] {strides = array<i32>} : memref<80x128xi32, #tpu.memory_space<vmem>>, vector<16xi32>,
      %parallel_loop3A_24 = arith.index_cast %parallel_loop3A_8 : i32 to index
      %parallel_loop3A_25 = arith.constant 32 : index
      %parallel_loop3A_26 = tpu.vector_load %arg7[%parallel_loop3A_24, %parallel_loop3A_25] {strides = array<i32>} : memref<80x128xf32, #tpu.memory_space<vmem>>, vector<16xf32>,
      tpu.vector_store_idx %arg5[%parallel_loop3A_23], %parallel_loop3A_26 {add = true} : memref<10240xf32, #tpu.memory_space<vmem>>[vector<16xi32>], vector<16xf32>,
      %parallel_loop3A_27 = arith.index_cast %parallel_loop3A_8 : i32 to index
      %parallel_loop3A_28 = arith.constant 48 : index
      %parallel_loop3A_29 = tpu.vector_load %arg6[%parallel_loop3A_27, %parallel_loop3A_28] {strides = array<i32>} : memref<80x128xi32, #tpu.memory_space<vmem>>, vector<16xi32>,
      %parallel_loop3A_30 = arith.index_cast %parallel_loop3A_8 : i32 to index
      %parallel_loop3A_31 = arith.constant 48 : index
      %parallel_loop3A_32 = tpu.vector_load %arg7[%parallel_loop3A_30, %parallel_loop3A_31] {strides = array<i32>} : memref<80x128xf32, #tpu.memory_space<vmem>>, vector<16xf32>,
      tpu.vector_store_idx %arg5[%parallel_loop3A_29], %parallel_loop3A_32 {add = true} : memref<10240xf32, #tpu.memory_space<vmem>>[vector<16xi32>], vector<16xf32>,
      %parallel_loop3A_33 = arith.index_cast %parallel_loop3A_8 : i32 to index
      %parallel_loop3A_34 = arith.constant 64 : index
      %parallel_loop3A_35 = tpu.vector_load %arg6[%parallel_loop3A_33, %parallel_loop3A_34] {strides = array<i32>} : memref<80x128xi32, #tpu.memory_space<vmem>>, vector<16xi32>,
      %parallel_loop3A_36 = arith.index_cast %parallel_loop3A_8 : i32 to index
      %parallel_loop3A_37 = arith.constant 64 : index
      %parallel_loop3A_38 = tpu.vector_load %arg7[%parallel_loop3A_36, %parallel_loop3A_37] {strides = array<i32>} : memref<80x128xf32, #tpu.memory_space<vmem>>, vector<16xf32>,
      tpu.vector_store_idx %arg5[%parallel_loop3A_35], %parallel_loop3A_38 {add = true} : memref<10240xf32, #tpu.memory_space<vmem>>[vector<16xi32>], vector<16xf32>,
      %parallel_loop3A_39 = arith.index_cast %parallel_loop3A_8 : i32 to index
      %parallel_loop3A_40 = arith.constant 80 : index
      %parallel_loop3A_41 = tpu.vector_load %arg6[%parallel_loop3A_39, %parallel_loop3A_40] {strides = array<i32>} : memref<80x128xi32, #tpu.memory_space<vmem>>, vector<16xi32>,
      %parallel_loop3A_42 = arith.index_cast %parallel_loop3A_8 : i32 to index
      %parallel_loop3A_43 = arith.constant 80 : index
      %parallel_loop3A_44 = tpu.vector_load %arg7[%parallel_loop3A_42, %parallel_loop3A_43] {strides = array<i32>} : memref<80x128xf32, #tpu.memory_space<vmem>>, vector<16xf32>,
      tpu.vector_store_idx %arg5[%parallel_loop3A_41], %parallel_loop3A_44 {add = true} : memref<10240xf32, #tpu.memory_space<vmem>>[vector<16xi32>], vector<16xf32>,
      %parallel_loop3A_45 = arith.index_cast %parallel_loop3A_8 : i32 to index
      %parallel_loop3A_46 = arith.constant 96 : index
      %parallel_loop3A_47 = tpu.vector_load %arg6[%parallel_loop3A_45, %parallel_loop3A_46] {strides = array<i32>} : memref<80x128xi32, #tpu.memory_space<vmem>>, vector<16xi32>,
      %parallel_loop3A_48 = arith.index_cast %parallel_loop3A_8 : i32 to index
      %parallel_loop3A_49 = arith.constant 96 : index
      %parallel_loop3A_50 = tpu.vector_load %arg7[%parallel_loop3A_48, %parallel_loop3A_49] {strides = array<i32>} : memref<80x128xf32, #tpu.memory_space<vmem>>, vector<16xf32>,
      tpu.vector_store_idx %arg5[%parallel_loop3A_47], %parallel_loop3A_50 {add = true} : memref<10240xf32, #tpu.memory_space<vmem>>[vector<16xi32>], vector<16xf32>,
      %parallel_loop3A_51 = arith.index_cast %parallel_loop3A_8 : i32 to index
      %parallel_loop3A_52 = arith.constant 112 : index
      %parallel_loop3A_53 = tpu.vector_load %arg6[%parallel_loop3A_51, %parallel_loop3A_52] {strides = array<i32>} : memref<80x128xi32, #tpu.memory_space<vmem>>, vector<16xi32>,
      %parallel_loop3A_54 = arith.index_cast %parallel_loop3A_8 : i32 to index
      %parallel_loop3A_55 = arith.constant 112 : index
      %parallel_loop3A_56 = tpu.vector_load %arg7[%parallel_loop3A_54, %parallel_loop3A_55] {strides = array<i32>} : memref<80x128xf32, #tpu.memory_space<vmem>>, vector<16xf32>,
      tpu.vector_store_idx %arg5[%parallel_loop3A_53], %parallel_loop3A_56 {add = true} : memref<10240xf32, #tpu.memory_space<vmem>>[vector<16xi32>], vector<16xf32>,
    } {sc.loop_unroll_factor = 2 : i64, sc.parallel_access}
    "tpu.region"() ({
      %run_scoped3A = tpu.sem_alloc : memref<!tpu.dma_semaphore, #tpu.memory_space<semaphore_mem>>
      %dma_start3A = arith.constant 0 : i32
      %dma_start3A_8 = tpu.memref_slice %arg4[%add3A, %dma_start3A] : memref<32x10240xf32, #tpu.memory_space<hbm>> -> memref<1x10240xf32, #tpu.memory_space<hbm>>
      %dma_start3A_9 = tpu.memref_squeeze %dma_start3A_8 : memref<1x10240xf32, #tpu.memory_space<hbm>> -> memref<10240xf32, #tpu.memory_space<hbm>>
      %dma_start3A_10 = arith.constant 0 : i32
      %dma_start3A_11 = tpu.memref_slice %arg4[%add3A, %dma_start3A_10] : memref<32x10240xf32, #tpu.memory_space<hbm>> -> memref<1x10240xf32, #tpu.memory_space<hbm>>
      %dma_start3A_12 = tpu.memref_squeeze %dma_start3A_11 : memref<1x10240xf32, #tpu.memory_space<hbm>> -> memref<10240xf32, #tpu.memory_space<hbm>>
      tpu.enqueue_dma source(%arg5 : memref<10240xf32, #tpu.memory_space<vmem>>) target(%dma_start3A_12 : memref<10240xf32, #tpu.memory_space<hbm>>) target_semaphore(%run_scoped3A : memref<!tpu.dma_semaphore, #tpu.memory_space<semaphore_mem>>)
      %dma_wait3A = arith.constant 0 : i32
      %dma_wait3A_13 = tpu.memref_slice %arg4[%add3A, %dma_wait3A] : memref<32x10240xf32, #tpu.memory_space<hbm>> -> memref<1x10240xf32, #tpu.memory_space<hbm>>
      %dma_wait3A_14 = tpu.memref_squeeze %dma_wait3A_13 : memref<1x10240xf32, #tpu.memory_space<hbm>> -> memref<10240xf32, #tpu.memory_space<hbm>>
      %dma_wait3A_15 = arith.constant 0 : i32
      %dma_wait3A_16 = tpu.memref_slice %arg4[%add3A, %dma_wait3A_15] : memref<32x10240xf32, #tpu.memory_space<hbm>> -> memref<1x10240xf32, #tpu.memory_space<hbm>>
      %dma_wait3A_17 = tpu.memref_squeeze %dma_wait3A_16 : memref<1x10240xf32, #tpu.memory_space<hbm>> -> memref<10240xf32, #tpu.memory_space<hbm>>
      tpu.wait_dma2 semaphore(%run_scoped3A : memref<!tpu.dma_semaphore, #tpu.memory_space<semaphore_mem>>) src(%arg5 : memref<10240xf32, #tpu.memory_space<vmem>>) dst(%dma_wait3A_17 : memref<10240xf32, #tpu.memory_space<hbm>>)
      tpu.yield
    }) : () -> ()
    return
  }
}

#map = affine_map<(d0, d1) -> (0, 0)>
#map1 = affine_map<(d0, d1) -> (0)>
module attributes {stable_mosaic.version = 14 : i64} {
  func.func @_spmm_body(%arg0: i32, %arg1: i32, %arg2: memref<128x10240xf32, #tpu.memory_space<hbm>>, %arg3: memref<327680xi32, #tpu.memory_space<hbm>>, %arg4: memref<327680xi32, #tpu.memory_space<hbm>>, %arg5: memref<327680xf32, #tpu.memory_space<hbm>>, %arg6: memref<128x10240xf32, #tpu.memory_space<hbm>>, %arg7: memref<4x10240xf32, #tpu.memory_space<vmem>>, %arg8: memref<4x10240xf32, #tpu.memory_space<vmem>>, %arg9: memref<4096xi32, #tpu.memory_space<vmem>>, %arg10: memref<4096xi32, #tpu.memory_space<vmem>>, %arg11: memref<4096xi32, #tpu.memory_space<vmem>>, %arg12: memref<4096xi32, #tpu.memory_space<vmem>>, %arg13: memref<4096xf32, #tpu.memory_space<vmem>>, %arg14: memref<4096xf32, #tpu.memory_space<vmem>>, %arg15: memref<!tpu.dma_semaphore, #tpu.memory_space<semaphore_mem>>, %arg16: memref<!tpu.dma_semaphore, #tpu.memory_space<semaphore_mem>>) attributes {dimension_semantics = [#tpu.dimension_semantics<core_parallel>, #tpu.dimension_semantics<subcore_parallel>], iteration_bounds = array<i64: 2, 16>, scalar_prefetch = 0 : i64, scratch_operands = 10 : i64, tpu.core_type = #tpu.core_type<sc_vector_subcore>, window_params = [{transform_indices = #map}, {transform_indices = #map1}, {transform_indices = #map1}, {transform_indices = #map1}, {transform_indices = #map}]} {
    %mul3A = arith.constant 16 : i32
    %mul3A_0 = arith.muli %arg0, %mul3A : i32
    %add3A = arith.addi %mul3A_0, %arg1 : i32
    %mul3A_1 = arith.constant 4 : i32
    %mul3A_2 = arith.muli %add3A, %mul3A_1 : i32
    "tpu.region"() ({
      %run_scoped3A = tpu.sem_alloc : memref<!tpu.dma_semaphore, #tpu.memory_space<semaphore_mem>>
      %dma_start3A_39 = arith.constant 0 : i32
      %dma_start3A_40 = tpu.memref_slice %arg2[%mul3A_2, %dma_start3A_39] : memref<128x10240xf32, #tpu.memory_space<hbm>> -> memref<4x10240xf32, #tpu.memory_space<hbm>>
      %dma_start3A_41 = arith.constant 0 : i32
      %dma_start3A_42 = tpu.memref_slice %arg2[%mul3A_2, %dma_start3A_41] : memref<128x10240xf32, #tpu.memory_space<hbm>> -> memref<4x10240xf32, #tpu.memory_space<hbm>>
      tpu.enqueue_dma source(%dma_start3A_42 : memref<4x10240xf32, #tpu.memory_space<hbm>>) target(%arg7 : memref<4x10240xf32, #tpu.memory_space<vmem>>) target_semaphore(%run_scoped3A : memref<!tpu.dma_semaphore, #tpu.memory_space<semaphore_mem>>)
      %dma_wait3A = arith.constant 0 : i32
      %dma_wait3A_43 = tpu.memref_slice %arg2[%mul3A_2, %dma_wait3A] : memref<128x10240xf32, #tpu.memory_space<hbm>> -> memref<4x10240xf32, #tpu.memory_space<hbm>>
      %dma_wait3A_44 = arith.constant 0 : i32
      %dma_wait3A_45 = tpu.memref_slice %arg2[%mul3A_2, %dma_wait3A_44] : memref<128x10240xf32, #tpu.memory_space<hbm>> -> memref<4x10240xf32, #tpu.memory_space<hbm>>
      tpu.wait_dma2 semaphore(%run_scoped3A : memref<!tpu.dma_semaphore, #tpu.memory_space<semaphore_mem>>) src(%dma_wait3A_45 : memref<4x10240xf32, #tpu.memory_space<hbm>>) dst(%arg7 : memref<4x10240xf32, #tpu.memory_space<vmem>>)
      tpu.yield
    }) : () -> ()
    %scan3A = arith.constant 0 : i32
    %scan3A_3 = arith.constant 0 : i32
    %scan3A_4 = arith.constant 640 : i32
    %scan3A_5 = arith.addi %scan3A_3, %scan3A_4 : i32
    %scan3A_6 = arith.constant 1 : i32
    scf.for %scan3A_39 = %scan3A_3 to %scan3A_5 step %scan3A_6  : i32 {
      %broadcast_in_dim3A = arith.constant 0.000000e+00 : f32
      %broadcast_in_dim3A_40 = vector.broadcast %broadcast_in_dim3A : f32 to vector<16xf32>
      %mul3A_41 = arith.constant 16 : i32
      %mul3A_42 = arith.muli %scan3A_39, %mul3A_41 : i32
      %swap3A = arith.constant 0 : i32
      %swap3A_43 = arith.index_cast %swap3A : i32 to index
      %swap3A_44 = arith.index_cast %mul3A_42 : i32 to index
      %swap3A_45 = tpu.vector_load %arg8[%swap3A_43, %swap3A_44] {strides = array<i32>} : memref<4x10240xf32, #tpu.memory_space<vmem>>, vector<16xf32>,
      tpu.vector_store %arg8[%swap3A_43, %swap3A_44], %broadcast_in_dim3A_40 {strides = array<i32>} : memref<4x10240xf32, #tpu.memory_space<vmem>>, vector<16xf32>,
      %broadcast_in_dim3A_46 = arith.constant 0.000000e+00 : f32
      %broadcast_in_dim3A_47 = vector.broadcast %broadcast_in_dim3A_46 : f32 to vector<16xf32>
      %mul3A_48 = arith.constant 16 : i32
      %mul3A_49 = arith.muli %scan3A_39, %mul3A_48 : i32
      %swap3A_50 = arith.constant 1 : i32
      %swap3A_51 = arith.index_cast %swap3A_50 : i32 to index
      %swap3A_52 = arith.index_cast %mul3A_49 : i32 to index
      %swap3A_53 = tpu.vector_load %arg8[%swap3A_51, %swap3A_52] {strides = array<i32>} : memref<4x10240xf32, #tpu.memory_space<vmem>>, vector<16xf32>,
      tpu.vector_store %arg8[%swap3A_51, %swap3A_52], %broadcast_in_dim3A_47 {strides = array<i32>} : memref<4x10240xf32, #tpu.memory_space<vmem>>, vector<16xf32>,
      %broadcast_in_dim3A_54 = arith.constant 0.000000e+00 : f32
      %broadcast_in_dim3A_55 = vector.broadcast %broadcast_in_dim3A_54 : f32 to vector<16xf32>
      %mul3A_56 = arith.constant 16 : i32
      %mul3A_57 = arith.muli %scan3A_39, %mul3A_56 : i32
      %swap3A_58 = arith.constant 2 : i32
      %swap3A_59 = arith.index_cast %swap3A_58 : i32 to index
      %swap3A_60 = arith.index_cast %mul3A_57 : i32 to index
      %swap3A_61 = tpu.vector_load %arg8[%swap3A_59, %swap3A_60] {strides = array<i32>} : memref<4x10240xf32, #tpu.memory_space<vmem>>, vector<16xf32>,
      tpu.vector_store %arg8[%swap3A_59, %swap3A_60], %broadcast_in_dim3A_55 {strides = array<i32>} : memref<4x10240xf32, #tpu.memory_space<vmem>>, vector<16xf32>,
      %broadcast_in_dim3A_62 = arith.constant 0.000000e+00 : f32
      %broadcast_in_dim3A_63 = vector.broadcast %broadcast_in_dim3A_62 : f32 to vector<16xf32>
      %mul3A_64 = arith.constant 16 : i32
      %mul3A_65 = arith.muli %scan3A_39, %mul3A_64 : i32
      %swap3A_66 = arith.constant 3 : i32
      %swap3A_67 = arith.index_cast %swap3A_66 : i32 to index
      %swap3A_68 = arith.index_cast %mul3A_65 : i32 to index
      %swap3A_69 = tpu.vector_load %arg8[%swap3A_67, %swap3A_68] {strides = array<i32>} : memref<4x10240xf32, #tpu.memory_space<vmem>>, vector<16xf32>,
      tpu.vector_store %arg8[%swap3A_67, %swap3A_68], %broadcast_in_dim3A_63 {strides = array<i32>} : memref<4x10240xf32, #tpu.memory_space<vmem>>, vector<16xf32>,
    }
    %scan3A_7 = arith.constant 640 : i32
    %dma_start3A = arith.constant 0 : i32
    %dma_start3A_8 = tpu.memref_slice %arg3[%dma_start3A] : memref<327680xi32, #tpu.memory_space<hbm>> -> memref<4096xi32, #tpu.memory_space<hbm>>
    %dma_start3A_9 = arith.constant 0 : i32
    %dma_start3A_10 = tpu.memref_slice %arg3[%dma_start3A_9] : memref<327680xi32, #tpu.memory_space<hbm>> -> memref<4096xi32, #tpu.memory_space<hbm>>
    tpu.enqueue_dma source(%dma_start3A_10 : memref<4096xi32, #tpu.memory_space<hbm>>) target(%arg9 : memref<4096xi32, #tpu.memory_space<vmem>>) target_semaphore(%arg15 : memref<!tpu.dma_semaphore, #tpu.memory_space<semaphore_mem>>)
    %dma_start3A_11 = arith.constant 0 : i32
    %dma_start3A_12 = tpu.memref_slice %arg4[%dma_start3A_11] : memref<327680xi32, #tpu.memory_space<hbm>> -> memref<4096xi32, #tpu.memory_space<hbm>>
    %dma_start3A_13 = arith.constant 0 : i32
    %dma_start3A_14 = tpu.memref_slice %arg4[%dma_start3A_13] : memref<327680xi32, #tpu.memory_space<hbm>> -> memref<4096xi32, #tpu.memory_space<hbm>>
    tpu.enqueue_dma source(%dma_start3A_14 : memref<4096xi32, #tpu.memory_space<hbm>>) target(%arg11 : memref<4096xi32, #tpu.memory_space<vmem>>) target_semaphore(%arg15 : memref<!tpu.dma_semaphore, #tpu.memory_space<semaphore_mem>>)
    %dma_start3A_15 = arith.constant 0 : i32
    %dma_start3A_16 = tpu.memref_slice %arg5[%dma_start3A_15] : memref<327680xf32, #tpu.memory_space<hbm>> -> memref<4096xf32, #tpu.memory_space<hbm>>
    %dma_start3A_17 = arith.constant 0 : i32
    %dma_start3A_18 = tpu.memref_slice %arg5[%dma_start3A_17] : memref<327680xf32, #tpu.memory_space<hbm>> -> memref<4096xf32, #tpu.memory_space<hbm>>
    tpu.enqueue_dma source(%dma_start3A_18 : memref<4096xf32, #tpu.memory_space<hbm>>) target(%arg13 : memref<4096xf32, #tpu.memory_space<vmem>>) target_semaphore(%arg15 : memref<!tpu.dma_semaphore, #tpu.memory_space<semaphore_mem>>)
    %dma_start3A_19 = arith.constant 4096 : i32
    %dma_start3A_20 = tpu.memref_slice %arg3[%dma_start3A_19] : memref<327680xi32, #tpu.memory_space<hbm>> -> memref<4096xi32, #tpu.memory_space<hbm>>
    %dma_start3A_21 = arith.constant 4096 : i32
    %dma_start3A_22 = tpu.memref_slice %arg3[%dma_start3A_21] : memref<327680xi32, #tpu.memory_space<hbm>> -> memref<4096xi32, #tpu.memory_space<hbm>>
    tpu.enqueue_dma source(%dma_start3A_22 : memref<4096xi32, #tpu.memory_space<hbm>>) target(%arg10 : memref<4096xi32, #tpu.memory_space<vmem>>) target_semaphore(%arg16 : memref<!tpu.dma_semaphore, #tpu.memory_space<semaphore_mem>>)
    %dma_start3A_23 = arith.constant 4096 : i32
    %dma_start3A_24 = tpu.memref_slice %arg4[%dma_start3A_23] : memref<327680xi32, #tpu.memory_space<hbm>> -> memref<4096xi32, #tpu.memory_space<hbm>>
    %dma_start3A_25 = arith.constant 4096 : i32
    %dma_start3A_26 = tpu.memref_slice %arg4[%dma_start3A_25] : memref<327680xi32, #tpu.memory_space<hbm>> -> memref<4096xi32, #tpu.memory_space<hbm>>
    tpu.enqueue_dma source(%dma_start3A_26 : memref<4096xi32, #tpu.memory_space<hbm>>) target(%arg12 : memref<4096xi32, #tpu.memory_space<vmem>>) target_semaphore(%arg16 : memref<!tpu.dma_semaphore, #tpu.memory_space<semaphore_mem>>)
    %dma_start3A_27 = arith.constant 4096 : i32
    %dma_start3A_28 = tpu.memref_slice %arg5[%dma_start3A_27] : memref<327680xf32, #tpu.memory_space<hbm>> -> memref<4096xf32, #tpu.memory_space<hbm>>
    %dma_start3A_29 = arith.constant 4096 : i32
    %dma_start3A_30 = tpu.memref_slice %arg5[%dma_start3A_29] : memref<327680xf32, #tpu.memory_space<hbm>> -> memref<4096xf32, #tpu.memory_space<hbm>>
    tpu.enqueue_dma source(%dma_start3A_30 : memref<4096xf32, #tpu.memory_space<hbm>>) target(%arg14 : memref<4096xf32, #tpu.memory_space<vmem>>) target_semaphore(%arg16 : memref<!tpu.dma_semaphore, #tpu.memory_space<semaphore_mem>>)
    %scan3A_31 = arith.constant 0 : i32
    %scan3A_32 = arith.constant 0 : i32
    %scan3A_33 = arith.constant 40 : i32
    %scan3A_34 = arith.addi %scan3A_32, %scan3A_33 : i32
    %scan3A_35 = arith.constant 1 : i32
    scf.for %scan3A_39 = %scan3A_32 to %scan3A_34 step %scan3A_35  : i32 {
      %mul3A_40 = arith.constant 2 : i32
      %mul3A_41 = arith.muli %scan3A_39, %mul3A_40 : i32
      %add3A_42 = arith.constant 0 : i32
      %add3A_43 = arith.addi %mul3A_41, %add3A_42 : i32
      %mul3A_44 = arith.constant 4096 : i32
      %mul3A_45 = arith.muli %add3A_43, %mul3A_44 : i32
      %dma_wait3A = tpu.memref_slice %arg3[%mul3A_45] : memref<327680xi32, #tpu.memory_space<hbm>> -> memref<4096xi32, #tpu.memory_space<hbm>>
      %dma_wait3A_46 = tpu.memref_slice %arg3[%mul3A_45] : memref<327680xi32, #tpu.memory_space<hbm>> -> memref<4096xi32, #tpu.memory_space<hbm>>
      tpu.wait_dma2 semaphore(%arg15 : memref<!tpu.dma_semaphore, #tpu.memory_space<semaphore_mem>>) src(%dma_wait3A_46 : memref<4096xi32, #tpu.memory_space<hbm>>) dst(%arg9 : memref<4096xi32, #tpu.memory_space<vmem>>)
      %dma_wait3A_47 = tpu.memref_slice %arg4[%mul3A_45] : memref<327680xi32, #tpu.memory_space<hbm>> -> memref<4096xi32, #tpu.memory_space<hbm>>
      %dma_wait3A_48 = tpu.memref_slice %arg4[%mul3A_45] : memref<327680xi32, #tpu.memory_space<hbm>> -> memref<4096xi32, #tpu.memory_space<hbm>>
      tpu.wait_dma2 semaphore(%arg15 : memref<!tpu.dma_semaphore, #tpu.memory_space<semaphore_mem>>) src(%dma_wait3A_48 : memref<4096xi32, #tpu.memory_space<hbm>>) dst(%arg11 : memref<4096xi32, #tpu.memory_space<vmem>>)
      %dma_wait3A_49 = tpu.memref_slice %arg5[%mul3A_45] : memref<327680xf32, #tpu.memory_space<hbm>> -> memref<4096xf32, #tpu.memory_space<hbm>>
      %dma_wait3A_50 = tpu.memref_slice %arg5[%mul3A_45] : memref<327680xf32, #tpu.memory_space<hbm>> -> memref<4096xf32, #tpu.memory_space<hbm>>
      tpu.wait_dma2 semaphore(%arg15 : memref<!tpu.dma_semaphore, #tpu.memory_space<semaphore_mem>>) src(%dma_wait3A_50 : memref<4096xf32, #tpu.memory_space<hbm>>) dst(%arg13 : memref<4096xf32, #tpu.memory_space<vmem>>)
      %parallel_loop3A = arith.constant 0 : i32
      %parallel_loop3A_51 = arith.constant 256 : i32
      %parallel_loop3A_52 = arith.constant 1 : i32
      scf.for %parallel_loop3A_79 = %parallel_loop3A to %parallel_loop3A_51 step %parallel_loop3A_52  : i32 {
        %parallel_loop3A_80 = arith.constant 16 : i32
        %parallel_loop3A_81 = arith.muli %parallel_loop3A_79, %parallel_loop3A_80 : i32
        %parallel_loop3A_82 = arith.index_cast %parallel_loop3A_81 : i32 to index
        %parallel_loop3A_83 = tpu.vector_load %arg9[%parallel_loop3A_82] {strides = array<i32>} : memref<4096xi32, #tpu.memory_space<vmem>>, vector<16xi32>,
        %parallel_loop3A_84 = arith.index_cast %parallel_loop3A_81 : i32 to index
        %parallel_loop3A_85 = tpu.vector_load %arg11[%parallel_loop3A_84] {strides = array<i32>} : memref<4096xi32, #tpu.memory_space<vmem>>, vector<16xi32>,
        %parallel_loop3A_86 = arith.index_cast %parallel_loop3A_81 : i32 to index
        %parallel_loop3A_87 = tpu.vector_load %arg13[%parallel_loop3A_86] {strides = array<i32>} : memref<4096xf32, #tpu.memory_space<vmem>>, vector<16xf32>,
        %parallel_loop3A_88 = arith.constant 0 : i32
        %parallel_loop3A_89 = vector.broadcast %parallel_loop3A_88 : i32 to vector<16xi32>
        %parallel_loop3A_90 = tpu.vector_load_idx %arg7[%parallel_loop3A_89, %parallel_loop3A_83] : memref<4x10240xf32, #tpu.memory_space<vmem>>[vector<16xi32>, vector<16xi32>], vector<16xf32>,
        %parallel_loop3A_91 = arith.mulf %parallel_loop3A_90, %parallel_loop3A_87 : vector<16xf32>
        tpu.vector_store_idx %arg8[%parallel_loop3A_89, %parallel_loop3A_85], %parallel_loop3A_91 {add = true} : memref<4x10240xf32, #tpu.memory_space<vmem>>[vector<16xi32>, vector<16xi32>], vector<16xf32>,
        %parallel_loop3A_92 = arith.constant 1 : i32
        %parallel_loop3A_93 = vector.broadcast %parallel_loop3A_92 : i32 to vector<16xi32>
        %parallel_loop3A_94 = tpu.vector_load_idx %arg7[%parallel_loop3A_93, %parallel_loop3A_83] : memref<4x10240xf32, #tpu.memory_space<vmem>>[vector<16xi32>, vector<16xi32>], vector<16xf32>,
        %parallel_loop3A_95 = arith.mulf %parallel_loop3A_94, %parallel_loop3A_87 : vector<16xf32>
        tpu.vector_store_idx %arg8[%parallel_loop3A_93, %parallel_loop3A_85], %parallel_loop3A_95 {add = true} : memref<4x10240xf32, #tpu.memory_space<vmem>>[vector<16xi32>, vector<16xi32>], vector<16xf32>,
        %parallel_loop3A_96 = arith.constant 2 : i32
        %parallel_loop3A_97 = vector.broadcast %parallel_loop3A_96 : i32 to vector<16xi32>
        %parallel_loop3A_98 = tpu.vector_load_idx %arg7[%parallel_loop3A_97, %parallel_loop3A_83] : memref<4x10240xf32, #tpu.memory_space<vmem>>[vector<16xi32>, vector<16xi32>], vector<16xf32>,
        %parallel_loop3A_99 = arith.mulf %parallel_loop3A_98, %parallel_loop3A_87 : vector<16xf32>
        tpu.vector_store_idx %arg8[%parallel_loop3A_97, %parallel_loop3A_85], %parallel_loop3A_99 {add = true} : memref<4x10240xf32, #tpu.memory_space<vmem>>[vector<16xi32>, vector<16xi32>], vector<16xf32>,
        %parallel_loop3A_100 = arith.constant 3 : i32
        %parallel_loop3A_101 = vector.broadcast %parallel_loop3A_100 : i32 to vector<16xi32>
        %parallel_loop3A_102 = tpu.vector_load_idx %arg7[%parallel_loop3A_101, %parallel_loop3A_83] : memref<4x10240xf32, #tpu.memory_space<vmem>>[vector<16xi32>, vector<16xi32>], vector<16xf32>,
        %parallel_loop3A_103 = arith.mulf %parallel_loop3A_102, %parallel_loop3A_87 : vector<16xf32>
        tpu.vector_store_idx %arg8[%parallel_loop3A_101, %parallel_loop3A_85], %parallel_loop3A_103 {add = true} : memref<4x10240xf32, #tpu.memory_space<vmem>>[vector<16xi32>, vector<16xi32>], vector<16xf32>,
      } {sc.loop_unroll_factor = 4 : i64, sc.parallel_access}
      %add3A_53 = arith.constant 2 : i32
      %add3A_54 = arith.addi %add3A_43, %add3A_53 : i32
      %lt3A = arith.constant 80 : i32
      %lt3A_55 = arith.cmpi slt, %add3A_54, %lt3A : i32
      %convert_element_type3A = arith.extui %lt3A_55 : i1 to i32
      %cond3A = arith.constant 0 : i32
      %cond3A_56 = arith.cmpi ne, %convert_element_type3A, %cond3A : i32
      scf.if %cond3A_56 {
        %mul3A_79 = arith.constant 4096 : i32
        %mul3A_80 = arith.muli %add3A_54, %mul3A_79 : i32
        %dma_start3A_81 = tpu.memref_slice %arg3[%mul3A_80] : memref<327680xi32, #tpu.memory_space<hbm>> -> memref<4096xi32, #tpu.memory_space<hbm>>
        %dma_start3A_82 = tpu.memref_slice %arg3[%mul3A_80] : memref<327680xi32, #tpu.memory_space<hbm>> -> memref<4096xi32, #tpu.memory_space<hbm>>
        tpu.enqueue_dma source(%dma_start3A_82 : memref<4096xi32, #tpu.memory_space<hbm>>) target(%arg9 : memref<4096xi32, #tpu.memory_space<vmem>>) target_semaphore(%arg15 : memref<!tpu.dma_semaphore, #tpu.memory_space<semaphore_mem>>)
        %dma_start3A_83 = tpu.memref_slice %arg4[%mul3A_80] : memref<327680xi32, #tpu.memory_space<hbm>> -> memref<4096xi32, #tpu.memory_space<hbm>>
        %dma_start3A_84 = tpu.memref_slice %arg4[%mul3A_80] : memref<327680xi32, #tpu.memory_space<hbm>> -> memref<4096xi32, #tpu.memory_space<hbm>>
        tpu.enqueue_dma source(%dma_start3A_84 : memref<4096xi32, #tpu.memory_space<hbm>>) target(%arg11 : memref<4096xi32, #tpu.memory_space<vmem>>) target_semaphore(%arg15 : memref<!tpu.dma_semaphore, #tpu.memory_space<semaphore_mem>>)
        %dma_start3A_85 = tpu.memref_slice %arg5[%mul3A_80] : memref<327680xf32, #tpu.memory_space<hbm>> -> memref<4096xf32, #tpu.memory_space<hbm>>
        %dma_start3A_86 = tpu.memref_slice %arg5[%mul3A_80] : memref<327680xf32, #tpu.memory_space<hbm>> -> memref<4096xf32, #tpu.memory_space<hbm>>
        tpu.enqueue_dma source(%dma_start3A_86 : memref<4096xf32, #tpu.memory_space<hbm>>) target(%arg13 : memref<4096xf32, #tpu.memory_space<vmem>>) target_semaphore(%arg15 : memref<!tpu.dma_semaphore, #tpu.memory_space<semaphore_mem>>)
      } else {
      }
      %mul3A_57 = arith.constant 2 : i32
      %mul3A_58 = arith.muli %scan3A_39, %mul3A_57 : i32
      %add3A_59 = arith.constant 1 : i32
      %add3A_60 = arith.addi %mul3A_58, %add3A_59 : i32
      %mul3A_61 = arith.constant 4096 : i32
      %mul3A_62 = arith.muli %add3A_60, %mul3A_61 : i32
      %dma_wait3A_63 = tpu.memref_slice %arg3[%mul3A_62] : memref<327680xi32, #tpu.memory_space<hbm>> -> memref<4096xi32, #tpu.memory_space<hbm>>
      %dma_wait3A_64 = tpu.memref_slice %arg3[%mul3A_62] : memref<327680xi32, #tpu.memory_space<hbm>> -> memref<4096xi32, #tpu.memory_space<hbm>>
      tpu.wait_dma2 semaphore(%arg16 : memref<!tpu.dma_semaphore, #tpu.memory_space<semaphore_mem>>) src(%dma_wait3A_64 : memref<4096xi32, #tpu.memory_space<hbm>>) dst(%arg10 : memref<4096xi32, #tpu.memory_space<vmem>>)
      %dma_wait3A_65 = tpu.memref_slice %arg4[%mul3A_62] : memref<327680xi32, #tpu.memory_space<hbm>> -> memref<4096xi32, #tpu.memory_space<hbm>>
      %dma_wait3A_66 = tpu.memref_slice %arg4[%mul3A_62] : memref<327680xi32, #tpu.memory_space<hbm>> -> memref<4096xi32, #tpu.memory_space<hbm>>
      tpu.wait_dma2 semaphore(%arg16 : memref<!tpu.dma_semaphore, #tpu.memory_space<semaphore_mem>>) src(%dma_wait3A_66 : memref<4096xi32, #tpu.memory_space<hbm>>) dst(%arg12 : memref<4096xi32, #tpu.memory_space<vmem>>)
      %dma_wait3A_67 = tpu.memref_slice %arg5[%mul3A_62] : memref<327680xf32, #tpu.memory_space<hbm>> -> memref<4096xf32, #tpu.memory_space<hbm>>
      %dma_wait3A_68 = tpu.memref_slice %arg5[%mul3A_62] : memref<327680xf32, #tpu.memory_space<hbm>> -> memref<4096xf32, #tpu.memory_space<hbm>>
      tpu.wait_dma2 semaphore(%arg16 : memref<!tpu.dma_semaphore, #tpu.memory_space<semaphore_mem>>) src(%dma_wait3A_68 : memref<4096xf32, #tpu.memory_space<hbm>>) dst(%arg14 : memref<4096xf32, #tpu.memory_space<vmem>>)
      %parallel_loop3A_69 = arith.constant 0 : i32
      %parallel_loop3A_70 = arith.constant 256 : i32
      %parallel_loop3A_71 = arith.constant 1 : i32
      scf.for %parallel_loop3A_79 = %parallel_loop3A_69 to %parallel_loop3A_70 step %parallel_loop3A_71  : i32 {
        %parallel_loop3A_80 = arith.constant 16 : i32
        %parallel_loop3A_81 = arith.muli %parallel_loop3A_79, %parallel_loop3A_80 : i32
        %parallel_loop3A_82 = arith.index_cast %parallel_loop3A_81 : i32 to index
        %parallel_loop3A_83 = tpu.vector_load %arg10[%parallel_loop3A_82] {strides = array<i32>} : memref<4096xi32, #tpu.memory_space<vmem>>, vector<16xi32>,
        %parallel_loop3A_84 = arith.index_cast %parallel_loop3A_81 : i32 to index
        %parallel_loop3A_85 = tpu.vector_load %arg12[%parallel_loop3A_84] {strides = array<i32>} : memref<4096xi32, #tpu.memory_space<vmem>>, vector<16xi32>,
        %parallel_loop3A_86 = arith.index_cast %parallel_loop3A_81 : i32 to index
        %parallel_loop3A_87 = tpu.vector_load %arg14[%parallel_loop3A_86] {strides = array<i32>} : memref<4096xf32, #tpu.memory_space<vmem>>, vector<16xf32>,
        %parallel_loop3A_88 = arith.constant 0 : i32
        %parallel_loop3A_89 = vector.broadcast %parallel_loop3A_88 : i32 to vector<16xi32>
        %parallel_loop3A_90 = tpu.vector_load_idx %arg7[%parallel_loop3A_89, %parallel_loop3A_83] : memref<4x10240xf32, #tpu.memory_space<vmem>>[vector<16xi32>, vector<16xi32>], vector<16xf32>,
        %parallel_loop3A_91 = arith.mulf %parallel_loop3A_90, %parallel_loop3A_87 : vector<16xf32>
        tpu.vector_store_idx %arg8[%parallel_loop3A_89, %parallel_loop3A_85], %parallel_loop3A_91 {add = true} : memref<4x10240xf32, #tpu.memory_space<vmem>>[vector<16xi32>, vector<16xi32>], vector<16xf32>,
        %parallel_loop3A_92 = arith.constant 1 : i32
        %parallel_loop3A_93 = vector.broadcast %parallel_loop3A_92 : i32 to vector<16xi32>
        %parallel_loop3A_94 = tpu.vector_load_idx %arg7[%parallel_loop3A_93, %parallel_loop3A_83] : memref<4x10240xf32, #tpu.memory_space<vmem>>[vector<16xi32>, vector<16xi32>], vector<16xf32>,
        %parallel_loop3A_95 = arith.mulf %parallel_loop3A_94, %parallel_loop3A_87 : vector<16xf32>
        tpu.vector_store_idx %arg8[%parallel_loop3A_93, %parallel_loop3A_85], %parallel_loop3A_95 {add = true} : memref<4x10240xf32, #tpu.memory_space<vmem>>[vector<16xi32>, vector<16xi32>], vector<16xf32>,
        %parallel_loop3A_96 = arith.constant 2 : i32
        %parallel_loop3A_97 = vector.broadcast %parallel_loop3A_96 : i32 to vector<16xi32>
        %parallel_loop3A_98 = tpu.vector_load_idx %arg7[%parallel_loop3A_97, %parallel_loop3A_83] : memref<4x10240xf32, #tpu.memory_space<vmem>>[vector<16xi32>, vector<16xi32>], vector<16xf32>,
        %parallel_loop3A_99 = arith.mulf %parallel_loop3A_98, %parallel_loop3A_87 : vector<16xf32>
        tpu.vector_store_idx %arg8[%parallel_loop3A_97, %parallel_loop3A_85], %parallel_loop3A_99 {add = true} : memref<4x10240xf32, #tpu.memory_space<vmem>>[vector<16xi32>, vector<16xi32>], vector<16xf32>,
        %parallel_loop3A_100 = arith.constant 3 : i32
        %parallel_loop3A_101 = vector.broadcast %parallel_loop3A_100 : i32 to vector<16xi32>
        %parallel_loop3A_102 = tpu.vector_load_idx %arg7[%parallel_loop3A_101, %parallel_loop3A_83] : memref<4x10240xf32, #tpu.memory_space<vmem>>[vector<16xi32>, vector<16xi32>], vector<16xf32>,
        %parallel_loop3A_103 = arith.mulf %parallel_loop3A_102, %parallel_loop3A_87 : vector<16xf32>
        tpu.vector_store_idx %arg8[%parallel_loop3A_101, %parallel_loop3A_85], %parallel_loop3A_103 {add = true} : memref<4x10240xf32, #tpu.memory_space<vmem>>[vector<16xi32>, vector<16xi32>], vector<16xf32>,
      } {sc.loop_unroll_factor = 4 : i64, sc.parallel_access}
      %add3A_72 = arith.constant 2 : i32
      %add3A_73 = arith.addi %add3A_60, %add3A_72 : i32
      %lt3A_74 = arith.constant 80 : i32
      %lt3A_75 = arith.cmpi slt, %add3A_73, %lt3A_74 : i32
      %convert_element_type3A_76 = arith.extui %lt3A_75 : i1 to i32
      %cond3A_77 = arith.constant 0 : i32
      %cond3A_78 = arith.cmpi ne, %convert_element_type3A_76, %cond3A_77 : i32
      scf.if %cond3A_78 {
        %mul3A_79 = arith.constant 4096 : i32
        %mul3A_80 = arith.muli %add3A_73, %mul3A_79 : i32
        %dma_start3A_81 = tpu.memref_slice %arg3[%mul3A_80] : memref<327680xi32, #tpu.memory_space<hbm>> -> memref<4096xi32, #tpu.memory_space<hbm>>
        %dma_start3A_82 = tpu.memref_slice %arg3[%mul3A_80] : memref<327680xi32, #tpu.memory_space<hbm>> -> memref<4096xi32, #tpu.memory_space<hbm>>
        tpu.enqueue_dma source(%dma_start3A_82 : memref<4096xi32, #tpu.memory_space<hbm>>) target(%arg10 : memref<4096xi32, #tpu.memory_space<vmem>>) target_semaphore(%arg16 : memref<!tpu.dma_semaphore, #tpu.memory_space<semaphore_mem>>)
        %dma_start3A_83 = tpu.memref_slice %arg4[%mul3A_80] : memref<327680xi32, #tpu.memory_space<hbm>> -> memref<4096xi32, #tpu.memory_space<hbm>>
        %dma_start3A_84 = tpu.memref_slice %arg4[%mul3A_80] : memref<327680xi32, #tpu.memory_space<hbm>> -> memref<4096xi32, #tpu.memory_space<hbm>>
        tpu.enqueue_dma source(%dma_start3A_84 : memref<4096xi32, #tpu.memory_space<hbm>>) target(%arg12 : memref<4096xi32, #tpu.memory_space<vmem>>) target_semaphore(%arg16 : memref<!tpu.dma_semaphore, #tpu.memory_space<semaphore_mem>>)
        %dma_start3A_85 = tpu.memref_slice %arg5[%mul3A_80] : memref<327680xf32, #tpu.memory_space<hbm>> -> memref<4096xf32, #tpu.memory_space<hbm>>
        %dma_start3A_86 = tpu.memref_slice %arg5[%mul3A_80] : memref<327680xf32, #tpu.memory_space<hbm>> -> memref<4096xf32, #tpu.memory_space<hbm>>
        tpu.enqueue_dma source(%dma_start3A_86 : memref<4096xf32, #tpu.memory_space<hbm>>) target(%arg14 : memref<4096xf32, #tpu.memory_space<vmem>>) target_semaphore(%arg16 : memref<!tpu.dma_semaphore, #tpu.memory_space<semaphore_mem>>)
      } else {
      }
    }
    %scan3A_36 = arith.constant 40 : i32
    %mul3A_37 = arith.constant 4 : i32
    %mul3A_38 = arith.muli %add3A, %mul3A_37 : i32
    "tpu.region"() ({
      %run_scoped3A = tpu.sem_alloc : memref<!tpu.dma_semaphore, #tpu.memory_space<semaphore_mem>>
      %dma_start3A_39 = arith.constant 0 : i32
      %dma_start3A_40 = tpu.memref_slice %arg6[%mul3A_38, %dma_start3A_39] : memref<128x10240xf32, #tpu.memory_space<hbm>> -> memref<4x10240xf32, #tpu.memory_space<hbm>>
      %dma_start3A_41 = arith.constant 0 : i32
      %dma_start3A_42 = tpu.memref_slice %arg6[%mul3A_38, %dma_start3A_41] : memref<128x10240xf32, #tpu.memory_space<hbm>> -> memref<4x10240xf32, #tpu.memory_space<hbm>>
      tpu.enqueue_dma source(%arg8 : memref<4x10240xf32, #tpu.memory_space<vmem>>) target(%dma_start3A_42 : memref<4x10240xf32, #tpu.memory_space<hbm>>) target_semaphore(%run_scoped3A : memref<!tpu.dma_semaphore, #tpu.memory_space<semaphore_mem>>)
      %dma_wait3A = arith.constant 0 : i32
      %dma_wait3A_43 = tpu.memref_slice %arg6[%mul3A_38, %dma_wait3A] : memref<128x10240xf32, #tpu.memory_space<hbm>> -> memref<4x10240xf32, #tpu.memory_space<hbm>>
      %dma_wait3A_44 = arith.constant 0 : i32
      %dma_wait3A_45 = tpu.memref_slice %arg6[%mul3A_38, %dma_wait3A_44] : memref<128x10240xf32, #tpu.memory_space<hbm>> -> memref<4x10240xf32, #tpu.memory_space<hbm>>
      tpu.wait_dma2 semaphore(%run_scoped3A : memref<!tpu.dma_semaphore, #tpu.memory_space<semaphore_mem>>) src(%arg8 : memref<4x10240xf32, #tpu.memory_space<vmem>>) dst(%dma_wait3A_45 : memref<4x10240xf32, #tpu.memory_space<hbm>>)
      tpu.yield
    }) : () -> ()
    return
  }
}

#map = affine_map<(d0, d1) -> (0, 0)>
#map1 = affine_map<(d0, d1) -> (0)>
module attributes {stable_mosaic.version = 14 : i64} {
  func.func @_spmm_body(%arg0: i32, %arg1: i32, %arg2: memref<128x10240xf32, #tpu.memory_space<hbm>>, %arg3: memref<327680xi32, #tpu.memory_space<hbm>>, %arg4: memref<327680xi32, #tpu.memory_space<hbm>>, %arg5: memref<327680xf32, #tpu.memory_space<hbm>>, %arg6: memref<128x10240xf32, #tpu.memory_space<hbm>>, %arg7: memref<4x10240xf32, #tpu.memory_space<vmem>>, %arg8: memref<4x10240xf32, #tpu.memory_space<vmem>>, %arg9: memref<4096xi32, #tpu.memory_space<vmem>>, %arg10: memref<4096xi32, #tpu.memory_space<vmem>>, %arg11: memref<4096xi32, #tpu.memory_space<vmem>>, %arg12: memref<4096xi32, #tpu.memory_space<vmem>>, %arg13: memref<4096xf32, #tpu.memory_space<vmem>>, %arg14: memref<4096xf32, #tpu.memory_space<vmem>>, %arg15: memref<!tpu.dma_semaphore, #tpu.memory_space<semaphore_mem>>, %arg16: memref<!tpu.dma_semaphore, #tpu.memory_space<semaphore_mem>>) attributes {dimension_semantics = [#tpu.dimension_semantics<core_parallel>, #tpu.dimension_semantics<subcore_parallel>], iteration_bounds = array<i64: 2, 16>, scalar_prefetch = 0 : i64, scratch_operands = 10 : i64, tpu.core_type = #tpu.core_type<sc_vector_subcore>, window_params = [{transform_indices = #map}, {transform_indices = #map1}, {transform_indices = #map1}, {transform_indices = #map1}, {transform_indices = #map}]} {
    %mul3A = arith.constant 16 : i32
    %mul3A_0 = arith.muli %arg0, %mul3A : i32
    %add3A = arith.addi %mul3A_0, %arg1 : i32
    %mul3A_1 = arith.constant 4 : i32
    %mul3A_2 = arith.muli %add3A, %mul3A_1 : i32
    "tpu.region"() ({
      %run_scoped3A = tpu.sem_alloc : memref<!tpu.dma_semaphore, #tpu.memory_space<semaphore_mem>>
      %dma_start3A_39 = arith.constant 0 : i32
      %dma_start3A_40 = tpu.memref_slice %arg2[%mul3A_2, %dma_start3A_39] : memref<128x10240xf32, #tpu.memory_space<hbm>> -> memref<4x10240xf32, #tpu.memory_space<hbm>>
      %dma_start3A_41 = arith.constant 0 : i32
      %dma_start3A_42 = tpu.memref_slice %arg2[%mul3A_2, %dma_start3A_41] : memref<128x10240xf32, #tpu.memory_space<hbm>> -> memref<4x10240xf32, #tpu.memory_space<hbm>>
      tpu.enqueue_dma source(%dma_start3A_42 : memref<4x10240xf32, #tpu.memory_space<hbm>>) target(%arg7 : memref<4x10240xf32, #tpu.memory_space<vmem>>) target_semaphore(%run_scoped3A : memref<!tpu.dma_semaphore, #tpu.memory_space<semaphore_mem>>)
      %dma_wait3A = arith.constant 0 : i32
      %dma_wait3A_43 = tpu.memref_slice %arg2[%mul3A_2, %dma_wait3A] : memref<128x10240xf32, #tpu.memory_space<hbm>> -> memref<4x10240xf32, #tpu.memory_space<hbm>>
      %dma_wait3A_44 = arith.constant 0 : i32
      %dma_wait3A_45 = tpu.memref_slice %arg2[%mul3A_2, %dma_wait3A_44] : memref<128x10240xf32, #tpu.memory_space<hbm>> -> memref<4x10240xf32, #tpu.memory_space<hbm>>
      tpu.wait_dma2 semaphore(%run_scoped3A : memref<!tpu.dma_semaphore, #tpu.memory_space<semaphore_mem>>) src(%dma_wait3A_45 : memref<4x10240xf32, #tpu.memory_space<hbm>>) dst(%arg7 : memref<4x10240xf32, #tpu.memory_space<vmem>>)
      tpu.yield
    }) : () -> ()
    %scan3A = arith.constant 0 : i32
    %scan3A_3 = arith.constant 0 : i32
    %scan3A_4 = arith.constant 640 : i32
    %scan3A_5 = arith.addi %scan3A_3, %scan3A_4 : i32
    %scan3A_6 = arith.constant 1 : i32
    scf.for %scan3A_39 = %scan3A_3 to %scan3A_5 step %scan3A_6  : i32 {
      %broadcast_in_dim3A = arith.constant 0.000000e+00 : f32
      %broadcast_in_dim3A_40 = vector.broadcast %broadcast_in_dim3A : f32 to vector<16xf32>
      %mul3A_41 = arith.constant 16 : i32
      %mul3A_42 = arith.muli %scan3A_39, %mul3A_41 : i32
      %swap3A = arith.constant 0 : i32
      %swap3A_43 = arith.index_cast %swap3A : i32 to index
      %swap3A_44 = arith.index_cast %mul3A_42 : i32 to index
      %swap3A_45 = tpu.vector_load %arg8[%swap3A_43, %swap3A_44] {strides = array<i32>} : memref<4x10240xf32, #tpu.memory_space<vmem>>, vector<16xf32>,
      tpu.vector_store %arg8[%swap3A_43, %swap3A_44], %broadcast_in_dim3A_40 {strides = array<i32>} : memref<4x10240xf32, #tpu.memory_space<vmem>>, vector<16xf32>,
      %broadcast_in_dim3A_46 = arith.constant 0.000000e+00 : f32
      %broadcast_in_dim3A_47 = vector.broadcast %broadcast_in_dim3A_46 : f32 to vector<16xf32>
      %mul3A_48 = arith.constant 16 : i32
      %mul3A_49 = arith.muli %scan3A_39, %mul3A_48 : i32
      %swap3A_50 = arith.constant 1 : i32
      %swap3A_51 = arith.index_cast %swap3A_50 : i32 to index
      %swap3A_52 = arith.index_cast %mul3A_49 : i32 to index
      %swap3A_53 = tpu.vector_load %arg8[%swap3A_51, %swap3A_52] {strides = array<i32>} : memref<4x10240xf32, #tpu.memory_space<vmem>>, vector<16xf32>,
      tpu.vector_store %arg8[%swap3A_51, %swap3A_52], %broadcast_in_dim3A_47 {strides = array<i32>} : memref<4x10240xf32, #tpu.memory_space<vmem>>, vector<16xf32>,
      %broadcast_in_dim3A_54 = arith.constant 0.000000e+00 : f32
      %broadcast_in_dim3A_55 = vector.broadcast %broadcast_in_dim3A_54 : f32 to vector<16xf32>
      %mul3A_56 = arith.constant 16 : i32
      %mul3A_57 = arith.muli %scan3A_39, %mul3A_56 : i32
      %swap3A_58 = arith.constant 2 : i32
      %swap3A_59 = arith.index_cast %swap3A_58 : i32 to index
      %swap3A_60 = arith.index_cast %mul3A_57 : i32 to index
      %swap3A_61 = tpu.vector_load %arg8[%swap3A_59, %swap3A_60] {strides = array<i32>} : memref<4x10240xf32, #tpu.memory_space<vmem>>, vector<16xf32>,
      tpu.vector_store %arg8[%swap3A_59, %swap3A_60], %broadcast_in_dim3A_55 {strides = array<i32>} : memref<4x10240xf32, #tpu.memory_space<vmem>>, vector<16xf32>,
      %broadcast_in_dim3A_62 = arith.constant 0.000000e+00 : f32
      %broadcast_in_dim3A_63 = vector.broadcast %broadcast_in_dim3A_62 : f32 to vector<16xf32>
      %mul3A_64 = arith.constant 16 : i32
      %mul3A_65 = arith.muli %scan3A_39, %mul3A_64 : i32
      %swap3A_66 = arith.constant 3 : i32
      %swap3A_67 = arith.index_cast %swap3A_66 : i32 to index
      %swap3A_68 = arith.index_cast %mul3A_65 : i32 to index
      %swap3A_69 = tpu.vector_load %arg8[%swap3A_67, %swap3A_68] {strides = array<i32>} : memref<4x10240xf32, #tpu.memory_space<vmem>>, vector<16xf32>,
      tpu.vector_store %arg8[%swap3A_67, %swap3A_68], %broadcast_in_dim3A_63 {strides = array<i32>} : memref<4x10240xf32, #tpu.memory_space<vmem>>, vector<16xf32>,
    }
    %scan3A_7 = arith.constant 640 : i32
    %dma_start3A = arith.constant 0 : i32
    %dma_start3A_8 = tpu.memref_slice %arg3[%dma_start3A] : memref<327680xi32, #tpu.memory_space<hbm>> -> memref<4096xi32, #tpu.memory_space<hbm>>
    %dma_start3A_9 = arith.constant 0 : i32
    %dma_start3A_10 = tpu.memref_slice %arg3[%dma_start3A_9] : memref<327680xi32, #tpu.memory_space<hbm>> -> memref<4096xi32, #tpu.memory_space<hbm>>
    tpu.enqueue_dma source(%dma_start3A_10 : memref<4096xi32, #tpu.memory_space<hbm>>) target(%arg9 : memref<4096xi32, #tpu.memory_space<vmem>>) target_semaphore(%arg15 : memref<!tpu.dma_semaphore, #tpu.memory_space<semaphore_mem>>)
    %dma_start3A_11 = arith.constant 0 : i32
    %dma_start3A_12 = tpu.memref_slice %arg4[%dma_start3A_11] : memref<327680xi32, #tpu.memory_space<hbm>> -> memref<4096xi32, #tpu.memory_space<hbm>>
    %dma_start3A_13 = arith.constant 0 : i32
    %dma_start3A_14 = tpu.memref_slice %arg4[%dma_start3A_13] : memref<327680xi32, #tpu.memory_space<hbm>> -> memref<4096xi32, #tpu.memory_space<hbm>>
    tpu.enqueue_dma source(%dma_start3A_14 : memref<4096xi32, #tpu.memory_space<hbm>>) target(%arg11 : memref<4096xi32, #tpu.memory_space<vmem>>) target_semaphore(%arg15 : memref<!tpu.dma_semaphore, #tpu.memory_space<semaphore_mem>>)
    %dma_start3A_15 = arith.constant 0 : i32
    %dma_start3A_16 = tpu.memref_slice %arg5[%dma_start3A_15] : memref<327680xf32, #tpu.memory_space<hbm>> -> memref<4096xf32, #tpu.memory_space<hbm>>
    %dma_start3A_17 = arith.constant 0 : i32
    %dma_start3A_18 = tpu.memref_slice %arg5[%dma_start3A_17] : memref<327680xf32, #tpu.memory_space<hbm>> -> memref<4096xf32, #tpu.memory_space<hbm>>
    tpu.enqueue_dma source(%dma_start3A_18 : memref<4096xf32, #tpu.memory_space<hbm>>) target(%arg13 : memref<4096xf32, #tpu.memory_space<vmem>>) target_semaphore(%arg15 : memref<!tpu.dma_semaphore, #tpu.memory_space<semaphore_mem>>)
    %dma_start3A_19 = arith.constant 4096 : i32
    %dma_start3A_20 = tpu.memref_slice %arg3[%dma_start3A_19] : memref<327680xi32, #tpu.memory_space<hbm>> -> memref<4096xi32, #tpu.memory_space<hbm>>
    %dma_start3A_21 = arith.constant 4096 : i32
    %dma_start3A_22 = tpu.memref_slice %arg3[%dma_start3A_21] : memref<327680xi32, #tpu.memory_space<hbm>> -> memref<4096xi32, #tpu.memory_space<hbm>>
    tpu.enqueue_dma source(%dma_start3A_22 : memref<4096xi32, #tpu.memory_space<hbm>>) target(%arg10 : memref<4096xi32, #tpu.memory_space<vmem>>) target_semaphore(%arg16 : memref<!tpu.dma_semaphore, #tpu.memory_space<semaphore_mem>>)
    %dma_start3A_23 = arith.constant 4096 : i32
    %dma_start3A_24 = tpu.memref_slice %arg4[%dma_start3A_23] : memref<327680xi32, #tpu.memory_space<hbm>> -> memref<4096xi32, #tpu.memory_space<hbm>>
    %dma_start3A_25 = arith.constant 4096 : i32
    %dma_start3A_26 = tpu.memref_slice %arg4[%dma_start3A_25] : memref<327680xi32, #tpu.memory_space<hbm>> -> memref<4096xi32, #tpu.memory_space<hbm>>
    tpu.enqueue_dma source(%dma_start3A_26 : memref<4096xi32, #tpu.memory_space<hbm>>) target(%arg12 : memref<4096xi32, #tpu.memory_space<vmem>>) target_semaphore(%arg16 : memref<!tpu.dma_semaphore, #tpu.memory_space<semaphore_mem>>)
    %dma_start3A_27 = arith.constant 4096 : i32
    %dma_start3A_28 = tpu.memref_slice %arg5[%dma_start3A_27] : memref<327680xf32, #tpu.memory_space<hbm>> -> memref<4096xf32, #tpu.memory_space<hbm>>
    %dma_start3A_29 = arith.constant 4096 : i32
    %dma_start3A_30 = tpu.memref_slice %arg5[%dma_start3A_29] : memref<327680xf32, #tpu.memory_space<hbm>> -> memref<4096xf32, #tpu.memory_space<hbm>>
    tpu.enqueue_dma source(%dma_start3A_30 : memref<4096xf32, #tpu.memory_space<hbm>>) target(%arg14 : memref<4096xf32, #tpu.memory_space<vmem>>) target_semaphore(%arg16 : memref<!tpu.dma_semaphore, #tpu.memory_space<semaphore_mem>>)
    %scan3A_31 = arith.constant 0 : i32
    %scan3A_32 = arith.constant 0 : i32
    %scan3A_33 = arith.constant 40 : i32
    %scan3A_34 = arith.addi %scan3A_32, %scan3A_33 : i32
    %scan3A_35 = arith.constant 1 : i32
    scf.for %scan3A_39 = %scan3A_32 to %scan3A_34 step %scan3A_35  : i32 {
      %mul3A_40 = arith.constant 2 : i32
      %mul3A_41 = arith.muli %scan3A_39, %mul3A_40 : i32
      %add3A_42 = arith.constant 0 : i32
      %add3A_43 = arith.addi %mul3A_41, %add3A_42 : i32
      %mul3A_44 = arith.constant 4096 : i32
      %mul3A_45 = arith.muli %add3A_43, %mul3A_44 : i32
      %dma_wait3A = tpu.memref_slice %arg3[%mul3A_45] : memref<327680xi32, #tpu.memory_space<hbm>> -> memref<4096xi32, #tpu.memory_space<hbm>>
      %dma_wait3A_46 = tpu.memref_slice %arg3[%mul3A_45] : memref<327680xi32, #tpu.memory_space<hbm>> -> memref<4096xi32, #tpu.memory_space<hbm>>
      tpu.wait_dma2 semaphore(%arg15 : memref<!tpu.dma_semaphore, #tpu.memory_space<semaphore_mem>>) src(%dma_wait3A_46 : memref<4096xi32, #tpu.memory_space<hbm>>) dst(%arg9 : memref<4096xi32, #tpu.memory_space<vmem>>)
      %dma_wait3A_47 = tpu.memref_slice %arg4[%mul3A_45] : memref<327680xi32, #tpu.memory_space<hbm>> -> memref<4096xi32, #tpu.memory_space<hbm>>
      %dma_wait3A_48 = tpu.memref_slice %arg4[%mul3A_45] : memref<327680xi32, #tpu.memory_space<hbm>> -> memref<4096xi32, #tpu.memory_space<hbm>>
      tpu.wait_dma2 semaphore(%arg15 : memref<!tpu.dma_semaphore, #tpu.memory_space<semaphore_mem>>) src(%dma_wait3A_48 : memref<4096xi32, #tpu.memory_space<hbm>>) dst(%arg11 : memref<4096xi32, #tpu.memory_space<vmem>>)
      %dma_wait3A_49 = tpu.memref_slice %arg5[%mul3A_45] : memref<327680xf32, #tpu.memory_space<hbm>> -> memref<4096xf32, #tpu.memory_space<hbm>>
      %dma_wait3A_50 = tpu.memref_slice %arg5[%mul3A_45] : memref<327680xf32, #tpu.memory_space<hbm>> -> memref<4096xf32, #tpu.memory_space<hbm>>
      tpu.wait_dma2 semaphore(%arg15 : memref<!tpu.dma_semaphore, #tpu.memory_space<semaphore_mem>>) src(%dma_wait3A_50 : memref<4096xf32, #tpu.memory_space<hbm>>) dst(%arg13 : memref<4096xf32, #tpu.memory_space<vmem>>)
      %parallel_loop3A = arith.constant 0 : i32
      %parallel_loop3A_51 = arith.constant 256 : i32
      %parallel_loop3A_52 = arith.constant 1 : i32
      scf.for %parallel_loop3A_79 = %parallel_loop3A to %parallel_loop3A_51 step %parallel_loop3A_52  : i32 {
        %parallel_loop3A_80 = arith.constant 16 : i32
        %parallel_loop3A_81 = arith.muli %parallel_loop3A_79, %parallel_loop3A_80 : i32
        %parallel_loop3A_82 = arith.index_cast %parallel_loop3A_81 : i32 to index
        %parallel_loop3A_83 = tpu.vector_load %arg9[%parallel_loop3A_82] {strides = array<i32>} : memref<4096xi32, #tpu.memory_space<vmem>>, vector<16xi32>,
        %parallel_loop3A_84 = arith.index_cast %parallel_loop3A_81 : i32 to index
        %parallel_loop3A_85 = tpu.vector_load %arg11[%parallel_loop3A_84] {strides = array<i32>} : memref<4096xi32, #tpu.memory_space<vmem>>, vector<16xi32>,
        %parallel_loop3A_86 = arith.index_cast %parallel_loop3A_81 : i32 to index
        %parallel_loop3A_87 = tpu.vector_load %arg13[%parallel_loop3A_86] {strides = array<i32>} : memref<4096xf32, #tpu.memory_space<vmem>>, vector<16xf32>,
        %parallel_loop3A_88 = arith.constant 0 : i32
        %parallel_loop3A_89 = vector.broadcast %parallel_loop3A_88 : i32 to vector<16xi32>
        %parallel_loop3A_90 = tpu.vector_load_idx %arg7[%parallel_loop3A_89, %parallel_loop3A_83] : memref<4x10240xf32, #tpu.memory_space<vmem>>[vector<16xi32>, vector<16xi32>], vector<16xf32>,
        %parallel_loop3A_91 = arith.mulf %parallel_loop3A_90, %parallel_loop3A_87 : vector<16xf32>
        tpu.vector_store_idx %arg8[%parallel_loop3A_89, %parallel_loop3A_85], %parallel_loop3A_91 {add = true} : memref<4x10240xf32, #tpu.memory_space<vmem>>[vector<16xi32>, vector<16xi32>], vector<16xf32>,
        %parallel_loop3A_92 = arith.constant 1 : i32
        %parallel_loop3A_93 = vector.broadcast %parallel_loop3A_92 : i32 to vector<16xi32>
        %parallel_loop3A_94 = tpu.vector_load_idx %arg7[%parallel_loop3A_93, %parallel_loop3A_83] : memref<4x10240xf32, #tpu.memory_space<vmem>>[vector<16xi32>, vector<16xi32>], vector<16xf32>,
        %parallel_loop3A_95 = arith.mulf %parallel_loop3A_94, %parallel_loop3A_87 : vector<16xf32>
        tpu.vector_store_idx %arg8[%parallel_loop3A_93, %parallel_loop3A_85], %parallel_loop3A_95 {add = true} : memref<4x10240xf32, #tpu.memory_space<vmem>>[vector<16xi32>, vector<16xi32>], vector<16xf32>,
        %parallel_loop3A_96 = arith.constant 2 : i32
        %parallel_loop3A_97 = vector.broadcast %parallel_loop3A_96 : i32 to vector<16xi32>
        %parallel_loop3A_98 = tpu.vector_load_idx %arg7[%parallel_loop3A_97, %parallel_loop3A_83] : memref<4x10240xf32, #tpu.memory_space<vmem>>[vector<16xi32>, vector<16xi32>], vector<16xf32>,
        %parallel_loop3A_99 = arith.mulf %parallel_loop3A_98, %parallel_loop3A_87 : vector<16xf32>
        tpu.vector_store_idx %arg8[%parallel_loop3A_97, %parallel_loop3A_85], %parallel_loop3A_99 {add = true} : memref<4x10240xf32, #tpu.memory_space<vmem>>[vector<16xi32>, vector<16xi32>], vector<16xf32>,
        %parallel_loop3A_100 = arith.constant 3 : i32
        %parallel_loop3A_101 = vector.broadcast %parallel_loop3A_100 : i32 to vector<16xi32>
        %parallel_loop3A_102 = tpu.vector_load_idx %arg7[%parallel_loop3A_101, %parallel_loop3A_83] : memref<4x10240xf32, #tpu.memory_space<vmem>>[vector<16xi32>, vector<16xi32>], vector<16xf32>,
        %parallel_loop3A_103 = arith.mulf %parallel_loop3A_102, %parallel_loop3A_87 : vector<16xf32>
        tpu.vector_store_idx %arg8[%parallel_loop3A_101, %parallel_loop3A_85], %parallel_loop3A_103 {add = true} : memref<4x10240xf32, #tpu.memory_space<vmem>>[vector<16xi32>, vector<16xi32>], vector<16xf32>,
      } {sc.loop_unroll_factor = 4 : i64, sc.parallel_access}
      %add3A_53 = arith.constant 2 : i32
      %add3A_54 = arith.addi %add3A_43, %add3A_53 : i32
      %lt3A = arith.constant 80 : i32
      %lt3A_55 = arith.cmpi slt, %add3A_54, %lt3A : i32
      %convert_element_type3A = arith.extui %lt3A_55 : i1 to i32
      %cond3A = arith.constant 0 : i32
      %cond3A_56 = arith.cmpi ne, %convert_element_type3A, %cond3A : i32
      scf.if %cond3A_56 {
        %mul3A_79 = arith.constant 4096 : i32
        %mul3A_80 = arith.muli %add3A_54, %mul3A_79 : i32
        %dma_start3A_81 = tpu.memref_slice %arg3[%mul3A_80] : memref<327680xi32, #tpu.memory_space<hbm>> -> memref<4096xi32, #tpu.memory_space<hbm>>
        %dma_start3A_82 = tpu.memref_slice %arg3[%mul3A_80] : memref<327680xi32, #tpu.memory_space<hbm>> -> memref<4096xi32, #tpu.memory_space<hbm>>
        tpu.enqueue_dma source(%dma_start3A_82 : memref<4096xi32, #tpu.memory_space<hbm>>) target(%arg9 : memref<4096xi32, #tpu.memory_space<vmem>>) target_semaphore(%arg15 : memref<!tpu.dma_semaphore, #tpu.memory_space<semaphore_mem>>)
        %dma_start3A_83 = tpu.memref_slice %arg4[%mul3A_80] : memref<327680xi32, #tpu.memory_space<hbm>> -> memref<4096xi32, #tpu.memory_space<hbm>>
        %dma_start3A_84 = tpu.memref_slice %arg4[%mul3A_80] : memref<327680xi32, #tpu.memory_space<hbm>> -> memref<4096xi32, #tpu.memory_space<hbm>>
        tpu.enqueue_dma source(%dma_start3A_84 : memref<4096xi32, #tpu.memory_space<hbm>>) target(%arg11 : memref<4096xi32, #tpu.memory_space<vmem>>) target_semaphore(%arg15 : memref<!tpu.dma_semaphore, #tpu.memory_space<semaphore_mem>>)
        %dma_start3A_85 = tpu.memref_slice %arg5[%mul3A_80] : memref<327680xf32, #tpu.memory_space<hbm>> -> memref<4096xf32, #tpu.memory_space<hbm>>
        %dma_start3A_86 = tpu.memref_slice %arg5[%mul3A_80] : memref<327680xf32, #tpu.memory_space<hbm>> -> memref<4096xf32, #tpu.memory_space<hbm>>
        tpu.enqueue_dma source(%dma_start3A_86 : memref<4096xf32, #tpu.memory_space<hbm>>) target(%arg13 : memref<4096xf32, #tpu.memory_space<vmem>>) target_semaphore(%arg15 : memref<!tpu.dma_semaphore, #tpu.memory_space<semaphore_mem>>)
      } else {
      }
      %mul3A_57 = arith.constant 2 : i32
      %mul3A_58 = arith.muli %scan3A_39, %mul3A_57 : i32
      %add3A_59 = arith.constant 1 : i32
      %add3A_60 = arith.addi %mul3A_58, %add3A_59 : i32
      %mul3A_61 = arith.constant 4096 : i32
      %mul3A_62 = arith.muli %add3A_60, %mul3A_61 : i32
      %dma_wait3A_63 = tpu.memref_slice %arg3[%mul3A_62] : memref<327680xi32, #tpu.memory_space<hbm>> -> memref<4096xi32, #tpu.memory_space<hbm>>
      %dma_wait3A_64 = tpu.memref_slice %arg3[%mul3A_62] : memref<327680xi32, #tpu.memory_space<hbm>> -> memref<4096xi32, #tpu.memory_space<hbm>>
      tpu.wait_dma2 semaphore(%arg16 : memref<!tpu.dma_semaphore, #tpu.memory_space<semaphore_mem>>) src(%dma_wait3A_64 : memref<4096xi32, #tpu.memory_space<hbm>>) dst(%arg10 : memref<4096xi32, #tpu.memory_space<vmem>>)
      %dma_wait3A_65 = tpu.memref_slice %arg4[%mul3A_62] : memref<327680xi32, #tpu.memory_space<hbm>> -> memref<4096xi32, #tpu.memory_space<hbm>>
      %dma_wait3A_66 = tpu.memref_slice %arg4[%mul3A_62] : memref<327680xi32, #tpu.memory_space<hbm>> -> memref<4096xi32, #tpu.memory_space<hbm>>
      tpu.wait_dma2 semaphore(%arg16 : memref<!tpu.dma_semaphore, #tpu.memory_space<semaphore_mem>>) src(%dma_wait3A_66 : memref<4096xi32, #tpu.memory_space<hbm>>) dst(%arg12 : memref<4096xi32, #tpu.memory_space<vmem>>)
      %dma_wait3A_67 = tpu.memref_slice %arg5[%mul3A_62] : memref<327680xf32, #tpu.memory_space<hbm>> -> memref<4096xf32, #tpu.memory_space<hbm>>
      %dma_wait3A_68 = tpu.memref_slice %arg5[%mul3A_62] : memref<327680xf32, #tpu.memory_space<hbm>> -> memref<4096xf32, #tpu.memory_space<hbm>>
      tpu.wait_dma2 semaphore(%arg16 : memref<!tpu.dma_semaphore, #tpu.memory_space<semaphore_mem>>) src(%dma_wait3A_68 : memref<4096xf32, #tpu.memory_space<hbm>>) dst(%arg14 : memref<4096xf32, #tpu.memory_space<vmem>>)
      %parallel_loop3A_69 = arith.constant 0 : i32
      %parallel_loop3A_70 = arith.constant 256 : i32
      %parallel_loop3A_71 = arith.constant 1 : i32
      scf.for %parallel_loop3A_79 = %parallel_loop3A_69 to %parallel_loop3A_70 step %parallel_loop3A_71  : i32 {
        %parallel_loop3A_80 = arith.constant 16 : i32
        %parallel_loop3A_81 = arith.muli %parallel_loop3A_79, %parallel_loop3A_80 : i32
        %parallel_loop3A_82 = arith.index_cast %parallel_loop3A_81 : i32 to index
        %parallel_loop3A_83 = tpu.vector_load %arg10[%parallel_loop3A_82] {strides = array<i32>} : memref<4096xi32, #tpu.memory_space<vmem>>, vector<16xi32>,
        %parallel_loop3A_84 = arith.index_cast %parallel_loop3A_81 : i32 to index
        %parallel_loop3A_85 = tpu.vector_load %arg12[%parallel_loop3A_84] {strides = array<i32>} : memref<4096xi32, #tpu.memory_space<vmem>>, vector<16xi32>,
        %parallel_loop3A_86 = arith.index_cast %parallel_loop3A_81 : i32 to index
        %parallel_loop3A_87 = tpu.vector_load %arg14[%parallel_loop3A_86] {strides = array<i32>} : memref<4096xf32, #tpu.memory_space<vmem>>, vector<16xf32>,
        %parallel_loop3A_88 = arith.constant 0 : i32
        %parallel_loop3A_89 = vector.broadcast %parallel_loop3A_88 : i32 to vector<16xi32>
        %parallel_loop3A_90 = tpu.vector_load_idx %arg7[%parallel_loop3A_89, %parallel_loop3A_83] : memref<4x10240xf32, #tpu.memory_space<vmem>>[vector<16xi32>, vector<16xi32>], vector<16xf32>,
        %parallel_loop3A_91 = arith.mulf %parallel_loop3A_90, %parallel_loop3A_87 : vector<16xf32>
        tpu.vector_store_idx %arg8[%parallel_loop3A_89, %parallel_loop3A_85], %parallel_loop3A_91 {add = true} : memref<4x10240xf32, #tpu.memory_space<vmem>>[vector<16xi32>, vector<16xi32>], vector<16xf32>,
        %parallel_loop3A_92 = arith.constant 1 : i32
        %parallel_loop3A_93 = vector.broadcast %parallel_loop3A_92 : i32 to vector<16xi32>
        %parallel_loop3A_94 = tpu.vector_load_idx %arg7[%parallel_loop3A_93, %parallel_loop3A_83] : memref<4x10240xf32, #tpu.memory_space<vmem>>[vector<16xi32>, vector<16xi32>], vector<16xf32>,
        %parallel_loop3A_95 = arith.mulf %parallel_loop3A_94, %parallel_loop3A_87 : vector<16xf32>
        tpu.vector_store_idx %arg8[%parallel_loop3A_93, %parallel_loop3A_85], %parallel_loop3A_95 {add = true} : memref<4x10240xf32, #tpu.memory_space<vmem>>[vector<16xi32>, vector<16xi32>], vector<16xf32>,
        %parallel_loop3A_96 = arith.constant 2 : i32
        %parallel_loop3A_97 = vector.broadcast %parallel_loop3A_96 : i32 to vector<16xi32>
        %parallel_loop3A_98 = tpu.vector_load_idx %arg7[%parallel_loop3A_97, %parallel_loop3A_83] : memref<4x10240xf32, #tpu.memory_space<vmem>>[vector<16xi32>, vector<16xi32>], vector<16xf32>,
        %parallel_loop3A_99 = arith.mulf %parallel_loop3A_98, %parallel_loop3A_87 : vector<16xf32>
        tpu.vector_store_idx %arg8[%parallel_loop3A_97, %parallel_loop3A_85], %parallel_loop3A_99 {add = true} : memref<4x10240xf32, #tpu.memory_space<vmem>>[vector<16xi32>, vector<16xi32>], vector<16xf32>,
        %parallel_loop3A_100 = arith.constant 3 : i32
        %parallel_loop3A_101 = vector.broadcast %parallel_loop3A_100 : i32 to vector<16xi32>
        %parallel_loop3A_102 = tpu.vector_load_idx %arg7[%parallel_loop3A_101, %parallel_loop3A_83] : memref<4x10240xf32, #tpu.memory_space<vmem>>[vector<16xi32>, vector<16xi32>], vector<16xf32>,
        %parallel_loop3A_103 = arith.mulf %parallel_loop3A_102, %parallel_loop3A_87 : vector<16xf32>
        tpu.vector_store_idx %arg8[%parallel_loop3A_101, %parallel_loop3A_85], %parallel_loop3A_103 {add = true} : memref<4x10240xf32, #tpu.memory_space<vmem>>[vector<16xi32>, vector<16xi32>], vector<16xf32>,
      } {sc.loop_unroll_factor = 4 : i64, sc.parallel_access}
      %add3A_72 = arith.constant 2 : i32
      %add3A_73 = arith.addi %add3A_60, %add3A_72 : i32
      %lt3A_74 = arith.constant 80 : i32
      %lt3A_75 = arith.cmpi slt, %add3A_73, %lt3A_74 : i32
      %convert_element_type3A_76 = arith.extui %lt3A_75 : i1 to i32
      %cond3A_77 = arith.constant 0 : i32
      %cond3A_78 = arith.cmpi ne, %convert_element_type3A_76, %cond3A_77 : i32
      scf.if %cond3A_78 {
        %mul3A_79 = arith.constant 4096 : i32
        %mul3A_80 = arith.muli %add3A_73, %mul3A_79 : i32
        %dma_start3A_81 = tpu.memref_slice %arg3[%mul3A_80] : memref<327680xi32, #tpu.memory_space<hbm>> -> memref<4096xi32, #tpu.memory_space<hbm>>
        %dma_start3A_82 = tpu.memref_slice %arg3[%mul3A_80] : memref<327680xi32, #tpu.memory_space<hbm>> -> memref<4096xi32, #tpu.memory_space<hbm>>
        tpu.enqueue_dma source(%dma_start3A_82 : memref<4096xi32, #tpu.memory_space<hbm>>) target(%arg10 : memref<4096xi32, #tpu.memory_space<vmem>>) target_semaphore(%arg16 : memref<!tpu.dma_semaphore, #tpu.memory_space<semaphore_mem>>)
        %dma_start3A_83 = tpu.memref_slice %arg4[%mul3A_80] : memref<327680xi32, #tpu.memory_space<hbm>> -> memref<4096xi32, #tpu.memory_space<hbm>>
        %dma_start3A_84 = tpu.memref_slice %arg4[%mul3A_80] : memref<327680xi32, #tpu.memory_space<hbm>> -> memref<4096xi32, #tpu.memory_space<hbm>>
        tpu.enqueue_dma source(%dma_start3A_84 : memref<4096xi32, #tpu.memory_space<hbm>>) target(%arg12 : memref<4096xi32, #tpu.memory_space<vmem>>) target_semaphore(%arg16 : memref<!tpu.dma_semaphore, #tpu.memory_space<semaphore_mem>>)
        %dma_start3A_85 = tpu.memref_slice %arg5[%mul3A_80] : memref<327680xf32, #tpu.memory_space<hbm>> -> memref<4096xf32, #tpu.memory_space<hbm>>
        %dma_start3A_86 = tpu.memref_slice %arg5[%mul3A_80] : memref<327680xf32, #tpu.memory_space<hbm>> -> memref<4096xf32, #tpu.memory_space<hbm>>
        tpu.enqueue_dma source(%dma_start3A_86 : memref<4096xf32, #tpu.memory_space<hbm>>) target(%arg14 : memref<4096xf32, #tpu.memory_space<vmem>>) target_semaphore(%arg16 : memref<!tpu.dma_semaphore, #tpu.memory_space<semaphore_mem>>)
      } else {
      }
    }
    %scan3A_36 = arith.constant 40 : i32
    %mul3A_37 = arith.constant 4 : i32
    %mul3A_38 = arith.muli %add3A, %mul3A_37 : i32
    "tpu.region"() ({
      %run_scoped3A = tpu.sem_alloc : memref<!tpu.dma_semaphore, #tpu.memory_space<semaphore_mem>>
      %dma_start3A_39 = arith.constant 0 : i32
      %dma_start3A_40 = tpu.memref_slice %arg6[%mul3A_38, %dma_start3A_39] : memref<128x10240xf32, #tpu.memory_space<hbm>> -> memref<4x10240xf32, #tpu.memory_space<hbm>>
      %dma_start3A_41 = arith.constant 0 : i32
      %dma_start3A_42 = tpu.memref_slice %arg6[%mul3A_38, %dma_start3A_41] : memref<128x10240xf32, #tpu.memory_space<hbm>> -> memref<4x10240xf32, #tpu.memory_space<hbm>>
      tpu.enqueue_dma source(%arg8 : memref<4x10240xf32, #tpu.memory_space<vmem>>) target(%dma_start3A_42 : memref<4x10240xf32, #tpu.memory_space<hbm>>) target_semaphore(%run_scoped3A : memref<!tpu.dma_semaphore, #tpu.memory_space<semaphore_mem>>)
      %dma_wait3A = arith.constant 0 : i32
      %dma_wait3A_43 = tpu.memref_slice %arg6[%mul3A_38, %dma_wait3A] : memref<128x10240xf32, #tpu.memory_space<hbm>> -> memref<4x10240xf32, #tpu.memory_space<hbm>>
      %dma_wait3A_44 = arith.constant 0 : i32
      %dma_wait3A_45 = tpu.memref_slice %arg6[%mul3A_38, %dma_wait3A_44] : memref<128x10240xf32, #tpu.memory_space<hbm>> -> memref<4x10240xf32, #tpu.memory_space<hbm>>
      tpu.wait_dma2 semaphore(%run_scoped3A : memref<!tpu.dma_semaphore, #tpu.memory_space<semaphore_mem>>) src(%arg8 : memref<4x10240xf32, #tpu.memory_space<vmem>>) dst(%dma_wait3A_45 : memref<4x10240xf32, #tpu.memory_space<hbm>>)
      tpu.yield
    }) : () -> ()
    return
  }
}

#map = affine_map<(d0, d1) -> (0, 0)>
#map1 = affine_map<(d0, d1) -> (0)>
module attributes {stable_mosaic.version = 14 : i64} {
  func.func @_spmm_body(%arg0: i32, %arg1: i32, %arg2: memref<128x10240xf32, #tpu.memory_space<hbm>>, %arg3: memref<327680xi32, #tpu.memory_space<hbm>>, %arg4: memref<327680xi32, #tpu.memory_space<hbm>>, %arg5: memref<327680xf32, #tpu.memory_space<hbm>>, %arg6: memref<128x10240xf32, #tpu.memory_space<hbm>>, %arg7: memref<4x10240xf32, #tpu.memory_space<vmem>>, %arg8: memref<4x10240xf32, #tpu.memory_space<vmem>>, %arg9: memref<4096xi32, #tpu.memory_space<vmem>>, %arg10: memref<4096xi32, #tpu.memory_space<vmem>>, %arg11: memref<4096xi32, #tpu.memory_space<vmem>>, %arg12: memref<4096xi32, #tpu.memory_space<vmem>>, %arg13: memref<4096xf32, #tpu.memory_space<vmem>>, %arg14: memref<4096xf32, #tpu.memory_space<vmem>>, %arg15: memref<!tpu.dma_semaphore, #tpu.memory_space<semaphore_mem>>, %arg16: memref<!tpu.dma_semaphore, #tpu.memory_space<semaphore_mem>>) attributes {dimension_semantics = [#tpu.dimension_semantics<core_parallel>, #tpu.dimension_semantics<subcore_parallel>], iteration_bounds = array<i64: 2, 16>, scalar_prefetch = 0 : i64, scratch_operands = 10 : i64, tpu.core_type = #tpu.core_type<sc_vector_subcore>, window_params = [{transform_indices = #map}, {transform_indices = #map1}, {transform_indices = #map1}, {transform_indices = #map1}, {transform_indices = #map}]} {
    %mul3A = arith.constant 16 : i32
    %mul3A_0 = arith.muli %arg0, %mul3A : i32
    %add3A = arith.addi %mul3A_0, %arg1 : i32
    %mul3A_1 = arith.constant 4 : i32
    %mul3A_2 = arith.muli %add3A, %mul3A_1 : i32
    "tpu.region"() ({
      %run_scoped3A = tpu.sem_alloc : memref<!tpu.dma_semaphore, #tpu.memory_space<semaphore_mem>>
      %dma_start3A_39 = arith.constant 0 : i32
      %dma_start3A_40 = tpu.memref_slice %arg2[%mul3A_2, %dma_start3A_39] : memref<128x10240xf32, #tpu.memory_space<hbm>> -> memref<4x10240xf32, #tpu.memory_space<hbm>>
      %dma_start3A_41 = arith.constant 0 : i32
      %dma_start3A_42 = tpu.memref_slice %arg2[%mul3A_2, %dma_start3A_41] : memref<128x10240xf32, #tpu.memory_space<hbm>> -> memref<4x10240xf32, #tpu.memory_space<hbm>>
      tpu.enqueue_dma source(%dma_start3A_42 : memref<4x10240xf32, #tpu.memory_space<hbm>>) target(%arg7 : memref<4x10240xf32, #tpu.memory_space<vmem>>) target_semaphore(%run_scoped3A : memref<!tpu.dma_semaphore, #tpu.memory_space<semaphore_mem>>)
      %dma_wait3A = arith.constant 0 : i32
      %dma_wait3A_43 = tpu.memref_slice %arg2[%mul3A_2, %dma_wait3A] : memref<128x10240xf32, #tpu.memory_space<hbm>> -> memref<4x10240xf32, #tpu.memory_space<hbm>>
      %dma_wait3A_44 = arith.constant 0 : i32
      %dma_wait3A_45 = tpu.memref_slice %arg2[%mul3A_2, %dma_wait3A_44] : memref<128x10240xf32, #tpu.memory_space<hbm>> -> memref<4x10240xf32, #tpu.memory_space<hbm>>
      tpu.wait_dma2 semaphore(%run_scoped3A : memref<!tpu.dma_semaphore, #tpu.memory_space<semaphore_mem>>) src(%dma_wait3A_45 : memref<4x10240xf32, #tpu.memory_space<hbm>>) dst(%arg7 : memref<4x10240xf32, #tpu.memory_space<vmem>>)
      tpu.yield
    }) : () -> ()
    %scan3A = arith.constant 0 : i32
    %scan3A_3 = arith.constant 0 : i32
    %scan3A_4 = arith.constant 640 : i32
    %scan3A_5 = arith.addi %scan3A_3, %scan3A_4 : i32
    %scan3A_6 = arith.constant 1 : i32
    scf.for %scan3A_39 = %scan3A_3 to %scan3A_5 step %scan3A_6  : i32 {
      %broadcast_in_dim3A = arith.constant 0.000000e+00 : f32
      %broadcast_in_dim3A_40 = vector.broadcast %broadcast_in_dim3A : f32 to vector<16xf32>
      %mul3A_41 = arith.constant 16 : i32
      %mul3A_42 = arith.muli %scan3A_39, %mul3A_41 : i32
      %swap3A = arith.constant 0 : i32
      %swap3A_43 = arith.index_cast %swap3A : i32 to index
      %swap3A_44 = arith.index_cast %mul3A_42 : i32 to index
      %swap3A_45 = tpu.vector_load %arg8[%swap3A_43, %swap3A_44] {strides = array<i32>} : memref<4x10240xf32, #tpu.memory_space<vmem>>, vector<16xf32>,
      tpu.vector_store %arg8[%swap3A_43, %swap3A_44], %broadcast_in_dim3A_40 {strides = array<i32>} : memref<4x10240xf32, #tpu.memory_space<vmem>>, vector<16xf32>,
      %broadcast_in_dim3A_46 = arith.constant 0.000000e+00 : f32
      %broadcast_in_dim3A_47 = vector.broadcast %broadcast_in_dim3A_46 : f32 to vector<16xf32>
      %mul3A_48 = arith.constant 16 : i32
      %mul3A_49 = arith.muli %scan3A_39, %mul3A_48 : i32
      %swap3A_50 = arith.constant 1 : i32
      %swap3A_51 = arith.index_cast %swap3A_50 : i32 to index
      %swap3A_52 = arith.index_cast %mul3A_49 : i32 to index
      %swap3A_53 = tpu.vector_load %arg8[%swap3A_51, %swap3A_52] {strides = array<i32>} : memref<4x10240xf32, #tpu.memory_space<vmem>>, vector<16xf32>,
      tpu.vector_store %arg8[%swap3A_51, %swap3A_52], %broadcast_in_dim3A_47 {strides = array<i32>} : memref<4x10240xf32, #tpu.memory_space<vmem>>, vector<16xf32>,
      %broadcast_in_dim3A_54 = arith.constant 0.000000e+00 : f32
      %broadcast_in_dim3A_55 = vector.broadcast %broadcast_in_dim3A_54 : f32 to vector<16xf32>
      %mul3A_56 = arith.constant 16 : i32
      %mul3A_57 = arith.muli %scan3A_39, %mul3A_56 : i32
      %swap3A_58 = arith.constant 2 : i32
      %swap3A_59 = arith.index_cast %swap3A_58 : i32 to index
      %swap3A_60 = arith.index_cast %mul3A_57 : i32 to index
      %swap3A_61 = tpu.vector_load %arg8[%swap3A_59, %swap3A_60] {strides = array<i32>} : memref<4x10240xf32, #tpu.memory_space<vmem>>, vector<16xf32>,
      tpu.vector_store %arg8[%swap3A_59, %swap3A_60], %broadcast_in_dim3A_55 {strides = array<i32>} : memref<4x10240xf32, #tpu.memory_space<vmem>>, vector<16xf32>,
      %broadcast_in_dim3A_62 = arith.constant 0.000000e+00 : f32
      %broadcast_in_dim3A_63 = vector.broadcast %broadcast_in_dim3A_62 : f32 to vector<16xf32>
      %mul3A_64 = arith.constant 16 : i32
      %mul3A_65 = arith.muli %scan3A_39, %mul3A_64 : i32
      %swap3A_66 = arith.constant 3 : i32
      %swap3A_67 = arith.index_cast %swap3A_66 : i32 to index
      %swap3A_68 = arith.index_cast %mul3A_65 : i32 to index
      %swap3A_69 = tpu.vector_load %arg8[%swap3A_67, %swap3A_68] {strides = array<i32>} : memref<4x10240xf32, #tpu.memory_space<vmem>>, vector<16xf32>,
      tpu.vector_store %arg8[%swap3A_67, %swap3A_68], %broadcast_in_dim3A_63 {strides = array<i32>} : memref<4x10240xf32, #tpu.memory_space<vmem>>, vector<16xf32>,
    }
    %scan3A_7 = arith.constant 640 : i32
    %dma_start3A = arith.constant 0 : i32
    %dma_start3A_8 = tpu.memref_slice %arg3[%dma_start3A] : memref<327680xi32, #tpu.memory_space<hbm>> -> memref<4096xi32, #tpu.memory_space<hbm>>
    %dma_start3A_9 = arith.constant 0 : i32
    %dma_start3A_10 = tpu.memref_slice %arg3[%dma_start3A_9] : memref<327680xi32, #tpu.memory_space<hbm>> -> memref<4096xi32, #tpu.memory_space<hbm>>
    tpu.enqueue_dma source(%dma_start3A_10 : memref<4096xi32, #tpu.memory_space<hbm>>) target(%arg9 : memref<4096xi32, #tpu.memory_space<vmem>>) target_semaphore(%arg15 : memref<!tpu.dma_semaphore, #tpu.memory_space<semaphore_mem>>)
    %dma_start3A_11 = arith.constant 0 : i32
    %dma_start3A_12 = tpu.memref_slice %arg4[%dma_start3A_11] : memref<327680xi32, #tpu.memory_space<hbm>> -> memref<4096xi32, #tpu.memory_space<hbm>>
    %dma_start3A_13 = arith.constant 0 : i32
    %dma_start3A_14 = tpu.memref_slice %arg4[%dma_start3A_13] : memref<327680xi32, #tpu.memory_space<hbm>> -> memref<4096xi32, #tpu.memory_space<hbm>>
    tpu.enqueue_dma source(%dma_start3A_14 : memref<4096xi32, #tpu.memory_space<hbm>>) target(%arg11 : memref<4096xi32, #tpu.memory_space<vmem>>) target_semaphore(%arg15 : memref<!tpu.dma_semaphore, #tpu.memory_space<semaphore_mem>>)
    %dma_start3A_15 = arith.constant 0 : i32
    %dma_start3A_16 = tpu.memref_slice %arg5[%dma_start3A_15] : memref<327680xf32, #tpu.memory_space<hbm>> -> memref<4096xf32, #tpu.memory_space<hbm>>
    %dma_start3A_17 = arith.constant 0 : i32
    %dma_start3A_18 = tpu.memref_slice %arg5[%dma_start3A_17] : memref<327680xf32, #tpu.memory_space<hbm>> -> memref<4096xf32, #tpu.memory_space<hbm>>
    tpu.enqueue_dma source(%dma_start3A_18 : memref<4096xf32, #tpu.memory_space<hbm>>) target(%arg13 : memref<4096xf32, #tpu.memory_space<vmem>>) target_semaphore(%arg15 : memref<!tpu.dma_semaphore, #tpu.memory_space<semaphore_mem>>)
    %dma_start3A_19 = arith.constant 4096 : i32
    %dma_start3A_20 = tpu.memref_slice %arg3[%dma_start3A_19] : memref<327680xi32, #tpu.memory_space<hbm>> -> memref<4096xi32, #tpu.memory_space<hbm>>
    %dma_start3A_21 = arith.constant 4096 : i32
    %dma_start3A_22 = tpu.memref_slice %arg3[%dma_start3A_21] : memref<327680xi32, #tpu.memory_space<hbm>> -> memref<4096xi32, #tpu.memory_space<hbm>>
    tpu.enqueue_dma source(%dma_start3A_22 : memref<4096xi32, #tpu.memory_space<hbm>>) target(%arg10 : memref<4096xi32, #tpu.memory_space<vmem>>) target_semaphore(%arg16 : memref<!tpu.dma_semaphore, #tpu.memory_space<semaphore_mem>>)
    %dma_start3A_23 = arith.constant 4096 : i32
    %dma_start3A_24 = tpu.memref_slice %arg4[%dma_start3A_23] : memref<327680xi32, #tpu.memory_space<hbm>> -> memref<4096xi32, #tpu.memory_space<hbm>>
    %dma_start3A_25 = arith.constant 4096 : i32
    %dma_start3A_26 = tpu.memref_slice %arg4[%dma_start3A_25] : memref<327680xi32, #tpu.memory_space<hbm>> -> memref<4096xi32, #tpu.memory_space<hbm>>
    tpu.enqueue_dma source(%dma_start3A_26 : memref<4096xi32, #tpu.memory_space<hbm>>) target(%arg12 : memref<4096xi32, #tpu.memory_space<vmem>>) target_semaphore(%arg16 : memref<!tpu.dma_semaphore, #tpu.memory_space<semaphore_mem>>)
    %dma_start3A_27 = arith.constant 4096 : i32
    %dma_start3A_28 = tpu.memref_slice %arg5[%dma_start3A_27] : memref<327680xf32, #tpu.memory_space<hbm>> -> memref<4096xf32, #tpu.memory_space<hbm>>
    %dma_start3A_29 = arith.constant 4096 : i32
    %dma_start3A_30 = tpu.memref_slice %arg5[%dma_start3A_29] : memref<327680xf32, #tpu.memory_space<hbm>> -> memref<4096xf32, #tpu.memory_space<hbm>>
    tpu.enqueue_dma source(%dma_start3A_30 : memref<4096xf32, #tpu.memory_space<hbm>>) target(%arg14 : memref<4096xf32, #tpu.memory_space<vmem>>) target_semaphore(%arg16 : memref<!tpu.dma_semaphore, #tpu.memory_space<semaphore_mem>>)
    %scan3A_31 = arith.constant 0 : i32
    %scan3A_32 = arith.constant 0 : i32
    %scan3A_33 = arith.constant 40 : i32
    %scan3A_34 = arith.addi %scan3A_32, %scan3A_33 : i32
    %scan3A_35 = arith.constant 1 : i32
    scf.for %scan3A_39 = %scan3A_32 to %scan3A_34 step %scan3A_35  : i32 {
      %mul3A_40 = arith.constant 2 : i32
      %mul3A_41 = arith.muli %scan3A_39, %mul3A_40 : i32
      %add3A_42 = arith.constant 0 : i32
      %add3A_43 = arith.addi %mul3A_41, %add3A_42 : i32
      %mul3A_44 = arith.constant 4096 : i32
      %mul3A_45 = arith.muli %add3A_43, %mul3A_44 : i32
      %dma_wait3A = tpu.memref_slice %arg3[%mul3A_45] : memref<327680xi32, #tpu.memory_space<hbm>> -> memref<4096xi32, #tpu.memory_space<hbm>>
      %dma_wait3A_46 = tpu.memref_slice %arg3[%mul3A_45] : memref<327680xi32, #tpu.memory_space<hbm>> -> memref<4096xi32, #tpu.memory_space<hbm>>
      tpu.wait_dma2 semaphore(%arg15 : memref<!tpu.dma_semaphore, #tpu.memory_space<semaphore_mem>>) src(%dma_wait3A_46 : memref<4096xi32, #tpu.memory_space<hbm>>) dst(%arg9 : memref<4096xi32, #tpu.memory_space<vmem>>)
      %dma_wait3A_47 = tpu.memref_slice %arg4[%mul3A_45] : memref<327680xi32, #tpu.memory_space<hbm>> -> memref<4096xi32, #tpu.memory_space<hbm>>
      %dma_wait3A_48 = tpu.memref_slice %arg4[%mul3A_45] : memref<327680xi32, #tpu.memory_space<hbm>> -> memref<4096xi32, #tpu.memory_space<hbm>>
      tpu.wait_dma2 semaphore(%arg15 : memref<!tpu.dma_semaphore, #tpu.memory_space<semaphore_mem>>) src(%dma_wait3A_48 : memref<4096xi32, #tpu.memory_space<hbm>>) dst(%arg11 : memref<4096xi32, #tpu.memory_space<vmem>>)
      %dma_wait3A_49 = tpu.memref_slice %arg5[%mul3A_45] : memref<327680xf32, #tpu.memory_space<hbm>> -> memref<4096xf32, #tpu.memory_space<hbm>>
      %dma_wait3A_50 = tpu.memref_slice %arg5[%mul3A_45] : memref<327680xf32, #tpu.memory_space<hbm>> -> memref<4096xf32, #tpu.memory_space<hbm>>
      tpu.wait_dma2 semaphore(%arg15 : memref<!tpu.dma_semaphore, #tpu.memory_space<semaphore_mem>>) src(%dma_wait3A_50 : memref<4096xf32, #tpu.memory_space<hbm>>) dst(%arg13 : memref<4096xf32, #tpu.memory_space<vmem>>)
      %parallel_loop3A = arith.constant 0 : i32
      %parallel_loop3A_51 = arith.constant 256 : i32
      %parallel_loop3A_52 = arith.constant 1 : i32
      scf.for %parallel_loop3A_79 = %parallel_loop3A to %parallel_loop3A_51 step %parallel_loop3A_52  : i32 {
        %parallel_loop3A_80 = arith.constant 16 : i32
        %parallel_loop3A_81 = arith.muli %parallel_loop3A_79, %parallel_loop3A_80 : i32
        %parallel_loop3A_82 = arith.index_cast %parallel_loop3A_81 : i32 to index
        %parallel_loop3A_83 = tpu.vector_load %arg9[%parallel_loop3A_82] {strides = array<i32>} : memref<4096xi32, #tpu.memory_space<vmem>>, vector<16xi32>,
        %parallel_loop3A_84 = arith.index_cast %parallel_loop3A_81 : i32 to index
        %parallel_loop3A_85 = tpu.vector_load %arg11[%parallel_loop3A_84] {strides = array<i32>} : memref<4096xi32, #tpu.memory_space<vmem>>, vector<16xi32>,
        %parallel_loop3A_86 = arith.index_cast %parallel_loop3A_81 : i32 to index
        %parallel_loop3A_87 = tpu.vector_load %arg13[%parallel_loop3A_86] {strides = array<i32>} : memref<4096xf32, #tpu.memory_space<vmem>>, vector<16xf32>,
        %parallel_loop3A_88 = arith.constant 0 : i32
        %parallel_loop3A_89 = vector.broadcast %parallel_loop3A_88 : i32 to vector<16xi32>
        %parallel_loop3A_90 = tpu.vector_load_idx %arg7[%parallel_loop3A_89, %parallel_loop3A_83] : memref<4x10240xf32, #tpu.memory_space<vmem>>[vector<16xi32>, vector<16xi32>], vector<16xf32>,
        %parallel_loop3A_91 = arith.mulf %parallel_loop3A_90, %parallel_loop3A_87 : vector<16xf32>
        tpu.vector_store_idx %arg8[%parallel_loop3A_89, %parallel_loop3A_85], %parallel_loop3A_91 {add = true} : memref<4x10240xf32, #tpu.memory_space<vmem>>[vector<16xi32>, vector<16xi32>], vector<16xf32>,
        %parallel_loop3A_92 = arith.constant 1 : i32
        %parallel_loop3A_93 = vector.broadcast %parallel_loop3A_92 : i32 to vector<16xi32>
        %parallel_loop3A_94 = tpu.vector_load_idx %arg7[%parallel_loop3A_93, %parallel_loop3A_83] : memref<4x10240xf32, #tpu.memory_space<vmem>>[vector<16xi32>, vector<16xi32>], vector<16xf32>,
        %parallel_loop3A_95 = arith.mulf %parallel_loop3A_94, %parallel_loop3A_87 : vector<16xf32>
        tpu.vector_store_idx %arg8[%parallel_loop3A_93, %parallel_loop3A_85], %parallel_loop3A_95 {add = true} : memref<4x10240xf32, #tpu.memory_space<vmem>>[vector<16xi32>, vector<16xi32>], vector<16xf32>,
        %parallel_loop3A_96 = arith.constant 2 : i32
        %parallel_loop3A_97 = vector.broadcast %parallel_loop3A_96 : i32 to vector<16xi32>
        %parallel_loop3A_98 = tpu.vector_load_idx %arg7[%parallel_loop3A_97, %parallel_loop3A_83] : memref<4x10240xf32, #tpu.memory_space<vmem>>[vector<16xi32>, vector<16xi32>], vector<16xf32>,
        %parallel_loop3A_99 = arith.mulf %parallel_loop3A_98, %parallel_loop3A_87 : vector<16xf32>
        tpu.vector_store_idx %arg8[%parallel_loop3A_97, %parallel_loop3A_85], %parallel_loop3A_99 {add = true} : memref<4x10240xf32, #tpu.memory_space<vmem>>[vector<16xi32>, vector<16xi32>], vector<16xf32>,
        %parallel_loop3A_100 = arith.constant 3 : i32
        %parallel_loop3A_101 = vector.broadcast %parallel_loop3A_100 : i32 to vector<16xi32>
        %parallel_loop3A_102 = tpu.vector_load_idx %arg7[%parallel_loop3A_101, %parallel_loop3A_83] : memref<4x10240xf32, #tpu.memory_space<vmem>>[vector<16xi32>, vector<16xi32>], vector<16xf32>,
        %parallel_loop3A_103 = arith.mulf %parallel_loop3A_102, %parallel_loop3A_87 : vector<16xf32>
        tpu.vector_store_idx %arg8[%parallel_loop3A_101, %parallel_loop3A_85], %parallel_loop3A_103 {add = true} : memref<4x10240xf32, #tpu.memory_space<vmem>>[vector<16xi32>, vector<16xi32>], vector<16xf32>,
      } {sc.loop_unroll_factor = 4 : i64, sc.parallel_access}
      %add3A_53 = arith.constant 2 : i32
      %add3A_54 = arith.addi %add3A_43, %add3A_53 : i32
      %lt3A = arith.constant 80 : i32
      %lt3A_55 = arith.cmpi slt, %add3A_54, %lt3A : i32
      %convert_element_type3A = arith.extui %lt3A_55 : i1 to i32
      %cond3A = arith.constant 0 : i32
      %cond3A_56 = arith.cmpi ne, %convert_element_type3A, %cond3A : i32
      scf.if %cond3A_56 {
        %mul3A_79 = arith.constant 4096 : i32
        %mul3A_80 = arith.muli %add3A_54, %mul3A_79 : i32
        %dma_start3A_81 = tpu.memref_slice %arg3[%mul3A_80] : memref<327680xi32, #tpu.memory_space<hbm>> -> memref<4096xi32, #tpu.memory_space<hbm>>
        %dma_start3A_82 = tpu.memref_slice %arg3[%mul3A_80] : memref<327680xi32, #tpu.memory_space<hbm>> -> memref<4096xi32, #tpu.memory_space<hbm>>
        tpu.enqueue_dma source(%dma_start3A_82 : memref<4096xi32, #tpu.memory_space<hbm>>) target(%arg9 : memref<4096xi32, #tpu.memory_space<vmem>>) target_semaphore(%arg15 : memref<!tpu.dma_semaphore, #tpu.memory_space<semaphore_mem>>)
        %dma_start3A_83 = tpu.memref_slice %arg4[%mul3A_80] : memref<327680xi32, #tpu.memory_space<hbm>> -> memref<4096xi32, #tpu.memory_space<hbm>>
        %dma_start3A_84 = tpu.memref_slice %arg4[%mul3A_80] : memref<327680xi32, #tpu.memory_space<hbm>> -> memref<4096xi32, #tpu.memory_space<hbm>>
        tpu.enqueue_dma source(%dma_start3A_84 : memref<4096xi32, #tpu.memory_space<hbm>>) target(%arg11 : memref<4096xi32, #tpu.memory_space<vmem>>) target_semaphore(%arg15 : memref<!tpu.dma_semaphore, #tpu.memory_space<semaphore_mem>>)
        %dma_start3A_85 = tpu.memref_slice %arg5[%mul3A_80] : memref<327680xf32, #tpu.memory_space<hbm>> -> memref<4096xf32, #tpu.memory_space<hbm>>
        %dma_start3A_86 = tpu.memref_slice %arg5[%mul3A_80] : memref<327680xf32, #tpu.memory_space<hbm>> -> memref<4096xf32, #tpu.memory_space<hbm>>
        tpu.enqueue_dma source(%dma_start3A_86 : memref<4096xf32, #tpu.memory_space<hbm>>) target(%arg13 : memref<4096xf32, #tpu.memory_space<vmem>>) target_semaphore(%arg15 : memref<!tpu.dma_semaphore, #tpu.memory_space<semaphore_mem>>)
      } else {
      }
      %mul3A_57 = arith.constant 2 : i32
      %mul3A_58 = arith.muli %scan3A_39, %mul3A_57 : i32
      %add3A_59 = arith.constant 1 : i32
      %add3A_60 = arith.addi %mul3A_58, %add3A_59 : i32
      %mul3A_61 = arith.constant 4096 : i32
      %mul3A_62 = arith.muli %add3A_60, %mul3A_61 : i32
      %dma_wait3A_63 = tpu.memref_slice %arg3[%mul3A_62] : memref<327680xi32, #tpu.memory_space<hbm>> -> memref<4096xi32, #tpu.memory_space<hbm>>
      %dma_wait3A_64 = tpu.memref_slice %arg3[%mul3A_62] : memref<327680xi32, #tpu.memory_space<hbm>> -> memref<4096xi32, #tpu.memory_space<hbm>>
      tpu.wait_dma2 semaphore(%arg16 : memref<!tpu.dma_semaphore, #tpu.memory_space<semaphore_mem>>) src(%dma_wait3A_64 : memref<4096xi32, #tpu.memory_space<hbm>>) dst(%arg10 : memref<4096xi32, #tpu.memory_space<vmem>>)
      %dma_wait3A_65 = tpu.memref_slice %arg4[%mul3A_62] : memref<327680xi32, #tpu.memory_space<hbm>> -> memref<4096xi32, #tpu.memory_space<hbm>>
      %dma_wait3A_66 = tpu.memref_slice %arg4[%mul3A_62] : memref<327680xi32, #tpu.memory_space<hbm>> -> memref<4096xi32, #tpu.memory_space<hbm>>
      tpu.wait_dma2 semaphore(%arg16 : memref<!tpu.dma_semaphore, #tpu.memory_space<semaphore_mem>>) src(%dma_wait3A_66 : memref<4096xi32, #tpu.memory_space<hbm>>) dst(%arg12 : memref<4096xi32, #tpu.memory_space<vmem>>)
      %dma_wait3A_67 = tpu.memref_slice %arg5[%mul3A_62] : memref<327680xf32, #tpu.memory_space<hbm>> -> memref<4096xf32, #tpu.memory_space<hbm>>
      %dma_wait3A_68 = tpu.memref_slice %arg5[%mul3A_62] : memref<327680xf32, #tpu.memory_space<hbm>> -> memref<4096xf32, #tpu.memory_space<hbm>>
      tpu.wait_dma2 semaphore(%arg16 : memref<!tpu.dma_semaphore, #tpu.memory_space<semaphore_mem>>) src(%dma_wait3A_68 : memref<4096xf32, #tpu.memory_space<hbm>>) dst(%arg14 : memref<4096xf32, #tpu.memory_space<vmem>>)
      %parallel_loop3A_69 = arith.constant 0 : i32
      %parallel_loop3A_70 = arith.constant 256 : i32
      %parallel_loop3A_71 = arith.constant 1 : i32
      scf.for %parallel_loop3A_79 = %parallel_loop3A_69 to %parallel_loop3A_70 step %parallel_loop3A_71  : i32 {
        %parallel_loop3A_80 = arith.constant 16 : i32
        %parallel_loop3A_81 = arith.muli %parallel_loop3A_79, %parallel_loop3A_80 : i32
        %parallel_loop3A_82 = arith.index_cast %parallel_loop3A_81 : i32 to index
        %parallel_loop3A_83 = tpu.vector_load %arg10[%parallel_loop3A_82] {strides = array<i32>} : memref<4096xi32, #tpu.memory_space<vmem>>, vector<16xi32>,
        %parallel_loop3A_84 = arith.index_cast %parallel_loop3A_81 : i32 to index
        %parallel_loop3A_85 = tpu.vector_load %arg12[%parallel_loop3A_84] {strides = array<i32>} : memref<4096xi32, #tpu.memory_space<vmem>>, vector<16xi32>,
        %parallel_loop3A_86 = arith.index_cast %parallel_loop3A_81 : i32 to index
        %parallel_loop3A_87 = tpu.vector_load %arg14[%parallel_loop3A_86] {strides = array<i32>} : memref<4096xf32, #tpu.memory_space<vmem>>, vector<16xf32>,
        %parallel_loop3A_88 = arith.constant 0 : i32
        %parallel_loop3A_89 = vector.broadcast %parallel_loop3A_88 : i32 to vector<16xi32>
        %parallel_loop3A_90 = tpu.vector_load_idx %arg7[%parallel_loop3A_89, %parallel_loop3A_83] : memref<4x10240xf32, #tpu.memory_space<vmem>>[vector<16xi32>, vector<16xi32>], vector<16xf32>,
        %parallel_loop3A_91 = arith.mulf %parallel_loop3A_90, %parallel_loop3A_87 : vector<16xf32>
        tpu.vector_store_idx %arg8[%parallel_loop3A_89, %parallel_loop3A_85], %parallel_loop3A_91 {add = true} : memref<4x10240xf32, #tpu.memory_space<vmem>>[vector<16xi32>, vector<16xi32>], vector<16xf32>,
        %parallel_loop3A_92 = arith.constant 1 : i32
        %parallel_loop3A_93 = vector.broadcast %parallel_loop3A_92 : i32 to vector<16xi32>
        %parallel_loop3A_94 = tpu.vector_load_idx %arg7[%parallel_loop3A_93, %parallel_loop3A_83] : memref<4x10240xf32, #tpu.memory_space<vmem>>[vector<16xi32>, vector<16xi32>], vector<16xf32>,
        %parallel_loop3A_95 = arith.mulf %parallel_loop3A_94, %parallel_loop3A_87 : vector<16xf32>
        tpu.vector_store_idx %arg8[%parallel_loop3A_93, %parallel_loop3A_85], %parallel_loop3A_95 {add = true} : memref<4x10240xf32, #tpu.memory_space<vmem>>[vector<16xi32>, vector<16xi32>], vector<16xf32>,
        %parallel_loop3A_96 = arith.constant 2 : i32
        %parallel_loop3A_97 = vector.broadcast %parallel_loop3A_96 : i32 to vector<16xi32>
        %parallel_loop3A_98 = tpu.vector_load_idx %arg7[%parallel_loop3A_97, %parallel_loop3A_83] : memref<4x10240xf32, #tpu.memory_space<vmem>>[vector<16xi32>, vector<16xi32>], vector<16xf32>,
        %parallel_loop3A_99 = arith.mulf %parallel_loop3A_98, %parallel_loop3A_87 : vector<16xf32>
        tpu.vector_store_idx %arg8[%parallel_loop3A_97, %parallel_loop3A_85], %parallel_loop3A_99 {add = true} : memref<4x10240xf32, #tpu.memory_space<vmem>>[vector<16xi32>, vector<16xi32>], vector<16xf32>,
        %parallel_loop3A_100 = arith.constant 3 : i32
        %parallel_loop3A_101 = vector.broadcast %parallel_loop3A_100 : i32 to vector<16xi32>
        %parallel_loop3A_102 = tpu.vector_load_idx %arg7[%parallel_loop3A_101, %parallel_loop3A_83] : memref<4x10240xf32, #tpu.memory_space<vmem>>[vector<16xi32>, vector<16xi32>], vector<16xf32>,
        %parallel_loop3A_103 = arith.mulf %parallel_loop3A_102, %parallel_loop3A_87 : vector<16xf32>
        tpu.vector_store_idx %arg8[%parallel_loop3A_101, %parallel_loop3A_85], %parallel_loop3A_103 {add = true} : memref<4x10240xf32, #tpu.memory_space<vmem>>[vector<16xi32>, vector<16xi32>], vector<16xf32>,
      } {sc.loop_unroll_factor = 4 : i64, sc.parallel_access}
      %add3A_72 = arith.constant 2 : i32
      %add3A_73 = arith.addi %add3A_60, %add3A_72 : i32
      %lt3A_74 = arith.constant 80 : i32
      %lt3A_75 = arith.cmpi slt, %add3A_73, %lt3A_74 : i32
      %convert_element_type3A_76 = arith.extui %lt3A_75 : i1 to i32
      %cond3A_77 = arith.constant 0 : i32
      %cond3A_78 = arith.cmpi ne, %convert_element_type3A_76, %cond3A_77 : i32
      scf.if %cond3A_78 {
        %mul3A_79 = arith.constant 4096 : i32
        %mul3A_80 = arith.muli %add3A_73, %mul3A_79 : i32
        %dma_start3A_81 = tpu.memref_slice %arg3[%mul3A_80] : memref<327680xi32, #tpu.memory_space<hbm>> -> memref<4096xi32, #tpu.memory_space<hbm>>
        %dma_start3A_82 = tpu.memref_slice %arg3[%mul3A_80] : memref<327680xi32, #tpu.memory_space<hbm>> -> memref<4096xi32, #tpu.memory_space<hbm>>
        tpu.enqueue_dma source(%dma_start3A_82 : memref<4096xi32, #tpu.memory_space<hbm>>) target(%arg10 : memref<4096xi32, #tpu.memory_space<vmem>>) target_semaphore(%arg16 : memref<!tpu.dma_semaphore, #tpu.memory_space<semaphore_mem>>)
        %dma_start3A_83 = tpu.memref_slice %arg4[%mul3A_80] : memref<327680xi32, #tpu.memory_space<hbm>> -> memref<4096xi32, #tpu.memory_space<hbm>>
        %dma_start3A_84 = tpu.memref_slice %arg4[%mul3A_80] : memref<327680xi32, #tpu.memory_space<hbm>> -> memref<4096xi32, #tpu.memory_space<hbm>>
        tpu.enqueue_dma source(%dma_start3A_84 : memref<4096xi32, #tpu.memory_space<hbm>>) target(%arg12 : memref<4096xi32, #tpu.memory_space<vmem>>) target_semaphore(%arg16 : memref<!tpu.dma_semaphore, #tpu.memory_space<semaphore_mem>>)
        %dma_start3A_85 = tpu.memref_slice %arg5[%mul3A_80] : memref<327680xf32, #tpu.memory_space<hbm>> -> memref<4096xf32, #tpu.memory_space<hbm>>
        %dma_start3A_86 = tpu.memref_slice %arg5[%mul3A_80] : memref<327680xf32, #tpu.memory_space<hbm>> -> memref<4096xf32, #tpu.memory_space<hbm>>
        tpu.enqueue_dma source(%dma_start3A_86 : memref<4096xf32, #tpu.memory_space<hbm>>) target(%arg14 : memref<4096xf32, #tpu.memory_space<vmem>>) target_semaphore(%arg16 : memref<!tpu.dma_semaphore, #tpu.memory_space<semaphore_mem>>)
      } else {
      }
    }
    %scan3A_36 = arith.constant 40 : i32
    %mul3A_37 = arith.constant 4 : i32
    %mul3A_38 = arith.muli %add3A, %mul3A_37 : i32
    "tpu.region"() ({
      %run_scoped3A = tpu.sem_alloc : memref<!tpu.dma_semaphore, #tpu.memory_space<semaphore_mem>>
      %dma_start3A_39 = arith.constant 0 : i32
      %dma_start3A_40 = tpu.memref_slice %arg6[%mul3A_38, %dma_start3A_39] : memref<128x10240xf32, #tpu.memory_space<hbm>> -> memref<4x10240xf32, #tpu.memory_space<hbm>>
      %dma_start3A_41 = arith.constant 0 : i32
      %dma_start3A_42 = tpu.memref_slice %arg6[%mul3A_38, %dma_start3A_41] : memref<128x10240xf32, #tpu.memory_space<hbm>> -> memref<4x10240xf32, #tpu.memory_space<hbm>>
      tpu.enqueue_dma source(%arg8 : memref<4x10240xf32, #tpu.memory_space<vmem>>) target(%dma_start3A_42 : memref<4x10240xf32, #tpu.memory_space<hbm>>) target_semaphore(%run_scoped3A : memref<!tpu.dma_semaphore, #tpu.memory_space<semaphore_mem>>)
      %dma_wait3A = arith.constant 0 : i32
      %dma_wait3A_43 = tpu.memref_slice %arg6[%mul3A_38, %dma_wait3A] : memref<128x10240xf32, #tpu.memory_space<hbm>> -> memref<4x10240xf32, #tpu.memory_space<hbm>>
      %dma_wait3A_44 = arith.constant 0 : i32
      %dma_wait3A_45 = tpu.memref_slice %arg6[%mul3A_38, %dma_wait3A_44] : memref<128x10240xf32, #tpu.memory_space<hbm>> -> memref<4x10240xf32, #tpu.memory_space<hbm>>
      tpu.wait_dma2 semaphore(%run_scoped3A : memref<!tpu.dma_semaphore, #tpu.memory_space<semaphore_mem>>) src(%arg8 : memref<4x10240xf32, #tpu.memory_space<vmem>>) dst(%dma_wait3A_45 : memref<4x10240xf32, #tpu.memory_space<hbm>>)
      tpu.yield
    }) : () -> ()
    return
  }
}

#map = affine_map<(d0, d1) -> (0, 0)>
#map1 = affine_map<(d0, d1) -> (0)>
module attributes {stable_mosaic.version = 14 : i64} {
  func.func @_spmm_body(%arg0: i32, %arg1: i32, %arg2: memref<128x10240xf32, #tpu.memory_space<hbm>>, %arg3: memref<327680xi32, #tpu.memory_space<hbm>>, %arg4: memref<327680xi32, #tpu.memory_space<hbm>>, %arg5: memref<327680xf32, #tpu.memory_space<hbm>>, %arg6: memref<128x10240xf32, #tpu.memory_space<hbm>>, %arg7: memref<4x10240xf32, #tpu.memory_space<vmem>>, %arg8: memref<4x10240xf32, #tpu.memory_space<vmem>>, %arg9: memref<4096xi32, #tpu.memory_space<vmem>>, %arg10: memref<4096xi32, #tpu.memory_space<vmem>>, %arg11: memref<4096xi32, #tpu.memory_space<vmem>>, %arg12: memref<4096xi32, #tpu.memory_space<vmem>>, %arg13: memref<4096xf32, #tpu.memory_space<vmem>>, %arg14: memref<4096xf32, #tpu.memory_space<vmem>>, %arg15: memref<!tpu.dma_semaphore, #tpu.memory_space<semaphore_mem>>, %arg16: memref<!tpu.dma_semaphore, #tpu.memory_space<semaphore_mem>>) attributes {dimension_semantics = [#tpu.dimension_semantics<core_parallel>, #tpu.dimension_semantics<subcore_parallel>], iteration_bounds = array<i64: 2, 16>, scalar_prefetch = 0 : i64, scratch_operands = 10 : i64, tpu.core_type = #tpu.core_type<sc_vector_subcore>, window_params = [{transform_indices = #map}, {transform_indices = #map1}, {transform_indices = #map1}, {transform_indices = #map1}, {transform_indices = #map}]} {
    %mul3A = arith.constant 16 : i32
    %mul3A_0 = arith.muli %arg0, %mul3A : i32
    %add3A = arith.addi %mul3A_0, %arg1 : i32
    %mul3A_1 = arith.constant 4 : i32
    %mul3A_2 = arith.muli %add3A, %mul3A_1 : i32
    "tpu.region"() ({
      %run_scoped3A = tpu.sem_alloc : memref<!tpu.dma_semaphore, #tpu.memory_space<semaphore_mem>>
      %dma_start3A_39 = arith.constant 0 : i32
      %dma_start3A_40 = tpu.memref_slice %arg2[%mul3A_2, %dma_start3A_39] : memref<128x10240xf32, #tpu.memory_space<hbm>> -> memref<4x10240xf32, #tpu.memory_space<hbm>>
      %dma_start3A_41 = arith.constant 0 : i32
      %dma_start3A_42 = tpu.memref_slice %arg2[%mul3A_2, %dma_start3A_41] : memref<128x10240xf32, #tpu.memory_space<hbm>> -> memref<4x10240xf32, #tpu.memory_space<hbm>>
      tpu.enqueue_dma source(%dma_start3A_42 : memref<4x10240xf32, #tpu.memory_space<hbm>>) target(%arg7 : memref<4x10240xf32, #tpu.memory_space<vmem>>) target_semaphore(%run_scoped3A : memref<!tpu.dma_semaphore, #tpu.memory_space<semaphore_mem>>)
      %dma_wait3A = arith.constant 0 : i32
      %dma_wait3A_43 = tpu.memref_slice %arg2[%mul3A_2, %dma_wait3A] : memref<128x10240xf32, #tpu.memory_space<hbm>> -> memref<4x10240xf32, #tpu.memory_space<hbm>>
      %dma_wait3A_44 = arith.constant 0 : i32
      %dma_wait3A_45 = tpu.memref_slice %arg2[%mul3A_2, %dma_wait3A_44] : memref<128x10240xf32, #tpu.memory_space<hbm>> -> memref<4x10240xf32, #tpu.memory_space<hbm>>
      tpu.wait_dma2 semaphore(%run_scoped3A : memref<!tpu.dma_semaphore, #tpu.memory_space<semaphore_mem>>) src(%dma_wait3A_45 : memref<4x10240xf32, #tpu.memory_space<hbm>>) dst(%arg7 : memref<4x10240xf32, #tpu.memory_space<vmem>>)
      tpu.yield
    }) : () -> ()
    %scan3A = arith.constant 0 : i32
    %scan3A_3 = arith.constant 0 : i32
    %scan3A_4 = arith.constant 640 : i32
    %scan3A_5 = arith.addi %scan3A_3, %scan3A_4 : i32
    %scan3A_6 = arith.constant 1 : i32
    scf.for %scan3A_39 = %scan3A_3 to %scan3A_5 step %scan3A_6  : i32 {
      %broadcast_in_dim3A = arith.constant 0.000000e+00 : f32
      %broadcast_in_dim3A_40 = vector.broadcast %broadcast_in_dim3A : f32 to vector<16xf32>
      %mul3A_41 = arith.constant 16 : i32
      %mul3A_42 = arith.muli %scan3A_39, %mul3A_41 : i32
      %swap3A = arith.constant 0 : i32
      %swap3A_43 = arith.index_cast %swap3A : i32 to index
      %swap3A_44 = arith.index_cast %mul3A_42 : i32 to index
      %swap3A_45 = tpu.vector_load %arg8[%swap3A_43, %swap3A_44] {strides = array<i32>} : memref<4x10240xf32, #tpu.memory_space<vmem>>, vector<16xf32>,
      tpu.vector_store %arg8[%swap3A_43, %swap3A_44], %broadcast_in_dim3A_40 {strides = array<i32>} : memref<4x10240xf32, #tpu.memory_space<vmem>>, vector<16xf32>,
      %broadcast_in_dim3A_46 = arith.constant 0.000000e+00 : f32
      %broadcast_in_dim3A_47 = vector.broadcast %broadcast_in_dim3A_46 : f32 to vector<16xf32>
      %mul3A_48 = arith.constant 16 : i32
      %mul3A_49 = arith.muli %scan3A_39, %mul3A_48 : i32
      %swap3A_50 = arith.constant 1 : i32
      %swap3A_51 = arith.index_cast %swap3A_50 : i32 to index
      %swap3A_52 = arith.index_cast %mul3A_49 : i32 to index
      %swap3A_53 = tpu.vector_load %arg8[%swap3A_51, %swap3A_52] {strides = array<i32>} : memref<4x10240xf32, #tpu.memory_space<vmem>>, vector<16xf32>,
      tpu.vector_store %arg8[%swap3A_51, %swap3A_52], %broadcast_in_dim3A_47 {strides = array<i32>} : memref<4x10240xf32, #tpu.memory_space<vmem>>, vector<16xf32>,
      %broadcast_in_dim3A_54 = arith.constant 0.000000e+00 : f32
      %broadcast_in_dim3A_55 = vector.broadcast %broadcast_in_dim3A_54 : f32 to vector<16xf32>
      %mul3A_56 = arith.constant 16 : i32
      %mul3A_57 = arith.muli %scan3A_39, %mul3A_56 : i32
      %swap3A_58 = arith.constant 2 : i32
      %swap3A_59 = arith.index_cast %swap3A_58 : i32 to index
      %swap3A_60 = arith.index_cast %mul3A_57 : i32 to index
      %swap3A_61 = tpu.vector_load %arg8[%swap3A_59, %swap3A_60] {strides = array<i32>} : memref<4x10240xf32, #tpu.memory_space<vmem>>, vector<16xf32>,
      tpu.vector_store %arg8[%swap3A_59, %swap3A_60], %broadcast_in_dim3A_55 {strides = array<i32>} : memref<4x10240xf32, #tpu.memory_space<vmem>>, vector<16xf32>,
      %broadcast_in_dim3A_62 = arith.constant 0.000000e+00 : f32
      %broadcast_in_dim3A_63 = vector.broadcast %broadcast_in_dim3A_62 : f32 to vector<16xf32>
      %mul3A_64 = arith.constant 16 : i32
      %mul3A_65 = arith.muli %scan3A_39, %mul3A_64 : i32
      %swap3A_66 = arith.constant 3 : i32
      %swap3A_67 = arith.index_cast %swap3A_66 : i32 to index
      %swap3A_68 = arith.index_cast %mul3A_65 : i32 to index
      %swap3A_69 = tpu.vector_load %arg8[%swap3A_67, %swap3A_68] {strides = array<i32>} : memref<4x10240xf32, #tpu.memory_space<vmem>>, vector<16xf32>,
      tpu.vector_store %arg8[%swap3A_67, %swap3A_68], %broadcast_in_dim3A_63 {strides = array<i32>} : memref<4x10240xf32, #tpu.memory_space<vmem>>, vector<16xf32>,
    }
    %scan3A_7 = arith.constant 640 : i32
    %dma_start3A = arith.constant 0 : i32
    %dma_start3A_8 = tpu.memref_slice %arg3[%dma_start3A] : memref<327680xi32, #tpu.memory_space<hbm>> -> memref<4096xi32, #tpu.memory_space<hbm>>
    %dma_start3A_9 = arith.constant 0 : i32
    %dma_start3A_10 = tpu.memref_slice %arg3[%dma_start3A_9] : memref<327680xi32, #tpu.memory_space<hbm>> -> memref<4096xi32, #tpu.memory_space<hbm>>
    tpu.enqueue_dma source(%dma_start3A_10 : memref<4096xi32, #tpu.memory_space<hbm>>) target(%arg9 : memref<4096xi32, #tpu.memory_space<vmem>>) target_semaphore(%arg15 : memref<!tpu.dma_semaphore, #tpu.memory_space<semaphore_mem>>)
    %dma_start3A_11 = arith.constant 0 : i32
    %dma_start3A_12 = tpu.memref_slice %arg4[%dma_start3A_11] : memref<327680xi32, #tpu.memory_space<hbm>> -> memref<4096xi32, #tpu.memory_space<hbm>>
    %dma_start3A_13 = arith.constant 0 : i32
    %dma_start3A_14 = tpu.memref_slice %arg4[%dma_start3A_13] : memref<327680xi32, #tpu.memory_space<hbm>> -> memref<4096xi32, #tpu.memory_space<hbm>>
    tpu.enqueue_dma source(%dma_start3A_14 : memref<4096xi32, #tpu.memory_space<hbm>>) target(%arg11 : memref<4096xi32, #tpu.memory_space<vmem>>) target_semaphore(%arg15 : memref<!tpu.dma_semaphore, #tpu.memory_space<semaphore_mem>>)
    %dma_start3A_15 = arith.constant 0 : i32
    %dma_start3A_16 = tpu.memref_slice %arg5[%dma_start3A_15] : memref<327680xf32, #tpu.memory_space<hbm>> -> memref<4096xf32, #tpu.memory_space<hbm>>
    %dma_start3A_17 = arith.constant 0 : i32
    %dma_start3A_18 = tpu.memref_slice %arg5[%dma_start3A_17] : memref<327680xf32, #tpu.memory_space<hbm>> -> memref<4096xf32, #tpu.memory_space<hbm>>
    tpu.enqueue_dma source(%dma_start3A_18 : memref<4096xf32, #tpu.memory_space<hbm>>) target(%arg13 : memref<4096xf32, #tpu.memory_space<vmem>>) target_semaphore(%arg15 : memref<!tpu.dma_semaphore, #tpu.memory_space<semaphore_mem>>)
    %dma_start3A_19 = arith.constant 4096 : i32
    %dma_start3A_20 = tpu.memref_slice %arg3[%dma_start3A_19] : memref<327680xi32, #tpu.memory_space<hbm>> -> memref<4096xi32, #tpu.memory_space<hbm>>
    %dma_start3A_21 = arith.constant 4096 : i32
    %dma_start3A_22 = tpu.memref_slice %arg3[%dma_start3A_21] : memref<327680xi32, #tpu.memory_space<hbm>> -> memref<4096xi32, #tpu.memory_space<hbm>>
    tpu.enqueue_dma source(%dma_start3A_22 : memref<4096xi32, #tpu.memory_space<hbm>>) target(%arg10 : memref<4096xi32, #tpu.memory_space<vmem>>) target_semaphore(%arg16 : memref<!tpu.dma_semaphore, #tpu.memory_space<semaphore_mem>>)
    %dma_start3A_23 = arith.constant 4096 : i32
    %dma_start3A_24 = tpu.memref_slice %arg4[%dma_start3A_23] : memref<327680xi32, #tpu.memory_space<hbm>> -> memref<4096xi32, #tpu.memory_space<hbm>>
    %dma_start3A_25 = arith.constant 4096 : i32
    %dma_start3A_26 = tpu.memref_slice %arg4[%dma_start3A_25] : memref<327680xi32, #tpu.memory_space<hbm>> -> memref<4096xi32, #tpu.memory_space<hbm>>
    tpu.enqueue_dma source(%dma_start3A_26 : memref<4096xi32, #tpu.memory_space<hbm>>) target(%arg12 : memref<4096xi32, #tpu.memory_space<vmem>>) target_semaphore(%arg16 : memref<!tpu.dma_semaphore, #tpu.memory_space<semaphore_mem>>)
    %dma_start3A_27 = arith.constant 4096 : i32
    %dma_start3A_28 = tpu.memref_slice %arg5[%dma_start3A_27] : memref<327680xf32, #tpu.memory_space<hbm>> -> memref<4096xf32, #tpu.memory_space<hbm>>
    %dma_start3A_29 = arith.constant 4096 : i32
    %dma_start3A_30 = tpu.memref_slice %arg5[%dma_start3A_29] : memref<327680xf32, #tpu.memory_space<hbm>> -> memref<4096xf32, #tpu.memory_space<hbm>>
    tpu.enqueue_dma source(%dma_start3A_30 : memref<4096xf32, #tpu.memory_space<hbm>>) target(%arg14 : memref<4096xf32, #tpu.memory_space<vmem>>) target_semaphore(%arg16 : memref<!tpu.dma_semaphore, #tpu.memory_space<semaphore_mem>>)
    %scan3A_31 = arith.constant 0 : i32
    %scan3A_32 = arith.constant 0 : i32
    %scan3A_33 = arith.constant 40 : i32
    %scan3A_34 = arith.addi %scan3A_32, %scan3A_33 : i32
    %scan3A_35 = arith.constant 1 : i32
    scf.for %scan3A_39 = %scan3A_32 to %scan3A_34 step %scan3A_35  : i32 {
      %mul3A_40 = arith.constant 2 : i32
      %mul3A_41 = arith.muli %scan3A_39, %mul3A_40 : i32
      %add3A_42 = arith.constant 0 : i32
      %add3A_43 = arith.addi %mul3A_41, %add3A_42 : i32
      %mul3A_44 = arith.constant 4096 : i32
      %mul3A_45 = arith.muli %add3A_43, %mul3A_44 : i32
      %dma_wait3A = tpu.memref_slice %arg3[%mul3A_45] : memref<327680xi32, #tpu.memory_space<hbm>> -> memref<4096xi32, #tpu.memory_space<hbm>>
      %dma_wait3A_46 = tpu.memref_slice %arg3[%mul3A_45] : memref<327680xi32, #tpu.memory_space<hbm>> -> memref<4096xi32, #tpu.memory_space<hbm>>
      tpu.wait_dma2 semaphore(%arg15 : memref<!tpu.dma_semaphore, #tpu.memory_space<semaphore_mem>>) src(%dma_wait3A_46 : memref<4096xi32, #tpu.memory_space<hbm>>) dst(%arg9 : memref<4096xi32, #tpu.memory_space<vmem>>)
      %dma_wait3A_47 = tpu.memref_slice %arg4[%mul3A_45] : memref<327680xi32, #tpu.memory_space<hbm>> -> memref<4096xi32, #tpu.memory_space<hbm>>
      %dma_wait3A_48 = tpu.memref_slice %arg4[%mul3A_45] : memref<327680xi32, #tpu.memory_space<hbm>> -> memref<4096xi32, #tpu.memory_space<hbm>>
      tpu.wait_dma2 semaphore(%arg15 : memref<!tpu.dma_semaphore, #tpu.memory_space<semaphore_mem>>) src(%dma_wait3A_48 : memref<4096xi32, #tpu.memory_space<hbm>>) dst(%arg11 : memref<4096xi32, #tpu.memory_space<vmem>>)
      %dma_wait3A_49 = tpu.memref_slice %arg5[%mul3A_45] : memref<327680xf32, #tpu.memory_space<hbm>> -> memref<4096xf32, #tpu.memory_space<hbm>>
      %dma_wait3A_50 = tpu.memref_slice %arg5[%mul3A_45] : memref<327680xf32, #tpu.memory_space<hbm>> -> memref<4096xf32, #tpu.memory_space<hbm>>
      tpu.wait_dma2 semaphore(%arg15 : memref<!tpu.dma_semaphore, #tpu.memory_space<semaphore_mem>>) src(%dma_wait3A_50 : memref<4096xf32, #tpu.memory_space<hbm>>) dst(%arg13 : memref<4096xf32, #tpu.memory_space<vmem>>)
      %parallel_loop3A = arith.constant 0 : i32
      %parallel_loop3A_51 = arith.constant 256 : i32
      %parallel_loop3A_52 = arith.constant 1 : i32
      scf.for %parallel_loop3A_79 = %parallel_loop3A to %parallel_loop3A_51 step %parallel_loop3A_52  : i32 {
        %parallel_loop3A_80 = arith.constant 16 : i32
        %parallel_loop3A_81 = arith.muli %parallel_loop3A_79, %parallel_loop3A_80 : i32
        %parallel_loop3A_82 = arith.index_cast %parallel_loop3A_81 : i32 to index
        %parallel_loop3A_83 = tpu.vector_load %arg9[%parallel_loop3A_82] {strides = array<i32>} : memref<4096xi32, #tpu.memory_space<vmem>>, vector<16xi32>,
        %parallel_loop3A_84 = arith.index_cast %parallel_loop3A_81 : i32 to index
        %parallel_loop3A_85 = tpu.vector_load %arg11[%parallel_loop3A_84] {strides = array<i32>} : memref<4096xi32, #tpu.memory_space<vmem>>, vector<16xi32>,
        %parallel_loop3A_86 = arith.index_cast %parallel_loop3A_81 : i32 to index
        %parallel_loop3A_87 = tpu.vector_load %arg13[%parallel_loop3A_86] {strides = array<i32>} : memref<4096xf32, #tpu.memory_space<vmem>>, vector<16xf32>,
        %parallel_loop3A_88 = arith.constant 0 : i32
        %parallel_loop3A_89 = vector.broadcast %parallel_loop3A_88 : i32 to vector<16xi32>
        %parallel_loop3A_90 = tpu.vector_load_idx %arg7[%parallel_loop3A_89, %parallel_loop3A_83] : memref<4x10240xf32, #tpu.memory_space<vmem>>[vector<16xi32>, vector<16xi32>], vector<16xf32>,
        %parallel_loop3A_91 = arith.mulf %parallel_loop3A_90, %parallel_loop3A_87 : vector<16xf32>
        tpu.vector_store_idx %arg8[%parallel_loop3A_89, %parallel_loop3A_85], %parallel_loop3A_91 {add = true} : memref<4x10240xf32, #tpu.memory_space<vmem>>[vector<16xi32>, vector<16xi32>], vector<16xf32>,
        %parallel_loop3A_92 = arith.constant 1 : i32
        %parallel_loop3A_93 = vector.broadcast %parallel_loop3A_92 : i32 to vector<16xi32>
        %parallel_loop3A_94 = tpu.vector_load_idx %arg7[%parallel_loop3A_93, %parallel_loop3A_83] : memref<4x10240xf32, #tpu.memory_space<vmem>>[vector<16xi32>, vector<16xi32>], vector<16xf32>,
        %parallel_loop3A_95 = arith.mulf %parallel_loop3A_94, %parallel_loop3A_87 : vector<16xf32>
        tpu.vector_store_idx %arg8[%parallel_loop3A_93, %parallel_loop3A_85], %parallel_loop3A_95 {add = true} : memref<4x10240xf32, #tpu.memory_space<vmem>>[vector<16xi32>, vector<16xi32>], vector<16xf32>,
        %parallel_loop3A_96 = arith.constant 2 : i32
        %parallel_loop3A_97 = vector.broadcast %parallel_loop3A_96 : i32 to vector<16xi32>
        %parallel_loop3A_98 = tpu.vector_load_idx %arg7[%parallel_loop3A_97, %parallel_loop3A_83] : memref<4x10240xf32, #tpu.memory_space<vmem>>[vector<16xi32>, vector<16xi32>], vector<16xf32>,
        %parallel_loop3A_99 = arith.mulf %parallel_loop3A_98, %parallel_loop3A_87 : vector<16xf32>
        tpu.vector_store_idx %arg8[%parallel_loop3A_97, %parallel_loop3A_85], %parallel_loop3A_99 {add = true} : memref<4x10240xf32, #tpu.memory_space<vmem>>[vector<16xi32>, vector<16xi32>], vector<16xf32>,
        %parallel_loop3A_100 = arith.constant 3 : i32
        %parallel_loop3A_101 = vector.broadcast %parallel_loop3A_100 : i32 to vector<16xi32>
        %parallel_loop3A_102 = tpu.vector_load_idx %arg7[%parallel_loop3A_101, %parallel_loop3A_83] : memref<4x10240xf32, #tpu.memory_space<vmem>>[vector<16xi32>, vector<16xi32>], vector<16xf32>,
        %parallel_loop3A_103 = arith.mulf %parallel_loop3A_102, %parallel_loop3A_87 : vector<16xf32>
        tpu.vector_store_idx %arg8[%parallel_loop3A_101, %parallel_loop3A_85], %parallel_loop3A_103 {add = true} : memref<4x10240xf32, #tpu.memory_space<vmem>>[vector<16xi32>, vector<16xi32>], vector<16xf32>,
      } {sc.loop_unroll_factor = 4 : i64, sc.parallel_access}
      %add3A_53 = arith.constant 2 : i32
      %add3A_54 = arith.addi %add3A_43, %add3A_53 : i32
      %lt3A = arith.constant 80 : i32
      %lt3A_55 = arith.cmpi slt, %add3A_54, %lt3A : i32
      %convert_element_type3A = arith.extui %lt3A_55 : i1 to i32
      %cond3A = arith.constant 0 : i32
      %cond3A_56 = arith.cmpi ne, %convert_element_type3A, %cond3A : i32
      scf.if %cond3A_56 {
        %mul3A_79 = arith.constant 4096 : i32
        %mul3A_80 = arith.muli %add3A_54, %mul3A_79 : i32
        %dma_start3A_81 = tpu.memref_slice %arg3[%mul3A_80] : memref<327680xi32, #tpu.memory_space<hbm>> -> memref<4096xi32, #tpu.memory_space<hbm>>
        %dma_start3A_82 = tpu.memref_slice %arg3[%mul3A_80] : memref<327680xi32, #tpu.memory_space<hbm>> -> memref<4096xi32, #tpu.memory_space<hbm>>
        tpu.enqueue_dma source(%dma_start3A_82 : memref<4096xi32, #tpu.memory_space<hbm>>) target(%arg9 : memref<4096xi32, #tpu.memory_space<vmem>>) target_semaphore(%arg15 : memref<!tpu.dma_semaphore, #tpu.memory_space<semaphore_mem>>)
        %dma_start3A_83 = tpu.memref_slice %arg4[%mul3A_80] : memref<327680xi32, #tpu.memory_space<hbm>> -> memref<4096xi32, #tpu.memory_space<hbm>>
        %dma_start3A_84 = tpu.memref_slice %arg4[%mul3A_80] : memref<327680xi32, #tpu.memory_space<hbm>> -> memref<4096xi32, #tpu.memory_space<hbm>>
        tpu.enqueue_dma source(%dma_start3A_84 : memref<4096xi32, #tpu.memory_space<hbm>>) target(%arg11 : memref<4096xi32, #tpu.memory_space<vmem>>) target_semaphore(%arg15 : memref<!tpu.dma_semaphore, #tpu.memory_space<semaphore_mem>>)
        %dma_start3A_85 = tpu.memref_slice %arg5[%mul3A_80] : memref<327680xf32, #tpu.memory_space<hbm>> -> memref<4096xf32, #tpu.memory_space<hbm>>
        %dma_start3A_86 = tpu.memref_slice %arg5[%mul3A_80] : memref<327680xf32, #tpu.memory_space<hbm>> -> memref<4096xf32, #tpu.memory_space<hbm>>
        tpu.enqueue_dma source(%dma_start3A_86 : memref<4096xf32, #tpu.memory_space<hbm>>) target(%arg13 : memref<4096xf32, #tpu.memory_space<vmem>>) target_semaphore(%arg15 : memref<!tpu.dma_semaphore, #tpu.memory_space<semaphore_mem>>)
      } else {
      }
      %mul3A_57 = arith.constant 2 : i32
      %mul3A_58 = arith.muli %scan3A_39, %mul3A_57 : i32
      %add3A_59 = arith.constant 1 : i32
      %add3A_60 = arith.addi %mul3A_58, %add3A_59 : i32
      %mul3A_61 = arith.constant 4096 : i32
      %mul3A_62 = arith.muli %add3A_60, %mul3A_61 : i32
      %dma_wait3A_63 = tpu.memref_slice %arg3[%mul3A_62] : memref<327680xi32, #tpu.memory_space<hbm>> -> memref<4096xi32, #tpu.memory_space<hbm>>
      %dma_wait3A_64 = tpu.memref_slice %arg3[%mul3A_62] : memref<327680xi32, #tpu.memory_space<hbm>> -> memref<4096xi32, #tpu.memory_space<hbm>>
      tpu.wait_dma2 semaphore(%arg16 : memref<!tpu.dma_semaphore, #tpu.memory_space<semaphore_mem>>) src(%dma_wait3A_64 : memref<4096xi32, #tpu.memory_space<hbm>>) dst(%arg10 : memref<4096xi32, #tpu.memory_space<vmem>>)
      %dma_wait3A_65 = tpu.memref_slice %arg4[%mul3A_62] : memref<327680xi32, #tpu.memory_space<hbm>> -> memref<4096xi32, #tpu.memory_space<hbm>>
      %dma_wait3A_66 = tpu.memref_slice %arg4[%mul3A_62] : memref<327680xi32, #tpu.memory_space<hbm>> -> memref<4096xi32, #tpu.memory_space<hbm>>
      tpu.wait_dma2 semaphore(%arg16 : memref<!tpu.dma_semaphore, #tpu.memory_space<semaphore_mem>>) src(%dma_wait3A_66 : memref<4096xi32, #tpu.memory_space<hbm>>) dst(%arg12 : memref<4096xi32, #tpu.memory_space<vmem>>)
      %dma_wait3A_67 = tpu.memref_slice %arg5[%mul3A_62] : memref<327680xf32, #tpu.memory_space<hbm>> -> memref<4096xf32, #tpu.memory_space<hbm>>
      %dma_wait3A_68 = tpu.memref_slice %arg5[%mul3A_62] : memref<327680xf32, #tpu.memory_space<hbm>> -> memref<4096xf32, #tpu.memory_space<hbm>>
      tpu.wait_dma2 semaphore(%arg16 : memref<!tpu.dma_semaphore, #tpu.memory_space<semaphore_mem>>) src(%dma_wait3A_68 : memref<4096xf32, #tpu.memory_space<hbm>>) dst(%arg14 : memref<4096xf32, #tpu.memory_space<vmem>>)
      %parallel_loop3A_69 = arith.constant 0 : i32
      %parallel_loop3A_70 = arith.constant 256 : i32
      %parallel_loop3A_71 = arith.constant 1 : i32
      scf.for %parallel_loop3A_79 = %parallel_loop3A_69 to %parallel_loop3A_70 step %parallel_loop3A_71  : i32 {
        %parallel_loop3A_80 = arith.constant 16 : i32
        %parallel_loop3A_81 = arith.muli %parallel_loop3A_79, %parallel_loop3A_80 : i32
        %parallel_loop3A_82 = arith.index_cast %parallel_loop3A_81 : i32 to index
        %parallel_loop3A_83 = tpu.vector_load %arg10[%parallel_loop3A_82] {strides = array<i32>} : memref<4096xi32, #tpu.memory_space<vmem>>, vector<16xi32>,
        %parallel_loop3A_84 = arith.index_cast %parallel_loop3A_81 : i32 to index
        %parallel_loop3A_85 = tpu.vector_load %arg12[%parallel_loop3A_84] {strides = array<i32>} : memref<4096xi32, #tpu.memory_space<vmem>>, vector<16xi32>,
        %parallel_loop3A_86 = arith.index_cast %parallel_loop3A_81 : i32 to index
        %parallel_loop3A_87 = tpu.vector_load %arg14[%parallel_loop3A_86] {strides = array<i32>} : memref<4096xf32, #tpu.memory_space<vmem>>, vector<16xf32>,
        %parallel_loop3A_88 = arith.constant 0 : i32
        %parallel_loop3A_89 = vector.broadcast %parallel_loop3A_88 : i32 to vector<16xi32>
        %parallel_loop3A_90 = tpu.vector_load_idx %arg7[%parallel_loop3A_89, %parallel_loop3A_83] : memref<4x10240xf32, #tpu.memory_space<vmem>>[vector<16xi32>, vector<16xi32>], vector<16xf32>,
        %parallel_loop3A_91 = arith.mulf %parallel_loop3A_90, %parallel_loop3A_87 : vector<16xf32>
        tpu.vector_store_idx %arg8[%parallel_loop3A_89, %parallel_loop3A_85], %parallel_loop3A_91 {add = true} : memref<4x10240xf32, #tpu.memory_space<vmem>>[vector<16xi32>, vector<16xi32>], vector<16xf32>,
        %parallel_loop3A_92 = arith.constant 1 : i32
        %parallel_loop3A_93 = vector.broadcast %parallel_loop3A_92 : i32 to vector<16xi32>
        %parallel_loop3A_94 = tpu.vector_load_idx %arg7[%parallel_loop3A_93, %parallel_loop3A_83] : memref<4x10240xf32, #tpu.memory_space<vmem>>[vector<16xi32>, vector<16xi32>], vector<16xf32>,
        %parallel_loop3A_95 = arith.mulf %parallel_loop3A_94, %parallel_loop3A_87 : vector<16xf32>
        tpu.vector_store_idx %arg8[%parallel_loop3A_93, %parallel_loop3A_85], %parallel_loop3A_95 {add = true} : memref<4x10240xf32, #tpu.memory_space<vmem>>[vector<16xi32>, vector<16xi32>], vector<16xf32>,
        %parallel_loop3A_96 = arith.constant 2 : i32
        %parallel_loop3A_97 = vector.broadcast %parallel_loop3A_96 : i32 to vector<16xi32>
        %parallel_loop3A_98 = tpu.vector_load_idx %arg7[%parallel_loop3A_97, %parallel_loop3A_83] : memref<4x10240xf32, #tpu.memory_space<vmem>>[vector<16xi32>, vector<16xi32>], vector<16xf32>,
        %parallel_loop3A_99 = arith.mulf %parallel_loop3A_98, %parallel_loop3A_87 : vector<16xf32>
        tpu.vector_store_idx %arg8[%parallel_loop3A_97, %parallel_loop3A_85], %parallel_loop3A_99 {add = true} : memref<4x10240xf32, #tpu.memory_space<vmem>>[vector<16xi32>, vector<16xi32>], vector<16xf32>,
        %parallel_loop3A_100 = arith.constant 3 : i32
        %parallel_loop3A_101 = vector.broadcast %parallel_loop3A_100 : i32 to vector<16xi32>
        %parallel_loop3A_102 = tpu.vector_load_idx %arg7[%parallel_loop3A_101, %parallel_loop3A_83] : memref<4x10240xf32, #tpu.memory_space<vmem>>[vector<16xi32>, vector<16xi32>], vector<16xf32>,
        %parallel_loop3A_103 = arith.mulf %parallel_loop3A_102, %parallel_loop3A_87 : vector<16xf32>
        tpu.vector_store_idx %arg8[%parallel_loop3A_101, %parallel_loop3A_85], %parallel_loop3A_103 {add = true} : memref<4x10240xf32, #tpu.memory_space<vmem>>[vector<16xi32>, vector<16xi32>], vector<16xf32>,
      } {sc.loop_unroll_factor = 4 : i64, sc.parallel_access}
      %add3A_72 = arith.constant 2 : i32
      %add3A_73 = arith.addi %add3A_60, %add3A_72 : i32
      %lt3A_74 = arith.constant 80 : i32
      %lt3A_75 = arith.cmpi slt, %add3A_73, %lt3A_74 : i32
      %convert_element_type3A_76 = arith.extui %lt3A_75 : i1 to i32
      %cond3A_77 = arith.constant 0 : i32
      %cond3A_78 = arith.cmpi ne, %convert_element_type3A_76, %cond3A_77 : i32
      scf.if %cond3A_78 {
        %mul3A_79 = arith.constant 4096 : i32
        %mul3A_80 = arith.muli %add3A_73, %mul3A_79 : i32
        %dma_start3A_81 = tpu.memref_slice %arg3[%mul3A_80] : memref<327680xi32, #tpu.memory_space<hbm>> -> memref<4096xi32, #tpu.memory_space<hbm>>
        %dma_start3A_82 = tpu.memref_slice %arg3[%mul3A_80] : memref<327680xi32, #tpu.memory_space<hbm>> -> memref<4096xi32, #tpu.memory_space<hbm>>
        tpu.enqueue_dma source(%dma_start3A_82 : memref<4096xi32, #tpu.memory_space<hbm>>) target(%arg10 : memref<4096xi32, #tpu.memory_space<vmem>>) target_semaphore(%arg16 : memref<!tpu.dma_semaphore, #tpu.memory_space<semaphore_mem>>)
        %dma_start3A_83 = tpu.memref_slice %arg4[%mul3A_80] : memref<327680xi32, #tpu.memory_space<hbm>> -> memref<4096xi32, #tpu.memory_space<hbm>>
        %dma_start3A_84 = tpu.memref_slice %arg4[%mul3A_80] : memref<327680xi32, #tpu.memory_space<hbm>> -> memref<4096xi32, #tpu.memory_space<hbm>>
        tpu.enqueue_dma source(%dma_start3A_84 : memref<4096xi32, #tpu.memory_space<hbm>>) target(%arg12 : memref<4096xi32, #tpu.memory_space<vmem>>) target_semaphore(%arg16 : memref<!tpu.dma_semaphore, #tpu.memory_space<semaphore_mem>>)
        %dma_start3A_85 = tpu.memref_slice %arg5[%mul3A_80] : memref<327680xf32, #tpu.memory_space<hbm>> -> memref<4096xf32, #tpu.memory_space<hbm>>
        %dma_start3A_86 = tpu.memref_slice %arg5[%mul3A_80] : memref<327680xf32, #tpu.memory_space<hbm>> -> memref<4096xf32, #tpu.memory_space<hbm>>
        tpu.enqueue_dma source(%dma_start3A_86 : memref<4096xf32, #tpu.memory_space<hbm>>) target(%arg14 : memref<4096xf32, #tpu.memory_space<vmem>>) target_semaphore(%arg16 : memref<!tpu.dma_semaphore, #tpu.memory_space<semaphore_mem>>)
      } else {
      }
    }
    %scan3A_36 = arith.constant 40 : i32
    %mul3A_37 = arith.constant 4 : i32
    %mul3A_38 = arith.muli %add3A, %mul3A_37 : i32
    "tpu.region"() ({
      %run_scoped3A = tpu.sem_alloc : memref<!tpu.dma_semaphore, #tpu.memory_space<semaphore_mem>>
      %dma_start3A_39 = arith.constant 0 : i32
      %dma_start3A_40 = tpu.memref_slice %arg6[%mul3A_38, %dma_start3A_39] : memref<128x10240xf32, #tpu.memory_space<hbm>> -> memref<4x10240xf32, #tpu.memory_space<hbm>>
      %dma_start3A_41 = arith.constant 0 : i32
      %dma_start3A_42 = tpu.memref_slice %arg6[%mul3A_38, %dma_start3A_41] : memref<128x10240xf32, #tpu.memory_space<hbm>> -> memref<4x10240xf32, #tpu.memory_space<hbm>>
      tpu.enqueue_dma source(%arg8 : memref<4x10240xf32, #tpu.memory_space<vmem>>) target(%dma_start3A_42 : memref<4x10240xf32, #tpu.memory_space<hbm>>) target_semaphore(%run_scoped3A : memref<!tpu.dma_semaphore, #tpu.memory_space<semaphore_mem>>)
      %dma_wait3A = arith.constant 0 : i32
      %dma_wait3A_43 = tpu.memref_slice %arg6[%mul3A_38, %dma_wait3A] : memref<128x10240xf32, #tpu.memory_space<hbm>> -> memref<4x10240xf32, #tpu.memory_space<hbm>>
      %dma_wait3A_44 = arith.constant 0 : i32
      %dma_wait3A_45 = tpu.memref_slice %arg6[%mul3A_38, %dma_wait3A_44] : memref<128x10240xf32, #tpu.memory_space<hbm>> -> memref<4x10240xf32, #tpu.memory_space<hbm>>
      tpu.wait_dma2 semaphore(%run_scoped3A : memref<!tpu.dma_semaphore, #tpu.memory_space<semaphore_mem>>) src(%arg8 : memref<4x10240xf32, #tpu.memory_space<vmem>>) dst(%dma_wait3A_45 : memref<4x10240xf32, #tpu.memory_space<hbm>>)
      tpu.yield
    }) : () -> ()
    return
  }
}

#map = affine_map<(d0, d1) -> (0, 0)>
#map1 = affine_map<(d0, d1) -> (0)>
module attributes {stable_mosaic.version = 14 : i64} {
  func.func @_spmm_body(%arg0: i32, %arg1: i32, %arg2: memref<128x10240xf32, #tpu.memory_space<hbm>>, %arg3: memref<327680xi32, #tpu.memory_space<hbm>>, %arg4: memref<327680xi32, #tpu.memory_space<hbm>>, %arg5: memref<327680xf32, #tpu.memory_space<hbm>>, %arg6: memref<128x10240xf32, #tpu.memory_space<hbm>>, %arg7: memref<4x10240xf32, #tpu.memory_space<vmem>>, %arg8: memref<4x10240xf32, #tpu.memory_space<vmem>>, %arg9: memref<4096xi32, #tpu.memory_space<vmem>>, %arg10: memref<4096xi32, #tpu.memory_space<vmem>>, %arg11: memref<4096xi32, #tpu.memory_space<vmem>>, %arg12: memref<4096xi32, #tpu.memory_space<vmem>>, %arg13: memref<4096xf32, #tpu.memory_space<vmem>>, %arg14: memref<4096xf32, #tpu.memory_space<vmem>>, %arg15: memref<!tpu.dma_semaphore, #tpu.memory_space<semaphore_mem>>, %arg16: memref<!tpu.dma_semaphore, #tpu.memory_space<semaphore_mem>>) attributes {dimension_semantics = [#tpu.dimension_semantics<core_parallel>, #tpu.dimension_semantics<subcore_parallel>], iteration_bounds = array<i64: 2, 16>, scalar_prefetch = 0 : i64, scratch_operands = 10 : i64, tpu.core_type = #tpu.core_type<sc_vector_subcore>, window_params = [{transform_indices = #map}, {transform_indices = #map1}, {transform_indices = #map1}, {transform_indices = #map1}, {transform_indices = #map}]} {
    %mul3A = arith.constant 16 : i32
    %mul3A_0 = arith.muli %arg0, %mul3A : i32
    %add3A = arith.addi %mul3A_0, %arg1 : i32
    %mul3A_1 = arith.constant 4 : i32
    %mul3A_2 = arith.muli %add3A, %mul3A_1 : i32
    "tpu.region"() ({
      %run_scoped3A = tpu.sem_alloc : memref<!tpu.dma_semaphore, #tpu.memory_space<semaphore_mem>>
      %dma_start3A_39 = arith.constant 0 : i32
      %dma_start3A_40 = tpu.memref_slice %arg2[%mul3A_2, %dma_start3A_39] : memref<128x10240xf32, #tpu.memory_space<hbm>> -> memref<4x10240xf32, #tpu.memory_space<hbm>>
      %dma_start3A_41 = arith.constant 0 : i32
      %dma_start3A_42 = tpu.memref_slice %arg2[%mul3A_2, %dma_start3A_41] : memref<128x10240xf32, #tpu.memory_space<hbm>> -> memref<4x10240xf32, #tpu.memory_space<hbm>>
      tpu.enqueue_dma source(%dma_start3A_42 : memref<4x10240xf32, #tpu.memory_space<hbm>>) target(%arg7 : memref<4x10240xf32, #tpu.memory_space<vmem>>) target_semaphore(%run_scoped3A : memref<!tpu.dma_semaphore, #tpu.memory_space<semaphore_mem>>)
      %dma_wait3A = arith.constant 0 : i32
      %dma_wait3A_43 = tpu.memref_slice %arg2[%mul3A_2, %dma_wait3A] : memref<128x10240xf32, #tpu.memory_space<hbm>> -> memref<4x10240xf32, #tpu.memory_space<hbm>>
      %dma_wait3A_44 = arith.constant 0 : i32
      %dma_wait3A_45 = tpu.memref_slice %arg2[%mul3A_2, %dma_wait3A_44] : memref<128x10240xf32, #tpu.memory_space<hbm>> -> memref<4x10240xf32, #tpu.memory_space<hbm>>
      tpu.wait_dma2 semaphore(%run_scoped3A : memref<!tpu.dma_semaphore, #tpu.memory_space<semaphore_mem>>) src(%dma_wait3A_45 : memref<4x10240xf32, #tpu.memory_space<hbm>>) dst(%arg7 : memref<4x10240xf32, #tpu.memory_space<vmem>>)
      tpu.yield
    }) : () -> ()
    %scan3A = arith.constant 0 : i32
    %scan3A_3 = arith.constant 0 : i32
    %scan3A_4 = arith.constant 640 : i32
    %scan3A_5 = arith.addi %scan3A_3, %scan3A_4 : i32
    %scan3A_6 = arith.constant 1 : i32
    scf.for %scan3A_39 = %scan3A_3 to %scan3A_5 step %scan3A_6  : i32 {
      %broadcast_in_dim3A = arith.constant 0.000000e+00 : f32
      %broadcast_in_dim3A_40 = vector.broadcast %broadcast_in_dim3A : f32 to vector<16xf32>
      %mul3A_41 = arith.constant 16 : i32
      %mul3A_42 = arith.muli %scan3A_39, %mul3A_41 : i32
      %swap3A = arith.constant 0 : i32
      %swap3A_43 = arith.index_cast %swap3A : i32 to index
      %swap3A_44 = arith.index_cast %mul3A_42 : i32 to index
      %swap3A_45 = tpu.vector_load %arg8[%swap3A_43, %swap3A_44] {strides = array<i32>} : memref<4x10240xf32, #tpu.memory_space<vmem>>, vector<16xf32>,
      tpu.vector_store %arg8[%swap3A_43, %swap3A_44], %broadcast_in_dim3A_40 {strides = array<i32>} : memref<4x10240xf32, #tpu.memory_space<vmem>>, vector<16xf32>,
      %broadcast_in_dim3A_46 = arith.constant 0.000000e+00 : f32
      %broadcast_in_dim3A_47 = vector.broadcast %broadcast_in_dim3A_46 : f32 to vector<16xf32>
      %mul3A_48 = arith.constant 16 : i32
      %mul3A_49 = arith.muli %scan3A_39, %mul3A_48 : i32
      %swap3A_50 = arith.constant 1 : i32
      %swap3A_51 = arith.index_cast %swap3A_50 : i32 to index
      %swap3A_52 = arith.index_cast %mul3A_49 : i32 to index
      %swap3A_53 = tpu.vector_load %arg8[%swap3A_51, %swap3A_52] {strides = array<i32>} : memref<4x10240xf32, #tpu.memory_space<vmem>>, vector<16xf32>,
      tpu.vector_store %arg8[%swap3A_51, %swap3A_52], %broadcast_in_dim3A_47 {strides = array<i32>} : memref<4x10240xf32, #tpu.memory_space<vmem>>, vector<16xf32>,
      %broadcast_in_dim3A_54 = arith.constant 0.000000e+00 : f32
      %broadcast_in_dim3A_55 = vector.broadcast %broadcast_in_dim3A_54 : f32 to vector<16xf32>
      %mul3A_56 = arith.constant 16 : i32
      %mul3A_57 = arith.muli %scan3A_39, %mul3A_56 : i32
      %swap3A_58 = arith.constant 2 : i32
      %swap3A_59 = arith.index_cast %swap3A_58 : i32 to index
      %swap3A_60 = arith.index_cast %mul3A_57 : i32 to index
      %swap3A_61 = tpu.vector_load %arg8[%swap3A_59, %swap3A_60] {strides = array<i32>} : memref<4x10240xf32, #tpu.memory_space<vmem>>, vector<16xf32>,
      tpu.vector_store %arg8[%swap3A_59, %swap3A_60], %broadcast_in_dim3A_55 {strides = array<i32>} : memref<4x10240xf32, #tpu.memory_space<vmem>>, vector<16xf32>,
      %broadcast_in_dim3A_62 = arith.constant 0.000000e+00 : f32
      %broadcast_in_dim3A_63 = vector.broadcast %broadcast_in_dim3A_62 : f32 to vector<16xf32>
      %mul3A_64 = arith.constant 16 : i32
      %mul3A_65 = arith.muli %scan3A_39, %mul3A_64 : i32
      %swap3A_66 = arith.constant 3 : i32
      %swap3A_67 = arith.index_cast %swap3A_66 : i32 to index
      %swap3A_68 = arith.index_cast %mul3A_65 : i32 to index
      %swap3A_69 = tpu.vector_load %arg8[%swap3A_67, %swap3A_68] {strides = array<i32>} : memref<4x10240xf32, #tpu.memory_space<vmem>>, vector<16xf32>,
      tpu.vector_store %arg8[%swap3A_67, %swap3A_68], %broadcast_in_dim3A_63 {strides = array<i32>} : memref<4x10240xf32, #tpu.memory_space<vmem>>, vector<16xf32>,
    }
    %scan3A_7 = arith.constant 640 : i32
    %dma_start3A = arith.constant 0 : i32
    %dma_start3A_8 = tpu.memref_slice %arg3[%dma_start3A] : memref<327680xi32, #tpu.memory_space<hbm>> -> memref<4096xi32, #tpu.memory_space<hbm>>
    %dma_start3A_9 = arith.constant 0 : i32
    %dma_start3A_10 = tpu.memref_slice %arg3[%dma_start3A_9] : memref<327680xi32, #tpu.memory_space<hbm>> -> memref<4096xi32, #tpu.memory_space<hbm>>
    tpu.enqueue_dma source(%dma_start3A_10 : memref<4096xi32, #tpu.memory_space<hbm>>) target(%arg9 : memref<4096xi32, #tpu.memory_space<vmem>>) target_semaphore(%arg15 : memref<!tpu.dma_semaphore, #tpu.memory_space<semaphore_mem>>)
    %dma_start3A_11 = arith.constant 0 : i32
    %dma_start3A_12 = tpu.memref_slice %arg4[%dma_start3A_11] : memref<327680xi32, #tpu.memory_space<hbm>> -> memref<4096xi32, #tpu.memory_space<hbm>>
    %dma_start3A_13 = arith.constant 0 : i32
    %dma_start3A_14 = tpu.memref_slice %arg4[%dma_start3A_13] : memref<327680xi32, #tpu.memory_space<hbm>> -> memref<4096xi32, #tpu.memory_space<hbm>>
    tpu.enqueue_dma source(%dma_start3A_14 : memref<4096xi32, #tpu.memory_space<hbm>>) target(%arg11 : memref<4096xi32, #tpu.memory_space<vmem>>) target_semaphore(%arg15 : memref<!tpu.dma_semaphore, #tpu.memory_space<semaphore_mem>>)
    %dma_start3A_15 = arith.constant 0 : i32
    %dma_start3A_16 = tpu.memref_slice %arg5[%dma_start3A_15] : memref<327680xf32, #tpu.memory_space<hbm>> -> memref<4096xf32, #tpu.memory_space<hbm>>
    %dma_start3A_17 = arith.constant 0 : i32
    %dma_start3A_18 = tpu.memref_slice %arg5[%dma_start3A_17] : memref<327680xf32, #tpu.memory_space<hbm>> -> memref<4096xf32, #tpu.memory_space<hbm>>
    tpu.enqueue_dma source(%dma_start3A_18 : memref<4096xf32, #tpu.memory_space<hbm>>) target(%arg13 : memref<4096xf32, #tpu.memory_space<vmem>>) target_semaphore(%arg15 : memref<!tpu.dma_semaphore, #tpu.memory_space<semaphore_mem>>)
    %dma_start3A_19 = arith.constant 4096 : i32
    %dma_start3A_20 = tpu.memref_slice %arg3[%dma_start3A_19] : memref<327680xi32, #tpu.memory_space<hbm>> -> memref<4096xi32, #tpu.memory_space<hbm>>
    %dma_start3A_21 = arith.constant 4096 : i32
    %dma_start3A_22 = tpu.memref_slice %arg3[%dma_start3A_21] : memref<327680xi32, #tpu.memory_space<hbm>> -> memref<4096xi32, #tpu.memory_space<hbm>>
    tpu.enqueue_dma source(%dma_start3A_22 : memref<4096xi32, #tpu.memory_space<hbm>>) target(%arg10 : memref<4096xi32, #tpu.memory_space<vmem>>) target_semaphore(%arg16 : memref<!tpu.dma_semaphore, #tpu.memory_space<semaphore_mem>>)
    %dma_start3A_23 = arith.constant 4096 : i32
    %dma_start3A_24 = tpu.memref_slice %arg4[%dma_start3A_23] : memref<327680xi32, #tpu.memory_space<hbm>> -> memref<4096xi32, #tpu.memory_space<hbm>>
    %dma_start3A_25 = arith.constant 4096 : i32
    %dma_start3A_26 = tpu.memref_slice %arg4[%dma_start3A_25] : memref<327680xi32, #tpu.memory_space<hbm>> -> memref<4096xi32, #tpu.memory_space<hbm>>
    tpu.enqueue_dma source(%dma_start3A_26 : memref<4096xi32, #tpu.memory_space<hbm>>) target(%arg12 : memref<4096xi32, #tpu.memory_space<vmem>>) target_semaphore(%arg16 : memref<!tpu.dma_semaphore, #tpu.memory_space<semaphore_mem>>)
    %dma_start3A_27 = arith.constant 4096 : i32
    %dma_start3A_28 = tpu.memref_slice %arg5[%dma_start3A_27] : memref<327680xf32, #tpu.memory_space<hbm>> -> memref<4096xf32, #tpu.memory_space<hbm>>
    %dma_start3A_29 = arith.constant 4096 : i32
    %dma_start3A_30 = tpu.memref_slice %arg5[%dma_start3A_29] : memref<327680xf32, #tpu.memory_space<hbm>> -> memref<4096xf32, #tpu.memory_space<hbm>>
    tpu.enqueue_dma source(%dma_start3A_30 : memref<4096xf32, #tpu.memory_space<hbm>>) target(%arg14 : memref<4096xf32, #tpu.memory_space<vmem>>) target_semaphore(%arg16 : memref<!tpu.dma_semaphore, #tpu.memory_space<semaphore_mem>>)
    %scan3A_31 = arith.constant 0 : i32
    %scan3A_32 = arith.constant 0 : i32
    %scan3A_33 = arith.constant 40 : i32
    %scan3A_34 = arith.addi %scan3A_32, %scan3A_33 : i32
    %scan3A_35 = arith.constant 1 : i32
    scf.for %scan3A_39 = %scan3A_32 to %scan3A_34 step %scan3A_35  : i32 {
      %mul3A_40 = arith.constant 2 : i32
      %mul3A_41 = arith.muli %scan3A_39, %mul3A_40 : i32
      %add3A_42 = arith.constant 0 : i32
      %add3A_43 = arith.addi %mul3A_41, %add3A_42 : i32
      %mul3A_44 = arith.constant 4096 : i32
      %mul3A_45 = arith.muli %add3A_43, %mul3A_44 : i32
      %dma_wait3A = tpu.memref_slice %arg3[%mul3A_45] : memref<327680xi32, #tpu.memory_space<hbm>> -> memref<4096xi32, #tpu.memory_space<hbm>>
      %dma_wait3A_46 = tpu.memref_slice %arg3[%mul3A_45] : memref<327680xi32, #tpu.memory_space<hbm>> -> memref<4096xi32, #tpu.memory_space<hbm>>
      tpu.wait_dma2 semaphore(%arg15 : memref<!tpu.dma_semaphore, #tpu.memory_space<semaphore_mem>>) src(%dma_wait3A_46 : memref<4096xi32, #tpu.memory_space<hbm>>) dst(%arg9 : memref<4096xi32, #tpu.memory_space<vmem>>)
      %dma_wait3A_47 = tpu.memref_slice %arg4[%mul3A_45] : memref<327680xi32, #tpu.memory_space<hbm>> -> memref<4096xi32, #tpu.memory_space<hbm>>
      %dma_wait3A_48 = tpu.memref_slice %arg4[%mul3A_45] : memref<327680xi32, #tpu.memory_space<hbm>> -> memref<4096xi32, #tpu.memory_space<hbm>>
      tpu.wait_dma2 semaphore(%arg15 : memref<!tpu.dma_semaphore, #tpu.memory_space<semaphore_mem>>) src(%dma_wait3A_48 : memref<4096xi32, #tpu.memory_space<hbm>>) dst(%arg11 : memref<4096xi32, #tpu.memory_space<vmem>>)
      %dma_wait3A_49 = tpu.memref_slice %arg5[%mul3A_45] : memref<327680xf32, #tpu.memory_space<hbm>> -> memref<4096xf32, #tpu.memory_space<hbm>>
      %dma_wait3A_50 = tpu.memref_slice %arg5[%mul3A_45] : memref<327680xf32, #tpu.memory_space<hbm>> -> memref<4096xf32, #tpu.memory_space<hbm>>
      tpu.wait_dma2 semaphore(%arg15 : memref<!tpu.dma_semaphore, #tpu.memory_space<semaphore_mem>>) src(%dma_wait3A_50 : memref<4096xf32, #tpu.memory_space<hbm>>) dst(%arg13 : memref<4096xf32, #tpu.memory_space<vmem>>)
      %parallel_loop3A = arith.constant 0 : i32
      %parallel_loop3A_51 = arith.constant 256 : i32
      %parallel_loop3A_52 = arith.constant 1 : i32
      scf.for %parallel_loop3A_79 = %parallel_loop3A to %parallel_loop3A_51 step %parallel_loop3A_52  : i32 {
        %parallel_loop3A_80 = arith.constant 16 : i32
        %parallel_loop3A_81 = arith.muli %parallel_loop3A_79, %parallel_loop3A_80 : i32
        %parallel_loop3A_82 = arith.index_cast %parallel_loop3A_81 : i32 to index
        %parallel_loop3A_83 = tpu.vector_load %arg9[%parallel_loop3A_82] {strides = array<i32>} : memref<4096xi32, #tpu.memory_space<vmem>>, vector<16xi32>,
        %parallel_loop3A_84 = arith.index_cast %parallel_loop3A_81 : i32 to index
        %parallel_loop3A_85 = tpu.vector_load %arg11[%parallel_loop3A_84] {strides = array<i32>} : memref<4096xi32, #tpu.memory_space<vmem>>, vector<16xi32>,
        %parallel_loop3A_86 = arith.index_cast %parallel_loop3A_81 : i32 to index
        %parallel_loop3A_87 = tpu.vector_load %arg13[%parallel_loop3A_86] {strides = array<i32>} : memref<4096xf32, #tpu.memory_space<vmem>>, vector<16xf32>,
        %parallel_loop3A_88 = arith.constant 0 : i32
        %parallel_loop3A_89 = vector.broadcast %parallel_loop3A_88 : i32 to vector<16xi32>
        %parallel_loop3A_90 = tpu.vector_load_idx %arg7[%parallel_loop3A_89, %parallel_loop3A_83] : memref<4x10240xf32, #tpu.memory_space<vmem>>[vector<16xi32>, vector<16xi32>], vector<16xf32>,
        %parallel_loop3A_91 = arith.mulf %parallel_loop3A_90, %parallel_loop3A_87 : vector<16xf32>
        tpu.vector_store_idx %arg8[%parallel_loop3A_89, %parallel_loop3A_85], %parallel_loop3A_91 {add = true} : memref<4x10240xf32, #tpu.memory_space<vmem>>[vector<16xi32>, vector<16xi32>], vector<16xf32>,
        %parallel_loop3A_92 = arith.constant 1 : i32
        %parallel_loop3A_93 = vector.broadcast %parallel_loop3A_92 : i32 to vector<16xi32>
        %parallel_loop3A_94 = tpu.vector_load_idx %arg7[%parallel_loop3A_93, %parallel_loop3A_83] : memref<4x10240xf32, #tpu.memory_space<vmem>>[vector<16xi32>, vector<16xi32>], vector<16xf32>,
        %parallel_loop3A_95 = arith.mulf %parallel_loop3A_94, %parallel_loop3A_87 : vector<16xf32>
        tpu.vector_store_idx %arg8[%parallel_loop3A_93, %parallel_loop3A_85], %parallel_loop3A_95 {add = true} : memref<4x10240xf32, #tpu.memory_space<vmem>>[vector<16xi32>, vector<16xi32>], vector<16xf32>,
        %parallel_loop3A_96 = arith.constant 2 : i32
        %parallel_loop3A_97 = vector.broadcast %parallel_loop3A_96 : i32 to vector<16xi32>
        %parallel_loop3A_98 = tpu.vector_load_idx %arg7[%parallel_loop3A_97, %parallel_loop3A_83] : memref<4x10240xf32, #tpu.memory_space<vmem>>[vector<16xi32>, vector<16xi32>], vector<16xf32>,
        %parallel_loop3A_99 = arith.mulf %parallel_loop3A_98, %parallel_loop3A_87 : vector<16xf32>
        tpu.vector_store_idx %arg8[%parallel_loop3A_97, %parallel_loop3A_85], %parallel_loop3A_99 {add = true} : memref<4x10240xf32, #tpu.memory_space<vmem>>[vector<16xi32>, vector<16xi32>], vector<16xf32>,
        %parallel_loop3A_100 = arith.constant 3 : i32
        %parallel_loop3A_101 = vector.broadcast %parallel_loop3A_100 : i32 to vector<16xi32>
        %parallel_loop3A_102 = tpu.vector_load_idx %arg7[%parallel_loop3A_101, %parallel_loop3A_83] : memref<4x10240xf32, #tpu.memory_space<vmem>>[vector<16xi32>, vector<16xi32>], vector<16xf32>,
        %parallel_loop3A_103 = arith.mulf %parallel_loop3A_102, %parallel_loop3A_87 : vector<16xf32>
        tpu.vector_store_idx %arg8[%parallel_loop3A_101, %parallel_loop3A_85], %parallel_loop3A_103 {add = true} : memref<4x10240xf32, #tpu.memory_space<vmem>>[vector<16xi32>, vector<16xi32>], vector<16xf32>,
      } {sc.loop_unroll_factor = 4 : i64, sc.parallel_access}
      %add3A_53 = arith.constant 2 : i32
      %add3A_54 = arith.addi %add3A_43, %add3A_53 : i32
      %lt3A = arith.constant 80 : i32
      %lt3A_55 = arith.cmpi slt, %add3A_54, %lt3A : i32
      %convert_element_type3A = arith.extui %lt3A_55 : i1 to i32
      %cond3A = arith.constant 0 : i32
      %cond3A_56 = arith.cmpi ne, %convert_element_type3A, %cond3A : i32
      scf.if %cond3A_56 {
        %mul3A_79 = arith.constant 4096 : i32
        %mul3A_80 = arith.muli %add3A_54, %mul3A_79 : i32
        %dma_start3A_81 = tpu.memref_slice %arg3[%mul3A_80] : memref<327680xi32, #tpu.memory_space<hbm>> -> memref<4096xi32, #tpu.memory_space<hbm>>
        %dma_start3A_82 = tpu.memref_slice %arg3[%mul3A_80] : memref<327680xi32, #tpu.memory_space<hbm>> -> memref<4096xi32, #tpu.memory_space<hbm>>
        tpu.enqueue_dma source(%dma_start3A_82 : memref<4096xi32, #tpu.memory_space<hbm>>) target(%arg9 : memref<4096xi32, #tpu.memory_space<vmem>>) target_semaphore(%arg15 : memref<!tpu.dma_semaphore, #tpu.memory_space<semaphore_mem>>)
        %dma_start3A_83 = tpu.memref_slice %arg4[%mul3A_80] : memref<327680xi32, #tpu.memory_space<hbm>> -> memref<4096xi32, #tpu.memory_space<hbm>>
        %dma_start3A_84 = tpu.memref_slice %arg4[%mul3A_80] : memref<327680xi32, #tpu.memory_space<hbm>> -> memref<4096xi32, #tpu.memory_space<hbm>>
        tpu.enqueue_dma source(%dma_start3A_84 : memref<4096xi32, #tpu.memory_space<hbm>>) target(%arg11 : memref<4096xi32, #tpu.memory_space<vmem>>) target_semaphore(%arg15 : memref<!tpu.dma_semaphore, #tpu.memory_space<semaphore_mem>>)
        %dma_start3A_85 = tpu.memref_slice %arg5[%mul3A_80] : memref<327680xf32, #tpu.memory_space<hbm>> -> memref<4096xf32, #tpu.memory_space<hbm>>
        %dma_start3A_86 = tpu.memref_slice %arg5[%mul3A_80] : memref<327680xf32, #tpu.memory_space<hbm>> -> memref<4096xf32, #tpu.memory_space<hbm>>
        tpu.enqueue_dma source(%dma_start3A_86 : memref<4096xf32, #tpu.memory_space<hbm>>) target(%arg13 : memref<4096xf32, #tpu.memory_space<vmem>>) target_semaphore(%arg15 : memref<!tpu.dma_semaphore, #tpu.memory_space<semaphore_mem>>)
      } else {
      }
      %mul3A_57 = arith.constant 2 : i32
      %mul3A_58 = arith.muli %scan3A_39, %mul3A_57 : i32
      %add3A_59 = arith.constant 1 : i32
      %add3A_60 = arith.addi %mul3A_58, %add3A_59 : i32
      %mul3A_61 = arith.constant 4096 : i32
      %mul3A_62 = arith.muli %add3A_60, %mul3A_61 : i32
      %dma_wait3A_63 = tpu.memref_slice %arg3[%mul3A_62] : memref<327680xi32, #tpu.memory_space<hbm>> -> memref<4096xi32, #tpu.memory_space<hbm>>
      %dma_wait3A_64 = tpu.memref_slice %arg3[%mul3A_62] : memref<327680xi32, #tpu.memory_space<hbm>> -> memref<4096xi32, #tpu.memory_space<hbm>>
      tpu.wait_dma2 semaphore(%arg16 : memref<!tpu.dma_semaphore, #tpu.memory_space<semaphore_mem>>) src(%dma_wait3A_64 : memref<4096xi32, #tpu.memory_space<hbm>>) dst(%arg10 : memref<4096xi32, #tpu.memory_space<vmem>>)
      %dma_wait3A_65 = tpu.memref_slice %arg4[%mul3A_62] : memref<327680xi32, #tpu.memory_space<hbm>> -> memref<4096xi32, #tpu.memory_space<hbm>>
      %dma_wait3A_66 = tpu.memref_slice %arg4[%mul3A_62] : memref<327680xi32, #tpu.memory_space<hbm>> -> memref<4096xi32, #tpu.memory_space<hbm>>
      tpu.wait_dma2 semaphore(%arg16 : memref<!tpu.dma_semaphore, #tpu.memory_space<semaphore_mem>>) src(%dma_wait3A_66 : memref<4096xi32, #tpu.memory_space<hbm>>) dst(%arg12 : memref<4096xi32, #tpu.memory_space<vmem>>)
      %dma_wait3A_67 = tpu.memref_slice %arg5[%mul3A_62] : memref<327680xf32, #tpu.memory_space<hbm>> -> memref<4096xf32, #tpu.memory_space<hbm>>
      %dma_wait3A_68 = tpu.memref_slice %arg5[%mul3A_62] : memref<327680xf32, #tpu.memory_space<hbm>> -> memref<4096xf32, #tpu.memory_space<hbm>>
      tpu.wait_dma2 semaphore(%arg16 : memref<!tpu.dma_semaphore, #tpu.memory_space<semaphore_mem>>) src(%dma_wait3A_68 : memref<4096xf32, #tpu.memory_space<hbm>>) dst(%arg14 : memref<4096xf32, #tpu.memory_space<vmem>>)
      %parallel_loop3A_69 = arith.constant 0 : i32
      %parallel_loop3A_70 = arith.constant 256 : i32
      %parallel_loop3A_71 = arith.constant 1 : i32
      scf.for %parallel_loop3A_79 = %parallel_loop3A_69 to %parallel_loop3A_70 step %parallel_loop3A_71  : i32 {
        %parallel_loop3A_80 = arith.constant 16 : i32
        %parallel_loop3A_81 = arith.muli %parallel_loop3A_79, %parallel_loop3A_80 : i32
        %parallel_loop3A_82 = arith.index_cast %parallel_loop3A_81 : i32 to index
        %parallel_loop3A_83 = tpu.vector_load %arg10[%parallel_loop3A_82] {strides = array<i32>} : memref<4096xi32, #tpu.memory_space<vmem>>, vector<16xi32>,
        %parallel_loop3A_84 = arith.index_cast %parallel_loop3A_81 : i32 to index
        %parallel_loop3A_85 = tpu.vector_load %arg12[%parallel_loop3A_84] {strides = array<i32>} : memref<4096xi32, #tpu.memory_space<vmem>>, vector<16xi32>,
        %parallel_loop3A_86 = arith.index_cast %parallel_loop3A_81 : i32 to index
        %parallel_loop3A_87 = tpu.vector_load %arg14[%parallel_loop3A_86] {strides = array<i32>} : memref<4096xf32, #tpu.memory_space<vmem>>, vector<16xf32>,
        %parallel_loop3A_88 = arith.constant 0 : i32
        %parallel_loop3A_89 = vector.broadcast %parallel_loop3A_88 : i32 to vector<16xi32>
        %parallel_loop3A_90 = tpu.vector_load_idx %arg7[%parallel_loop3A_89, %parallel_loop3A_83] : memref<4x10240xf32, #tpu.memory_space<vmem>>[vector<16xi32>, vector<16xi32>], vector<16xf32>,
        %parallel_loop3A_91 = arith.mulf %parallel_loop3A_90, %parallel_loop3A_87 : vector<16xf32>
        tpu.vector_store_idx %arg8[%parallel_loop3A_89, %parallel_loop3A_85], %parallel_loop3A_91 {add = true} : memref<4x10240xf32, #tpu.memory_space<vmem>>[vector<16xi32>, vector<16xi32>], vector<16xf32>,
        %parallel_loop3A_92 = arith.constant 1 : i32
        %parallel_loop3A_93 = vector.broadcast %parallel_loop3A_92 : i32 to vector<16xi32>
        %parallel_loop3A_94 = tpu.vector_load_idx %arg7[%parallel_loop3A_93, %parallel_loop3A_83] : memref<4x10240xf32, #tpu.memory_space<vmem>>[vector<16xi32>, vector<16xi32>], vector<16xf32>,
        %parallel_loop3A_95 = arith.mulf %parallel_loop3A_94, %parallel_loop3A_87 : vector<16xf32>
        tpu.vector_store_idx %arg8[%parallel_loop3A_93, %parallel_loop3A_85], %parallel_loop3A_95 {add = true} : memref<4x10240xf32, #tpu.memory_space<vmem>>[vector<16xi32>, vector<16xi32>], vector<16xf32>,
        %parallel_loop3A_96 = arith.constant 2 : i32
        %parallel_loop3A_97 = vector.broadcast %parallel_loop3A_96 : i32 to vector<16xi32>
        %parallel_loop3A_98 = tpu.vector_load_idx %arg7[%parallel_loop3A_97, %parallel_loop3A_83] : memref<4x10240xf32, #tpu.memory_space<vmem>>[vector<16xi32>, vector<16xi32>], vector<16xf32>,
        %parallel_loop3A_99 = arith.mulf %parallel_loop3A_98, %parallel_loop3A_87 : vector<16xf32>
        tpu.vector_store_idx %arg8[%parallel_loop3A_97, %parallel_loop3A_85], %parallel_loop3A_99 {add = true} : memref<4x10240xf32, #tpu.memory_space<vmem>>[vector<16xi32>, vector<16xi32>], vector<16xf32>,
        %parallel_loop3A_100 = arith.constant 3 : i32
        %parallel_loop3A_101 = vector.broadcast %parallel_loop3A_100 : i32 to vector<16xi32>
        %parallel_loop3A_102 = tpu.vector_load_idx %arg7[%parallel_loop3A_101, %parallel_loop3A_83] : memref<4x10240xf32, #tpu.memory_space<vmem>>[vector<16xi32>, vector<16xi32>], vector<16xf32>,
        %parallel_loop3A_103 = arith.mulf %parallel_loop3A_102, %parallel_loop3A_87 : vector<16xf32>
        tpu.vector_store_idx %arg8[%parallel_loop3A_101, %parallel_loop3A_85], %parallel_loop3A_103 {add = true} : memref<4x10240xf32, #tpu.memory_space<vmem>>[vector<16xi32>, vector<16xi32>], vector<16xf32>,
      } {sc.loop_unroll_factor = 4 : i64, sc.parallel_access}
      %add3A_72 = arith.constant 2 : i32
      %add3A_73 = arith.addi %add3A_60, %add3A_72 : i32
      %lt3A_74 = arith.constant 80 : i32
      %lt3A_75 = arith.cmpi slt, %add3A_73, %lt3A_74 : i32
      %convert_element_type3A_76 = arith.extui %lt3A_75 : i1 to i32
      %cond3A_77 = arith.constant 0 : i32
      %cond3A_78 = arith.cmpi ne, %convert_element_type3A_76, %cond3A_77 : i32
      scf.if %cond3A_78 {
        %mul3A_79 = arith.constant 4096 : i32
        %mul3A_80 = arith.muli %add3A_73, %mul3A_79 : i32
        %dma_start3A_81 = tpu.memref_slice %arg3[%mul3A_80] : memref<327680xi32, #tpu.memory_space<hbm>> -> memref<4096xi32, #tpu.memory_space<hbm>>
        %dma_start3A_82 = tpu.memref_slice %arg3[%mul3A_80] : memref<327680xi32, #tpu.memory_space<hbm>> -> memref<4096xi32, #tpu.memory_space<hbm>>
        tpu.enqueue_dma source(%dma_start3A_82 : memref<4096xi32, #tpu.memory_space<hbm>>) target(%arg10 : memref<4096xi32, #tpu.memory_space<vmem>>) target_semaphore(%arg16 : memref<!tpu.dma_semaphore, #tpu.memory_space<semaphore_mem>>)
        %dma_start3A_83 = tpu.memref_slice %arg4[%mul3A_80] : memref<327680xi32, #tpu.memory_space<hbm>> -> memref<4096xi32, #tpu.memory_space<hbm>>
        %dma_start3A_84 = tpu.memref_slice %arg4[%mul3A_80] : memref<327680xi32, #tpu.memory_space<hbm>> -> memref<4096xi32, #tpu.memory_space<hbm>>
        tpu.enqueue_dma source(%dma_start3A_84 : memref<4096xi32, #tpu.memory_space<hbm>>) target(%arg12 : memref<4096xi32, #tpu.memory_space<vmem>>) target_semaphore(%arg16 : memref<!tpu.dma_semaphore, #tpu.memory_space<semaphore_mem>>)
        %dma_start3A_85 = tpu.memref_slice %arg5[%mul3A_80] : memref<327680xf32, #tpu.memory_space<hbm>> -> memref<4096xf32, #tpu.memory_space<hbm>>
        %dma_start3A_86 = tpu.memref_slice %arg5[%mul3A_80] : memref<327680xf32, #tpu.memory_space<hbm>> -> memref<4096xf32, #tpu.memory_space<hbm>>
        tpu.enqueue_dma source(%dma_start3A_86 : memref<4096xf32, #tpu.memory_space<hbm>>) target(%arg14 : memref<4096xf32, #tpu.memory_space<vmem>>) target_semaphore(%arg16 : memref<!tpu.dma_semaphore, #tpu.memory_space<semaphore_mem>>)
      } else {
      }
    }
    %scan3A_36 = arith.constant 40 : i32
    %mul3A_37 = arith.constant 4 : i32
    %mul3A_38 = arith.muli %add3A, %mul3A_37 : i32
    "tpu.region"() ({
      %run_scoped3A = tpu.sem_alloc : memref<!tpu.dma_semaphore, #tpu.memory_space<semaphore_mem>>
      %dma_start3A_39 = arith.constant 0 : i32
      %dma_start3A_40 = tpu.memref_slice %arg6[%mul3A_38, %dma_start3A_39] : memref<128x10240xf32, #tpu.memory_space<hbm>> -> memref<4x10240xf32, #tpu.memory_space<hbm>>
      %dma_start3A_41 = arith.constant 0 : i32
      %dma_start3A_42 = tpu.memref_slice %arg6[%mul3A_38, %dma_start3A_41] : memref<128x10240xf32, #tpu.memory_space<hbm>> -> memref<4x10240xf32, #tpu.memory_space<hbm>>
      tpu.enqueue_dma source(%arg8 : memref<4x10240xf32, #tpu.memory_space<vmem>>) target(%dma_start3A_42 : memref<4x10240xf32, #tpu.memory_space<hbm>>) target_semaphore(%run_scoped3A : memref<!tpu.dma_semaphore, #tpu.memory_space<semaphore_mem>>)
      %dma_wait3A = arith.constant 0 : i32
      %dma_wait3A_43 = tpu.memref_slice %arg6[%mul3A_38, %dma_wait3A] : memref<128x10240xf32, #tpu.memory_space<hbm>> -> memref<4x10240xf32, #tpu.memory_space<hbm>>
      %dma_wait3A_44 = arith.constant 0 : i32
      %dma_wait3A_45 = tpu.memref_slice %arg6[%mul3A_38, %dma_wait3A_44] : memref<128x10240xf32, #tpu.memory_space<hbm>> -> memref<4x10240xf32, #tpu.memory_space<hbm>>
      tpu.wait_dma2 semaphore(%run_scoped3A : memref<!tpu.dma_semaphore, #tpu.memory_space<semaphore_mem>>) src(%arg8 : memref<4x10240xf32, #tpu.memory_space<vmem>>) dst(%dma_wait3A_45 : memref<4x10240xf32, #tpu.memory_space<hbm>>)
      tpu.yield
    }) : () -> ()
    return
  }
}

module attributes {stable_mosaic.version = 14 : i64} {
  func.func @_layer_body(%arg0: i32, %arg1: memref<128x512xf32, #tpu.memory_space<vmem>>, %arg2: memref<128x512xf32, #tpu.memory_space<vmem>>, %arg3: memref<1x512xf32, #tpu.memory_space<vmem>>, %arg4: memref<128x1xf32, #tpu.memory_space<vmem>>, %arg5: memref<128x128xf32, #tpu.memory_space<vmem>>, %arg6: memref<128x512xf32, #tpu.memory_space<vmem>>) attributes {dimension_semantics = [#tpu.dimension_semantics<arbitrary>], iteration_bounds = array<i64: 20>, scalar_prefetch = 0 : i64, scratch_operands = 0 : i64, tpu.core_type = #tpu.core_type<tc>, window_params = [{transform_indices = @transform_0, window_bounds = array<i64: 128, 512>}, {transform_indices = @transform_1, window_bounds = array<i64: 128, 512>}, {transform_indices = @transform_2, window_bounds = array<i64: 1, 512>}, {pipeline_mode = #tpu.pipeline_mode<synchronous>, transform_indices = @transform_3, window_bounds = array<i64: 128, 1>}, {pipeline_mode = #tpu.pipeline_mode<synchronous>, transform_indices = @transform_4, window_bounds = array<i64: 128, 128>}, {transform_indices = @transform_5, window_bounds = array<i64: 128, 512>}]} {
    %get3A = arith.constant 0 : index
    %get3A_0 = arith.constant 0 : index
    %get3A_1 = vector.load %arg3[%get3A, %get3A_0] : memref<1x512xf32, #tpu.memory_space<vmem>>, vector<1x512xf32>
    %get3A_2 = arith.constant 0 : index
    %get3A_3 = arith.constant 0 : index
    %get3A_4 = vector.load %arg1[%get3A_2, %get3A_3] : memref<128x512xf32, #tpu.memory_space<vmem>>, vector<128x512xf32>
    %get3A_5 = arith.constant 0 : index
    %get3A_6 = arith.constant 0 : index
    %get3A_7 = vector.load %arg2[%get3A_5, %get3A_6] : memref<128x512xf32, #tpu.memory_space<vmem>>, vector<128x512xf32>
    %add3A = arith.addf %get3A_4, %get3A_7 : vector<128x512xf32>
    %mul3A = vector.broadcast %get3A_1 : vector<1x512xf32> to vector<128x512xf32>
    %mul3A_8 = arith.mulf %mul3A, %add3A : vector<128x512xf32>
    %get3A_9 = arith.constant 0 : index
    %get3A_10 = arith.constant 0 : index
    %get3A_11 = vector.load %arg4[%get3A_9, %get3A_10] : memref<128x1xf32, #tpu.memory_space<vmem>>, vector<128x1xf32>
    %add3A_12 = vector.broadcast %get3A_11 : vector<128x1xf32> to vector<128x512xf32>
    %add3A_13 = arith.addf %mul3A_8, %add3A_12 : vector<128x512xf32>
    %max3A = arith.constant 0.000000e+00 : f32
    %max3A_14 = vector.broadcast %max3A : f32 to vector<128x512xf32>
    %max3A_15 = arith.maximumf %add3A_13, %max3A_14 : vector<128x512xf32>
    %get3A_16 = arith.constant 0 : index
    %get3A_17 = arith.constant 0 : index
    %get3A_18 = vector.load %arg5[%get3A_16, %get3A_17] : memref<128x128xf32, #tpu.memory_space<vmem>>, vector<128x128xf32>
    %dot_general3A = arith.constant dense<0.000000e+00> : vector<128x512xf32>
    %dot_general3A_19 = tpu.matmul %get3A_18, %max3A_15, %dot_general3A {dimension_numbers = #tpu.dot_dimension_numbers<[1], [0], [0], [1], [0, 0, 1, 1], [], []>, transpose_lhs_hint = false} : vector<128x128xf32>, vector<128x512xf32>, vector<128x512xf32> -> vector<128x512xf32>
    %mul3A_20 = vector.broadcast %get3A_1 : vector<1x512xf32> to vector<128x512xf32>
    %mul3A_21 = arith.mulf %mul3A_20, %dot_general3A_19 : vector<128x512xf32>
    %swap3A = arith.constant 0 : index
    %swap3A_22 = arith.constant 0 : index
    %swap3A_23 = vector.load %arg6[%swap3A, %swap3A_22] : memref<128x512xf32, #tpu.memory_space<vmem>>, vector<128x512xf32>
    tpu.vector_store %arg6[%swap3A, %swap3A_22], %mul3A_21 {strides = array<i32>} : memref<128x512xf32, #tpu.memory_space<vmem>>, vector<128x512xf32>,
    return
  }
  func.func @transform_0(%arg0: i32) -> (i32, i32) {
    %c0_i32 = arith.constant 0 : i32
    %c0_i32_0 = arith.constant 0 : i32
    return %c0_i32, %arg0 : i32, i32
  }
  func.func @transform_1(%arg0: i32) -> (i32, i32) {
    %c0_i32 = arith.constant 0 : i32
    %c0_i32_0 = arith.constant 0 : i32
    return %c0_i32, %arg0 : i32, i32
  }
  func.func @transform_2(%arg0: i32) -> (i32, i32) {
    %c0_i32 = arith.constant 0 : i32
    %c0_i32_0 = arith.constant 0 : i32
    return %c0_i32, %arg0 : i32, i32
  }
  func.func @transform_3(%arg0: i32) -> (i32, i32) {
    %c0_i32 = arith.constant 0 : i32
    %c0_i32_0 = arith.constant 0 : i32
    %c0_i32_1 = arith.constant 0 : i32
    return %c0_i32, %c0_i32_0 : i32, i32
  }
  func.func @transform_4(%arg0: i32) -> (i32, i32) {
    %c0_i32 = arith.constant 0 : i32
    %c0_i32_0 = arith.constant 0 : i32
    %c0_i32_1 = arith.constant 0 : i32
    return %c0_i32, %c0_i32_0 : i32, i32
  }
  func.func @transform_5(%arg0: i32) -> (i32, i32) {
    %c0_i32 = arith.constant 0 : i32
    %c0_i32_0 = arith.constant 0 : i32
    return %c0_i32, %arg0 : i32, i32
  }
}

module attributes {stable_mosaic.version = 14 : i64} {
  func.func @_dred_body(%arg0: i32, %arg1: memref<32x512xf32, #tpu.memory_space<vmem>>, %arg2: memref<1x512xf32, #tpu.memory_space<vmem>>) attributes {dimension_semantics = [#tpu.dimension_semantics<arbitrary>], iteration_bounds = array<i64: 20>, scalar_prefetch = 0 : i64, scratch_operands = 0 : i64, tpu.core_type = #tpu.core_type<tc>, window_params = [{transform_indices = @transform_0, window_bounds = array<i64: 32, 512>}, {transform_indices = @transform_1, window_bounds = array<i64: 1, 512>}]} {
    %get3A = arith.constant 0 : index
    %get3A_0 = arith.constant 0 : index
    %get3A_1 = vector.load %arg1[%get3A, %get3A_0] : memref<32x512xf32, #tpu.memory_space<vmem>>, vector<32x512xf32>
    %reduce_sum3A = arith.constant dense<0.000000e+00> : vector<512xf32>
    %reduce_sum3A_2 = vector.multi_reduction <add>, %get3A_1, %reduce_sum3A [0] : vector<32x512xf32> to vector<512xf32>
    %broadcast_in_dim3A = vector.shape_cast %reduce_sum3A_2 : vector<512xf32> to vector<1x512xf32>
    %add3A = arith.constant 1.000000e+00 : f32
    %add3A_3 = vector.broadcast %add3A : f32 to vector<1x512xf32>
    %add3A_4 = arith.addf %add3A_3, %broadcast_in_dim3A : vector<1x512xf32>
    %rsqrt3A = math.rsqrt %add3A_4 : vector<1x512xf32>
    %swap3A = arith.constant 0 : index
    %swap3A_5 = arith.constant 0 : index
    %swap3A_6 = vector.load %arg2[%swap3A, %swap3A_5] : memref<1x512xf32, #tpu.memory_space<vmem>>, vector<1x512xf32>
    tpu.vector_store %arg2[%swap3A, %swap3A_5], %rsqrt3A {strides = array<i32>} : memref<1x512xf32, #tpu.memory_space<vmem>>, vector<1x512xf32>,
    return
  }
  func.func @transform_0(%arg0: i32) -> (i32, i32) {
    %c0_i32 = arith.constant 0 : i32
    %c0_i32_0 = arith.constant 0 : i32
    return %c0_i32, %arg0 : i32, i32
  }
  func.func @transform_1(%arg0: i32) -> (i32, i32) {
    %c0_i32 = arith.constant 0 : i32
    %c0_i32_0 = arith.constant 0 : i32
    return %c0_i32, %arg0 : i32, i32
  }
}

module attributes {stable_mosaic.version = 14 : i64} {
  func.func @_g0_body(%arg0: i32, %arg1: memref<512x128xf32, #tpu.memory_space<vmem>>, %arg2: memref<128x128xf32, #tpu.memory_space<vmem>>, %arg3: memref<1x512xf32, #tpu.memory_space<vmem>>, %arg4: memref<128x512xf32, #tpu.memory_space<vmem>>) attributes {dimension_semantics = [#tpu.dimension_semantics<arbitrary>], iteration_bounds = array<i64: 20>, scalar_prefetch = 0 : i64, scratch_operands = 0 : i64, tpu.core_type = #tpu.core_type<tc>, window_params = [{transform_indices = @transform_0, window_bounds = array<i64: 512, 128>}, {pipeline_mode = #tpu.pipeline_mode<synchronous>, transform_indices = @transform_1, window_bounds = array<i64: 128, 128>}, {transform_indices = @transform_2, window_bounds = array<i64: 1, 512>}, {transform_indices = @transform_3, window_bounds = array<i64: 128, 512>}]} {
    %get3A = arith.constant 0 : index
    %get3A_0 = arith.constant 0 : index
    %get3A_1 = vector.load %arg2[%get3A, %get3A_0] : memref<128x128xf32, #tpu.memory_space<vmem>>, vector<128x128xf32>
    %get3A_2 = arith.constant 0 : index
    %get3A_3 = arith.constant 0 : index
    %get3A_4 = vector.load %arg1[%get3A_2, %get3A_3] : memref<512x128xf32, #tpu.memory_space<vmem>>, vector<512x128xf32>
    %dot_general3A = arith.constant dense<0.000000e+00> : vector<128x512xf32>
    %dot_general3A_5 = tpu.matmul %get3A_1, %get3A_4, %dot_general3A {dimension_numbers = #tpu.dot_dimension_numbers<[1], [1], [0], [0], [0, 0, 1, 0], [], []>, transpose_lhs_hint = false} : vector<128x128xf32>, vector<512x128xf32>, vector<128x512xf32> -> vector<128x512xf32>
    %get3A_6 = arith.constant 0 : index
    %get3A_7 = arith.constant 0 : index
    %get3A_8 = vector.load %arg3[%get3A_6, %get3A_7] : memref<1x512xf32, #tpu.memory_space<vmem>>, vector<1x512xf32>
    %mul3A = vector.broadcast %get3A_8 : vector<1x512xf32> to vector<128x512xf32>
    %mul3A_9 = arith.mulf %mul3A, %dot_general3A_5 : vector<128x512xf32>
    %swap3A = arith.constant 0 : index
    %swap3A_10 = arith.constant 0 : index
    %swap3A_11 = vector.load %arg4[%swap3A, %swap3A_10] : memref<128x512xf32, #tpu.memory_space<vmem>>, vector<128x512xf32>
    tpu.vector_store %arg4[%swap3A, %swap3A_10], %mul3A_9 {strides = array<i32>} : memref<128x512xf32, #tpu.memory_space<vmem>>, vector<128x512xf32>,
    return
  }
  func.func @transform_0(%arg0: i32) -> (i32, i32) {
    %c0_i32 = arith.constant 0 : i32
    %c0_i32_0 = arith.constant 0 : i32
    return %arg0, %c0_i32 : i32, i32
  }
  func.func @transform_1(%arg0: i32) -> (i32, i32) {
    %c0_i32 = arith.constant 0 : i32
    %c0_i32_0 = arith.constant 0 : i32
    %c0_i32_1 = arith.constant 0 : i32
    return %c0_i32, %c0_i32_0 : i32, i32
  }
  func.func @transform_2(%arg0: i32) -> (i32, i32) {
    %c0_i32 = arith.constant 0 : i32
    %c0_i32_0 = arith.constant 0 : i32
    return %c0_i32, %arg0 : i32, i32
  }
  func.func @transform_3(%arg0: i32) -> (i32, i32) {
    %c0_i32 = arith.constant 0 : i32
    %c0_i32_0 = arith.constant 0 : i32
    return %c0_i32, %arg0 : i32, i32
  }
}

module attributes {stable_mosaic.version = 14 : i64} {
  func.func @_pool_body(%arg0: i32, %arg1: memref<128x512xf32, #tpu.memory_space<vmem>>, %arg2: memref<128x512xf32, #tpu.memory_space<vmem>>, %arg3: memref<1x512xf32, #tpu.memory_space<vmem>>, %arg4: memref<128x1xf32, #tpu.memory_space<vmem>>, %arg5: memref<512x1xi32, #tpu.memory_space<vmem>>, %arg6: memref<128x64xf32, #tpu.memory_space<vmem>>) attributes {dimension_semantics = [#tpu.dimension_semantics<arbitrary>], iteration_bounds = array<i64: 20>, scalar_prefetch = 0 : i64, scratch_operands = 0 : i64, tpu.core_type = #tpu.core_type<tc>, window_params = [{transform_indices = @transform_0, window_bounds = array<i64: 128, 512>}, {transform_indices = @transform_1, window_bounds = array<i64: 128, 512>}, {transform_indices = @transform_2, window_bounds = array<i64: 1, 512>}, {pipeline_mode = #tpu.pipeline_mode<synchronous>, transform_indices = @transform_3, window_bounds = array<i64: 128, 1>}, {transform_indices = @transform_4, window_bounds = array<i64: 512, 1>}, {pipeline_mode = #tpu.pipeline_mode<synchronous>, transform_indices = @transform_5, window_bounds = array<i64: 128, 64>}]} {
    %get3A = arith.constant 0 : index
    %get3A_0 = arith.constant 0 : index
    %get3A_1 = vector.load %arg3[%get3A, %get3A_0] : memref<1x512xf32, #tpu.memory_space<vmem>>, vector<1x512xf32>
    %get3A_2 = arith.constant 0 : index
    %get3A_3 = arith.constant 0 : index
    %get3A_4 = vector.load %arg1[%get3A_2, %get3A_3] : memref<128x512xf32, #tpu.memory_space<vmem>>, vector<128x512xf32>
    %get3A_5 = arith.constant 0 : index
    %get3A_6 = arith.constant 0 : index
    %get3A_7 = vector.load %arg2[%get3A_5, %get3A_6] : memref<128x512xf32, #tpu.memory_space<vmem>>, vector<128x512xf32>
    %add3A = arith.addf %get3A_4, %get3A_7 : vector<128x512xf32>
    %mul3A = vector.broadcast %get3A_1 : vector<1x512xf32> to vector<128x512xf32>
    %mul3A_8 = arith.mulf %mul3A, %add3A : vector<128x512xf32>
    %get3A_9 = arith.constant 0 : index
    %get3A_10 = arith.constant 0 : index
    %get3A_11 = vector.load %arg4[%get3A_9, %get3A_10] : memref<128x1xf32, #tpu.memory_space<vmem>>, vector<128x1xf32>
    %add3A_12 = vector.broadcast %get3A_11 : vector<128x1xf32> to vector<128x512xf32>
    %add3A_13 = arith.addf %mul3A_8, %add3A_12 : vector<128x512xf32>
    %get3A_14 = arith.constant 0 : index
    %get3A_15 = arith.constant 0 : index
    %get3A_16 = vector.load %arg5[%get3A_14, %get3A_15] : memref<512x1xi32, #tpu.memory_space<vmem>>, vector<512x1xi32>
    %iota3A = tpu.iota {dimensions = array<i32: 1>} : vector<512x64xi32>
    %eq3A = vector.broadcast %get3A_16 : vector<512x1xi32> to vector<512x64xi32>
    %eq3A_17 = arith.cmpi eq, %eq3A, %iota3A : vector<512x64xi32>
    %convert_element_type3A = arith.extui %eq3A_17 : vector<512x64xi1> to vector<512x64xi32>
    %convert_element_type3A_18 = arith.sitofp %convert_element_type3A : vector<512x64xi32> to vector<512x64xf32>
    %dot_general3A = arith.constant dense<0.000000e+00> : vector<128x64xf32>
    %dot_general3A_19 = tpu.matmul %add3A_13, %convert_element_type3A_18, %dot_general3A {dimension_numbers = #tpu.dot_dimension_numbers<[1], [0], [0], [1], [0, 0, 1, 1], [], []>, transpose_lhs_hint = false} : vector<128x512xf32>, vector<512x64xf32>, vector<128x64xf32> -> vector<128x64xf32>
    %eq3A_20 = arith.constant 0 : i32
    %eq3A_21 = arith.cmpi eq, %arg0, %eq3A_20 : i32
    %convert_element_type3A_22 = arith.extui %eq3A_21 : i1 to i32
    %cond3A = arith.constant 0 : i32
    %cond3A_23 = arith.cmpi ne, %convert_element_type3A_22, %cond3A : i32
    scf.if %cond3A_23 {
      %swap3A = arith.constant 0 : index
      %swap3A_28 = arith.constant 0 : index
      %swap3A_29 = vector.load %arg6[%swap3A, %swap3A_28] : memref<128x64xf32, #tpu.memory_space<vmem>>, vector<128x64xf32>
      tpu.vector_store %arg6[%swap3A, %swap3A_28], %dot_general3A_19 {strides = array<i32>} : memref<128x64xf32, #tpu.memory_space<vmem>>, vector<128x64xf32>,
    } else {
    }
    %ne3A = arith.constant 0 : i32
    %ne3A_24 = arith.cmpi ne, %arg0, %ne3A : i32
    %convert_element_type3A_25 = arith.extui %ne3A_24 : i1 to i32
    %cond3A_26 = arith.constant 0 : i32
    %cond3A_27 = arith.cmpi ne, %convert_element_type3A_25, %cond3A_26 : i32
    scf.if %cond3A_27 {
      %get3A_28 = arith.constant 0 : index
      %get3A_29 = arith.constant 0 : index
      %get3A_30 = vector.load %arg6[%get3A_28, %get3A_29] : memref<128x64xf32, #tpu.memory_space<vmem>>, vector<128x64xf32>
      %add3A_31 = arith.addf %get3A_30, %dot_general3A_19 : vector<128x64xf32>
      %swap3A = arith.constant 0 : index
      %swap3A_32 = arith.constant 0 : index
      %swap3A_33 = vector.load %arg6[%swap3A, %swap3A_32] : memref<128x64xf32, #tpu.memory_space<vmem>>, vector<128x64xf32>
      tpu.vector_store %arg6[%swap3A, %swap3A_32], %add3A_31 {strides = array<i32>} : memref<128x64xf32, #tpu.memory_space<vmem>>, vector<128x64xf32>,
    } else {
    }
    return
  }
  func.func @transform_0(%arg0: i32) -> (i32, i32) {
    %c0_i32 = arith.constant 0 : i32
    %c0_i32_0 = arith.constant 0 : i32
    return %c0_i32, %arg0 : i32, i32
  }
  func.func @transform_1(%arg0: i32) -> (i32, i32) {
    %c0_i32 = arith.constant 0 : i32
    %c0_i32_0 = arith.constant 0 : i32
    return %c0_i32, %arg0 : i32, i32
  }
  func.func @transform_2(%arg0: i32) -> (i32, i32) {
    %c0_i32 = arith.constant 0 : i32
    %c0_i32_0 = arith.constant 0 : i32
    return %c0_i32, %arg0 : i32, i32
  }
  func.func @transform_3(%arg0: i32) -> (i32, i32) {
    %c0_i32 = arith.constant 0 : i32
    %c0_i32_0 = arith.constant 0 : i32
    %c0_i32_1 = arith.constant 0 : i32
    return %c0_i32, %c0_i32_0 : i32, i32
  }
  func.func @transform_4(%arg0: i32) -> (i32, i32) {
    %c0_i32 = arith.constant 0 : i32
    %c0_i32_0 = arith.constant 0 : i32
    return %arg0, %c0_i32 : i32, i32
  }
  func.func @transform_5(%arg0: i32) -> (i32, i32) {
    %c0_i32 = arith.constant 0 : i32
    %c0_i32_0 = arith.constant 0 : i32
    %c0_i32_1 = arith.constant 0 : i32
    return %c0_i32, %c0_i32_0 : i32, i32
  }
}

module attributes {stable_mosaic.version = 14 : i64} {
  func.func @_head_body(%arg0: memref<128x64xf32, #tpu.memory_space<vmem>>, %arg1: memref<128x128xf32, #tpu.memory_space<vmem>>, %arg2: memref<128x1xf32, #tpu.memory_space<vmem>>, %arg3: memref<128x128xf32, #tpu.memory_space<vmem>>, %arg4: memref<128x1xf32, #tpu.memory_space<vmem>>, %arg5: memref<128x1xf32, #tpu.memory_space<vmem>>, %arg6: memref<128x1xf32, #tpu.memory_space<vmem>>, %arg7: memref<128x64xf32, #tpu.memory_space<vmem>>) attributes {dimension_semantics = [], scalar_prefetch = 0 : i64, scratch_operands = 0 : i64, tpu.core_type = #tpu.core_type<tc>} {
    %get3A = arith.constant 0 : index
    %get3A_0 = arith.constant 0 : index
    %get3A_1 = vector.load %arg0[%get3A, %get3A_0] : memref<128x64xf32, #tpu.memory_space<vmem>>, vector<128x64xf32>
    %reduce_sum3A = arith.constant dense<0.000000e+00> : vector<128xf32>
    %reduce_sum3A_2 = vector.multi_reduction <add>, %get3A_1, %reduce_sum3A [1] : vector<128x64xf32> to vector<128xf32>
    %broadcast_in_dim3A = vector.shape_cast %reduce_sum3A_2 : vector<128xf32> to vector<128x1xf32>
    %div3A = arith.constant 6.400000e+01 : f32
    %div3A_3 = vector.broadcast %div3A : f32 to vector<128x1xf32>
    %div3A_4 = arith.divf %broadcast_in_dim3A, %div3A_3 : vector<128x1xf32>
    %sub3A = vector.broadcast %div3A_4 : vector<128x1xf32> to vector<128x64xf32>
    %sub3A_5 = arith.subf %get3A_1, %sub3A : vector<128x64xf32>
    %integer_pow3A = arith.mulf %sub3A_5, %sub3A_5 : vector<128x64xf32>
    %reduce_sum3A_6 = arith.constant dense<0.000000e+00> : vector<128xf32>
    %reduce_sum3A_7 = vector.multi_reduction <add>, %integer_pow3A, %reduce_sum3A_6 [1] : vector<128x64xf32> to vector<128xf32>
    %broadcast_in_dim3A_8 = vector.shape_cast %reduce_sum3A_7 : vector<128xf32> to vector<128x1xf32>
    %div3A_9 = arith.constant 6.400000e+01 : f32
    %div3A_10 = vector.broadcast %div3A_9 : f32 to vector<128x1xf32>
    %div3A_11 = arith.divf %broadcast_in_dim3A_8, %div3A_10 : vector<128x1xf32>
    %sub3A_12 = vector.broadcast %div3A_4 : vector<128x1xf32> to vector<128x64xf32>
    %sub3A_13 = arith.subf %get3A_1, %sub3A_12 : vector<128x64xf32>
    %add3A = arith.constant 9.99999974E-6 : f32
    %add3A_14 = vector.broadcast %add3A : f32 to vector<128x1xf32>
    %add3A_15 = arith.addf %div3A_11, %add3A_14 : vector<128x1xf32>
    %rsqrt3A = math.rsqrt %add3A_15 : vector<128x1xf32>
    %mul3A = vector.broadcast %rsqrt3A : vector<128x1xf32> to vector<128x64xf32>
    %mul3A_16 = arith.mulf %sub3A_13, %mul3A : vector<128x64xf32>
    %get3A_17 = arith.constant 0 : index
    %get3A_18 = arith.constant 0 : index
    %get3A_19 = vector.load %arg5[%get3A_17, %get3A_18] : memref<128x1xf32, #tpu.memory_space<vmem>>, vector<128x1xf32>
    %mul3A_20 = vector.broadcast %get3A_19 : vector<128x1xf32> to vector<128x64xf32>
    %mul3A_21 = arith.mulf %mul3A_16, %mul3A_20 : vector<128x64xf32>
    %get3A_22 = arith.constant 0 : index
    %get3A_23 = arith.constant 0 : index
    %get3A_24 = vector.load %arg6[%get3A_22, %get3A_23] : memref<128x1xf32, #tpu.memory_space<vmem>>, vector<128x1xf32>
    %add3A_25 = vector.broadcast %get3A_24 : vector<128x1xf32> to vector<128x64xf32>
    %add3A_26 = arith.addf %mul3A_21, %add3A_25 : vector<128x64xf32>
    %get3A_27 = arith.constant 0 : index
    %get3A_28 = arith.constant 0 : index
    %get3A_29 = vector.load %arg1[%get3A_27, %get3A_28] : memref<128x128xf32, #tpu.memory_space<vmem>>, vector<128x128xf32>
    %dot_general3A = arith.constant dense<0.000000e+00> : vector<128x64xf32>
    %dot_general3A_30 = tpu.matmul %get3A_29, %add3A_26, %dot_general3A {dimension_numbers = #tpu.dot_dimension_numbers<[1], [0], [0], [1], [0, 0, 1, 1], [], []>, transpose_lhs_hint = false} : vector<128x128xf32>, vector<128x64xf32>, vector<128x64xf32> -> vector<128x64xf32>
    %get3A_31 = arith.constant 0 : index
    %get3A_32 = arith.constant 0 : index
    %get3A_33 = vector.load %arg2[%get3A_31, %get3A_32] : memref<128x1xf32, #tpu.memory_space<vmem>>, vector<128x1xf32>
    %add3A_34 = vector.broadcast %get3A_33 : vector<128x1xf32> to vector<128x64xf32>
    %add3A_35 = arith.addf %dot_general3A_30, %add3A_34 : vector<128x64xf32>
    %max3A = arith.constant 0.000000e+00 : f32
    %max3A_36 = vector.broadcast %max3A : f32 to vector<128x64xf32>
    %max3A_37 = arith.maximumf %add3A_35, %max3A_36 : vector<128x64xf32>
    %get3A_38 = arith.constant 0 : index
    %get3A_39 = arith.constant 0 : index
    %get3A_40 = vector.load %arg3[%get3A_38, %get3A_39] : memref<128x128xf32, #tpu.memory_space<vmem>>, vector<128x128xf32>
    %dot_general3A_41 = arith.constant dense<0.000000e+00> : vector<128x64xf32>
    %dot_general3A_42 = tpu.matmul %get3A_40, %max3A_37, %dot_general3A_41 {dimension_numbers = #tpu.dot_dimension_numbers<[1], [0], [0], [1], [0, 0, 1, 1], [], []>, transpose_lhs_hint = false} : vector<128x128xf32>, vector<128x64xf32>, vector<128x64xf32> -> vector<128x64xf32>
    %get3A_43 = arith.constant 0 : index
    %get3A_44 = arith.constant 0 : index
    %get3A_45 = vector.load %arg4[%get3A_43, %get3A_44] : memref<128x1xf32, #tpu.memory_space<vmem>>, vector<128x1xf32>
    %add3A_46 = vector.broadcast %get3A_45 : vector<128x1xf32> to vector<128x64xf32>
    %add3A_47 = arith.addf %dot_general3A_42, %add3A_46 : vector<128x64xf32>
    %iota3A = tpu.iota {dimensions = array<i32: 0>} : vector<128x64xi32>
    %lt3A = arith.constant 18 : i32
    %lt3A_48 = vector.broadcast %lt3A : i32 to vector<128x64xi32>
    %lt3A_49 = arith.cmpi slt, %iota3A, %lt3A_48 : vector<128x64xi32>
    %jit3A = arith.constant -1.000000e+30 : f32
    %broadcast_in_dim3A_50 = vector.broadcast %jit3A : f32 to vector<128x64xf32>
    %select_n3A = arith.select %lt3A_49, %add3A_47, %broadcast_in_dim3A_50 : vector<128x64xi1>, vector<128x64xf32>
    %reduce_max3A = arith.constant dense<0xFF800000> : vector<64xf32>
    %reduce_max3A_51 = vector.multi_reduction <maximumf>, %select_n3A, %reduce_max3A [0] : vector<128x64xf32> to vector<64xf32>
    %broadcast_in_dim3A_52 = vector.shape_cast %reduce_max3A_51 : vector<64xf32> to vector<1x64xf32>
    %sub3A_53 = vector.broadcast %broadcast_in_dim3A_52 : vector<1x64xf32> to vector<128x64xf32>
    %sub3A_54 = arith.subf %select_n3A, %sub3A_53 : vector<128x64xf32>
    %exp3A = math.exp %sub3A_54 : vector<128x64xf32>
    %reduce_sum3A_55 = arith.constant dense<0.000000e+00> : vector<64xf32>
    %reduce_sum3A_56 = vector.multi_reduction <add>, %exp3A, %reduce_sum3A_55 [0] : vector<128x64xf32> to vector<64xf32>
    %broadcast_in_dim3A_57 = vector.shape_cast %reduce_sum3A_56 : vector<64xf32> to vector<1x64xf32>
    %log3A = math.log %broadcast_in_dim3A_57 : vector<1x64xf32>
    %add3A_58 = arith.addf %log3A, %broadcast_in_dim3A_52 : vector<1x64xf32>
    %sub3A_59 = vector.broadcast %add3A_58 : vector<1x64xf32> to vector<128x64xf32>
    %sub3A_60 = arith.subf %add3A_47, %sub3A_59 : vector<128x64xf32>
    %swap3A = arith.constant 0 : index
    %swap3A_61 = arith.constant 0 : index
    %swap3A_62 = vector.load %arg7[%swap3A, %swap3A_61] : memref<128x64xf32, #tpu.memory_space<vmem>>, vector<128x64xf32>
    tpu.vector_store %arg7[%swap3A, %swap3A_61], %sub3A_60 {strides = array<i32>} : memref<128x64xf32, #tpu.memory_space<vmem>>, vector<128x64xf32>,
    return
  }
}

</mosaic_0001>

<sc_bundles>
// kernel: kernel.18.cloned.1.call-start
scs
__scs_entry_jumppad:
0x0: {  	(pc) =	sbr.rel $0x88, $3  }
0x1: {  	(tag) =	ssettag $0x0;
	lr =	simm.s32 $0x1  }
0x2: {  	[smem:$0x3F95] =	sst lr;
	_ =	strace $0xD0000000  }
0x3: {  	_ = 	snop  }
0x4: {  	_ = 	snop  }
0x5: {  	_ = 	snop  }
0x6: {  	_ = 	snop  }
0x7: {  	_ = 	snop  }
__scs_overlays_trampoline_lowered:
0x8: {  	[smem:$0x3FA4] =	sst s0  }
0x9: {  	[smem:$0x3FA5] =	sst s1  }
0xa: {  	[smem:$0x3FA6] =	sst s2  }
0xb: {  	[smem:$0x3FA7] =	sst s3  }
0xc: {  	[smem:$0x3FA8] =	sst s4  }
0xd: {  	[smem:$0x3FA9] =	sst s5  }
0xe: {  	[smem:$0x3FAA] =	sst s6  }
0xf: {  	[smem:$0x3FAB] =	sst s7  }
0x10: {  	[smem:$0x3FAC] =	sst s8  }
0x11: {  	[smem:$0x3FAD] =	sst s9;
	s0 =	simm.s32 @!p0 $0x0  }
0x12: {  	s1 =	sld [smem:$0x3F93];
	s0 =	simm.s32 @p0 $0x1  }
0x13: {  	[smem:$0x3FAE] =	sst s0;
	s0 =	simm.s32 @!p1 $0x0  }
0x14: {  	s2 =	sld [smem:$0x3F92];
	s0 =	simm.s32 @p1 $0x1  }
0x15: {  	[smem:$0x3FAF] =	sst s0;
	s0 =	simm.s32 @!p2 $0x0  }
0x16: {  	s3 =	sld [smem:$0x3FDB];
	s0 =	simm.s32 @p2 $0x1  }
0x17: {  	s4 =	simm.s32 $0x1BF5;
	[smem:$0x3FB1] =	sst s0  }
0x18: {  	s0 =	sld [smem:$0x3F94];
	_ =	swait.ge [sflag:s4], $0x0  }
0x19: {  	s7 =	sld [smem:$0x3F95]  }
0x1a: {  	s8 =	sadd.s32 $0xFFFFE003, lr  }
0x1b: {  	s9 =	sadd.s32 $0xFFFFFEF7, lr;
	s5 =	simm.s32 $0xFFFFFFFF;
	p2 =	slt.u32 s8, $0xFFFFF086  }
0x1c: {  	p1 =	slt.u32 s9, $0xF7A;
	s5 =	simm.s32 @!p2 $0x0  }
0x1d: {  	s5 =	simm.s32 @p1 $0x1;
	p0 =	seq.s32 s7, s2  }
0x1e: {  	s7 =	smul.u32 @!p0 $0xF7A, s2;
	p2 =	seq.s32 @!p0 s5, $0x0  }
0x1f: {  	s9 =	smul.u32 $0xF7A, s1;
	s8 =	simm.s32 @!p0 $0x1BF5;
	p2 =	por !p2, p0  }
0x20: {  	[sflag:s8] =	ssyncset.s32 @!p0 $0xFFFFF086;
	s6 =	sadd.s32 @!p0 s3, s7;
	s7 =	simm.s32 @!p0 $0x108  }
0x21: {  	s3 =	sadd.s32 s3, s9;
	s6 =	sadd.s32 @!p0 $0x88, s6;
	s7 =	simm.s32 @p2 $0x1082  }
0x22: {  	[simem:s7], [sflag:s8] =	dma.local @!p0 [hbm:s6], $0xF7A  }
0x23: {  	s9 =	sor.u32 $0xD0000000, s2;
	s6 =	simm.s32 $0x108;
	_ =	swait.ge @!p0 [sflag:s8], $0x0  }
0x24: {  	s3 =	sadd.s32 $0x88, s3;
	s6 =	simm.s32 @!p1 $0x1082;
	[sflag:s4] =	ssyncset.s32 $0xFFFFF086  }
0x25: {  	[simem:s6], [sflag:s4] =	dma.local [hbm:s3], $0xF7A  }
0x26: {  	[smem:$0x3F95] =	sst s1;
	(tag) =	ssettag s2;
	_ =	strace s9  }
0x27: {  	s1 =	sld [smem:$0x3FA5]  }
0x28: {  	s2 =	sld [smem:$0x3FA6]  }
0x29: {  	s4 =	sld [smem:$0x3FA8]  }
0x2a: {  	p0 =	seq.s32 s5, $0x0;
	s5 =	sld [smem:$0x3FA9]  }
0x2b: {  	s6 =	sld [smem:$0x3FAA]  }
0x2c: {  	s7 =	sld [smem:$0x3FAB]  }
0x2d: {  	s3 =	simm.s32 $0x108;
	s8 =	sld [smem:$0x3FAC]  }
0x2e: {  	s3 =	simm.s32 @!p0 $0x1082;
	s9 =	sld [smem:$0x3FAD]  }
0x2f: {  	lr =	sadd.s32 s0, s3;
	s0 =	sld [smem:$0x3FA4]  }
0x30: {  	s3 =	sld [smem:$0x3FA7]  }
0x31: {  	[smem:$0x3FB0] =	sst s10  }
0x32: {  	s10 =	sld [smem:$0x3FAE];
	_ =	sdelay $0x3  }
0x33: {  	p0 =	seq.s32 s10, $0x1;
	s10 =	sld [smem:$0x3FB0];
	_ =	sdelay $0x3  }
0x34: {  	[smem:$0x3FB0] =	sst s10  }
0x35: {  	s10 =	sld [smem:$0x3FAF];
	_ =	sdelay $0x3  }
0x36: {  	p1 =	seq.s32 s10, $0x1;
	s10 =	sld [smem:$0x3FB0];
	_ =	sdelay $0x3  }
0x37: {  	[smem:$0x3FB0] =	sst s10  }
0x38: {  	s10 =	sld [smem:$0x3FB1]  }
0x39: {  	_ = 	snop;
	(pc) =	sbr.ind lr, $3  }
0x3a: {  	_ = 	snop  }
0x3b: {  	_ = 	snop  }
0x3c: {  	p2 =	seq.s32 s10, $0x1;
	s10 =	sld [smem:$0x3FB0]  }
0x3d: {  	_ =	shalt  }
0x3e: {  	_ =	shalt  }
0x3f: {  	_ =	shalt  }
0x40: {  	_ =	shalt  }
0x41: {  	_ =	shalt  }
0x42: {  	_ =	shalt  }
0x43: {  	_ =	shalt  }
0x44: {  	_ =	shalt  }
0x45: {  	_ =	shalt  }
0x46: {  	_ =	shalt  }
0x47: {  	_ =	shalt  }
0x48: {  	_ =	shalt  }
0x49: {  	_ =	shalt  }
0x4a: {  	_ =	shalt  }
0x4b: {  	_ =	shalt  }
0x4c: {  	_ =	shalt  }
0x4d: {  	_ =	shalt  }
0x4e: {  	_ =	shalt  }
0x4f: {  	_ =	shalt  }
0x50: {  	_ =	shalt  }
0x51: {  	_ =	shalt  }
0x52: {  	_ =	shalt  }
0x53: {  	_ =	shalt  }
0x54: {  	_ =	shalt  }
0x55: {  	_ =	shalt  }
0x56: {  	_ =	shalt  }
0x57: {  	_ =	shalt  }
0x58: {  	_ =	shalt  }
0x59: {  	_ =	shalt  }
0x5a: {  	_ =	shalt  }
0x5b: {  	_ =	shalt  }
0x5c: {  	_ =	shalt  }
0x5d: {  	_ =	shalt  }
0x5e: {  	_ =	shalt  }
0x5f: {  	_ =	shalt  }
0x60: {  	_ =	shalt  }
0x61: {  	_ =	shalt  }
0x62: {  	_ =	shalt  }
0x63: {  	_ =	shalt  }
0x64: {  	_ =	shalt  }
0x65: {  	_ =	shalt  }
0x66: {  	_ =	shalt  }
0x67: {  	_ =	shalt  }
0x68: {  	_ =	shalt  }
0x69: {  	_ =	shalt  }
0x6a: {  	_ =	shalt  }
0x6b: {  	_ =	shalt  }
0x6c: {  	_ =	shalt  }
0x6d: {  	_ =	shalt  }
0x6e: {  	_ =	shalt  }
0x6f: {  	_ =	shalt  }
0x70: {  	_ =	shalt  }
0x71: {  	_ =	shalt  }
0x72: {  	_ =	shalt  }
0x73: {  	_ =	shalt  }
0x74: {  	_ =	shalt  }
0x75: {  	_ =	shalt  }
0x76: {  	_ =	shalt  }
0x77: {  	_ =	shalt  }
0x78: {  	_ =	shalt  }
0x79: {  	_ =	shalt  }
0x7a: {  	_ =	shalt  }
0x7b: {  	_ =	shalt  }
0x7c: {  	_ =	shalt  }
0x7d: {  	_ =	shalt  }
0x7e: {  	_ =	shalt  }
0x7f: {  	_ =	shalt  }
0x80: {  	_ =	shalt  }
0x81: {  	_ =	shalt  }
0x82: {  	_ =	shalt  }
0x83: {  	_ =	shalt  }
0x84: {  	_ =	shalt  }
0x85: {  	_ =	shalt  }
0x86: {  	_ =	shalt  }
0x87: {  	_ =	shalt  }
.Lfunc_end0:
.L_simem_size_0:
called_computation_lowered:
.L_overlay_start_0:
0x88: {  	s2 =	sld [smem:$0x3FD9]  }
0x89: {  	s3 =	sld [smem:$0x3FFE];
	_ =	sdelay $0x1  }
0x8a: {  	s1 =	srdreg.scid  }
0x8b: {  	s0 =	sand.u32 $0x1, s1  }
0x8c: {  	s16 =	sshll.u32 s0, $0xA;
	s2 =	sadd.s32 s3, s2  }
0x8d: {  	s2 =	sadd.s32 s2, s16  }
0x8e: {  	[smem:$0x3FBC] =	sst s2  }
0x8f: {  	_ = 	snop  }
0x90: {  	(tm) =	ssettm $0x1  }
0x91: {  	s17 =	sld [smem:$0x3FFB];
	_ =	sdelay $0x3  }
0x92: {  	_ =	strace s17  }
0x93: {  	s2 =	sld [smem:$0x3FFC];
	_ =	sdelay $0x3  }
0x94: {  	_ =	strace s2  }
0x95: {  	s2 =	sld [smem:$0x3FFD];
	_ =	sdelay $0x3  }
0x96: {  	_ =	strace s2  }
0x97: {  	_ =	strace $0x8FFFFFFF  }
0x98: {  	s18 =	sld [smem:$0x3FDB];
	_ =	sdelay $0x1  }
0x99: {  	s19 =	simm.s32 $_scs_section_size  }
0x9a: {  	s4 =	simm.s32 $_size__tile_overlayer_lowered;
	s5 =	simm.s32 $_tile_overlayer_lowered  }
0x9b: {  	s22 =	simm.s32 $0x1BFF;
	s21 =	sshll.u32 s5, $0x1;
	s2 =	sadd.s32 s19, s18  }
0x9c: {  	s6 =	simm.s32 $0x0;
	s20 =	sshll.u32 s4, $0x1;
	s4 =	sadd.s32 s21, s2  }
0x9d: {  	[timem:s6], [sflag:s22] =	dma.local [hbm:s4], s20  }
0x9e: {  	_ =	swait.ge [sflag:s22], s20  }
0x9f: {  	s3 =	ssub.s32 $0x0, s20;
	[sflag:s22] =	ssyncset.done $0x0  }
0xa0: {  	[sflag:s22] =	ssyncadd.s32 s3;
	_ =	sdelay $0x1  }
0xa1: {  	s23 =	simm.s32 $0x1B8B  }
0xa2: {  	_ =	swait.ge [sflag:s23], $0x1  }
0xa3: {  	[sflag:s23] =	ssyncset.done $0x0  }
0xa4: {  	s25 =	simm.s32 $0x1B8E;
	s24 =	sld [smem:$0x3FFE];
	[sflag:s23] =	ssyncadd.s32 $0xFFFFFFFF  }
0xa5: {  	s26 =	simm.s32 $execute0_lowered;
	[smem:$0x3FD2] =	sst s25  }
0xa6: {  	s4 =	sshll.u32 s26, $0x1;
	_ =	strace $0x80000046;
	[dreg:$0x1] =	wrdreg $0xFFFFFFFF  }
0xa7: {  	s28 =	simm.s32 $_size_execute0_lowered;
	s2 =	sadd.s32 s2, s4;
	[dreg:$0x0] =	wrdreg $0x0  }
0xa8: {  	s4 =	sshll.u32 s28, $0x1;
	[dreg:$0x2] =	wrdreg s2  }
0xa9: {  	[dreg:$0x3] =	wrdreg s4  }
0xaa: {  	[dreg:$0x4] =	wrdreg $0xC0  }
0xab: {  	_ =	task [dreg:s6], $0x5FFFF  }
0xac: {  	[dreg:$0x1] =	wrdreg $0xFFFFFFFF  }
0xad: {  	[dreg:$0x0] =	wrdreg $0x60  }
0xae: {  	[dreg:$0x2] =	wrdreg s24  }
0xaf: {  	[dreg:$0x3] =	wrdreg $0x9  }
0xb0: {  	_ =	task.clear_ibuf [dreg:s6], $0x4FFFF;
	_ =	strace $0x90000046  }
0xb1: {  	s29 =	simm.s32 $0x9;
	_ =	strace $0x80000048  }
0xb2: {  	_ =	swait.ge [sflag:s29], $0x1  }
0xb3: {  	[sflag:s29] =	ssyncadd.s32 $0xFFFFFFFF  }
0xb4: {  	_ =	strace $0x90000048  }
0xb5: {  	_ =	sfence  }
0xb6: {  	s30 =	sld [smem:$0x0];
	_ =	sdelay $0x2  }
0xb7: {  	s31 =	sshll.u32 s1, $0xD;
	s1 =	sshrl.u32 s1, $0x2  }
0xb8: {  	s3 =	sand.u32 $0x4000, s31;
	s1 =	sadd.s32 s1, s30  }
0xb9: {  	s0 =	sor.u32 s3, s0;
	s1 =	sshll.u32 s1, $0x11  }
0xba: {  	s0 =	sor.u32 s1, s0  }
0xbb: {  	s0 =	sadd.s32 $0x8F2B, s0  }
0xbc: {  	[sflag:s0] =	ssyncadd.remote.s32 $0x1  }
0xbd: {  	_ =	sfence.sel $0xFFFF  }
0xbe: {  	[dreg:$0x0] =	wrdreg $0xFFFFFFFF;
	(pc) =	sbr.abs _section_cstart, $3  }
0xbf: {  	[dreg:$0x1] =	wrdreg $0xFFFFFFFF  }
0xc0: {  	_ =	task.clear_ibuf [dreg:s6], $0x2FFFF;
	_ =	strace $0x9FFFFFFF  }
0xc1: {  	(tm) =	ssettm $0x7FFFFFFF  }
tec
execute0_lowered:
.L_overlay_start_1:
0x0: {  	(tag) =	ssettag $0x1  }
0x1: {  	s0 =	srdreg.scid;
	s4 =	rddreg [dreg:$0x0]  }
0x2: {  	s2 =	simm.s32 $0x0;
	s8 =	simm.s32 $0x1;
	s3 =	sand.u32 $0x1, s0  }
0x3: {  	s9 =	simm.s32 $0x5000;
	s0 =	stileid.u32;
	s1 =	sshll.u32 s3, $0x4  }
0x4: {  	s10 =	simm.s32 $0x80;
	s11 =	simm.s32 $0x400;
	s5 =	sor.u32 s0, s1  }
0x5: {  	s12 =	simm.s32 $0x0;
	[smem:$0x7FF] =	sst s2;
	s6 =	sshrl.u32 s5, $0x3  }
0x6: {  	s7 =	sshll.u32 s0, $0x7;
	s3 =	ssub.s32 $0x2, s3;
	s6 =	smul.u32 $0x14000, s6  }
0x7: {  	s1 =	rddreg [dreg:$0x1];
	s7 =	sand.u32 $0x380, s7;
	s5 =	smul.u32 $0x500, s5  }
0x8: {  	_ =	strace $0x80000047;
	s31 =	sshrl.u32 s3, $0x1;
	s6 =	sor.u32 s7, s6  }
0x9: {  	s5 =	sadd.s32 s5, s4;
	s7 =	ssub.s32 s3, s31;
	s6 =	sshrl.u32 s6, $0x3  }
0xa: {  	s3 =	sadd.s32 $0x5A00, s5;
	s6 =	sadd.s32 s6, s4;
	s4 =	sadd.s32 $0xFA00, s5  }
0xb: {  	v0 =	vimm.f32 $0.0e+00;
	s5 =	sadd.s32 $0x19A00, s6;
	s6 =	smax.u32 s7, $0x1;
	s7 =	simm.s32 $0x2800  }
.LBB2_1:
0xc: {  	s13 =	simm.s32 $0x40;
	s14 =	simm.s32 $0x0  }
.LBB2_2:
0xd: {  	p0 =	sne.s32 s13, $0x9FC0;
	[tilespmem:s14+$0x0] =	vst v0;
	s14 =	smov.u32 s13;
	s13 =	sadd.s32 $0x40, s13  }
.Ltmp0:
0xe: {  	(pc) =	sbr.rel @p0 .LBB2_2-.Ltmp0, $2  }
0xf: {  	_ =	sdelay $0x2  }
0x10: {  	s14 =	sshra.s32 s14, $0x2  }
0x11: {  	[tilespmem:s14+$0x0] =	vst v0  }
0x12: {  	[tilespmem:s7], [sflag:$0x1] =	stream.linear.gather [hbm4b:s3+s2], $0x2800, $0x38;
	[tilespmem:$0x7800] =	vst v63  }
0x13: {  	_ =	swait.ge [sflag:s8], $0x2800  }
0x14: {  	[sflag:s8] =	ssyncset.done $0x0  }
0x15: {  	[sflag:s8] =	ssyncadd.s32 $0xFFFFD800  }
0x16: {  	[tilespmem:s9], [sflag:$0x1] =	stream.linear.gather [hbm4b:s4+s2], $0x2800, $0x38;
	[tilespmem:$0x7800] =	vst v63  }
0x17: {  	_ =	swait.ge [sflag:s8], $0x2800  }
0x18: {  	[sflag:s8] =	ssyncset.done $0x0  }
0x19: {  	s14 =	simm.s32 $0x2880;
	[sflag:s8] =	ssyncadd.s32 $0xFFFFD800  }
0x1a: {  	v1 =	vld [tilespmem:s14+$0x0];
	_ =	sdelay $0x1  }
0x1b: {  	s13 =	simm.s32 $0x5080  }
0x1c: {  	v2 =	vld [tilespmem:s13+$0x0];
	_ =	sdelay $0x3  }
0x1d: {  	v3 =	vld [tilespmem:s14+$0xFFFFFF80]  }
0x1e: {  	[tilespmem:v1+s2+$0x0] =	vst.idx.add.f32.msk $0xffff, v2  }
0x1f: {  	v1 =	vld [tilespmem:s14+$0x10]  }
0x20: {  	v4 =	vld [tilespmem:s13+$0xFFFFFF80];
	_ =	sdelay $0x1  }
0x21: {  	v2 =	vld [tilespmem:s13+$0x10];
	_ =	sdelay $0x2  }
0x22: {  	[tilespmem:v3+s2+$0x0] =	vst.idx.add.f32.msk $0xffff, v4  }
0x23: {  	v3 =	vld [tilespmem:s14+$0xFFFFFF90]  }
0x24: {  	[tilespmem:v1+s2+$0x0] =	vst.idx.add.f32.msk $0xffff, v2  }
0x25: {  	v1 =	vld [tilespmem:s14+$0x20]  }
0x26: {  	v4 =	vld [tilespmem:s13+$0xFFFFFF90];
	_ =	sdelay $0x1  }
0x27: {  	v2 =	vld [tilespmem:s13+$0x20];
	_ =	sdelay $0x2  }
0x28: {  	[tilespmem:v3+s2+$0x0] =	vst.idx.add.f32.msk $0xffff, v4  }
0x29: {  	v3 =	vld [tilespmem:s14+$0xFFFFFFA0]  }
0x2a: {  	[tilespmem:v1+s2+$0x0] =	vst.idx.add.f32.msk $0xffff, v2  }
0x2b: {  	v1 =	vld [tilespmem:s14+$0x30]  }
0x2c: {  	v4 =	vld [tilespmem:s13+$0xFFFFFFA0];
	_ =	sdelay $0x1  }
0x2d: {  	v2 =	vld [tilespmem:s13+$0x30]  }
0x2e: {  	s15 =	simm.s32 $0x2980  }
0x2f: {  	v7 =	vld [tilespmem:s15+$0xFFFFFF80]  }
0x30: {  	[tilespmem:v3+s2+$0x0] =	vst.idx.add.f32.msk $0xffff, v4  }
0x31: {  	v3 =	vld [tilespmem:s14+$0xFFFFFFB0]  }
0x32: {  	[tilespmem:v1+s2+$0x0] =	vst.idx.add.f32.msk $0xffff, v2  }
0x33: {  	s16 =	simm.s32 $0x5180;
	v1 =	vld [tilespmem:s14+$0x40]  }
0x34: {  	v8 =	vld [tilespmem:s16+$0xFFFFFF80]  }
0x35: {  	v4 =	vld [tilespmem:s13+$0xFFFFFFB0]  }
0x36: {  	v2 =	vld [tilespmem:s13+$0x40];
	_ =	sdelay $0x1  }
0x37: {  	v5 =	vld [tilespmem:s15+$0x0]  }
0x38: {  	[tilespmem:v7+s2+$0x0] =	vst.idx.add.f32.msk $0xffff, v8  }
0x39: {  	[tilespmem:v3+s2+$0x0] =	vst.idx.add.f32.msk $0xffff, v4  }
0x3a: {  	[tilespmem:v1+s2+$0x0] =	vst.idx.add.f32.msk $0xffff, v2  }
0x3b: {  	v2 =	vld [tilespmem:s16+$0x0]  }
0x3c: {  	v3 =	vld [tilespmem:s14+$0xFFFFFFC0]  }
0x3d: {  	v4 =	vld [tilespmem:s13+$0xFFFFFFC0]  }
0x3e: {  	v1 =	vld [tilespmem:s14+$0x50]  }
0x3f: {  	v6 =	vld [tilespmem:s13+$0x50]  }
0x40: {  	[tilespmem:v5+s2+$0x0] =	vst.idx.add.f32.msk $0xffff, v2  }
0x41: {  	v5 =	vld [tilespmem:s15+$0xFFFFFF90]  }
0x42: {  	v2 =	vld [tilespmem:s15+$0x10]  }
0x43: {  	v61 =	vld [tilespmem:s16+$0xFFFFFF90]  }
0x44: {  	[tilespmem:v3+s2+$0x0] =	vst.idx.add.f32.msk $0xffff, v4  }
0x45: {  	v3 =	vld [tilespmem:s16+$0x10]  }
0x46: {  	[tilespmem:v1+s2+$0x0] =	vst.idx.add.f32.msk $0xffff, v6  }
0x47: {  	v1 =	vld [tilespmem:s14+$0x60]  }
0x48: {  	v4 =	vld [tilespmem:s13+$0x60]  }
0x49: {  	[tilespmem:v5+s2+$0x0] =	vst.idx.add.f32.msk $0xffff, v61  }
0x4a: {  	[tilespmem:v2+s2+$0x0] =	vst.idx.add.f32.msk $0xffff, v3  }
0x4b: {  	v5 =	vld [tilespmem:s15+$0xFFFFFFA0]  }
0x4c: {  	v6 =	vld [tilespmem:s16+$0xFFFFFFA0]  }
0x4d: {  	v2 =	vld [tilespmem:s15+$0x20]  }
0x4e: {  	v3 =	vld [tilespmem:s16+$0x20]  }
0x4f: {  	[tilespmem:v1+s2+$0x0] =	vst.idx.add.f32.msk $0xffff, v4  }
0x50: {  	v1 =	vld [tilespmem:s14+$0x70];
	_ =	sdelay $0x2  }
0x51: {  	v4 =	vld [tilespmem:s13+$0x70]  }
0x52: {  	[tilespmem:v5+s2+$0x0] =	vst.idx.add.f32.msk $0xffff, v6  }
0x53: {  	[tilespmem:v2+s2+$0x0] =	vst.idx.add.f32.msk $0xffff, v3  }
0x54: {  	v2 =	vld [tilespmem:s15+$0x30]  }
0x55: {  	v3 =	vld [tilespmem:s14+$0xFFFFFFD0]  }
0x56: {  	[tilespmem:v1+s2+$0x0] =	vst.idx.add.f32.msk $0xffff, v4  }
0x57: {  	v1 =	vld [tilespmem:s16+$0x30]  }
0x58: {  	v5 =	vld [tilespmem:s15+$0xFFFFFFB0]  }
0x59: {  	v4 =	vld [tilespmem:s13+$0xFFFFFFD0];
	_ =	sdelay $0x1  }
0x5a: {  	v6 =	vld [tilespmem:s16+$0xFFFFFFB0]  }
0x5b: {  	[tilespmem:v2+s2+$0x0] =	vst.idx.add.f32.msk $0xffff, v1  }
0x5c: {  	v62 =	vld [tilespmem:s15+$0x40]  }
0x5d: {  	[tilespmem:v3+s2+$0x0] =	vst.idx.add.f32.msk $0xffff, v4  }
0x5e: {  	v4 =	vld [tilespmem:s14+$0xFFFFFFE0]  }
0x5f: {  	v3 =	vld [tilespmem:s16+$0x40]  }
0x60: {  	[tilespmem:v5+s2+$0x0] =	vst.idx.add.f32.msk $0xffff, v6  }
0x61: {  	v63 =	vld [tilespmem:s13+$0xFFFFFFE0]  }
0x62: {  	v1 =	vld [tilespmem:s15+$0xFFFFFFC0]  }
0x63: {  	v2 =	vld [tilespmem:s16+$0xFFFFFFC0]  }
0x64: {  	[tilespmem:v62+s2+$0x0] =	vst.idx.add.f32.msk $0xffff, v3  }
0x65: {  	v3 =	vld [tilespmem:s15+$0x50]  }
0x66: {  	s18 =	simm.s32 $0x2;
	s19 =	simm.s32 $0x2A80;
	s17 =	simm.s32 $0x5180;
	[tilespmem:v4+s2+$0x0] =	vst.idx.add.f32.msk $0xffff, v63  }
.LBB2_4:
0x67: {  	v4 =	vld [tilespmem:s19+$0x0]  }
0x68: {  	s18 =	sadd.s32 $0x2, s18;
	v5 =	vld [tilespmem:s16+$0x50]  }
0x69: {  	p0 =	slt.u32 s18, $0x4E;
	s16 =	sadd.s32 $0x100, s16;
	v6 =	vld [tilespmem:s19+$0xFFFFFF80]  }
0x6a: {  	v7 =	vld [tilespmem:s16+$0x0]  }
0x6b: {  	v8 =	vld [tilespmem:s16+$0xFFFFFF80]  }
0x6c: {  	[tilespmem:v1+s2+$0x0] =	vst.idx.add.f32.msk $0xffff, v2  }
0x6d: {  	[tilespmem:v3+s2+$0x0] =	vst.idx.add.f32.msk $0xffff, v5  }
0x6e: {  	v1 =	vld [tilespmem:s15+$0x60]  }
0x6f: {  	[tilespmem:v4+s2+$0x0] =	vst.idx.add.f32.msk $0xffff, v7  }
0x70: {  	v2 =	vld [tilespmem:s19+$0x10]  }
0x71: {  	v3 =	vld [tilespmem:s17+$0x60]  }
0x72: {  	[tilespmem:v6+s2+$0x0] =	vst.idx.add.f32.msk $0xffff, v8  }
0x73: {  	v4 =	vld [tilespmem:s16+$0x10]  }
0x74: {  	v5 =	vld [tilespmem:s19+$0xFFFFFF90]  }
0x75: {  	v6 =	vld [tilespmem:s16+$0xFFFFFF90]  }
0x76: {  	[tilespmem:v1+s2+$0x0] =	vst.idx.add.f32.msk $0xffff, v3  }
0x77: {  	v1 =	vld [tilespmem:s15+$0x70]  }
0x78: {  	[tilespmem:v2+s2+$0x0] =	vst.idx.add.f32.msk $0xffff, v4  }
0x79: {  	v2 =	vld [tilespmem:s19+$0x20]  }
0x7a: {  	v3 =	vld [tilespmem:s17+$0x70]  }
0x7b: {  	v4 =	vld [tilespmem:s15+$0xFFFFFFD0]  }
0x7c: {  	[tilespmem:v5+s2+$0x0] =	vst.idx.add.f32.msk $0xffff, v6  }
0x7d: {  	v5 =	vld [tilespmem:s16+$0x20]  }
0x7e: {  	v6 =	vld [tilespmem:s19+$0xFFFFFFA0]  }
0x7f: {  	[tilespmem:v1+s2+$0x0] =	vst.idx.add.f32.msk $0xffff, v3  }
0x80: {  	v1 =	vld [tilespmem:s16+$0xFFFFFFA0]  }
0x81: {  	v3 =	vld [tilespmem:s17+$0xFFFFFFD0]  }
0x82: {  	[tilespmem:v2+s2+$0x0] =	vst.idx.add.f32.msk $0xffff, v5  }
0x83: {  	v2 =	vld [tilespmem:s19+$0x30]  }
0x84: {  	v5 =	vld [tilespmem:s14+$0xFFFFFFF0];
	s14 =	smov.u32 s15;
	s15 =	smov.u32 s19  }
0x85: {  	v7 =	vld [tilespmem:s13+$0xFFFFFFF0];
	s13 =	smov.u32 s17;
	s17 =	smov.u32 s16  }
0x86: {  	v8 =	vld [tilespmem:s16+$0x30]  }
0x87: {  	[tilespmem:v6+s2+$0x0] =	vst.idx.add.f32.msk $0xffff, v1  }
0x88: {  	v1 =	vld [tilespmem:s19+$0xFFFFFFB0]  }
0x89: {  	v6 =	vld [tilespmem:s16+$0xFFFFFFB0]  }
0x8a: {  	[tilespmem:v4+s2+$0x0] =	vst.idx.add.f32.msk $0xffff, v3  }
0x8b: {  	[tilespmem:v2+s2+$0x0] =	vst.idx.add.f32.msk $0xffff, v8  }
0x8c: {  	v3 =	vld [tilespmem:s19+$0x40]  }
0x8d: {  	v4 =	vld [tilespmem:s14+$0xFFFFFFE0]  }
0x8e: {  	v8 =	vld [tilespmem:s13+$0xFFFFFFE0]  }
0x8f: {  	v9 =	vld [tilespmem:s16+$0x40]  }
0x90: {  	[tilespmem:v1+s2+$0x0] =	vst.idx.add.f32.msk $0xffff, v6  }
0x91: {  	v1 =	vld [tilespmem:s19+$0xFFFFFFC0]  }
.Ltmp1:
0x92: {  	v2 =	vld [tilespmem:s16+$0xFFFFFFC0];
	(pc) =	sbr.rel @p0 .LBB2_4-.Ltmp1, $4  }
0x93: {  	[tilespmem:v5+s2+$0x0] =	vst.idx.add.f32.msk $0xffff, v7  }
0x94: {  	[tilespmem:v3+s2+$0x0] =	vst.idx.add.f32.msk $0xffff, v9  }
0x95: {  	v3 =	vld [tilespmem:s19+$0x50]  }
0x96: {  	s19 =	sadd.s32 $0x100, s19;
	[tilespmem:v4+s2+$0x0] =	vst.idx.add.f32.msk $0xffff, v8  }
0x97: {  	_ =	sdelay $0x3  }
0x98: {  	[tilespmem:v1+s2+$0x0] =	vst.idx.add.f32.msk $0xffff, v2  }
0x99: {  	v1 =	vld [tilespmem:s15+$0xFFFFFFD0]  }
0x9a: {  	v4 =	vld [tilespmem:s16+$0x50];
	_ =	sdelay $0x1  }
0x9b: {  	v2 =	vld [tilespmem:s17+$0xFFFFFFD0];
	_ =	sdelay $0x2  }
0x9c: {  	[tilespmem:v3+s2+$0x0] =	vst.idx.add.f32.msk $0xffff, v4  }
0x9d: {  	v3 =	vld [tilespmem:s15+$0x60]  }
0x9e: {  	[tilespmem:v1+s2+$0x0] =	vst.idx.add.f32.msk $0xffff, v2  }
0x9f: {  	v1 =	vld [tilespmem:s15+$0xFFFFFFE0]  }
0xa0: {  	v4 =	vld [tilespmem:s17+$0x60];
	_ =	sdelay $0x1  }
0xa1: {  	v2 =	vld [tilespmem:s17+$0xFFFFFFE0];
	_ =	sdelay $0x1  }
0xa2: {  	v63 =	vld [tilespmem:s14+$0xFFFFFFF0]  }
0xa3: {  	[tilespmem:v3+s2+$0x0] =	vst.idx.add.f32.msk $0xffff, v4  }
0xa4: {  	v3 =	vld [tilespmem:s15+$0x70]  }
0xa5: {  	[tilespmem:v1+s2+$0x0] =	vst.idx.add.f32.msk $0xffff, v2  }
0xa6: {  	v1 =	vld [tilespmem:s15+$0xFFFFFFF0]  }
0xa7: {  	v5 =	vld [tilespmem:s13+$0xFFFFFFF0]  }
0xa8: {  	v2 =	vld [tilespmem:s17+$0x70]  }
0xa9: {  	v6 =	vld [tilespmem:s17+$0xFFFFFFF0];
	_ =	sdelay $0x2  }
0xaa: {  	s12 =	sadd.s32 $0x1, s12;
	[tilespmem:v63+s2+$0x0] =	vst.idx.add.f32.msk $0xffff, v5  }
0xab: {  	p0 =	sne.s32 s12, s6;
	[tilespmem:v3+s2+$0x0] =	vst.idx.add.f32.msk $0xffff, v2  }
.Ltmp2:
0xac: {  	[tilespmem:v1+s2+$0x0] =	vst.idx.add.f32.msk $0xffff, v6;
	(pc) =	sbr.rel @p0 .LBB2_1-.Ltmp2, $4  }
0xad: {  	[hbm4b:s5+s10] =	stream.strided.scatter [tilespmem:s2], [sflag:$0x1], $0x2800, s11, s10, $0x38;
	[tilespmem:$0x7800] =	vst v63  }
0xae: {  	_ =	swait.ge [sflag:s8], $0x2800  }
0xaf: {  	[sflag:s8] =	ssyncset.done $0x0  }
0xb0: {  	[sflag:s8] =	ssyncadd.s32 $0xFFFFD800  }
0xb1: {  	_ =	sfence.sel $0x180000  }
0xb2: {  	[bflag:$0x0] =	sbarrier.arrive $0xFFFF  }
0xb3: {  	p0 =	sne.s32 s0, $0x0;
	_ =	strace $0x90000047  }
0xb4: {  	s0 =	sadd.s32 @!p0 $0x100000, s1;
	[bflag:$0x2] =	sbarrier.arrive $0xFFFF  }
0xb5: {  	[sflag:s0] =	ssyncadd.tile.s32 @!p0 $0x1;
	_ =	shalt  }
.Lfunc_end2:
_tile_overlayer_lowered:
.L_overlay_start_2:
0xb6: {  	(tag) =	ssettag $0x2  }
0xb7: {  	s0 =	rddreg [dreg:$0x0];
	s2 =	stileid.u32  }
0xb8: {  	s1 =	rddreg [dreg:$0x1];
	p0 =	sne.s32 s2, $0x0  }
0xb9: {  	s3 =	rddreg [dreg:$0x2];
	[bflag:$0x3] =	sbarrier.arrive $0xFFFF;
	s2 =	simm.s32 @!p0 $0x1C01  }
0xba: {  	[timem:s3], [sflag:s2] =	dma.local @!p0 [hbm:s0], s1  }
0xbb: {  	s0 =	simm.s32 @!p0 $0x1  }
0xbc: {  	_ =	swait.ge @!p0 [sflag:s0], s1  }
0xbd: {  	s1 =	ssub.s32 @!p0 $0x0, s1;
	[sflag:s0] =	ssyncset.done @!p0 $0x0  }
0xbe: {  	[sflag:s0] =	ssyncadd.s32 @!p0 s1  }
0xbf: {  	[bflag:$0x3] =	sbarrier.arrive $0xFFFF  }
0xc0: {  	_ =	shalt  }

// kernel: kernel.21.cloned.1.call-start
scs
__scs_entry_jumppad:
0x0: {  	(pc) =	sbr.rel $0x88, $3  }
0x1: {  	(tag) =	ssettag $0x0;
	lr =	simm.s32 $0x1  }
0x2: {  	[smem:$0x3F95] =	sst lr;
	_ =	strace $0xD0000000  }
0x3: {  	_ = 	snop  }
0x4: {  	_ = 	snop  }
0x5: {  	_ = 	snop  }
0x6: {  	_ = 	snop  }
0x7: {  	_ = 	snop  }
__scs_overlays_trampoline_lowered:
0x8: {  	[smem:$0x3FA4] =	sst s0  }
0x9: {  	[smem:$0x3FA5] =	sst s1  }
0xa: {  	[smem:$0x3FA6] =	sst s2  }
0xb: {  	[smem:$0x3FA7] =	sst s3  }
0xc: {  	[smem:$0x3FA8] =	sst s4  }
0xd: {  	[smem:$0x3FA9] =	sst s5  }
0xe: {  	[smem:$0x3FAA] =	sst s6  }
0xf: {  	[smem:$0x3FAB] =	sst s7  }
0x10: {  	[smem:$0x3FAC] =	sst s8  }
0x11: {  	[smem:$0x3FAD] =	sst s9;
	s0 =	simm.s32 @!p0 $0x0  }
0x12: {  	s1 =	sld [smem:$0x3F93];
	s0 =	simm.s32 @p0 $0x1  }
0x13: {  	[smem:$0x3FAE] =	sst s0;
	s0 =	simm.s32 @!p1 $0x0  }
0x14: {  	s2 =	sld [smem:$0x3F92];
	s0 =	simm.s32 @p1 $0x1  }
0x15: {  	[smem:$0x3FAF] =	sst s0;
	s0 =	simm.s32 @!p2 $0x0  }
0x16: {  	s3 =	sld [smem:$0x3FDB];
	s0 =	simm.s32 @p2 $0x1  }
0x17: {  	s4 =	simm.s32 $0x1BF5;
	[smem:$0x3FB1] =	sst s0  }
0x18: {  	s0 =	sld [smem:$0x3F94];
	_ =	swait.ge [sflag:s4], $0x0  }
0x19: {  	s7 =	sld [smem:$0x3F95]  }
0x1a: {  	s8 =	sadd.s32 $0xFFFFE003, lr  }
0x1b: {  	s9 =	sadd.s32 $0xFFFFFEF7, lr;
	s5 =	simm.s32 $0xFFFFFFFF;
	p2 =	slt.u32 s8, $0xFFFFF086  }
0x1c: {  	p1 =	slt.u32 s9, $0xF7A;
	s5 =	simm.s32 @!p2 $0x0  }
0x1d: {  	s5 =	simm.s32 @p1 $0x1;
	p0 =	seq.s32 s7, s2  }
0x1e: {  	s7 =	smul.u32 @!p0 $0xF7A, s2;
	p2 =	seq.s32 @!p0 s5, $0x0  }
0x1f: {  	s9 =	smul.u32 $0xF7A, s1;
	s8 =	simm.s32 @!p0 $0x1BF5;
	p2 =	por !p2, p0  }
0x20: {  	[sflag:s8] =	ssyncset.s32 @!p0 $0xFFFFF086;
	s6 =	sadd.s32 @!p0 s3, s7;
	s7 =	simm.s32 @!p0 $0x108  }
0x21: {  	s3 =	sadd.s32 s3, s9;
	s6 =	sadd.s32 @!p0 $0x88, s6;
	s7 =	simm.s32 @p2 $0x1082  }
0x22: {  	[simem:s7], [sflag:s8] =	dma.local @!p0 [hbm:s6], $0xF7A  }
0x23: {  	s9 =	sor.u32 $0xD0000000, s2;
	s6 =	simm.s32 $0x108;
	_ =	swait.ge @!p0 [sflag:s8], $0x0  }
0x24: {  	s3 =	sadd.s32 $0x88, s3;
	s6 =	simm.s32 @!p1 $0x1082;
	[sflag:s4] =	ssyncset.s32 $0xFFFFF086  }
0x25: {  	[simem:s6], [sflag:s4] =	dma.local [hbm:s3], $0xF7A  }
0x26: {  	[smem:$0x3F95] =	sst s1;
	(tag) =	ssettag s2;
	_ =	strace s9  }
0x27: {  	s1 =	sld [smem:$0x3FA5]  }
0x28: {  	s2 =	sld [smem:$0x3FA6]  }
0x29: {  	s4 =	sld [smem:$0x3FA8]  }
0x2a: {  	p0 =	seq.s32 s5, $0x0;
	s5 =	sld [smem:$0x3FA9]  }
0x2b: {  	s6 =	sld [smem:$0x3FAA]  }
0x2c: {  	s7 =	sld [smem:$0x3FAB]  }
0x2d: {  	s3 =	simm.s32 $0x108;
	s8 =	sld [smem:$0x3FAC]  }
0x2e: {  	s3 =	simm.s32 @!p0 $0x1082;
	s9 =	sld [smem:$0x3FAD]  }
0x2f: {  	lr =	sadd.s32 s0, s3;
	s0 =	sld [smem:$0x3FA4]  }
0x30: {  	s3 =	sld [smem:$0x3FA7]  }
0x31: {  	[smem:$0x3FB0] =	sst s10  }
0x32: {  	s10 =	sld [smem:$0x3FAE];
	_ =	sdelay $0x3  }
0x33: {  	p0 =	seq.s32 s10, $0x1;
	s10 =	sld [smem:$0x3FB0];
	_ =	sdelay $0x3  }
0x34: {  	[smem:$0x3FB0] =	sst s10  }
0x35: {  	s10 =	sld [smem:$0x3FAF];
	_ =	sdelay $0x3  }
0x36: {  	p1 =	seq.s32 s10, $0x1;
	s10 =	sld [smem:$0x3FB0];
	_ =	sdelay $0x3  }
0x37: {  	[smem:$0x3FB0] =	sst s10  }
0x38: {  	s10 =	sld [smem:$0x3FB1]  }
0x39: {  	_ = 	snop;
	(pc) =	sbr.ind lr, $3  }
0x3a: {  	_ = 	snop  }
0x3b: {  	_ = 	snop  }
0x3c: {  	p2 =	seq.s32 s10, $0x1;
	s10 =	sld [smem:$0x3FB0]  }
0x3d: {  	_ =	shalt  }
0x3e: {  	_ =	shalt  }
0x3f: {  	_ =	shalt  }
0x40: {  	_ =	shalt  }
0x41: {  	_ =	shalt  }
0x42: {  	_ =	shalt  }
0x43: {  	_ =	shalt  }
0x44: {  	_ =	shalt  }
0x45: {  	_ =	shalt  }
0x46: {  	_ =	shalt  }
0x47: {  	_ =	shalt  }
0x48: {  	_ =	shalt  }
0x49: {  	_ =	shalt  }
0x4a: {  	_ =	shalt  }
0x4b: {  	_ =	shalt  }
0x4c: {  	_ =	shalt  }
0x4d: {  	_ =	shalt  }
0x4e: {  	_ =	shalt  }
0x4f: {  	_ =	shalt  }
0x50: {  	_ =	shalt  }
0x51: {  	_ =	shalt  }
0x52: {  	_ =	shalt  }
0x53: {  	_ =	shalt  }
0x54: {  	_ =	shalt  }
0x55: {  	_ =	shalt  }
0x56: {  	_ =	shalt  }
0x57: {  	_ =	shalt  }
0x58: {  	_ =	shalt  }
0x59: {  	_ =	shalt  }
0x5a: {  	_ =	shalt  }
0x5b: {  	_ =	shalt  }
0x5c: {  	_ =	shalt  }
0x5d: {  	_ =	shalt  }
0x5e: {  	_ =	shalt  }
0x5f: {  	_ =	shalt  }
0x60: {  	_ =	shalt  }
0x61: {  	_ =	shalt  }
0x62: {  	_ =	shalt  }
0x63: {  	_ =	shalt  }
0x64: {  	_ =	shalt  }
0x65: {  	_ =	shalt  }
0x66: {  	_ =	shalt  }
0x67: {  	_ =	shalt  }
0x68: {  	_ =	shalt  }
0x69: {  	_ =	shalt  }
0x6a: {  	_ =	shalt  }
0x6b: {  	_ =	shalt  }
0x6c: {  	_ =	shalt  }
0x6d: {  	_ =	shalt  }
0x6e: {  	_ =	shalt  }
0x6f: {  	_ =	shalt  }
0x70: {  	_ =	shalt  }
0x71: {  	_ =	shalt  }
0x72: {  	_ =	shalt  }
0x73: {  	_ =	shalt  }
0x74: {  	_ =	shalt  }
0x75: {  	_ =	shalt  }
0x76: {  	_ =	shalt  }
0x77: {  	_ =	shalt  }
0x78: {  	_ =	shalt  }
0x79: {  	_ =	shalt  }
0x7a: {  	_ =	shalt  }
0x7b: {  	_ =	shalt  }
0x7c: {  	_ =	shalt  }
0x7d: {  	_ =	shalt  }
0x7e: {  	_ =	shalt  }
0x7f: {  	_ =	shalt  }
0x80: {  	_ =	shalt  }
0x81: {  	_ =	shalt  }
0x82: {  	_ =	shalt  }
0x83: {  	_ =	shalt  }
0x84: {  	_ =	shalt  }
0x85: {  	_ =	shalt  }
0x86: {  	_ =	shalt  }
0x87: {  	_ =	shalt  }
.Lfunc_end0:
.L_simem_size_0:
called_computation.1_lowered:
.L_overlay_start_0:
0x88: {  	s2 =	sld [smem:$0x3FD9]  }
0x89: {  	s3 =	sld [smem:$0x3FFE];
	_ =	sdelay $0x1  }
0x8a: {  	s1 =	srdreg.scid  }
0x8b: {  	s0 =	sand.u32 $0x1, s1  }
0x8c: {  	s16 =	sshll.u32 s0, $0xA;
	s2 =	sadd.s32 s3, s2  }
0x8d: {  	s2 =	sadd.s32 s2, s16  }
0x8e: {  	[smem:$0x3FBC] =	sst s2  }
0x8f: {  	_ = 	snop  }
0x90: {  	(tm) =	ssettm $0x1  }
0x91: {  	s17 =	sld [smem:$0x3FFB];
	_ =	sdelay $0x3  }
0x92: {  	_ =	strace s17  }
0x93: {  	s2 =	sld [smem:$0x3FFC];
	_ =	sdelay $0x3  }
0x94: {  	_ =	strace s2  }
0x95: {  	s2 =	sld [smem:$0x3FFD];
	_ =	sdelay $0x3  }
0x96: {  	_ =	strace s2  }
0x97: {  	_ =	strace $0x8FFFFFFF  }
0x98: {  	s18 =	sld [smem:$0x3FDB];
	_ =	sdelay $0x1  }
0x99: {  	s19 =	simm.s32 $_scs_section_size  }
0x9a: {  	s4 =	simm.s32 $_size__tile_overlayer_lowered;
	s5 =	simm.s32 $_tile_overlayer_lowered  }
0x9b: {  	s22 =	simm.s32 $0x1BFF;
	s21 =	sshll.u32 s5, $0x1;
	s2 =	sadd.s32 s19, s18  }
0x9c: {  	s6 =	simm.s32 $0x0;
	s20 =	sshll.u32 s4, $0x1;
	s4 =	sadd.s32 s21, s2  }
0x9d: {  	[timem:s6], [sflag:s22] =	dma.local [hbm:s4], s20  }
0x9e: {  	_ =	swait.ge [sflag:s22], s20  }
0x9f: {  	s3 =	ssub.s32 $0x0, s20;
	[sflag:s22] =	ssyncset.done $0x0  }
0xa0: {  	[sflag:s22] =	ssyncadd.s32 s3;
	_ =	sdelay $0x1  }
0xa1: {  	s23 =	simm.s32 $0x1B8B  }
0xa2: {  	_ =	swait.ge [sflag:s23], $0x1  }
0xa3: {  	[sflag:s23] =	ssyncset.done $0x0  }
0xa4: {  	s25 =	simm.s32 $0x1B8E;
	s24 =	sld [smem:$0x3FFE];
	[sflag:s23] =	ssyncadd.s32 $0xFFFFFFFF  }
0xa5: {  	s26 =	simm.s32 $execute0_lowered;
	[smem:$0x3FD2] =	sst s25  }
0xa6: {  	s4 =	sshll.u32 s26, $0x1;
	_ =	strace $0x80000049;
	[dreg:$0x1] =	wrdreg $0xFFFFFFFF  }
0xa7: {  	s28 =	simm.s32 $_size_execute0_lowered;
	s2 =	sadd.s32 s2, s4;
	[dreg:$0x0] =	wrdreg $0x0  }
0xa8: {  	s4 =	sshll.u32 s28, $0x1;
	[dreg:$0x2] =	wrdreg s2  }
0xa9: {  	[dreg:$0x3] =	wrdreg s4  }
0xaa: {  	[dreg:$0x4] =	wrdreg $0xC0  }
0xab: {  	_ =	task [dreg:s6], $0x5FFFF  }
0xac: {  	[dreg:$0x1] =	wrdreg $0xFFFFFFFF  }
0xad: {  	[dreg:$0x0] =	wrdreg $0x60  }
0xae: {  	[dreg:$0x2] =	wrdreg s24  }
0xaf: {  	[dreg:$0x3] =	wrdreg $0x9  }
0xb0: {  	_ =	task.clear_ibuf [dreg:s6], $0x4FFFF;
	_ =	strace $0x90000049  }
0xb1: {  	s29 =	simm.s32 $0x9;
	_ =	strace $0x8000004B  }
0xb2: {  	_ =	swait.ge [sflag:s29], $0x1  }
0xb3: {  	[sflag:s29] =	ssyncadd.s32 $0xFFFFFFFF  }
0xb4: {  	_ =	strace $0x9000004B  }
0xb5: {  	_ =	sfence  }
0xb6: {  	s30 =	sld [smem:$0x0];
	_ =	sdelay $0x2  }
0xb7: {  	s31 =	sshll.u32 s1, $0xD;
	s1 =	sshrl.u32 s1, $0x2  }
0xb8: {  	s3 =	sand.u32 $0x4000, s31;
	s1 =	sadd.s32 s1, s30  }
0xb9: {  	s0 =	sor.u32 s3, s0;
	s1 =	sshll.u32 s1, $0x11  }
0xba: {  	s0 =	sor.u32 s1, s0  }
0xbb: {  	s0 =	sadd.s32 $0x8F2B, s0  }
0xbc: {  	[sflag:s0] =	ssyncadd.remote.s32 $0x1  }
0xbd: {  	_ =	sfence.sel $0xFFFF  }
0xbe: {  	[dreg:$0x0] =	wrdreg $0xFFFFFFFF;
	(pc) =	sbr.abs _section_cstart, $3  }
0xbf: {  	[dreg:$0x1] =	wrdreg $0xFFFFFFFF  }
0xc0: {  	_ =	task.clear_ibuf [dreg:s6], $0x2FFFF;
	_ =	strace $0x9FFFFFFF  }
0xc1: {  	(tm) =	ssettm $0x7FFFFFFF  }
tec
execute0_lowered:
.L_overlay_start_1:
0x0: {  	(tag) =	ssettag $0x1  }
0x1: {  	s1 =	srdreg.scid;
	s0 =	stileid.u32  }
0x2: {  	s9 =	rddreg [dreg:$0x0];
	s12 =	simm.s32 $0x200;
	s13 =	simm.s32 $0x400  }
0x3: {  	s14 =	simm.s32 $0x3;
	s15 =	simm.s32 $0x14000;
	s16 =	simm.s32 $0x16000  }
0x4: {  	s17 =	simm.s32 $0x18000;
	s18 =	simm.s32 $0x15000;
	s19 =	simm.s32 $0x17000  }
0x5: {  	s20 =	simm.s32 $0x19000;
	s21 =	simm.s32 $0x1;
	s22 =	simm.s32 $0xA000  }
0x6: {  	s23 =	simm.s32 $0x2;
	s24 =	simm.s32 $0x0;
	s4 =	sand.u32 $0x1, s1  }
0x7: {  	s2 =	sshll.u32 s0, $0x2;
	s5 =	sshll.u32 s0, $0x9;
	s1 =	sshll.u32 s4, $0x6  }
0x8: {  	s8 =	sadd.s32 $0x5C00, s9;
	s5 =	sand.u32 $0x200, s5;
	s2 =	sor.u32 s2, s1  }
0x9: {  	s6 =	ssub.s32 $0x2, s4;
	s4 =	sadd.s32 $0x5A00, s9;
	s3 =	sshrl.u32 s2, $0x3  }
0xa: {  	s1 =	rddreg [dreg:$0x1];
	s7 =	sshrl.u32 s6, $0x1;
	s3 =	smul.u32 $0x14000, s3  }
.Ltmp0:
0xb: {  	s2 =	simm.s32 $0x0;
	s11 =	ssub.s32 s6, s7;
	(pc) =	sbr.rel .LBB2_1-.Ltmp0, $4  }
0xc: {  	s7 =	sadd.s32 $0x23C00, s9;
	[smem:$0x7FF] =	sst s2;
	s5 =	sor.u32 s5, s3  }
0xd: {  	s11 =	smax.u32 s11, $0x1;
	_ =	strace $0x8000004A;
	s5 =	sshrl.u32 s5, $0x3  }
0xe: {  	s3 =	sadd.s32 $0x23A00, s9;
	s10 =	sadd.s32 s5, s9;
	s5 =	sadd.s32 $0xFA00, s9  }
0xf: {  	v0 =	vimm.f32 $0.0e+00;
	s9 =	sadd.s32 $0xFC00, s9;
	s6 =	sadd.s32 $0x2DA00, s10;
	s10 =	sadd.s32 $0x55A00, s10  }
.LBB2_10:
0x10: {  	s24 =	sadd.s32 $0x1, s24  }
0x11: {  	p0 =	sne.s32 s24, s11  }
.Ltmp1:
0x12: {  	_ = 	snop;
	(pc) =	sbr.rel @!p0 .LBB2_11-.Ltmp1, $4  }
0x13: {  	[hbm4b:s10+s12] =	stream.strided.scatter [tilespmem:s22], [sflag:$0x3], $0xA000, s13, s12, $0x38;
	[tilespmem:$0x1A000] =	vst v63  }
0x14: {  	_ =	swait.ge [sflag:s14], $0xA000  }
0x15: {  	[sflag:s14] =	ssyncset.done $0x0  }
0x16: {  	[sflag:s14] =	ssyncadd.s32 $0xFFFF6000  }
.LBB2_1:
0x17: {  	[tilespmem:s2], [sflag:$0x3] =	stream.strided.gather [hbm4b:s6+s12], $0xA000, s13, s12, $0x38;
	[tilespmem:$0x1A000] =	vst v63  }
0x18: {  	_ =	swait.ge [sflag:s14], $0xA000  }
0x19: {  	s25 =	sand.u32 $0x70, s2;
	s26 =	sand.u32 $0xFE00, s2;
	[sflag:s14] =	ssyncset.done $0x0  }
0x1a: {  	s28 =	sor.u32 s25, s26;
	[sflag:s14] =	ssyncadd.s32 $0xFFFF6000  }
0x1b: {  	[tilespmem:s28+$0xA180] =	vst v0  }
0x1c: {  	[tilespmem:s28+$0xA000] =	vst v0  }
0x1d: {  	s25 =	simm.s32 $0x10;
	s26 =	simm.s32 $0x0;
	[tilespmem:s28+$0xA080] =	vst v0  }
.LBB2_2:
0x1e: {  	s29 =	sand.u32 $0x70, s25;
	[tilespmem:s28+$0xA100] =	vst v0;
	s26 =	sadd.s32 $0x40, s26;
	p0 =	sne.s32 s25, $0x27F0  }
.Ltmp2:
0x1f: {  	s25 =	sadd.s32 $0x10, s25;
	s28 =	sand.u32 $0xFE00, s26;
	(pc) =	sbr.rel @p0 .LBB2_2-.Ltmp2, $4  }
0x20: {  	s28 =	sor.u32 s29, s28  }
0x21: {  	[tilespmem:s28+$0xA180] =	vst v0  }
0x22: {  	[tilespmem:s28+$0xA000] =	vst v0  }
0x23: {  	[tilespmem:s28+$0xA080] =	vst v0  }
0x24: {  	[tilespmem:s28+$0xA100] =	vst v0;
	s25 =	simm.s32 $0x0  }
0x25: {  	[tilespmem:s15], [sflag:$0x1] =	stream.linear.gather [hbm4b:s3+s25], $0x1000, $0x38;
	[tilespmem:$0x1A000] =	vst v63  }
0x26: {  	_ = 	snop  }
0x27: {  	[tilespmem:s16], [sflag:$0x1] =	stream.linear.gather [hbm4b:s4+s25], $0x1000, $0x38;
	[tilespmem:$0x1A000] =	vst v63  }
0x28: {  	_ = 	snop  }
0x29: {  	[tilespmem:s17], [sflag:$0x1] =	stream.linear.gather [hbm4b:s5+s25], $0x1000, $0x38;
	[tilespmem:$0x1A000] =	vst v63  }
0x2a: {  	_ = 	snop  }
0x2b: {  	[tilespmem:s18], [sflag:$0x2] =	stream.linear.gather [hbm4b:s7+s25], $0x1000, $0x38;
	[tilespmem:$0x1A000] =	vst v63  }
0x2c: {  	_ = 	snop  }
0x2d: {  	[tilespmem:s19], [sflag:$0x2] =	stream.linear.gather [hbm4b:s8+s25], $0x1000, $0x38;
	[tilespmem:$0x1A000] =	vst v63  }
0x2e: {  	_ = 	snop  }
0x2f: {  	[tilespmem:s20], [sflag:$0x2] =	stream.linear.gather [hbm4b:s9+s25], $0x1000, $0x38;
	[tilespmem:$0x1A000] =	vst v63  }
.LBB2_4:
0x30: {  	_ =	swait.ge [sflag:s21], $0x1000  }
0x31: {  	[sflag:s21] =	ssyncset.done $0x0  }
0x32: {  	[sflag:s21] =	ssyncadd.s32 $0xFFFFF000  }
0x33: {  	_ =	swait.ge [sflag:s21], $0x1000  }
0x34: {  	[sflag:s21] =	ssyncset.done $0x0  }
0x35: {  	[sflag:s21] =	ssyncadd.s32 $0xFFFFF000  }
0x36: {  	_ =	swait.ge [sflag:s21], $0x1000  }
0x37: {  	[sflag:s21] =	ssyncset.done $0x0  }
0x38: {  	s28 =	simm.s32 $0x14020;
	[sflag:s21] =	ssyncadd.s32 $0xFFFFF000  }
0x39: {  	v1 =	vld [tilespmem:s28+$0x10];
	_ =	sdelay $0x2  }
0x3a: {  	v2 =	vld [tilespmem:s28+$0xFFFFFFF0]  }
0x3b: {  	v3 =	vld [tilespmem:s28+$0xFFFFFFE0]  }
0x3c: {  	s26 =	simm.s32 $0x16020;
	v4 =	vshll.u32 v1, $0x2  }
0x3d: {  	v6 =	vld [tilespmem:s26+$0x10];
	v1 =	vand.u32 $0x7F, v1;
	v4 =	vand.u32 $0xFFFFFE00, v4  }
0x3e: {  	v7 =	vld [tilespmem:s28+$0x0];
	v5 =	vor.u32 v1, v4  }
0x3f: {  	v1 =	vshll.u32 v2, $0x2  }
0x40: {  	v8 =	vld [tilespmem:s26+$0xFFFFFFE0];
	v2 =	vand.u32 $0x7F, v2;
	v4 =	vshll.u32 v3, $0x2;
	v1 =	vand.u32 $0xFFFFFE00, v1  }
0x41: {  	v10 =	vld [tilespmem:s26+$0xFFFFFFF0];
	s28 =	simm.s32 $0x18020;
	v3 =	vand.u32 $0x7F, v3;
	v9 =	vor.u32 v2, v1;
	v1 =	vand.u32 $0xFFFFFE00, v4  }
0x42: {  	v4 =	vld [tilespmem:s28+$0x10];
	v11 =	vor.u32 v3, v1;
	v1 =	vshll.u32 v6, $0x2  }
0x43: {  	v2 =	vand.u32 $0x7F, v6;
	v6 =	vshll.u32 v7, $0x2;
	v1 =	vand.u32 $0xFFFFFE00, v1;
	v3 =	vld.idx.msk [tilespmem:v5+s2+$0x0], $0xffff  }
0x44: {  	v12 =	vld [tilespmem:s26+$0x0];
	v7 =	vand.u32 $0x7F, v7;
	v15 =	vor.u32 v2, v1;
	v1 =	vand.u32 $0xFFFFFE00, v6  }
0x45: {  	v2 =	vshll.u32 v8, $0x2;
	v16 =	vor.u32 v7, v1;
	v1 =	vld [tilespmem:s28+$0xFFFFFFE0]  }
0x46: {  	v14 =	vor.u32 $0x80, v5;
	v7 =	vand.u32 $0xFFFFFE00, v2;
	v2 =	vld [tilespmem:s28+$0xFFFFFFF0]  }
0x47: {  	v6 =	vld.idx.msk [tilespmem:v11+s2+$0x0], $0xffff  }
0x48: {  	v17 =	vshll.u32 v10, $0x2;
	v8 =	vand.u32 $0x7F, v8;
	v13 =	vld.idx.msk [tilespmem:v9+s2+$0x0], $0xffff;
	v3 =	vmul.f32 v3, v4  }
0x49: {  	v10 =	vand.u32 $0x7F, v10;
	v17 =	vand.u32 $0xFFFFFE00, v17;
	v18 =	vor.u32 v8, v7  }
0x4a: {  	v17 =	vor.u32 v10, v17;
	[tilespmem:v15+s22+$0x0] =	vst.idx.add.f32.msk $0xffff, v3  }
0x4b: {  	v7 =	vor.u32 $0x80, v11;
	v8 =	vld.idx.msk [tilespmem:v14+s2+$0x0], $0xffff  }
0x4c: {  	v10 =	vor.u32 $0x80, v9;
	v3 =	vld [tilespmem:s28+$0x0];
	v6 =	vmul.f32 v6, v1  }
0x4d: {  	v19 =	vshll.u32 v12, $0x2;
	v20 =	vor.u32 $0x80, v15;
	v13 =	vmul.f32 v13, v2;
	v14 =	vld.idx.msk [tilespmem:v16+s2+$0x0], $0xffff  }
0x4e: {  	v12 =	vand.u32 $0x7F, v12;
	v19 =	vand.u32 $0xFFFFFE00, v19;
	[tilespmem:v18+s22+$0x0] =	vst.idx.add.f32.msk $0xffff, v6;
	v6 =	vor.u32 $0x100, v5  }
0x4f: {  	v19 =	vor.u32 v12, v19;
	[tilespmem:v17+s22+$0x0] =	vst.idx.add.f32.msk $0xffff, v13  }
0x50: {  	v12 =	vor.u32 $0x80, v16;
	v7 =	vld.idx.msk [tilespmem:v7+s2+$0x0], $0xffff;
	v8 =	vmul.f32 v8, v4  }
0x51: {  	v10 =	vld.idx.msk [tilespmem:v10+s2+$0x0], $0xffff  }
0x52: {  	v13 =	vor.u32 $0x80, v18;
	v14 =	vmul.f32 v14, v3;
	[tilespmem:v20+s22+$0x0] =	vst.idx.add.f32.msk $0xffff, v8  }
0x53: {  	v8 =	vor.u32 $0x80, v17;
	v6 =	vld.idx.msk [tilespmem:v6+s2+$0x0], $0xffff  }
0x54: {  	v20 =	vor.u32 $0x100, v11;
	[tilespmem:v19+s22+$0x0] =	vst.idx.add.f32.msk $0xffff, v14  }
0x55: {  	v14 =	vor.u32 $0x100, v15;
	v12 =	vld.idx.msk [tilespmem:v12+s2+$0x0], $0xffff;
	v7 =	vmul.f32 v7, v1  }
0x56: {  	v5 =	vor.u32 $0x180, v5;
	v10 =	vmul.f32 v10, v2  }
0x57: {  	v21 =	vor.u32 $0x80, v19;
	[tilespmem:v13+s22+$0x0] =	vst.idx.add.f32.msk $0xffff, v7  }
0x58: {  	v22 =	vor.u32 $0x100, v9;
	[tilespmem:v8+s22+$0x0] =	vst.idx.add.f32.msk $0xffff, v10;
	v6 =	vmul.f32 v6, v4  }
0x59: {  	v23 =	vor.u32 $0x100, v16;
	v20 =	vld.idx.msk [tilespmem:v20+s2+$0x0], $0xffff  }
0x5a: {  	v10 =	vmul.f32 v12, v3;
	[tilespmem:v14+s22+$0x0] =	vst.idx.add.f32.msk $0xffff, v6  }
0x5b: {  	v15 =	vor.u32 $0x180, v15;
	v7 =	vor.u32 $0x180, v11;
	v14 =	vld.idx.msk [tilespmem:v5+s2+$0x0], $0xffff  }
0x5c: {  	v13 =	vor.u32 $0x100, v17;
	v11 =	vor.u32 $0x100, v19;
	v8 =	vor.u32 $0x180, v9;
	[tilespmem:v21+s22+$0x0] =	vst.idx.add.f32.msk $0xffff, v10  }
0x5d: {  	v9 =	vor.u32 $0x180, v18;
	v12 =	vor.u32 $0x100, v18;
	v10 =	vor.u32 $0x180, v16;
	v16 =	vld.idx.msk [tilespmem:v22+s2+$0x0], $0xffff  }
0x5e: {  	s29 =	simm.s32 $0x0;
	s30 =	simm.s32 $0x14060;
	v6 =	vor.u32 $0x180, v19;
	v5 =	vor.u32 $0x180, v17;
	v17 =	vld.idx.msk [tilespmem:v23+s2+$0x0], $0xffff;
	v18 =	vmul.f32 v20, v1  }
.LBB2_5:
0x5f: {  	v19 =	vld [tilespmem:s30+$0x10];
	s29 =	sadd.s32 $0x4, s29  }
0x60: {  	v4 =	vmul.f32 v14, v4;
	v20 =	vld [tilespmem:s30+$0xFFFFFFF0];
	p0 =	slt.u32 s29, $0xFC  }
0x61: {  	v14 =	vld [tilespmem:s30+$0x0]  }
0x62: {  	v16 =	vmul.f32 v16, v2;
	[tilespmem:v15+s22+$0x0] =	vst.idx.add.f32.msk $0xffff, v4  }
0x63: {  	v15 =	vmul.f32 v17, v3;
	v4 =	vld [tilespmem:s30+$0xFFFFFFE0]  }
0x64: {  	v17 =	vshll.u32 v19, $0x2;
	[tilespmem:v12+s22+$0x0] =	vst.idx.add.f32.msk $0xffff, v18  }
0x65: {  	v18 =	vand.u32 $0x7F, v19;
	v12 =	vshll.u32 v20, $0x2;
	v17 =	vand.u32 $0xFFFFFE00, v17;
	[tilespmem:v13+s22+$0x0] =	vst.idx.add.f32.msk $0xffff, v16  }
0x66: {  	s26 =	sadd.s32 $0x40, s26;
	v12 =	vand.u32 $0xFFFFFE00, v12;
	v13 =	vshll.u32 v14, $0x2;
	v16 =	vor.u32 v18, v17;
	[tilespmem:v11+s22+$0x0] =	vst.idx.add.f32.msk $0xffff, v15  }
0x67: {  	v11 =	vand.u32 $0x7F, v20;
	v14 =	vand.u32 $0x7F, v14;
	v13 =	vand.u32 $0xFFFFFE00, v13;
	v15 =	vld [tilespmem:s26+$0x10]  }
0x68: {  	v11 =	vor.u32 v11, v12;
	v17 =	vld [tilespmem:s26+$0xFFFFFFE0];
	v18 =	vand.u32 $0x7F, v4;
	v4 =	vshll.u32 v4, $0x2  }
0x69: {  	v19 =	vor.u32 $0x80, v11;
	v14 =	vor.u32 v14, v13;
	v4 =	vand.u32 $0xFFFFFE00, v4;
	v12 =	vld [tilespmem:s26+$0xFFFFFFF0]  }
0x6a: {  	v21 =	vor.u32 $0x80, v14;
	v13 =	vor.u32 v18, v4;
	v18 =	vor.u32 $0x100, v11;
	v20 =	vld [tilespmem:s26+$0x0]  }
0x6b: {  	s28 =	sadd.s32 $0x40, s28;
	v24 =	vor.u32 $0x100, v14;
	v22 =	vor.u32 $0x80, v13;
	v23 =	vor.u32 $0x100, v13;
	v25 =	vld.idx.msk [tilespmem:v16+s2+$0x0], $0xffff  }
0x6c: {  	v27 =	vor.u32 $0x180, v11;
	v26 =	vor.u32 $0x180, v13;
	v4 =	vld [tilespmem:s28+$0x10];
	v28 =	vshll.u32 v15, $0x2  }
0x6d: {  	v29 =	vshll.u32 v17, $0x2;
	v30 =	vld.idx.msk [tilespmem:v11+s2+$0x0], $0xffff;
	v11 =	vand.u32 $0x7F, v15;
	v15 =	vand.u32 $0xFFFFFE00, v28  }
0x6e: {  	v28 =	vand.u32 $0xFFFFFE00, v29;
	v29 =	vshll.u32 v12, $0x2;
	v31 =	vld.idx.msk [tilespmem:v14+s2+$0x0], $0xffff;
	v15 =	vor.u32 v11, v15  }
0x6f: {  	v32 =	vld.idx.msk [tilespmem:v13+s2+$0x0], $0xffff;
	v11 =	vand.u32 $0xFFFFFE00, v29;
	v13 =	vshll.u32 v20, $0x2;
	v29 =	vor.u32 $0x80, v16  }
0x70: {  	v17 =	vand.u32 $0x7F, v17;
	v12 =	vand.u32 $0x7F, v12;
	v33 =	vld [tilespmem:s28+$0xFFFFFFE0];
	v13 =	vand.u32 $0xFFFFFE00, v13  }
0x71: {  	v17 =	vor.u32 v17, v28;
	v20 =	vand.u32 $0x7F, v20;
	v28 =	vld [tilespmem:s28+$0xFFFFFFF0];
	v25 =	vmul.f32 v25, v4  }
0x72: {  	v34 =	vor.u32 $0x80, v17;
	v35 =	vor.u32 v12, v11;
	v20 =	vor.u32 v20, v13;
	v36 =	vld [tilespmem:s28+$0x0]  }
0x73: {  	v12 =	vor.u32 $0x100, v17;
	v37 =	vor.u32 $0x80, v35;
	v38 =	vor.u32 $0x80, v20;
	[tilespmem:v15+s22+$0x0] =	vst.idx.add.f32.msk $0xffff, v25  }
0x74: {  	v14 =	vor.u32 $0x180, v14;
	v13 =	vor.u32 $0x100, v35;
	v11 =	vor.u32 $0x100, v20;
	v25 =	vld.idx.msk [tilespmem:v29+s2+$0x0], $0xffff  }
0x75: {  	v39 =	vor.u32 $0x180, v35;
	v29 =	vmul.f32 v32, v33;
	v32 =	vor.u32 $0x180, v17;
	v40 =	vld.idx.msk [tilespmem:v7+s2+$0x0], $0xffff;
	v7 =	vmovc v26  }
0x76: {  	v26 =	vmul.f32 v30, v28;
	v30 =	vor.u32 $0x180, v20;
	v41 =	vld.idx.msk [tilespmem:v8+s2+$0x0], $0xffff;
	v8 =	vmov v27  }
0x77: {  	v27 =	vor.u32 $0x80, v15;
	[tilespmem:v17+s22+$0x0] =	vst.idx.add.f32.msk $0xffff, v29;
	v17 =	vmul.f32 v31, v36  }
0x78: {  	[tilespmem:v35+s22+$0x0] =	vst.idx.add.f32.msk $0xffff, v26;
	v26 =	vor.u32 $0x100, v16  }
0x79: {  	[tilespmem:v20+s22+$0x0] =	vst.idx.add.f32.msk $0xffff, v17  }
0x7a: {  	v20 =	vmul.f32 v25, v4;
	v17 =	vld.idx.msk [tilespmem:v22+s2+$0x0], $0xffff  }
0x7b: {  	v22 =	vmul.f32 v40, v1;
	v1 =	vmov v33;
	v19 =	vld.idx.msk [tilespmem:v19+s2+$0x0], $0xffff  }
0x7c: {  	[tilespmem:v27+s22+$0x0] =	vst.idx.add.f32.msk $0xffff, v20;
	v20 =	vmul.f32 v41, v2;
	v2 =	vmov v28  }
0x7d: {  	v25 =	vld.idx.msk [tilespmem:v26+s2+$0x0], $0xffff  }
0x7e: {  	v21 =	vld.idx.msk [tilespmem:v21+s2+$0x0], $0xffff  }
0x7f: {  	v26 =	vld.idx.msk [tilespmem:v10+s2+$0x0], $0xffff;
	v10 =	vmov v14  }
0x80: {  	v14 =	vmul.f32 v17, v1;
	v17 =	vor.u32 $0x100, v15;
	[tilespmem:v9+s22+$0x0] =	vst.idx.add.f32.msk $0xffff, v22;
	v9 =	vmov v32  }
0x81: {  	v16 =	vor.u32 $0x180, v16;
	v19 =	vmul.f32 v19, v2;
	[tilespmem:v5+s22+$0x0] =	vst.idx.add.f32.msk $0xffff, v20;
	v5 =	vmov v39  }
0x82: {  	[tilespmem:v34+s22+$0x0] =	vst.idx.add.f32.msk $0xffff, v14  }
0x83: {  	v14 =	vmul.f32 v25, v4;
	[tilespmem:v37+s22+$0x0] =	vst.idx.add.f32.msk $0xffff, v19  }
0x84: {  	v20 =	vmul.f32 v21, v36;
	v19 =	vld.idx.msk [tilespmem:v23+s2+$0x0], $0xffff  }
0x85: {  	v21 =	vmul.f32 v26, v3;
	v3 =	vmov v36;
	[tilespmem:v17+s22+$0x0] =	vst.idx.add.f32.msk $0xffff, v14  }
.Ltmp3:
0x86: {  	v14 =	vld.idx.msk [tilespmem:v16+s2+$0x0], $0xffff;
	(pc) =	sbr.rel @p0 .LBB2_5-.Ltmp3, $4  }
0x87: {  	[tilespmem:v38+s22+$0x0] =	vst.idx.add.f32.msk $0xffff, v20  }
0x88: {  	v16 =	vld.idx.msk [tilespmem:v18+s2+$0x0], $0xffff  }
0x89: {  	v15 =	vor.u32 $0x180, v15;
	v17 =	vld.idx.msk [tilespmem:v24+s2+$0x0], $0xffff  }
0x8a: {  	s30 =	sadd.s32 $0x40, s30;
	v18 =	vmul.f32 v19, v1;
	[tilespmem:v6+s22+$0x0] =	vst.idx.add.f32.msk $0xffff, v21;
	v6 =	vmov v30  }
0x8b: {  	_ =	sdelay $0x3  }
0x8c: {  	[tilespmem:v12+s22+$0x0] =	vst.idx.add.f32.msk $0xffff, v18;
	v16 =	vmul.f32 v16, v2  }
0x8d: {  	v7 =	vld.idx.msk [tilespmem:v7+s2+$0x0], $0xffff;
	v17 =	vmul.f32 v17, v3  }
0x8e: {  	[tilespmem:v13+s22+$0x0] =	vst.idx.add.f32.msk $0xffff, v16  }
0x8f: {  	[tilespmem:v11+s22+$0x0] =	vst.idx.add.f32.msk $0xffff, v17  }
0x90: {  	v8 =	vld.idx.msk [tilespmem:v8+s2+$0x0], $0xffff  }
0x91: {  	v10 =	vld.idx.msk [tilespmem:v10+s2+$0x0], $0xffff;
	_ =	sdelay $0x1  }
0x92: {  	v4 =	vmul.f32 v14, v4  }
0x93: {  	v1 =	vmul.f32 v7, v1  }
0x94: {  	[tilespmem:v15+s22+$0x0] =	vst.idx.add.f32.msk $0xffff, v4;
	v2 =	vmul.f32 v8, v2  }
0x95: {  	s26 =	sshll.u32 s25, $0xA;
	p0 =	seq.s32 s25, $0x27;
	[tilespmem:v9+s22+$0x0] =	vst.idx.add.f32.msk $0xffff, v1;
	v1 =	vmul.f32 v10, v3  }
0x96: {  	s28 =	sadd.s32 @!p0 $0x400, s26;
	[tilespmem:v5+s22+$0x0] =	vst.idx.add.f32.msk $0xffff, v2  }
0x97: {  	s30 =	simm.s32 @!p0 $0x0;
	s31 =	simm.s32 @!p0 $0x14000;
	s29 =	sadd.s32 @!p0 s3, s28;
	[tilespmem:v6+s22+$0x0] =	vst.idx.add.f32.msk $0xffff, v1  }
0x98: {  	[tilespmem:s31], [sflag:$0x1] =	stream.linear.gather @!p0 [hbm4b:s29+s30], $0x1000, $0x38;
	[tilespmem:$0x1A000] =	vst v63  }
0x99: {  	s29 =	sadd.s32 @!p0 s4, s28;
	s31 =	simm.s32 @!p0 $0x16000  }
0x9a: {  	[tilespmem:s31], [sflag:$0x1] =	stream.linear.gather @!p0 [hbm4b:s29+s30], $0x1000, $0x38;
	[tilespmem:$0x1A000] =	vst v63  }
0x9b: {  	s28 =	sadd.s32 @!p0 s5, s28;
	s29 =	simm.s32 @!p0 $0x18000  }
0x9c: {  	[tilespmem:s29], [sflag:$0x1] =	stream.linear.gather @!p0 [hbm4b:s28+s30], $0x1000, $0x38;
	[tilespmem:$0x1A000] =	vst v63  }
0x9d: {  	_ =	swait.ge [sflag:s23], $0x1000  }
0x9e: {  	[sflag:s23] =	ssyncset.done $0x0  }
0x9f: {  	[sflag:s23] =	ssyncadd.s32 $0xFFFFF000  }
0xa0: {  	_ =	swait.ge [sflag:s23], $0x1000  }
0xa1: {  	[sflag:s23] =	ssyncset.done $0x0  }
0xa2: {  	[sflag:s23] =	ssyncadd.s32 $0xFFFFF000  }
0xa3: {  	_ =	swait.ge [sflag:s23], $0x1000  }
0xa4: {  	[sflag:s23] =	ssyncset.done $0x0  }
0xa5: {  	s29 =	simm.s32 $0x15020;
	[sflag:s23] =	ssyncadd.s32 $0xFFFFF000  }
0xa6: {  	v1 =	vld [tilespmem:s29+$0x10];
	_ =	sdelay $0x2  }
0xa7: {  	v2 =	vld [tilespmem:s29+$0xFFFFFFF0]  }
0xa8: {  	v3 =	vld [tilespmem:s29+$0xFFFFFFE0]  }
0xa9: {  	s28 =	simm.s32 $0x17020;
	v4 =	vshll.u32 v1, $0x2  }
0xaa: {  	v6 =	vld [tilespmem:s28+$0x10];
	v1 =	vand.u32 $0x7F, v1;
	v4 =	vand.u32 $0xFFFFFE00, v4  }
0xab: {  	v7 =	vld [tilespmem:s29+$0x0];
	v5 =	vor.u32 v1, v4  }
0xac: {  	v1 =	vshll.u32 v2, $0x2  }
0xad: {  	v8 =	vld [tilespmem:s28+$0xFFFFFFE0];
	v2 =	vand.u32 $0x7F, v2;
	v4 =	vshll.u32 v3, $0x2;
	v1 =	vand.u32 $0xFFFFFE00, v1  }
0xae: {  	v10 =	vld [tilespmem:s28+$0xFFFFFFF0];
	s29 =	simm.s32 $0x19020;
	v3 =	vand.u32 $0x7F, v3;
	v9 =	vor.u32 v2, v1;
	v1 =	vand.u32 $0xFFFFFE00, v4  }
0xaf: {  	v4 =	vld [tilespmem:s29+$0x10];
	v11 =	vor.u32 v3, v1;
	v1 =	vshll.u32 v6, $0x2  }
0xb0: {  	v2 =	vand.u32 $0x7F, v6;
	v6 =	vshll.u32 v7, $0x2;
	v1 =	vand.u32 $0xFFFFFE00, v1;
	v3 =	vld.idx.msk [tilespmem:v5+s2+$0x0], $0xffff  }
0xb1: {  	v12 =	vld [tilespmem:s28+$0x0];
	v7 =	vand.u32 $0x7F, v7;
	v15 =	vor.u32 v2, v1;
	v1 =	vand.u32 $0xFFFFFE00, v6  }
0xb2: {  	v2 =	vshll.u32 v8, $0x2;
	v7 =	vor.u32 v7, v1;
	v1 =	vld [tilespmem:s29+$0xFFFFFFE0]  }
0xb3: {  	v14 =	vor.u32 $0x80, v5;
	v16 =	vand.u32 $0xFFFFFE00, v2;
	v2 =	vld [tilespmem:s29+$0xFFFFFFF0]  }
0xb4: {  	v6 =	vld.idx.msk [tilespmem:v11+s2+$0x0], $0xffff  }
0xb5: {  	v17 =	vshll.u32 v10, $0x2;
	v8 =	vand.u32 $0x7F, v8;
	v13 =	vld.idx.msk [tilespmem:v9+s2+$0x0], $0xffff;
	v3 =	vmul.f32 v3, v4  }
0xb6: {  	v10 =	vand.u32 $0x7F, v10;
	v17 =	vand.u32 $0xFFFFFE00, v17;
	v8 =	vor.u32 v8, v16  }
0xb7: {  	v16 =	vor.u32 v10, v17;
	[tilespmem:v15+s22+$0x0] =	vst.idx.add.f32.msk $0xffff, v3  }
0xb8: {  	v10 =	vor.u32 $0x80, v11;
	v14 =	vld.idx.msk [tilespmem:v14+s2+$0x0], $0xffff  }
0xb9: {  	v17 =	vor.u32 $0x80, v9;
	v18 =	vld.idx.msk [tilespmem:v7+s2+$0x0], $0xffff;
	v6 =	vmul.f32 v6, v1  }
0xba: {  	v19 =	vshll.u32 v12, $0x2;
	v20 =	vor.u32 $0x80, v15;
	v3 =	vld [tilespmem:s29+$0x0];
	v13 =	vmul.f32 v13, v2  }
0xbb: {  	v12 =	vand.u32 $0x7F, v12;
	v19 =	vand.u32 $0xFFFFFE00, v19;
	[tilespmem:v8+s22+$0x0] =	vst.idx.add.f32.msk $0xffff, v6;
	v6 =	vor.u32 $0x100, v5  }
0xbc: {  	v19 =	vor.u32 v12, v19;
	[tilespmem:v16+s22+$0x0] =	vst.idx.add.f32.msk $0xffff, v13  }
0xbd: {  	v12 =	vor.u32 $0x80, v7;
	v10 =	vld.idx.msk [tilespmem:v10+s2+$0x0], $0xffff;
	v13 =	vmul.f32 v14, v4  }
0xbe: {  	v14 =	vld.idx.msk [tilespmem:v17+s2+$0x0], $0xffff  }
0xbf: {  	v18 =	vmul.f32 v18, v3;
	v17 =	vor.u32 $0x80, v8;
	[tilespmem:v20+s22+$0x0] =	vst.idx.add.f32.msk $0xffff, v13  }
0xc0: {  	v13 =	vor.u32 $0x80, v16;
	v6 =	vld.idx.msk [tilespmem:v6+s2+$0x0], $0xffff  }
0xc1: {  	[tilespmem:v19+s22+$0x0] =	vst.idx.add.f32.msk $0xffff, v18;
	v20 =	vor.u32 $0x100, v11  }
0xc2: {  	v18 =	vor.u32 $0x100, v15;
	v12 =	vld.idx.msk [tilespmem:v12+s2+$0x0], $0xffff;
	v10 =	vmul.f32 v10, v1  }
0xc3: {  	v21 =	vor.u32 $0x180, v5;
	v14 =	vmul.f32 v14, v2  }
0xc4: {  	v22 =	vor.u32 $0x80, v19;
	[tilespmem:v17+s22+$0x0] =	vst.idx.add.f32.msk $0xffff, v10  }
0xc5: {  	v17 =	vor.u32 $0x100, v9;
	[tilespmem:v13+s22+$0x0] =	vst.idx.add.f32.msk $0xffff, v14;
	v5 =	vmul.f32 v6, v4  }
0xc6: {  	v23 =	vor.u32 $0x100, v7;
	v20 =	vld.idx.msk [tilespmem:v20+s2+$0x0], $0xffff  }
0xc7: {  	v10 =	vmul.f32 v12, v3;
	[tilespmem:v18+s22+$0x0] =	vst.idx.add.f32.msk $0xffff, v5  }
0xc8: {  	v15 =	vor.u32 $0x180, v15;
	v12 =	vor.u32 $0x100, v8;
	v14 =	vld.idx.msk [tilespmem:v21+s2+$0x0], $0xffff  }
0xc9: {  	v13 =	vor.u32 $0x100, v16;
	v8 =	vor.u32 $0x180, v8;
	v6 =	vor.u32 $0x180, v9;
	[tilespmem:v22+s22+$0x0] =	vst.idx.add.f32.msk $0xffff, v10  }
0xca: {  	v9 =	vor.u32 $0x180, v19;
	v10 =	vor.u32 $0x180, v7;
	v7 =	vor.u32 $0x180, v16;
	v16 =	vld.idx.msk [tilespmem:v17+s2+$0x0], $0xffff  }
0xcb: {  	s31 =	simm.s32 $0x15060;
	s30 =	simm.s32 $0x0;
	v5 =	vor.u32 $0x180, v11;
	v11 =	vor.u32 $0x100, v19;
	v17 =	vld.idx.msk [tilespmem:v23+s2+$0x0], $0xffff;
	v18 =	vmul.f32 v20, v1  }
.LBB2_7:
0xcc: {  	v19 =	vld [tilespmem:s31+$0x10];
	s30 =	sadd.s32 $0x4, s30  }
0xcd: {  	v4 =	vmul.f32 v14, v4;
	v20 =	vld [tilespmem:s31+$0xFFFFFFF0];
	p1 =	slt.u32 s30, $0xFC  }
0xce: {  	v14 =	vld [tilespmem:s31+$0x0]  }
0xcf: {  	v16 =	vmul.f32 v16, v2;
	[tilespmem:v15+s22+$0x0] =	vst.idx.add.f32.msk $0xffff, v4  }
0xd0: {  	v15 =	vmul.f32 v17, v3;
	v4 =	vld [tilespmem:s31+$0xFFFFFFE0]  }
0xd1: {  	v17 =	vshll.u32 v19, $0x2;
	[tilespmem:v12+s22+$0x0] =	vst.idx.add.f32.msk $0xffff, v18  }
0xd2: {  	v18 =	vand.u32 $0x7F, v19;
	v12 =	vshll.u32 v20, $0x2;
	v17 =	vand.u32 $0xFFFFFE00, v17;
	[tilespmem:v13+s22+$0x0] =	vst.idx.add.f32.msk $0xffff, v16  }
0xd3: {  	s28 =	sadd.s32 $0x40, s28;
	v12 =	vand.u32 $0xFFFFFE00, v12;
	v13 =	vshll.u32 v14, $0x2;
	v16 =	vor.u32 v18, v17;
	[tilespmem:v11+s22+$0x0] =	vst.idx.add.f32.msk $0xffff, v15  }
0xd4: {  	v11 =	vand.u32 $0x7F, v20;
	v14 =	vand.u32 $0x7F, v14;
	v13 =	vand.u32 $0xFFFFFE00, v13;
	v15 =	vld [tilespmem:s28+$0x10]  }
0xd5: {  	v11 =	vor.u32 v11, v12;
	v17 =	vld [tilespmem:s28+$0xFFFFFFE0];
	v18 =	vand.u32 $0x7F, v4;
	v4 =	vshll.u32 v4, $0x2  }
0xd6: {  	v19 =	vor.u32 $0x80, v11;
	v14 =	vor.u32 v14, v13;
	v4 =	vand.u32 $0xFFFFFE00, v4;
	v12 =	vld [tilespmem:s28+$0xFFFFFFF0]  }
0xd7: {  	v21 =	vor.u32 $0x80, v14;
	v13 =	vor.u32 v18, v4;
	v18 =	vor.u32 $0x100, v11;
	v20 =	vld [tilespmem:s28+$0x0]  }
0xd8: {  	s29 =	sadd.s32 $0x40, s29;
	v24 =	vor.u32 $0x100, v14;
	v22 =	vor.u32 $0x80, v13;
	v23 =	vor.u32 $0x100, v13;
	v25 =	vld.idx.msk [tilespmem:v16+s2+$0x0], $0xffff  }
0xd9: {  	v27 =	vor.u32 $0x180, v11;
	v26 =	vor.u32 $0x180, v13;
	v4 =	vld [tilespmem:s29+$0x10];
	v28 =	vshll.u32 v15, $0x2  }
0xda: {  	v29 =	vshll.u32 v17, $0x2;
	v30 =	vld.idx.msk [tilespmem:v11+s2+$0x0], $0xffff;
	v11 =	vand.u32 $0x7F, v15;
	v15 =	vand.u32 $0xFFFFFE00, v28  }
0xdb: {  	v28 =	vand.u32 $0xFFFFFE00, v29;
	v29 =	vshll.u32 v12, $0x2;
	v31 =	vld.idx.msk [tilespmem:v14+s2+$0x0], $0xffff;
	v15 =	vor.u32 v11, v15  }
0xdc: {  	v32 =	vld.idx.msk [tilespmem:v13+s2+$0x0], $0xffff;
	v11 =	vand.u32 $0xFFFFFE00, v29;
	v13 =	vshll.u32 v20, $0x2;
	v29 =	vor.u32 $0x80, v16  }
0xdd: {  	v17 =	vand.u32 $0x7F, v17;
	v12 =	vand.u32 $0x7F, v12;
	v33 =	vld [tilespmem:s29+$0xFFFFFFE0];
	v13 =	vand.u32 $0xFFFFFE00, v13  }
0xde: {  	v17 =	vor.u32 v17, v28;
	v20 =	vand.u32 $0x7F, v20;
	v28 =	vld [tilespmem:s29+$0xFFFFFFF0];
	v25 =	vmul.f32 v25, v4  }
0xdf: {  	v34 =	vor.u32 $0x80, v17;
	v35 =	vor.u32 v12, v11;
	v20 =	vor.u32 v20, v13;
	v36 =	vld [tilespmem:s29+$0x0]  }
0xe0: {  	v12 =	vor.u32 $0x100, v17;
	v37 =	vor.u32 $0x80, v35;
	v38 =	vor.u32 $0x80, v20;
	[tilespmem:v15+s22+$0x0] =	vst.idx.add.f32.msk $0xffff, v25  }
0xe1: {  	v14 =	vor.u32 $0x180, v14;
	v13 =	vor.u32 $0x100, v35;
	v11 =	vor.u32 $0x100, v20;
	v25 =	vld.idx.msk [tilespmem:v29+s2+$0x0], $0xffff  }
0xe2: {  	v39 =	vor.u32 $0x180, v35;
	v29 =	vmul.f32 v32, v33;
	v32 =	vor.u32 $0x180, v17;
	v40 =	vld.idx.msk [tilespmem:v5+s2+$0x0], $0xffff;
	v5 =	vmovc v26  }
0xe3: {  	v26 =	vmul.f32 v30, v28;
	v30 =	vor.u32 $0x180, v20;
	v41 =	vld.idx.msk [tilespmem:v6+s2+$0x0], $0xffff;
	v6 =	vmov v27  }
0xe4: {  	v27 =	vor.u32 $0x80, v15;
	[tilespmem:v17+s22+$0x0] =	vst.idx.add.f32.msk $0xffff, v29;
	v17 =	vmul.f32 v31, v36  }
0xe5: {  	[tilespmem:v35+s22+$0x0] =	vst.idx.add.f32.msk $0xffff, v26;
	v26 =	vor.u32 $0x100, v16  }
0xe6: {  	[tilespmem:v20+s22+$0x0] =	vst.idx.add.f32.msk $0xffff, v17  }
0xe7: {  	v20 =	vmul.f32 v25, v4;
	v17 =	vld.idx.msk [tilespmem:v22+s2+$0x0], $0xffff  }
0xe8: {  	v22 =	vmul.f32 v40, v1;
	v1 =	vmov v33;
	v19 =	vld.idx.msk [tilespmem:v19+s2+$0x0], $0xffff  }
0xe9: {  	[tilespmem:v27+s22+$0x0] =	vst.idx.add.f32.msk $0xffff, v20;
	v20 =	vmul.f32 v41, v2;
	v2 =	vmov v28  }
0xea: {  	v25 =	vld.idx.msk [tilespmem:v26+s2+$0x0], $0xffff  }
0xeb: {  	v21 =	vld.idx.msk [tilespmem:v21+s2+$0x0], $0xffff  }
0xec: {  	v26 =	vld.idx.msk [tilespmem:v10+s2+$0x0], $0xffff;
	v10 =	vmov v14  }
0xed: {  	v14 =	vmul.f32 v17, v1;
	v17 =	vor.u32 $0x100, v15;
	[tilespmem:v8+s22+$0x0] =	vst.idx.add.f32.msk $0xffff, v22;
	v8 =	vmov v32  }
0xee: {  	v16 =	vor.u32 $0x180, v16;
	v19 =	vmul.f32 v19, v2;
	[tilespmem:v7+s22+$0x0] =	vst.idx.add.f32.msk $0xffff, v20;
	v7 =	vmov v39  }
0xef: {  	[tilespmem:v34+s22+$0x0] =	vst.idx.add.f32.msk $0xffff, v14  }
0xf0: {  	v14 =	vmul.f32 v25, v4;
	[tilespmem:v37+s22+$0x0] =	vst.idx.add.f32.msk $0xffff, v19  }
0xf1: {  	v20 =	vmul.f32 v21, v36;
	v19 =	vld.idx.msk [tilespmem:v23+s2+$0x0], $0xffff  }
0xf2: {  	v21 =	vmul.f32 v26, v3;
	v3 =	vmov v36;
	[tilespmem:v17+s22+$0x0] =	vst.idx.add.f32.msk $0xffff, v14  }
.Ltmp4:
0xf3: {  	v14 =	vld.idx.msk [tilespmem:v16+s2+$0x0], $0xffff;
	(pc) =	sbr.rel @p1 .LBB2_7-.Ltmp4, $4  }
0xf4: {  	[tilespmem:v38+s22+$0x0] =	vst.idx.add.f32.msk $0xffff, v20  }
0xf5: {  	v16 =	vld.idx.msk [tilespmem:v18+s2+$0x0], $0xffff  }
0xf6: {  	v15 =	vor.u32 $0x180, v15;
	v17 =	vld.idx.msk [tilespmem:v24+s2+$0x0], $0xffff  }
0xf7: {  	s31 =	sadd.s32 $0x40, s31;
	v18 =	vmul.f32 v19, v1;
	[tilespmem:v9+s22+$0x0] =	vst.idx.add.f32.msk $0xffff, v21;
	v9 =	vmov v30  }
0xf8: {  	_ =	sdelay $0x3  }
0xf9: {  	[tilespmem:v12+s22+$0x0] =	vst.idx.add.f32.msk $0xffff, v18;
	v16 =	vmul.f32 v16, v2  }
0xfa: {  	v5 =	vld.idx.msk [tilespmem:v5+s2+$0x0], $0xffff;
	v17 =	vmul.f32 v17, v3  }
0xfb: {  	[tilespmem:v13+s22+$0x0] =	vst.idx.add.f32.msk $0xffff, v16  }
0xfc: {  	[tilespmem:v11+s22+$0x0] =	vst.idx.add.f32.msk $0xffff, v17  }
0xfd: {  	v6 =	vld.idx.msk [tilespmem:v6+s2+$0x0], $0xffff  }
0xfe: {  	v10 =	vld.idx.msk [tilespmem:v10+s2+$0x0], $0xffff;
	_ =	sdelay $0x1  }
0xff: {  	v4 =	vmul.f32 v14, v4  }
.Ltmp5:
0x100: {  	v1 =	vmul.f32 v5, v1;
	(pc) =	sbr.rel @p0 .LBB2_10-.Ltmp5, $4  }
0x101: {  	[tilespmem:v15+s22+$0x0] =	vst.idx.add.f32.msk $0xffff, v4;
	v2 =	vmul.f32 v6, v2  }
0x102: {  	[tilespmem:v8+s22+$0x0] =	vst.idx.add.f32.msk $0xffff, v1;
	v1 =	vmul.f32 v10, v3  }
0x103: {  	[tilespmem:v7+s22+$0x0] =	vst.idx.add.f32.msk $0xffff, v2  }
0x104: {  	[tilespmem:v9+s22+$0x0] =	vst.idx.add.f32.msk $0xffff, v1  }
0x105: {  	s26 =	sadd.s32 $0x600, s26  }
0x106: {  	s28 =	sadd.s32 s3, s26  }
0x107: {  	[tilespmem:s18], [sflag:$0x2] =	stream.linear.gather [hbm4b:s28+s2], $0x1000, $0x38;
	[tilespmem:$0x1A000] =	vst v63  }
.Ltmp6:
0x108: {  	_ = 	snop;
	(pc) =	sbr.rel .LBB2_4-.Ltmp6, $4  }
0x109: {  	s31 =	sadd.s32 s4, s26  }
0x10a: {  	[tilespmem:s19], [sflag:$0x2] =	stream.linear.gather [hbm4b:s31+s2], $0x1000, $0x38;
	[tilespmem:$0x1A000] =	vst v63  }
0x10b: {  	s25 =	sadd.s32 $0x1, s25;
	s26 =	sadd.s32 s5, s26  }
0x10c: {  	[tilespmem:s20], [sflag:$0x2] =	stream.linear.gather [hbm4b:s26+s2], $0x1000, $0x38;
	[tilespmem:$0x1A000] =	vst v63  }
.LBB2_11:
0x10d: {  	_ =	sfence.sel $0x180000  }
0x10e: {  	[bflag:$0x0] =	sbarrier.arrive $0xFFFF  }
0x10f: {  	p0 =	sne.s32 s0, $0x0;
	_ =	strace $0x9000004A  }
0x110: {  	s0 =	sadd.s32 @!p0 $0x100000, s1;
	[bflag:$0x2] =	sbarrier.arrive $0xFFFF  }
0x111: {  	[sflag:s0] =	ssyncadd.tile.s32 @!p0 $0x1;
	_ =	shalt  }
.Lfunc_end2:
_tile_overlayer_lowered:
.L_overlay_start_2:
0x112: {  	(tag) =	ssettag $0x2  }
0x113: {  	s0 =	rddreg [dreg:$0x0];
	s2 =	stileid.u32  }
0x114: {  	s1 =	rddreg [dreg:$0x1];
	p0 =	sne.s32 s2, $0x0  }
0x115: {  	s3 =	rddreg [dreg:$0x2];
	[bflag:$0x3] =	sbarrier.arrive $0xFFFF;
	s2 =	simm.s32 @!p0 $0x1C03  }
0x116: {  	[timem:s3], [sflag:s2] =	dma.local @!p0 [hbm:s0], s1  }
0x117: {  	s0 =	simm.s32 @!p0 $0x3  }
0x118: {  	_ =	swait.ge @!p0 [sflag:s0], s1  }
0x119: {  	s1 =	ssub.s32 @!p0 $0x0, s1;
	[sflag:s0] =	ssyncset.done @!p0 $0x0  }
0x11a: {  	[sflag:s0] =	ssyncadd.s32 @!p0 s1  }
0x11b: {  	[bflag:$0x3] =	sbarrier.arrive $0xFFFF  }
0x11c: {  	_ =	shalt  }

// kernel: kernel.24.cloned.1.call-start
scs
__scs_entry_jumppad:
0x0: {  	(pc) =	sbr.rel $0x88, $3  }
0x1: {  	(tag) =	ssettag $0x0;
	lr =	simm.s32 $0x1  }
0x2: {  	[smem:$0x3F95] =	sst lr;
	_ =	strace $0xD0000000  }
0x3: {  	_ = 	snop  }
0x4: {  	_ = 	snop  }
0x5: {  	_ = 	snop  }
0x6: {  	_ = 	snop  }
0x7: {  	_ = 	snop  }
__scs_overlays_trampoline_lowered:
0x8: {  	[smem:$0x3FA4] =	sst s0  }
0x9: {  	[smem:$0x3FA5] =	sst s1  }
0xa: {  	[smem:$0x3FA6] =	sst s2  }
0xb: {  	[smem:$0x3FA7] =	sst s3  }
0xc: {  	[smem:$0x3FA8] =	sst s4  }
0xd: {  	[smem:$0x3FA9] =	sst s5  }
0xe: {  	[smem:$0x3FAA] =	sst s6  }
0xf: {  	[smem:$0x3FAB] =	sst s7  }
0x10: {  	[smem:$0x3FAC] =	sst s8  }
0x11: {  	[smem:$0x3FAD] =	sst s9;
	s0 =	simm.s32 @!p0 $0x0  }
0x12: {  	s1 =	sld [smem:$0x3F93];
	s0 =	simm.s32 @p0 $0x1  }
0x13: {  	[smem:$0x3FAE] =	sst s0;
	s0 =	simm.s32 @!p1 $0x0  }
0x14: {  	s2 =	sld [smem:$0x3F92];
	s0 =	simm.s32 @p1 $0x1  }
0x15: {  	[smem:$0x3FAF] =	sst s0;
	s0 =	simm.s32 @!p2 $0x0  }
0x16: {  	s3 =	sld [smem:$0x3FDB];
	s0 =	simm.s32 @p2 $0x1  }
0x17: {  	s4 =	simm.s32 $0x1BF5;
	[smem:$0x3FB1] =	sst s0  }
0x18: {  	s0 =	sld [smem:$0x3F94];
	_ =	swait.ge [sflag:s4], $0x0  }
0x19: {  	s7 =	sld [smem:$0x3F95]  }
0x1a: {  	s8 =	sadd.s32 $0xFFFFE003, lr  }
0x1b: {  	s9 =	sadd.s32 $0xFFFFFEF7, lr;
	s5 =	simm.s32 $0xFFFFFFFF;
	p2 =	slt.u32 s8, $0xFFFFF086  }
0x1c: {  	p1 =	slt.u32 s9, $0xF7A;
	s5 =	simm.s32 @!p2 $0x0  }
0x1d: {  	s5 =	simm.s32 @p1 $0x1;
	p0 =	seq.s32 s7, s2  }
0x1e: {  	s7 =	smul.u32 @!p0 $0xF7A, s2;
	p2 =	seq.s32 @!p0 s5, $0x0  }
0x1f: {  	s9 =	smul.u32 $0xF7A, s1;
	s8 =	simm.s32 @!p0 $0x1BF5;
	p2 =	por !p2, p0  }
0x20: {  	[sflag:s8] =	ssyncset.s32 @!p0 $0xFFFFF086;
	s6 =	sadd.s32 @!p0 s3, s7;
	s7 =	simm.s32 @!p0 $0x108  }
0x21: {  	s3 =	sadd.s32 s3, s9;
	s6 =	sadd.s32 @!p0 $0x88, s6;
	s7 =	simm.s32 @p2 $0x1082  }
0x22: {  	[simem:s7], [sflag:s8] =	dma.local @!p0 [hbm:s6], $0xF7A  }
0x23: {  	s9 =	sor.u32 $0xD0000000, s2;
	s6 =	simm.s32 $0x108;
	_ =	swait.ge @!p0 [sflag:s8], $0x0  }
0x24: {  	s3 =	sadd.s32 $0x88, s3;
	s6 =	simm.s32 @!p1 $0x1082;
	[sflag:s4] =	ssyncset.s32 $0xFFFFF086  }
0x25: {  	[simem:s6], [sflag:s4] =	dma.local [hbm:s3], $0xF7A  }
0x26: {  	[smem:$0x3F95] =	sst s1;
	(tag) =	ssettag s2;
	_ =	strace s9  }
0x27: {  	s1 =	sld [smem:$0x3FA5]  }
0x28: {  	s2 =	sld [smem:$0x3FA6]  }
0x29: {  	s4 =	sld [smem:$0x3FA8]  }
0x2a: {  	p0 =	seq.s32 s5, $0x0;
	s5 =	sld [smem:$0x3FA9]  }
0x2b: {  	s6 =	sld [smem:$0x3FAA]  }
0x2c: {  	s7 =	sld [smem:$0x3FAB]  }
0x2d: {  	s3 =	simm.s32 $0x108;
	s8 =	sld [smem:$0x3FAC]  }
0x2e: {  	s3 =	simm.s32 @!p0 $0x1082;
	s9 =	sld [smem:$0x3FAD]  }
0x2f: {  	lr =	sadd.s32 s0, s3;
	s0 =	sld [smem:$0x3FA4]  }
0x30: {  	s3 =	sld [smem:$0x3FA7]  }
0x31: {  	[smem:$0x3FB0] =	sst s10  }
0x32: {  	s10 =	sld [smem:$0x3FAE];
	_ =	sdelay $0x3  }
0x33: {  	p0 =	seq.s32 s10, $0x1;
	s10 =	sld [smem:$0x3FB0];
	_ =	sdelay $0x3  }
0x34: {  	[smem:$0x3FB0] =	sst s10  }
0x35: {  	s10 =	sld [smem:$0x3FAF];
	_ =	sdelay $0x3  }
0x36: {  	p1 =	seq.s32 s10, $0x1;
	s10 =	sld [smem:$0x3FB0];
	_ =	sdelay $0x3  }
0x37: {  	[smem:$0x3FB0] =	sst s10  }
0x38: {  	s10 =	sld [smem:$0x3FB1]  }
0x39: {  	_ = 	snop;
	(pc) =	sbr.ind lr, $3  }
0x3a: {  	_ = 	snop  }
0x3b: {  	_ = 	snop  }
0x3c: {  	p2 =	seq.s32 s10, $0x1;
	s10 =	sld [smem:$0x3FB0]  }
0x3d: {  	_ =	shalt  }
0x3e: {  	_ =	shalt  }
0x3f: {  	_ =	shalt  }
0x40: {  	_ =	shalt  }
0x41: {  	_ =	shalt  }
0x42: {  	_ =	shalt  }
0x43: {  	_ =	shalt  }
0x44: {  	_ =	shalt  }
0x45: {  	_ =	shalt  }
0x46: {  	_ =	shalt  }
0x47: {  	_ =	shalt  }
0x48: {  	_ =	shalt  }
0x49: {  	_ =	shalt  }
0x4a: {  	_ =	shalt  }
0x4b: {  	_ =	shalt  }
0x4c: {  	_ =	shalt  }
0x4d: {  	_ =	shalt  }
0x4e: {  	_ =	shalt  }
0x4f: {  	_ =	shalt  }
0x50: {  	_ =	shalt  }
0x51: {  	_ =	shalt  }
0x52: {  	_ =	shalt  }
0x53: {  	_ =	shalt  }
0x54: {  	_ =	shalt  }
0x55: {  	_ =	shalt  }
0x56: {  	_ =	shalt  }
0x57: {  	_ =	shalt  }
0x58: {  	_ =	shalt  }
0x59: {  	_ =	shalt  }
0x5a: {  	_ =	shalt  }
0x5b: {  	_ =	shalt  }
0x5c: {  	_ =	shalt  }
0x5d: {  	_ =	shalt  }
0x5e: {  	_ =	shalt  }
0x5f: {  	_ =	shalt  }
0x60: {  	_ =	shalt  }
0x61: {  	_ =	shalt  }
0x62: {  	_ =	shalt  }
0x63: {  	_ =	shalt  }
0x64: {  	_ =	shalt  }
0x65: {  	_ =	shalt  }
0x66: {  	_ =	shalt  }
0x67: {  	_ =	shalt  }
0x68: {  	_ =	shalt  }
0x69: {  	_ =	shalt  }
0x6a: {  	_ =	shalt  }
0x6b: {  	_ =	shalt  }
0x6c: {  	_ =	shalt  }
0x6d: {  	_ =	shalt  }
0x6e: {  	_ =	shalt  }
0x6f: {  	_ =	shalt  }
0x70: {  	_ =	shalt  }
0x71: {  	_ =	shalt  }
0x72: {  	_ =	shalt  }
0x73: {  	_ =	shalt  }
0x74: {  	_ =	shalt  }
0x75: {  	_ =	shalt  }
0x76: {  	_ =	shalt  }
0x77: {  	_ =	shalt  }
0x78: {  	_ =	shalt  }
0x79: {  	_ =	shalt  }
0x7a: {  	_ =	shalt  }
0x7b: {  	_ =	shalt  }
0x7c: {  	_ =	shalt  }
0x7d: {  	_ =	shalt  }
0x7e: {  	_ =	shalt  }
0x7f: {  	_ =	shalt  }
0x80: {  	_ =	shalt  }
0x81: {  	_ =	shalt  }
0x82: {  	_ =	shalt  }
0x83: {  	_ =	shalt  }
0x84: {  	_ =	shalt  }
0x85: {  	_ =	shalt  }
0x86: {  	_ =	shalt  }
0x87: {  	_ =	shalt  }
.Lfunc_end0:
.L_simem_size_0:
called_computation.2_lowered:
.L_overlay_start_0:
0x88: {  	s2 =	sld [smem:$0x3FD9]  }
0x89: {  	s3 =	sld [smem:$0x3FFE];
	_ =	sdelay $0x1  }
0x8a: {  	s1 =	srdreg.scid  }
0x8b: {  	s0 =	sand.u32 $0x1, s1  }
0x8c: {  	s16 =	sshll.u32 s0, $0xA;
	s2 =	sadd.s32 s3, s2  }
0x8d: {  	s2 =	sadd.s32 s2, s16  }
0x8e: {  	[smem:$0x3FBC] =	sst s2  }
0x8f: {  	_ = 	snop  }
0x90: {  	(tm) =	ssettm $0x1  }
0x91: {  	s17 =	sld [smem:$0x3FFB];
	_ =	sdelay $0x3  }
0x92: {  	_ =	strace s17  }
0x93: {  	s2 =	sld [smem:$0x3FFC];
	_ =	sdelay $0x3  }
0x94: {  	_ =	strace s2  }
0x95: {  	s2 =	sld [smem:$0x3FFD];
	_ =	sdelay $0x3  }
0x96: {  	_ =	strace s2  }
0x97: {  	_ =	strace $0x8FFFFFFF  }
0x98: {  	s18 =	sld [smem:$0x3FDB];
	_ =	sdelay $0x1  }
0x99: {  	s19 =	simm.s32 $_scs_section_size  }
0x9a: {  	s4 =	simm.s32 $_size__tile_overlayer_lowered;
	s5 =	simm.s32 $_tile_overlayer_lowered  }
0x9b: {  	s22 =	simm.s32 $0x1BFF;
	s21 =	sshll.u32 s5, $0x1;
	s2 =	sadd.s32 s19, s18  }
0x9c: {  	s6 =	simm.s32 $0x0;
	s20 =	sshll.u32 s4, $0x1;
	s4 =	sadd.s32 s21, s2  }
0x9d: {  	[timem:s6], [sflag:s22] =	dma.local [hbm:s4], s20  }
0x9e: {  	_ =	swait.ge [sflag:s22], s20  }
0x9f: {  	s3 =	ssub.s32 $0x0, s20;
	[sflag:s22] =	ssyncset.done $0x0  }
0xa0: {  	[sflag:s22] =	ssyncadd.s32 s3;
	_ =	sdelay $0x1  }
0xa1: {  	s23 =	simm.s32 $0x1B8B  }
0xa2: {  	_ =	swait.ge [sflag:s23], $0x1  }
0xa3: {  	[sflag:s23] =	ssyncset.done $0x0  }
0xa4: {  	s25 =	simm.s32 $0x1B8E;
	s24 =	sld [smem:$0x3FFE];
	[sflag:s23] =	ssyncadd.s32 $0xFFFFFFFF  }
0xa5: {  	s26 =	simm.s32 $execute0_lowered;
	[smem:$0x3FD2] =	sst s25  }
0xa6: {  	s4 =	sshll.u32 s26, $0x1;
	_ =	strace $0x8000004C;
	[dreg:$0x1] =	wrdreg $0xFFFFFFFF  }
0xa7: {  	s28 =	simm.s32 $_size_execute0_lowered;
	s2 =	sadd.s32 s2, s4;
	[dreg:$0x0] =	wrdreg $0x0  }
0xa8: {  	s4 =	sshll.u32 s28, $0x1;
	[dreg:$0x2] =	wrdreg s2  }
0xa9: {  	[dreg:$0x3] =	wrdreg s4  }
0xaa: {  	[dreg:$0x4] =	wrdreg $0xC0  }
0xab: {  	_ =	task [dreg:s6], $0x5FFFF  }
0xac: {  	[dreg:$0x1] =	wrdreg $0xFFFFFFFF  }
0xad: {  	[dreg:$0x0] =	wrdreg $0x60  }
0xae: {  	[dreg:$0x2] =	wrdreg s24  }
0xaf: {  	[dreg:$0x3] =	wrdreg $0x9  }
0xb0: {  	_ =	task.clear_ibuf [dreg:s6], $0x4FFFF;
	_ =	strace $0x9000004C  }
0xb1: {  	s29 =	simm.s32 $0x9;
	_ =	strace $0x8000004E  }
0xb2: {  	_ =	swait.ge [sflag:s29], $0x1  }
0xb3: {  	[sflag:s29] =	ssyncadd.s32 $0xFFFFFFFF  }
0xb4: {  	_ =	strace $0x9000004E  }
0xb5: {  	_ =	sfence  }
0xb6: {  	s30 =	sld [smem:$0x0];
	_ =	sdelay $0x2  }
0xb7: {  	s31 =	sshll.u32 s1, $0xD;
	s1 =	sshrl.u32 s1, $0x2  }
0xb8: {  	s3 =	sand.u32 $0x4000, s31;
	s1 =	sadd.s32 s1, s30  }
0xb9: {  	s0 =	sor.u32 s3, s0;
	s1 =	sshll.u32 s1, $0x11  }
0xba: {  	s0 =	sor.u32 s1, s0  }
0xbb: {  	s0 =	sadd.s32 $0x8F2B, s0  }
0xbc: {  	[sflag:s0] =	ssyncadd.remote.s32 $0x1  }
0xbd: {  	_ =	sfence.sel $0xFFFF  }
0xbe: {  	[dreg:$0x0] =	wrdreg $0xFFFFFFFF;
	(pc) =	sbr.abs _section_cstart, $3  }
0xbf: {  	[dreg:$0x1] =	wrdreg $0xFFFFFFFF  }
0xc0: {  	_ =	task.clear_ibuf [dreg:s6], $0x2FFFF;
	_ =	strace $0x9FFFFFFF  }
0xc1: {  	(tm) =	ssettm $0x7FFFFFFF  }
tec
execute0_lowered:
.L_overlay_start_1:
0x0: {  	(tag) =	ssettag $0x1  }
0x1: {  	s1 =	srdreg.scid;
	s0 =	stileid.u32  }
0x2: {  	s9 =	rddreg [dreg:$0x0];
	s12 =	simm.s32 $0x200;
	s13 =	simm.s32 $0x400  }
0x3: {  	s14 =	simm.s32 $0x3;
	s15 =	simm.s32 $0x14000;
	s16 =	simm.s32 $0x16000  }
0x4: {  	s17 =	simm.s32 $0x18000;
	s18 =	simm.s32 $0x15000;
	s19 =	simm.s32 $0x17000  }
0x5: {  	s20 =	simm.s32 $0x19000;
	s21 =	simm.s32 $0x1;
	s22 =	simm.s32 $0xA000  }
0x6: {  	s23 =	simm.s32 $0x2;
	s24 =	simm.s32 $0x0;
	s4 =	sand.u32 $0x1, s1  }
0x7: {  	s2 =	sshll.u32 s0, $0x2;
	s5 =	sshll.u32 s0, $0x9;
	s1 =	sshll.u32 s4, $0x6  }
0x8: {  	s8 =	sadd.s32 $0x5C00, s9;
	s5 =	sand.u32 $0x200, s5;
	s2 =	sor.u32 s2, s1  }
0x9: {  	s6 =	ssub.s32 $0x2, s4;
	s4 =	sadd.s32 $0x5A00, s9;
	s3 =	sshrl.u32 s2, $0x3  }
0xa: {  	s1 =	rddreg [dreg:$0x1];
	s7 =	sshrl.u32 s6, $0x1;
	s3 =	smul.u32 $0x14000, s3  }
.Ltmp0:
0xb: {  	s2 =	simm.s32 $0x0;
	s11 =	ssub.s32 s6, s7;
	(pc) =	sbr.rel .LBB2_1-.Ltmp0, $4  }
0xc: {  	s7 =	sadd.s32 $0x23C00, s9;
	[smem:$0x7FF] =	sst s2;
	s5 =	sor.u32 s5, s3  }
0xd: {  	s11 =	smax.u32 s11, $0x1;
	_ =	strace $0x8000004D;
	s5 =	sshrl.u32 s5, $0x3  }
0xe: {  	s3 =	sadd.s32 $0x23A00, s9;
	s10 =	sadd.s32 s5, s9;
	s5 =	sadd.s32 $0xFA00, s9  }
0xf: {  	v0 =	vimm.f32 $0.0e+00;
	s9 =	sadd.s32 $0xFC00, s9;
	s6 =	sadd.s32 $0x2DA00, s10;
	s10 =	sadd.s32 $0x55A00, s10  }
.LBB2_10:
0x10: {  	s24 =	sadd.s32 $0x1, s24  }
0x11: {  	p0 =	sne.s32 s24, s11  }
.Ltmp1:
0x12: {  	_ = 	snop;
	(pc) =	sbr.rel @!p0 .LBB2_11-.Ltmp1, $4  }
0x13: {  	[hbm4b:s10+s12] =	stream.strided.scatter [tilespmem:s22], [sflag:$0x3], $0xA000, s13, s12, $0x38;
	[tilespmem:$0x1A000] =	vst v63  }
0x14: {  	_ =	swait.ge [sflag:s14], $0xA000  }
0x15: {  	[sflag:s14] =	ssyncset.done $0x0  }
0x16: {  	[sflag:s14] =	ssyncadd.s32 $0xFFFF6000  }
.LBB2_1:
0x17: {  	[tilespmem:s2], [sflag:$0x3] =	stream.strided.gather [hbm4b:s6+s12], $0xA000, s13, s12, $0x38;
	[tilespmem:$0x1A000] =	vst v63  }
0x18: {  	_ =	swait.ge [sflag:s14], $0xA000  }
0x19: {  	s25 =	sand.u32 $0x70, s2;
	s26 =	sand.u32 $0xFE00, s2;
	[sflag:s14] =	ssyncset.done $0x0  }
0x1a: {  	s28 =	sor.u32 s25, s26;
	[sflag:s14] =	ssyncadd.s32 $0xFFFF6000  }
0x1b: {  	[tilespmem:s28+$0xA180] =	vst v0  }
0x1c: {  	[tilespmem:s28+$0xA000] =	vst v0  }
0x1d: {  	s25 =	simm.s32 $0x10;
	s26 =	simm.s32 $0x0;
	[tilespmem:s28+$0xA080] =	vst v0  }
.LBB2_2:
0x1e: {  	s29 =	sand.u32 $0x70, s25;
	[tilespmem:s28+$0xA100] =	vst v0;
	s26 =	sadd.s32 $0x40, s26;
	p0 =	sne.s32 s25, $0x27F0  }
.Ltmp2:
0x1f: {  	s25 =	sadd.s32 $0x10, s25;
	s28 =	sand.u32 $0xFE00, s26;
	(pc) =	sbr.rel @p0 .LBB2_2-.Ltmp2, $4  }
0x20: {  	s28 =	sor.u32 s29, s28  }
0x21: {  	[tilespmem:s28+$0xA180] =	vst v0  }
0x22: {  	[tilespmem:s28+$0xA000] =	vst v0  }
0x23: {  	[tilespmem:s28+$0xA080] =	vst v0  }
0x24: {  	[tilespmem:s28+$0xA100] =	vst v0;
	s25 =	simm.s32 $0x0  }
0x25: {  	[tilespmem:s15], [sflag:$0x1] =	stream.linear.gather [hbm4b:s3+s25], $0x1000, $0x38;
	[tilespmem:$0x1A000] =	vst v63  }
0x26: {  	_ = 	snop  }
0x27: {  	[tilespmem:s16], [sflag:$0x1] =	stream.linear.gather [hbm4b:s4+s25], $0x1000, $0x38;
	[tilespmem:$0x1A000] =	vst v63  }
0x28: {  	_ = 	snop  }
0x29: {  	[tilespmem:s17], [sflag:$0x1] =	stream.linear.gather [hbm4b:s5+s25], $0x1000, $0x38;
	[tilespmem:$0x1A000] =	vst v63  }
0x2a: {  	_ = 	snop  }
0x2b: {  	[tilespmem:s18], [sflag:$0x2] =	stream.linear.gather [hbm4b:s7+s25], $0x1000, $0x38;
	[tilespmem:$0x1A000] =	vst v63  }
0x2c: {  	_ = 	snop  }
0x2d: {  	[tilespmem:s19], [sflag:$0x2] =	stream.linear.gather [hbm4b:s8+s25], $0x1000, $0x38;
	[tilespmem:$0x1A000] =	vst v63  }
0x2e: {  	_ = 	snop  }
0x2f: {  	[tilespmem:s20], [sflag:$0x2] =	stream.linear.gather [hbm4b:s9+s25], $0x1000, $0x38;
	[tilespmem:$0x1A000] =	vst v63  }
.LBB2_4:
0x30: {  	_ =	swait.ge [sflag:s21], $0x1000  }
0x31: {  	[sflag:s21] =	ssyncset.done $0x0  }
0x32: {  	[sflag:s21] =	ssyncadd.s32 $0xFFFFF000  }
0x33: {  	_ =	swait.ge [sflag:s21], $0x1000  }
0x34: {  	[sflag:s21] =	ssyncset.done $0x0  }
0x35: {  	[sflag:s21] =	ssyncadd.s32 $0xFFFFF000  }
0x36: {  	_ =	swait.ge [sflag:s21], $0x1000  }
0x37: {  	[sflag:s21] =	ssyncset.done $0x0  }
0x38: {  	s28 =	simm.s32 $0x14020;
	[sflag:s21] =	ssyncadd.s32 $0xFFFFF000  }
0x39: {  	v1 =	vld [tilespmem:s28+$0x10];
	_ =	sdelay $0x2  }
0x3a: {  	v2 =	vld [tilespmem:s28+$0xFFFFFFF0]  }
0x3b: {  	v3 =	vld [tilespmem:s28+$0xFFFFFFE0]  }
0x3c: {  	s26 =	simm.s32 $0x16020;
	v4 =	vshll.u32 v1, $0x2  }
0x3d: {  	v6 =	vld [tilespmem:s26+$0x10];
	v1 =	vand.u32 $0x7F, v1;
	v4 =	vand.u32 $0xFFFFFE00, v4  }
0x3e: {  	v7 =	vld [tilespmem:s28+$0x0];
	v5 =	vor.u32 v1, v4  }
0x3f: {  	v1 =	vshll.u32 v2, $0x2  }
0x40: {  	v8 =	vld [tilespmem:s26+$0xFFFFFFE0];
	v2 =	vand.u32 $0x7F, v2;
	v4 =	vshll.u32 v3, $0x2;
	v1 =	vand.u32 $0xFFFFFE00, v1  }
0x41: {  	v10 =	vld [tilespmem:s26+$0xFFFFFFF0];
	s28 =	simm.s32 $0x18020;
	v3 =	vand.u32 $0x7F, v3;
	v9 =	vor.u32 v2, v1;
	v1 =	vand.u32 $0xFFFFFE00, v4  }
0x42: {  	v4 =	vld [tilespmem:s28+$0x10];
	v11 =	vor.u32 v3, v1;
	v1 =	vshll.u32 v6, $0x2  }
0x43: {  	v2 =	vand.u32 $0x7F, v6;
	v6 =	vshll.u32 v7, $0x2;
	v1 =	vand.u32 $0xFFFFFE00, v1;
	v3 =	vld.idx.msk [tilespmem:v5+s2+$0x0], $0xffff  }
0x44: {  	v12 =	vld [tilespmem:s26+$0x0];
	v7 =	vand.u32 $0x7F, v7;
	v15 =	vor.u32 v2, v1;
	v1 =	vand.u32 $0xFFFFFE00, v6  }
0x45: {  	v2 =	vshll.u32 v8, $0x2;
	v16 =	vor.u32 v7, v1;
	v1 =	vld [tilespmem:s28+$0xFFFFFFE0]  }
0x46: {  	v14 =	vor.u32 $0x80, v5;
	v7 =	vand.u32 $0xFFFFFE00, v2;
	v2 =	vld [tilespmem:s28+$0xFFFFFFF0]  }
0x47: {  	v6 =	vld.idx.msk [tilespmem:v11+s2+$0x0], $0xffff  }
0x48: {  	v17 =	vshll.u32 v10, $0x2;
	v8 =	vand.u32 $0x7F, v8;
	v13 =	vld.idx.msk [tilespmem:v9+s2+$0x0], $0xffff;
	v3 =	vmul.f32 v3, v4  }
0x49: {  	v10 =	vand.u32 $0x7F, v10;
	v17 =	vand.u32 $0xFFFFFE00, v17;
	v18 =	vor.u32 v8, v7  }
0x4a: {  	v17 =	vor.u32 v10, v17;
	[tilespmem:v15+s22+$0x0] =	vst.idx.add.f32.msk $0xffff, v3  }
0x4b: {  	v7 =	vor.u32 $0x80, v11;
	v8 =	vld.idx.msk [tilespmem:v14+s2+$0x0], $0xffff  }
0x4c: {  	v10 =	vor.u32 $0x80, v9;
	v3 =	vld [tilespmem:s28+$0x0];
	v6 =	vmul.f32 v6, v1  }
0x4d: {  	v19 =	vshll.u32 v12, $0x2;
	v20 =	vor.u32 $0x80, v15;
	v13 =	vmul.f32 v13, v2;
	v14 =	vld.idx.msk [tilespmem:v16+s2+$0x0], $0xffff  }
0x4e: {  	v12 =	vand.u32 $0x7F, v12;
	v19 =	vand.u32 $0xFFFFFE00, v19;
	[tilespmem:v18+s22+$0x0] =	vst.idx.add.f32.msk $0xffff, v6;
	v6 =	vor.u32 $0x100, v5  }
0x4f: {  	v19 =	vor.u32 v12, v19;
	[tilespmem:v17+s22+$0x0] =	vst.idx.add.f32.msk $0xffff, v13  }
0x50: {  	v12 =	vor.u32 $0x80, v16;
	v7 =	vld.idx.msk [tilespmem:v7+s2+$0x0], $0xffff;
	v8 =	vmul.f32 v8, v4  }
0x51: {  	v10 =	vld.idx.msk [tilespmem:v10+s2+$0x0], $0xffff  }
0x52: {  	v13 =	vor.u32 $0x80, v18;
	v14 =	vmul.f32 v14, v3;
	[tilespmem:v20+s22+$0x0] =	vst.idx.add.f32.msk $0xffff, v8  }
0x53: {  	v8 =	vor.u32 $0x80, v17;
	v6 =	vld.idx.msk [tilespmem:v6+s2+$0x0], $0xffff  }
0x54: {  	v20 =	vor.u32 $0x100, v11;
	[tilespmem:v19+s22+$0x0] =	vst.idx.add.f32.msk $0xffff, v14  }
0x55: {  	v14 =	vor.u32 $0x100, v15;
	v12 =	vld.idx.msk [tilespmem:v12+s2+$0x0], $0xffff;
	v7 =	vmul.f32 v7, v1  }
0x56: {  	v5 =	vor.u32 $0x180, v5;
	v10 =	vmul.f32 v10, v2  }
0x57: {  	v21 =	vor.u32 $0x80, v19;
	[tilespmem:v13+s22+$0x0] =	vst.idx.add.f32.msk $0xffff, v7  }
0x58: {  	v22 =	vor.u32 $0x100, v9;
	[tilespmem:v8+s22+$0x0] =	vst.idx.add.f32.msk $0xffff, v10;
	v6 =	vmul.f32 v6, v4  }
0x59: {  	v23 =	vor.u32 $0x100, v16;
	v20 =	vld.idx.msk [tilespmem:v20+s2+$0x0], $0xffff  }
0x5a: {  	v10 =	vmul.f32 v12, v3;
	[tilespmem:v14+s22+$0x0] =	vst.idx.add.f32.msk $0xffff, v6  }
0x5b: {  	v15 =	vor.u32 $0x180, v15;
	v7 =	vor.u32 $0x180, v11;
	v14 =	vld.idx.msk [tilespmem:v5+s2+$0x0], $0xffff  }
0x5c: {  	v13 =	vor.u32 $0x100, v17;
	v11 =	vor.u32 $0x100, v19;
	v8 =	vor.u32 $0x180, v9;
	[tilespmem:v21+s22+$0x0] =	vst.idx.add.f32.msk $0xffff, v10  }
0x5d: {  	v9 =	vor.u32 $0x180, v18;
	v12 =	vor.u32 $0x100, v18;
	v10 =	vor.u32 $0x180, v16;
	v16 =	vld.idx.msk [tilespmem:v22+s2+$0x0], $0xffff  }
0x5e: {  	s29 =	simm.s32 $0x0;
	s30 =	simm.s32 $0x14060;
	v6 =	vor.u32 $0x180, v19;
	v5 =	vor.u32 $0x180, v17;
	v17 =	vld.idx.msk [tilespmem:v23+s2+$0x0], $0xffff;
	v18 =	vmul.f32 v20, v1  }
.LBB2_5:
0x5f: {  	v19 =	vld [tilespmem:s30+$0x10];
	s29 =	sadd.s32 $0x4, s29  }
0x60: {  	v4 =	vmul.f32 v14, v4;
	v20 =	vld [tilespmem:s30+$0xFFFFFFF0];
	p0 =	slt.u32 s29, $0xFC  }
0x61: {  	v14 =	vld [tilespmem:s30+$0x0]  }
0x62: {  	v16 =	vmul.f32 v16, v2;
	[tilespmem:v15+s22+$0x0] =	vst.idx.add.f32.msk $0xffff, v4  }
0x63: {  	v15 =	vmul.f32 v17, v3;
	v4 =	vld [tilespmem:s30+$0xFFFFFFE0]  }
0x64: {  	v17 =	vshll.u32 v19, $0x2;
	[tilespmem:v12+s22+$0x0] =	vst.idx.add.f32.msk $0xffff, v18  }
0x65: {  	v18 =	vand.u32 $0x7F, v19;
	v12 =	vshll.u32 v20, $0x2;
	v17 =	vand.u32 $0xFFFFFE00, v17;
	[tilespmem:v13+s22+$0x0] =	vst.idx.add.f32.msk $0xffff, v16  }
0x66: {  	s26 =	sadd.s32 $0x40, s26;
	v12 =	vand.u32 $0xFFFFFE00, v12;
	v13 =	vshll.u32 v14, $0x2;
	v16 =	vor.u32 v18, v17;
	[tilespmem:v11+s22+$0x0] =	vst.idx.add.f32.msk $0xffff, v15  }
0x67: {  	v11 =	vand.u32 $0x7F, v20;
	v14 =	vand.u32 $0x7F, v14;
	v13 =	vand.u32 $0xFFFFFE00, v13;
	v15 =	vld [tilespmem:s26+$0x10]  }
0x68: {  	v11 =	vor.u32 v11, v12;
	v17 =	vld [tilespmem:s26+$0xFFFFFFE0];
	v18 =	vand.u32 $0x7F, v4;
	v4 =	vshll.u32 v4, $0x2  }
0x69: {  	v19 =	vor.u32 $0x80, v11;
	v14 =	vor.u32 v14, v13;
	v4 =	vand.u32 $0xFFFFFE00, v4;
	v12 =	vld [tilespmem:s26+$0xFFFFFFF0]  }
0x6a: {  	v21 =	vor.u32 $0x80, v14;
	v13 =	vor.u32 v18, v4;
	v18 =	vor.u32 $0x100, v11;
	v20 =	vld [tilespmem:s26+$0x0]  }
0x6b: {  	s28 =	sadd.s32 $0x40, s28;
	v24 =	vor.u32 $0x100, v14;
	v22 =	vor.u32 $0x80, v13;
	v23 =	vor.u32 $0x100, v13;
	v25 =	vld.idx.msk [tilespmem:v16+s2+$0x0], $0xffff  }
0x6c: {  	v27 =	vor.u32 $0x180, v11;
	v26 =	vor.u32 $0x180, v13;
	v4 =	vld [tilespmem:s28+$0x10];
	v28 =	vshll.u32 v15, $0x2  }
0x6d: {  	v29 =	vshll.u32 v17, $0x2;
	v30 =	vld.idx.msk [tilespmem:v11+s2+$0x0], $0xffff;
	v11 =	vand.u32 $0x7F, v15;
	v15 =	vand.u32 $0xFFFFFE00, v28  }
0x6e: {  	v28 =	vand.u32 $0xFFFFFE00, v29;
	v29 =	vshll.u32 v12, $0x2;
	v31 =	vld.idx.msk [tilespmem:v14+s2+$0x0], $0xffff;
	v15 =	vor.u32 v11, v15  }
0x6f: {  	v32 =	vld.idx.msk [tilespmem:v13+s2+$0x0], $0xffff;
	v11 =	vand.u32 $0xFFFFFE00, v29;
	v13 =	vshll.u32 v20, $0x2;
	v29 =	vor.u32 $0x80, v16  }
0x70: {  	v17 =	vand.u32 $0x7F, v17;
	v12 =	vand.u32 $0x7F, v12;
	v33 =	vld [tilespmem:s28+$0xFFFFFFE0];
	v13 =	vand.u32 $0xFFFFFE00, v13  }
0x71: {  	v17 =	vor.u32 v17, v28;
	v20 =	vand.u32 $0x7F, v20;
	v28 =	vld [tilespmem:s28+$0xFFFFFFF0];
	v25 =	vmul.f32 v25, v4  }
0x72: {  	v34 =	vor.u32 $0x80, v17;
	v35 =	vor.u32 v12, v11;
	v20 =	vor.u32 v20, v13;
	v36 =	vld [tilespmem:s28+$0x0]  }
0x73: {  	v12 =	vor.u32 $0x100, v17;
	v37 =	vor.u32 $0x80, v35;
	v38 =	vor.u32 $0x80, v20;
	[tilespmem:v15+s22+$0x0] =	vst.idx.add.f32.msk $0xffff, v25  }
0x74: {  	v14 =	vor.u32 $0x180, v14;
	v13 =	vor.u32 $0x100, v35;
	v11 =	vor.u32 $0x100, v20;
	v25 =	vld.idx.msk [tilespmem:v29+s2+$0x0], $0xffff  }
0x75: {  	v39 =	vor.u32 $0x180, v35;
	v29 =	vmul.f32 v32, v33;
	v32 =	vor.u32 $0x180, v17;
	v40 =	vld.idx.msk [tilespmem:v7+s2+$0x0], $0xffff;
	v7 =	vmovc v26  }
0x76: {  	v26 =	vmul.f32 v30, v28;
	v30 =	vor.u32 $0x180, v20;
	v41 =	vld.idx.msk [tilespmem:v8+s2+$0x0], $0xffff;
	v8 =	vmov v27  }
0x77: {  	v27 =	vor.u32 $0x80, v15;
	[tilespmem:v17+s22+$0x0] =	vst.idx.add.f32.msk $0xffff, v29;
	v17 =	vmul.f32 v31, v36  }
0x78: {  	[tilespmem:v35+s22+$0x0] =	vst.idx.add.f32.msk $0xffff, v26;
	v26 =	vor.u32 $0x100, v16  }
0x79: {  	[tilespmem:v20+s22+$0x0] =	vst.idx.add.f32.msk $0xffff, v17  }
0x7a: {  	v20 =	vmul.f32 v25, v4;
	v17 =	vld.idx.msk [tilespmem:v22+s2+$0x0], $0xffff  }
0x7b: {  	v22 =	vmul.f32 v40, v1;
	v1 =	vmov v33;
	v19 =	vld.idx.msk [tilespmem:v19+s2+$0x0], $0xffff  }
0x7c: {  	[tilespmem:v27+s22+$0x0] =	vst.idx.add.f32.msk $0xffff, v20;
	v20 =	vmul.f32 v41, v2;
	v2 =	vmov v28  }
0x7d: {  	v25 =	vld.idx.msk [tilespmem:v26+s2+$0x0], $0xffff  }
0x7e: {  	v21 =	vld.idx.msk [tilespmem:v21+s2+$0x0], $0xffff  }
0x7f: {  	v26 =	vld.idx.msk [tilespmem:v10+s2+$0x0], $0xffff;
	v10 =	vmov v14  }
0x80: {  	v14 =	vmul.f32 v17, v1;
	v17 =	vor.u32 $0x100, v15;
	[tilespmem:v9+s22+$0x0] =	vst.idx.add.f32.msk $0xffff, v22;
	v9 =	vmov v32  }
0x81: {  	v16 =	vor.u32 $0x180, v16;
	v19 =	vmul.f32 v19, v2;
	[tilespmem:v5+s22+$0x0] =	vst.idx.add.f32.msk $0xffff, v20;
	v5 =	vmov v39  }
0x82: {  	[tilespmem:v34+s22+$0x0] =	vst.idx.add.f32.msk $0xffff, v14  }
0x83: {  	v14 =	vmul.f32 v25, v4;
	[tilespmem:v37+s22+$0x0] =	vst.idx.add.f32.msk $0xffff, v19  }
0x84: {  	v20 =	vmul.f32 v21, v36;
	v19 =	vld.idx.msk [tilespmem:v23+s2+$0x0], $0xffff  }
0x85: {  	v21 =	vmul.f32 v26, v3;
	v3 =	vmov v36;
	[tilespmem:v17+s22+$0x0] =	vst.idx.add.f32.msk $0xffff, v14  }
.Ltmp3:
0x86: {  	v14 =	vld.idx.msk [tilespmem:v16+s2+$0x0], $0xffff;
	(pc) =	sbr.rel @p0 .LBB2_5-.Ltmp3, $4  }
0x87: {  	[tilespmem:v38+s22+$0x0] =	vst.idx.add.f32.msk $0xffff, v20  }
0x88: {  	v16 =	vld.idx.msk [tilespmem:v18+s2+$0x0], $0xffff  }
0x89: {  	v15 =	vor.u32 $0x180, v15;
	v17 =	vld.idx.msk [tilespmem:v24+s2+$0x0], $0xffff  }
0x8a: {  	s30 =	sadd.s32 $0x40, s30;
	v18 =	vmul.f32 v19, v1;
	[tilespmem:v6+s22+$0x0] =	vst.idx.add.f32.msk $0xffff, v21;
	v6 =	vmov v30  }
0x8b: {  	_ =	sdelay $0x3  }
0x8c: {  	[tilespmem:v12+s22+$0x0] =	vst.idx.add.f32.msk $0xffff, v18;
	v16 =	vmul.f32 v16, v2  }
0x8d: {  	v7 =	vld.idx.msk [tilespmem:v7+s2+$0x0], $0xffff;
	v17 =	vmul.f32 v17, v3  }
0x8e: {  	[tilespmem:v13+s22+$0x0] =	vst.idx.add.f32.msk $0xffff, v16  }
0x8f: {  	[tilespmem:v11+s22+$0x0] =	vst.idx.add.f32.msk $0xffff, v17  }
0x90: {  	v8 =	vld.idx.msk [tilespmem:v8+s2+$0x0], $0xffff  }
0x91: {  	v10 =	vld.idx.msk [tilespmem:v10+s2+$0x0], $0xffff;
	_ =	sdelay $0x1  }
0x92: {  	v4 =	vmul.f32 v14, v4  }
0x93: {  	v1 =	vmul.f32 v7, v1  }
0x94: {  	[tilespmem:v15+s22+$0x0] =	vst.idx.add.f32.msk $0xffff, v4;
	v2 =	vmul.f32 v8, v2  }
0x95: {  	s26 =	sshll.u32 s25, $0xA;
	p0 =	seq.s32 s25, $0x27;
	[tilespmem:v9+s22+$0x0] =	vst.idx.add.f32.msk $0xffff, v1;
	v1 =	vmul.f32 v10, v3  }
0x96: {  	s28 =	sadd.s32 @!p0 $0x400, s26;
	[tilespmem:v5+s22+$0x0] =	vst.idx.add.f32.msk $0xffff, v2  }
0x97: {  	s30 =	simm.s32 @!p0 $0x0;
	s31 =	simm.s32 @!p0 $0x14000;
	s29 =	sadd.s32 @!p0 s3, s28;
	[tilespmem:v6+s22+$0x0] =	vst.idx.add.f32.msk $0xffff, v1  }
0x98: {  	[tilespmem:s31], [sflag:$0x1] =	stream.linear.gather @!p0 [hbm4b:s29+s30], $0x1000, $0x38;
	[tilespmem:$0x1A000] =	vst v63  }
0x99: {  	s29 =	sadd.s32 @!p0 s4, s28;
	s31 =	simm.s32 @!p0 $0x16000  }
0x9a: {  	[tilespmem:s31], [sflag:$0x1] =	stream.linear.gather @!p0 [hbm4b:s29+s30], $0x1000, $0x38;
	[tilespmem:$0x1A000] =	vst v63  }
0x9b: {  	s28 =	sadd.s32 @!p0 s5, s28;
	s29 =	simm.s32 @!p0 $0x18000  }
0x9c: {  	[tilespmem:s29], [sflag:$0x1] =	stream.linear.gather @!p0 [hbm4b:s28+s30], $0x1000, $0x38;
	[tilespmem:$0x1A000] =	vst v63  }
0x9d: {  	_ =	swait.ge [sflag:s23], $0x1000  }
0x9e: {  	[sflag:s23] =	ssyncset.done $0x0  }
0x9f: {  	[sflag:s23] =	ssyncadd.s32 $0xFFFFF000  }
0xa0: {  	_ =	swait.ge [sflag:s23], $0x1000  }
0xa1: {  	[sflag:s23] =	ssyncset.done $0x0  }
0xa2: {  	[sflag:s23] =	ssyncadd.s32 $0xFFFFF000  }
0xa3: {  	_ =	swait.ge [sflag:s23], $0x1000  }
0xa4: {  	[sflag:s23] =	ssyncset.done $0x0  }
0xa5: {  	s29 =	simm.s32 $0x15020;
	[sflag:s23] =	ssyncadd.s32 $0xFFFFF000  }
0xa6: {  	v1 =	vld [tilespmem:s29+$0x10];
	_ =	sdelay $0x2  }
0xa7: {  	v2 =	vld [tilespmem:s29+$0xFFFFFFF0]  }
0xa8: {  	v3 =	vld [tilespmem:s29+$0xFFFFFFE0]  }
0xa9: {  	s28 =	simm.s32 $0x17020;
	v4 =	vshll.u32 v1, $0x2  }
0xaa: {  	v6 =	vld [tilespmem:s28+$0x10];
	v1 =	vand.u32 $0x7F, v1;
	v4 =	vand.u32 $0xFFFFFE00, v4  }
0xab: {  	v7 =	vld [tilespmem:s29+$0x0];
	v5 =	vor.u32 v1, v4  }
0xac: {  	v1 =	vshll.u32 v2, $0x2  }
0xad: {  	v8 =	vld [tilespmem:s28+$0xFFFFFFE0];
	v2 =	vand.u32 $0x7F, v2;
	v4 =	vshll.u32 v3, $0x2;
	v1 =	vand.u32 $0xFFFFFE00, v1  }
0xae: {  	v10 =	vld [tilespmem:s28+$0xFFFFFFF0];
	s29 =	simm.s32 $0x19020;
	v3 =	vand.u32 $0x7F, v3;
	v9 =	vor.u32 v2, v1;
	v1 =	vand.u32 $0xFFFFFE00, v4  }
0xaf: {  	v4 =	vld [tilespmem:s29+$0x10];
	v11 =	vor.u32 v3, v1;
	v1 =	vshll.u32 v6, $0x2  }
0xb0: {  	v2 =	vand.u32 $0x7F, v6;
	v6 =	vshll.u32 v7, $0x2;
	v1 =	vand.u32 $0xFFFFFE00, v1;
	v3 =	vld.idx.msk [tilespmem:v5+s2+$0x0], $0xffff  }
0xb1: {  	v12 =	vld [tilespmem:s28+$0x0];
	v7 =	vand.u32 $0x7F, v7;
	v15 =	vor.u32 v2, v1;
	v1 =	vand.u32 $0xFFFFFE00, v6  }
0xb2: {  	v2 =	vshll.u32 v8, $0x2;
	v7 =	vor.u32 v7, v1;
	v1 =	vld [tilespmem:s29+$0xFFFFFFE0]  }
0xb3: {  	v14 =	vor.u32 $0x80, v5;
	v16 =	vand.u32 $0xFFFFFE00, v2;
	v2 =	vld [tilespmem:s29+$0xFFFFFFF0]  }
0xb4: {  	v6 =	vld.idx.msk [tilespmem:v11+s2+$0x0], $0xffff  }
0xb5: {  	v17 =	vshll.u32 v10, $0x2;
	v8 =	vand.u32 $0x7F, v8;
	v13 =	vld.idx.msk [tilespmem:v9+s2+$0x0], $0xffff;
	v3 =	vmul.f32 v3, v4  }
0xb6: {  	v10 =	vand.u32 $0x7F, v10;
	v17 =	vand.u32 $0xFFFFFE00, v17;
	v8 =	vor.u32 v8, v16  }
0xb7: {  	v16 =	vor.u32 v10, v17;
	[tilespmem:v15+s22+$0x0] =	vst.idx.add.f32.msk $0xffff, v3  }
0xb8: {  	v10 =	vor.u32 $0x80, v11;
	v14 =	vld.idx.msk [tilespmem:v14+s2+$0x0], $0xffff  }
0xb9: {  	v17 =	vor.u32 $0x80, v9;
	v18 =	vld.idx.msk [tilespmem:v7+s2+$0x0], $0xffff;
	v6 =	vmul.f32 v6, v1  }
0xba: {  	v19 =	vshll.u32 v12, $0x2;
	v20 =	vor.u32 $0x80, v15;
	v3 =	vld [tilespmem:s29+$0x0];
	v13 =	vmul.f32 v13, v2  }
0xbb: {  	v12 =	vand.u32 $0x7F, v12;
	v19 =	vand.u32 $0xFFFFFE00, v19;
	[tilespmem:v8+s22+$0x0] =	vst.idx.add.f32.msk $0xffff, v6;
	v6 =	vor.u32 $0x100, v5  }
0xbc: {  	v19 =	vor.u32 v12, v19;
	[tilespmem:v16+s22+$0x0] =	vst.idx.add.f32.msk $0xffff, v13  }
0xbd: {  	v12 =	vor.u32 $0x80, v7;
	v10 =	vld.idx.msk [tilespmem:v10+s2+$0x0], $0xffff;
	v13 =	vmul.f32 v14, v4  }
0xbe: {  	v14 =	vld.idx.msk [tilespmem:v17+s2+$0x0], $0xffff  }
0xbf: {  	v18 =	vmul.f32 v18, v3;
	v17 =	vor.u32 $0x80, v8;
	[tilespmem:v20+s22+$0x0] =	vst.idx.add.f32.msk $0xffff, v13  }
0xc0: {  	v13 =	vor.u32 $0x80, v16;
	v6 =	vld.idx.msk [tilespmem:v6+s2+$0x0], $0xffff  }
0xc1: {  	[tilespmem:v19+s22+$0x0] =	vst.idx.add.f32.msk $0xffff, v18;
	v20 =	vor.u32 $0x100, v11  }
0xc2: {  	v18 =	vor.u32 $0x100, v15;
	v12 =	vld.idx.msk [tilespmem:v12+s2+$0x0], $0xffff;
	v10 =	vmul.f32 v10, v1  }
0xc3: {  	v21 =	vor.u32 $0x180, v5;
	v14 =	vmul.f32 v14, v2  }
0xc4: {  	v22 =	vor.u32 $0x80, v19;
	[tilespmem:v17+s22+$0x0] =	vst.idx.add.f32.msk $0xffff, v10  }
0xc5: {  	v17 =	vor.u32 $0x100, v9;
	[tilespmem:v13+s22+$0x0] =	vst.idx.add.f32.msk $0xffff, v14;
	v5 =	vmul.f32 v6, v4  }
0xc6: {  	v23 =	vor.u32 $0x100, v7;
	v20 =	vld.idx.msk [tilespmem:v20+s2+$0x0], $0xffff  }
0xc7: {  	v10 =	vmul.f32 v12, v3;
	[tilespmem:v18+s22+$0x0] =	vst.idx.add.f32.msk $0xffff, v5  }
0xc8: {  	v15 =	vor.u32 $0x180, v15;
	v12 =	vor.u32 $0x100, v8;
	v14 =	vld.idx.msk [tilespmem:v21+s2+$0x0], $0xffff  }
0xc9: {  	v13 =	vor.u32 $0x100, v16;
	v8 =	vor.u32 $0x180, v8;
	v6 =	vor.u32 $0x180, v9;
	[tilespmem:v22+s22+$0x0] =	vst.idx.add.f32.msk $0xffff, v10  }
0xca: {  	v9 =	vor.u32 $0x180, v19;
	v10 =	vor.u32 $0x180, v7;
	v7 =	vor.u32 $0x180, v16;
	v16 =	vld.idx.msk [tilespmem:v17+s2+$0x0], $0xffff  }
0xcb: {  	s31 =	simm.s32 $0x15060;
	s30 =	simm.s32 $0x0;
	v5 =	vor.u32 $0x180, v11;
	v11 =	vor.u32 $0x100, v19;
	v17 =	vld.idx.msk [tilespmem:v23+s2+$0x0], $0xffff;
	v18 =	vmul.f32 v20, v1  }
.LBB2_7:
0xcc: {  	v19 =	vld [tilespmem:s31+$0x10];
	s30 =	sadd.s32 $0x4, s30  }
0xcd: {  	v4 =	vmul.f32 v14, v4;
	v20 =	vld [tilespmem:s31+$0xFFFFFFF0];
	p1 =	slt.u32 s30, $0xFC  }
0xce: {  	v14 =	vld [tilespmem:s31+$0x0]  }
0xcf: {  	v16 =	vmul.f32 v16, v2;
	[tilespmem:v15+s22+$0x0] =	vst.idx.add.f32.msk $0xffff, v4  }
0xd0: {  	v15 =	vmul.f32 v17, v3;
	v4 =	vld [tilespmem:s31+$0xFFFFFFE0]  }
0xd1: {  	v17 =	vshll.u32 v19, $0x2;
	[tilespmem:v12+s22+$0x0] =	vst.idx.add.f32.msk $0xffff, v18  }
0xd2: {  	v18 =	vand.u32 $0x7F, v19;
	v12 =	vshll.u32 v20, $0x2;
	v17 =	vand.u32 $0xFFFFFE00, v17;
	[tilespmem:v13+s22+$0x0] =	vst.idx.add.f32.msk $0xffff, v16  }
0xd3: {  	s28 =	sadd.s32 $0x40, s28;
	v12 =	vand.u32 $0xFFFFFE00, v12;
	v13 =	vshll.u32 v14, $0x2;
	v16 =	vor.u32 v18, v17;
	[tilespmem:v11+s22+$0x0] =	vst.idx.add.f32.msk $0xffff, v15  }
0xd4: {  	v11 =	vand.u32 $0x7F, v20;
	v14 =	vand.u32 $0x7F, v14;
	v13 =	vand.u32 $0xFFFFFE00, v13;
	v15 =	vld [tilespmem:s28+$0x10]  }
0xd5: {  	v11 =	vor.u32 v11, v12;
	v17 =	vld [tilespmem:s28+$0xFFFFFFE0];
	v18 =	vand.u32 $0x7F, v4;
	v4 =	vshll.u32 v4, $0x2  }
0xd6: {  	v19 =	vor.u32 $0x80, v11;
	v14 =	vor.u32 v14, v13;
	v4 =	vand.u32 $0xFFFFFE00, v4;
	v12 =	vld [tilespmem:s28+$0xFFFFFFF0]  }
0xd7: {  	v21 =	vor.u32 $0x80, v14;
	v13 =	vor.u32 v18, v4;
	v18 =	vor.u32 $0x100, v11;
	v20 =	vld [tilespmem:s28+$0x0]  }
0xd8: {  	s29 =	sadd.s32 $0x40, s29;
	v24 =	vor.u32 $0x100, v14;
	v22 =	vor.u32 $0x80, v13;
	v23 =	vor.u32 $0x100, v13;
	v25 =	vld.idx.msk [tilespmem:v16+s2+$0x0], $0xffff  }
0xd9: {  	v27 =	vor.u32 $0x180, v11;
	v26 =	vor.u32 $0x180, v13;
	v4 =	vld [tilespmem:s29+$0x10];
	v28 =	vshll.u32 v15, $0x2  }
0xda: {  	v29 =	vshll.u32 v17, $0x2;
	v30 =	vld.idx.msk [tilespmem:v11+s2+$0x0], $0xffff;
	v11 =	vand.u32 $0x7F, v15;
	v15 =	vand.u32 $0xFFFFFE00, v28  }
0xdb: {  	v28 =	vand.u32 $0xFFFFFE00, v29;
	v29 =	vshll.u32 v12, $0x2;
	v31 =	vld.idx.msk [tilespmem:v14+s2+$0x0], $0xffff;
	v15 =	vor.u32 v11, v15  }
0xdc: {  	v32 =	vld.idx.msk [tilespmem:v13+s2+$0x0], $0xffff;
	v11 =	vand.u32 $0xFFFFFE00, v29;
	v13 =	vshll.u32 v20, $0x2;
	v29 =	vor.u32 $0x80, v16  }
0xdd: {  	v17 =	vand.u32 $0x7F, v17;
	v12 =	vand.u32 $0x7F, v12;
	v33 =	vld [tilespmem:s29+$0xFFFFFFE0];
	v13 =	vand.u32 $0xFFFFFE00, v13  }
0xde: {  	v17 =	vor.u32 v17, v28;
	v20 =	vand.u32 $0x7F, v20;
	v28 =	vld [tilespmem:s29+$0xFFFFFFF0];
	v25 =	vmul.f32 v25, v4  }
0xdf: {  	v34 =	vor.u32 $0x80, v17;
	v35 =	vor.u32 v12, v11;
	v20 =	vor.u32 v20, v13;
	v36 =	vld [tilespmem:s29+$0x0]  }
0xe0: {  	v12 =	vor.u32 $0x100, v17;
	v37 =	vor.u32 $0x80, v35;
	v38 =	vor.u32 $0x80, v20;
	[tilespmem:v15+s22+$0x0] =	vst.idx.add.f32.msk $0xffff, v25  }
0xe1: {  	v14 =	vor.u32 $0x180, v14;
	v13 =	vor.u32 $0x100, v35;
	v11 =	vor.u32 $0x100, v20;
	v25 =	vld.idx.msk [tilespmem:v29+s2+$0x0], $0xffff  }
0xe2: {  	v39 =	vor.u32 $0x180, v35;
	v29 =	vmul.f32 v32, v33;
	v32 =	vor.u32 $0x180, v17;
	v40 =	vld.idx.msk [tilespmem:v5+s2+$0x0], $0xffff;
	v5 =	vmovc v26  }
0xe3: {  	v26 =	vmul.f32 v30, v28;
	v30 =	vor.u32 $0x180, v20;
	v41 =	vld.idx.msk [tilespmem:v6+s2+$0x0], $0xffff;
	v6 =	vmov v27  }
0xe4: {  	v27 =	vor.u32 $0x80, v15;
	[tilespmem:v17+s22+$0x0] =	vst.idx.add.f32.msk $0xffff, v29;
	v17 =	vmul.f32 v31, v36  }
0xe5: {  	[tilespmem:v35+s22+$0x0] =	vst.idx.add.f32.msk $0xffff, v26;
	v26 =	vor.u32 $0x100, v16  }
0xe6: {  	[tilespmem:v20+s22+$0x0] =	vst.idx.add.f32.msk $0xffff, v17  }
0xe7: {  	v20 =	vmul.f32 v25, v4;
	v17 =	vld.idx.msk [tilespmem:v22+s2+$0x0], $0xffff  }
0xe8: {  	v22 =	vmul.f32 v40, v1;
	v1 =	vmov v33;
	v19 =	vld.idx.msk [tilespmem:v19+s2+$0x0], $0xffff  }
0xe9: {  	[tilespmem:v27+s22+$0x0] =	vst.idx.add.f32.msk $0xffff, v20;
	v20 =	vmul.f32 v41, v2;
	v2 =	vmov v28  }
0xea: {  	v25 =	vld.idx.msk [tilespmem:v26+s2+$0x0], $0xffff  }
0xeb: {  	v21 =	vld.idx.msk [tilespmem:v21+s2+$0x0], $0xffff  }
0xec: {  	v26 =	vld.idx.msk [tilespmem:v10+s2+$0x0], $0xffff;
	v10 =	vmov v14  }
0xed: {  	v14 =	vmul.f32 v17, v1;
	v17 =	vor.u32 $0x100, v15;
	[tilespmem:v8+s22+$0x0] =	vst.idx.add.f32.msk $0xffff, v22;
	v8 =	vmov v32  }
0xee: {  	v16 =	vor.u32 $0x180, v16;
	v19 =	vmul.f32 v19, v2;
	[tilespmem:v7+s22+$0x0] =	vst.idx.add.f32.msk $0xffff, v20;
	v7 =	vmov v39  }
0xef: {  	[tilespmem:v34+s22+$0x0] =	vst.idx.add.f32.msk $0xffff, v14  }
0xf0: {  	v14 =	vmul.f32 v25, v4;
	[tilespmem:v37+s22+$0x0] =	vst.idx.add.f32.msk $0xffff, v19  }
0xf1: {  	v20 =	vmul.f32 v21, v36;
	v19 =	vld.idx.msk [tilespmem:v23+s2+$0x0], $0xffff  }
0xf2: {  	v21 =	vmul.f32 v26, v3;
	v3 =	vmov v36;
	[tilespmem:v17+s22+$0x0] =	vst.idx.add.f32.msk $0xffff, v14  }
.Ltmp4:
0xf3: {  	v14 =	vld.idx.msk [tilespmem:v16+s2+$0x0], $0xffff;
	(pc) =	sbr.rel @p1 .LBB2_7-.Ltmp4, $4  }
0xf4: {  	[tilespmem:v38+s22+$0x0] =	vst.idx.add.f32.msk $0xffff, v20  }
0xf5: {  	v16 =	vld.idx.msk [tilespmem:v18+s2+$0x0], $0xffff  }
0xf6: {  	v15 =	vor.u32 $0x180, v15;
	v17 =	vld.idx.msk [tilespmem:v24+s2+$0x0], $0xffff  }
0xf7: {  	s31 =	sadd.s32 $0x40, s31;
	v18 =	vmul.f32 v19, v1;
	[tilespmem:v9+s22+$0x0] =	vst.idx.add.f32.msk $0xffff, v21;
	v9 =	vmov v30  }
0xf8: {  	_ =	sdelay $0x3  }
0xf9: {  	[tilespmem:v12+s22+$0x0] =	vst.idx.add.f32.msk $0xffff, v18;
	v16 =	vmul.f32 v16, v2  }
0xfa: {  	v5 =	vld.idx.msk [tilespmem:v5+s2+$0x0], $0xffff;
	v17 =	vmul.f32 v17, v3  }
0xfb: {  	[tilespmem:v13+s22+$0x0] =	vst.idx.add.f32.msk $0xffff, v16  }
0xfc: {  	[tilespmem:v11+s22+$0x0] =	vst.idx.add.f32.msk $0xffff, v17  }
0xfd: {  	v6 =	vld.idx.msk [tilespmem:v6+s2+$0x0], $0xffff  }
0xfe: {  	v10 =	vld.idx.msk [tilespmem:v10+s2+$0x0], $0xffff;
	_ =	sdelay $0x1  }
0xff: {  	v4 =	vmul.f32 v14, v4  }
.Ltmp5:
0x100: {  	v1 =	vmul.f32 v5, v1;
	(pc) =	sbr.rel @p0 .LBB2_10-.Ltmp5, $4  }
0x101: {  	[tilespmem:v15+s22+$0x0] =	vst.idx.add.f32.msk $0xffff, v4;
	v2 =	vmul.f32 v6, v2  }
0x102: {  	[tilespmem:v8+s22+$0x0] =	vst.idx.add.f32.msk $0xffff, v1;
	v1 =	vmul.f32 v10, v3  }
0x103: {  	[tilespmem:v7+s22+$0x0] =	vst.idx.add.f32.msk $0xffff, v2  }
0x104: {  	[tilespmem:v9+s22+$0x0] =	vst.idx.add.f32.msk $0xffff, v1  }
0x105: {  	s26 =	sadd.s32 $0x600, s26  }
0x106: {  	s28 =	sadd.s32 s3, s26  }
0x107: {  	[tilespmem:s18], [sflag:$0x2] =	stream.linear.gather [hbm4b:s28+s2], $0x1000, $0x38;
	[tilespmem:$0x1A000] =	vst v63  }
.Ltmp6:
0x108: {  	_ = 	snop;
	(pc) =	sbr.rel .LBB2_4-.Ltmp6, $4  }
0x109: {  	s31 =	sadd.s32 s4, s26  }
0x10a: {  	[tilespmem:s19], [sflag:$0x2] =	stream.linear.gather [hbm4b:s31+s2], $0x1000, $0x38;
	[tilespmem:$0x1A000] =	vst v63  }
0x10b: {  	s25 =	sadd.s32 $0x1, s25;
	s26 =	sadd.s32 s5, s26  }
0x10c: {  	[tilespmem:s20], [sflag:$0x2] =	stream.linear.gather [hbm4b:s26+s2], $0x1000, $0x38;
	[tilespmem:$0x1A000] =	vst v63  }
.LBB2_11:
0x10d: {  	_ =	sfence.sel $0x180000  }
0x10e: {  	[bflag:$0x0] =	sbarrier.arrive $0xFFFF  }
0x10f: {  	p0 =	sne.s32 s0, $0x0;
	_ =	strace $0x9000004D  }
0x110: {  	s0 =	sadd.s32 @!p0 $0x100000, s1;
	[bflag:$0x2] =	sbarrier.arrive $0xFFFF  }
0x111: {  	[sflag:s0] =	ssyncadd.tile.s32 @!p0 $0x1;
	_ =	shalt  }
.Lfunc_end2:
_tile_overlayer_lowered:
.L_overlay_start_2:
0x112: {  	(tag) =	ssettag $0x2  }
0x113: {  	s0 =	rddreg [dreg:$0x0];
	s2 =	stileid.u32  }
0x114: {  	s1 =	rddreg [dreg:$0x1];
	p0 =	sne.s32 s2, $0x0  }
0x115: {  	s3 =	rddreg [dreg:$0x2];
	[bflag:$0x3] =	sbarrier.arrive $0xFFFF;
	s2 =	simm.s32 @!p0 $0x1C03  }
0x116: {  	[timem:s3], [sflag:s2] =	dma.local @!p0 [hbm:s0], s1  }
0x117: {  	s0 =	simm.s32 @!p0 $0x3  }
0x118: {  	_ =	swait.ge @!p0 [sflag:s0], s1  }
0x119: {  	s1 =	ssub.s32 @!p0 $0x0, s1;
	[sflag:s0] =	ssyncset.done @!p0 $0x0  }
0x11a: {  	[sflag:s0] =	ssyncadd.s32 @!p0 s1  }
0x11b: {  	[bflag:$0x3] =	sbarrier.arrive $0xFFFF  }
0x11c: {  	_ =	shalt  }

// kernel: kernel.27.cloned.1.call-start
scs
__scs_entry_jumppad:
0x0: {  	(pc) =	sbr.rel $0x88, $3  }
0x1: {  	(tag) =	ssettag $0x0;
	lr =	simm.s32 $0x1  }
0x2: {  	[smem:$0x3F95] =	sst lr;
	_ =	strace $0xD0000000  }
0x3: {  	_ = 	snop  }
0x4: {  	_ = 	snop  }
0x5: {  	_ = 	snop  }
0x6: {  	_ = 	snop  }
0x7: {  	_ = 	snop  }
__scs_overlays_trampoline_lowered:
0x8: {  	[smem:$0x3FA4] =	sst s0  }
0x9: {  	[smem:$0x3FA5] =	sst s1  }
0xa: {  	[smem:$0x3FA6] =	sst s2  }
0xb: {  	[smem:$0x3FA7] =	sst s3  }
0xc: {  	[smem:$0x3FA8] =	sst s4  }
0xd: {  	[smem:$0x3FA9] =	sst s5  }
0xe: {  	[smem:$0x3FAA] =	sst s6  }
0xf: {  	[smem:$0x3FAB] =	sst s7  }
0x10: {  	[smem:$0x3FAC] =	sst s8  }
0x11: {  	[smem:$0x3FAD] =	sst s9;
	s0 =	simm.s32 @!p0 $0x0  }
0x12: {  	s1 =	sld [smem:$0x3F93];
	s0 =	simm.s32 @p0 $0x1  }
0x13: {  	[smem:$0x3FAE] =	sst s0;
	s0 =	simm.s32 @!p1 $0x0  }
0x14: {  	s2 =	sld [smem:$0x3F92];
	s0 =	simm.s32 @p1 $0x1  }
0x15: {  	[smem:$0x3FAF] =	sst s0;
	s0 =	simm.s32 @!p2 $0x0  }
0x16: {  	s3 =	sld [smem:$0x3FDB];
	s0 =	simm.s32 @p2 $0x1  }
0x17: {  	s4 =	simm.s32 $0x1BF5;
	[smem:$0x3FB1] =	sst s0  }
0x18: {  	s0 =	sld [smem:$0x3F94];
	_ =	swait.ge [sflag:s4], $0x0  }
0x19: {  	s7 =	sld [smem:$0x3F95]  }
0x1a: {  	s8 =	sadd.s32 $0xFFFFE003, lr  }
0x1b: {  	s9 =	sadd.s32 $0xFFFFFEF7, lr;
	s5 =	simm.s32 $0xFFFFFFFF;
	p2 =	slt.u32 s8, $0xFFFFF086  }
0x1c: {  	p1 =	slt.u32 s9, $0xF7A;
	s5 =	simm.s32 @!p2 $0x0  }
0x1d: {  	s5 =	simm.s32 @p1 $0x1;
	p0 =	seq.s32 s7, s2  }
0x1e: {  	s7 =	smul.u32 @!p0 $0xF7A, s2;
	p2 =	seq.s32 @!p0 s5, $0x0  }
0x1f: {  	s9 =	smul.u32 $0xF7A, s1;
	s8 =	simm.s32 @!p0 $0x1BF5;
	p2 =	por !p2, p0  }
0x20: {  	[sflag:s8] =	ssyncset.s32 @!p0 $0xFFFFF086;
	s6 =	sadd.s32 @!p0 s3, s7;
	s7 =	simm.s32 @!p0 $0x108  }
0x21: {  	s3 =	sadd.s32 s3, s9;
	s6 =	sadd.s32 @!p0 $0x88, s6;
	s7 =	simm.s32 @p2 $0x1082  }
0x22: {  	[simem:s7], [sflag:s8] =	dma.local @!p0 [hbm:s6], $0xF7A  }
0x23: {  	s9 =	sor.u32 $0xD0000000, s2;
	s6 =	simm.s32 $0x108;
	_ =	swait.ge @!p0 [sflag:s8], $0x0  }
0x24: {  	s3 =	sadd.s32 $0x88, s3;
	s6 =	simm.s32 @!p1 $0x1082;
	[sflag:s4] =	ssyncset.s32 $0xFFFFF086  }
0x25: {  	[simem:s6], [sflag:s4] =	dma.local [hbm:s3], $0xF7A  }
0x26: {  	[smem:$0x3F95] =	sst s1;
	(tag) =	ssettag s2;
	_ =	strace s9  }
0x27: {  	s1 =	sld [smem:$0x3FA5]  }
0x28: {  	s2 =	sld [smem:$0x3FA6]  }
0x29: {  	s4 =	sld [smem:$0x3FA8]  }
0x2a: {  	p0 =	seq.s32 s5, $0x0;
	s5 =	sld [smem:$0x3FA9]  }
0x2b: {  	s6 =	sld [smem:$0x3FAA]  }
0x2c: {  	s7 =	sld [smem:$0x3FAB]  }
0x2d: {  	s3 =	simm.s32 $0x108;
	s8 =	sld [smem:$0x3FAC]  }
0x2e: {  	s3 =	simm.s32 @!p0 $0x1082;
	s9 =	sld [smem:$0x3FAD]  }
0x2f: {  	lr =	sadd.s32 s0, s3;
	s0 =	sld [smem:$0x3FA4]  }
0x30: {  	s3 =	sld [smem:$0x3FA7]  }
0x31: {  	[smem:$0x3FB0] =	sst s10  }
0x32: {  	s10 =	sld [smem:$0x3FAE];
	_ =	sdelay $0x3  }
0x33: {  	p0 =	seq.s32 s10, $0x1;
	s10 =	sld [smem:$0x3FB0];
	_ =	sdelay $0x3  }
0x34: {  	[smem:$0x3FB0] =	sst s10  }
0x35: {  	s10 =	sld [smem:$0x3FAF];
	_ =	sdelay $0x3  }
0x36: {  	p1 =	seq.s32 s10, $0x1;
	s10 =	sld [smem:$0x3FB0];
	_ =	sdelay $0x3  }
0x37: {  	[smem:$0x3FB0] =	sst s10  }
0x38: {  	s10 =	sld [smem:$0x3FB1]  }
0x39: {  	_ = 	snop;
	(pc) =	sbr.ind lr, $3  }
0x3a: {  	_ = 	snop  }
0x3b: {  	_ = 	snop  }
0x3c: {  	p2 =	seq.s32 s10, $0x1;
	s10 =	sld [smem:$0x3FB0]  }
0x3d: {  	_ =	shalt  }
0x3e: {  	_ =	shalt  }
0x3f: {  	_ =	shalt  }
0x40: {  	_ =	shalt  }
0x41: {  	_ =	shalt  }
0x42: {  	_ =	shalt  }
0x43: {  	_ =	shalt  }
0x44: {  	_ =	shalt  }
0x45: {  	_ =	shalt  }
0x46: {  	_ =	shalt  }
0x47: {  	_ =	shalt  }
0x48: {  	_ =	shalt  }
0x49: {  	_ =	shalt  }
0x4a: {  	_ =	shalt  }
0x4b: {  	_ =	shalt  }
0x4c: {  	_ =	shalt  }
0x4d: {  	_ =	shalt  }
0x4e: {  	_ =	shalt  }
0x4f: {  	_ =	shalt  }
0x50: {  	_ =	shalt  }
0x51: {  	_ =	shalt  }
0x52: {  	_ =	shalt  }
0x53: {  	_ =	shalt  }
0x54: {  	_ =	shalt  }
0x55: {  	_ =	shalt  }
0x56: {  	_ =	shalt  }
0x57: {  	_ =	shalt  }
0x58: {  	_ =	shalt  }
0x59: {  	_ =	shalt  }
0x5a: {  	_ =	shalt  }
0x5b: {  	_ =	shalt  }
0x5c: {  	_ =	shalt  }
0x5d: {  	_ =	shalt  }
0x5e: {  	_ =	shalt  }
0x5f: {  	_ =	shalt  }
0x60: {  	_ =	shalt  }
0x61: {  	_ =	shalt  }
0x62: {  	_ =	shalt  }
0x63: {  	_ =	shalt  }
0x64: {  	_ =	shalt  }
0x65: {  	_ =	shalt  }
0x66: {  	_ =	shalt  }
0x67: {  	_ =	shalt  }
0x68: {  	_ =	shalt  }
0x69: {  	_ =	shalt  }
0x6a: {  	_ =	shalt  }
0x6b: {  	_ =	shalt  }
0x6c: {  	_ =	shalt  }
0x6d: {  	_ =	shalt  }
0x6e: {  	_ =	shalt  }
0x6f: {  	_ =	shalt  }
0x70: {  	_ =	shalt  }
0x71: {  	_ =	shalt  }
0x72: {  	_ =	shalt  }
0x73: {  	_ =	shalt  }
0x74: {  	_ =	shalt  }
0x75: {  	_ =	shalt  }
0x76: {  	_ =	shalt  }
0x77: {  	_ =	shalt  }
0x78: {  	_ =	shalt  }
0x79: {  	_ =	shalt  }
0x7a: {  	_ =	shalt  }
0x7b: {  	_ =	shalt  }
0x7c: {  	_ =	shalt  }
0x7d: {  	_ =	shalt  }
0x7e: {  	_ =	shalt  }
0x7f: {  	_ =	shalt  }
0x80: {  	_ =	shalt  }
0x81: {  	_ =	shalt  }
0x82: {  	_ =	shalt  }
0x83: {  	_ =	shalt  }
0x84: {  	_ =	shalt  }
0x85: {  	_ =	shalt  }
0x86: {  	_ =	shalt  }
0x87: {  	_ =	shalt  }
.Lfunc_end0:
.L_simem_size_0:
called_computation.3_lowered:
.L_overlay_start_0:
0x88: {  	s2 =	sld [smem:$0x3FD9]  }
0x89: {  	s3 =	sld [smem:$0x3FFE];
	_ =	sdelay $0x1  }
0x8a: {  	s1 =	srdreg.scid  }
0x8b: {  	s0 =	sand.u32 $0x1, s1  }
0x8c: {  	s16 =	sshll.u32 s0, $0xA;
	s2 =	sadd.s32 s3, s2  }
0x8d: {  	s2 =	sadd.s32 s2, s16  }
0x8e: {  	[smem:$0x3FBC] =	sst s2  }
0x8f: {  	_ = 	snop  }
0x90: {  	(tm) =	ssettm $0x1  }
0x91: {  	s17 =	sld [smem:$0x3FFB];
	_ =	sdelay $0x3  }
0x92: {  	_ =	strace s17  }
0x93: {  	s2 =	sld [smem:$0x3FFC];
	_ =	sdelay $0x3  }
0x94: {  	_ =	strace s2  }
0x95: {  	s2 =	sld [smem:$0x3FFD];
	_ =	sdelay $0x3  }
0x96: {  	_ =	strace s2  }
0x97: {  	_ =	strace $0x8FFFFFFF  }
0x98: {  	s18 =	sld [smem:$0x3FDB];
	_ =	sdelay $0x1  }
0x99: {  	s19 =	simm.s32 $_scs_section_size  }
0x9a: {  	s4 =	simm.s32 $_size__tile_overlayer_lowered;
	s5 =	simm.s32 $_tile_overlayer_lowered  }
0x9b: {  	s22 =	simm.s32 $0x1BFF;
	s21 =	sshll.u32 s5, $0x1;
	s2 =	sadd.s32 s19, s18  }
0x9c: {  	s6 =	simm.s32 $0x0;
	s20 =	sshll.u32 s4, $0x1;
	s4 =	sadd.s32 s21, s2  }
0x9d: {  	[timem:s6], [sflag:s22] =	dma.local [hbm:s4], s20  }
0x9e: {  	_ =	swait.ge [sflag:s22], s20  }
0x9f: {  	s3 =	ssub.s32 $0x0, s20;
	[sflag:s22] =	ssyncset.done $0x0  }
0xa0: {  	[sflag:s22] =	ssyncadd.s32 s3;
	_ =	sdelay $0x1  }
0xa1: {  	s23 =	simm.s32 $0x1B8B  }
0xa2: {  	_ =	swait.ge [sflag:s23], $0x1  }
0xa3: {  	[sflag:s23] =	ssyncset.done $0x0  }
0xa4: {  	s25 =	simm.s32 $0x1B8E;
	s24 =	sld [smem:$0x3FFE];
	[sflag:s23] =	ssyncadd.s32 $0xFFFFFFFF  }
0xa5: {  	s26 =	simm.s32 $execute0_lowered;
	[smem:$0x3FD2] =	sst s25  }
0xa6: {  	s4 =	sshll.u32 s26, $0x1;
	_ =	strace $0x8000004F;
	[dreg:$0x1] =	wrdreg $0xFFFFFFFF  }
0xa7: {  	s28 =	simm.s32 $_size_execute0_lowered;
	s2 =	sadd.s32 s2, s4;
	[dreg:$0x0] =	wrdreg $0x0  }
0xa8: {  	s4 =	sshll.u32 s28, $0x1;
	[dreg:$0x2] =	wrdreg s2  }
0xa9: {  	[dreg:$0x3] =	wrdreg s4  }
0xaa: {  	[dreg:$0x4] =	wrdreg $0xC0  }
0xab: {  	_ =	task [dreg:s6], $0x5FFFF  }
0xac: {  	[dreg:$0x1] =	wrdreg $0xFFFFFFFF  }
0xad: {  	[dreg:$0x0] =	wrdreg $0x60  }
0xae: {  	[dreg:$0x2] =	wrdreg s24  }
0xaf: {  	[dreg:$0x3] =	wrdreg $0x9  }
0xb0: {  	_ =	task.clear_ibuf [dreg:s6], $0x4FFFF;
	_ =	strace $0x9000004F  }
0xb1: {  	s29 =	simm.s32 $0x9;
	_ =	strace $0x80000051  }
0xb2: {  	_ =	swait.ge [sflag:s29], $0x1  }
0xb3: {  	[sflag:s29] =	ssyncadd.s32 $0xFFFFFFFF  }
0xb4: {  	_ =	strace $0x90000051  }
0xb5: {  	_ =	sfence  }
0xb6: {  	s30 =	sld [smem:$0x0];
	_ =	sdelay $0x2  }
0xb7: {  	s31 =	sshll.u32 s1, $0xD;
	s1 =	sshrl.u32 s1, $0x2  }
0xb8: {  	s3 =	sand.u32 $0x4000, s31;
	s1 =	sadd.s32 s1, s30  }
0xb9: {  	s0 =	sor.u32 s3, s0;
	s1 =	sshll.u32 s1, $0x11  }
0xba: {  	s0 =	sor.u32 s1, s0  }
0xbb: {  	s0 =	sadd.s32 $0x8F2B, s0  }
0xbc: {  	[sflag:s0] =	ssyncadd.remote.s32 $0x1  }
0xbd: {  	_ =	sfence.sel $0xFFFF  }
0xbe: {  	[dreg:$0x0] =	wrdreg $0xFFFFFFFF;
	(pc) =	sbr.abs _section_cstart, $3  }
0xbf: {  	[dreg:$0x1] =	wrdreg $0xFFFFFFFF  }
0xc0: {  	_ =	task.clear_ibuf [dreg:s6], $0x2FFFF;
	_ =	strace $0x9FFFFFFF  }
0xc1: {  	(tm) =	ssettm $0x7FFFFFFF  }
tec
execute0_lowered:
.L_overlay_start_1:
0x0: {  	(tag) =	ssettag $0x1  }
0x1: {  	s1 =	srdreg.scid;
	s0 =	stileid.u32  }
0x2: {  	s9 =	rddreg [dreg:$0x0];
	s12 =	simm.s32 $0x200;
	s13 =	simm.s32 $0x400  }
0x3: {  	s14 =	simm.s32 $0x3;
	s15 =	simm.s32 $0x14000;
	s16 =	simm.s32 $0x16000  }
0x4: {  	s17 =	simm.s32 $0x18000;
	s18 =	simm.s32 $0x15000;
	s19 =	simm.s32 $0x17000  }
0x5: {  	s20 =	simm.s32 $0x19000;
	s21 =	simm.s32 $0x1;
	s22 =	simm.s32 $0xA000  }
0x6: {  	s23 =	simm.s32 $0x2;
	s24 =	simm.s32 $0x0;
	s4 =	sand.u32 $0x1, s1  }
0x7: {  	s2 =	sshll.u32 s0, $0x2;
	s5 =	sshll.u32 s0, $0x9;
	s1 =	sshll.u32 s4, $0x6  }
0x8: {  	s8 =	sadd.s32 $0x5C00, s9;
	s5 =	sand.u32 $0x200, s5;
	s2 =	sor.u32 s2, s1  }
0x9: {  	s6 =	ssub.s32 $0x2, s4;
	s4 =	sadd.s32 $0x5A00, s9;
	s3 =	sshrl.u32 s2, $0x3  }
0xa: {  	s1 =	rddreg [dreg:$0x1];
	s7 =	sshrl.u32 s6, $0x1;
	s3 =	smul.u32 $0x14000, s3  }
.Ltmp0:
0xb: {  	s2 =	simm.s32 $0x0;
	s11 =	ssub.s32 s6, s7;
	(pc) =	sbr.rel .LBB2_1-.Ltmp0, $4  }
0xc: {  	s7 =	sadd.s32 $0x23C00, s9;
	[smem:$0x7FF] =	sst s2;
	s5 =	sor.u32 s5, s3  }
0xd: {  	s11 =	smax.u32 s11, $0x1;
	_ =	strace $0x80000050;
	s5 =	sshrl.u32 s5, $0x3  }
0xe: {  	s3 =	sadd.s32 $0x23A00, s9;
	s10 =	sadd.s32 s5, s9;
	s5 =	sadd.s32 $0xFA00, s9  }
0xf: {  	v0 =	vimm.f32 $0.0e+00;
	s9 =	sadd.s32 $0xFC00, s9;
	s6 =	sadd.s32 $0x2DA00, s10;
	s10 =	sadd.s32 $0x55A00, s10  }
.LBB2_10:
0x10: {  	s24 =	sadd.s32 $0x1, s24  }
0x11: {  	p0 =	sne.s32 s24, s11  }
.Ltmp1:
0x12: {  	_ = 	snop;
	(pc) =	sbr.rel @!p0 .LBB2_11-.Ltmp1, $4  }
0x13: {  	[hbm4b:s10+s12] =	stream.strided.scatter [tilespmem:s22], [sflag:$0x3], $0xA000, s13, s12, $0x38;
	[tilespmem:$0x1A000] =	vst v63  }
0x14: {  	_ =	swait.ge [sflag:s14], $0xA000  }
0x15: {  	[sflag:s14] =	ssyncset.done $0x0  }
0x16: {  	[sflag:s14] =	ssyncadd.s32 $0xFFFF6000  }
.LBB2_1:
0x17: {  	[tilespmem:s2], [sflag:$0x3] =	stream.strided.gather [hbm4b:s6+s12], $0xA000, s13, s12, $0x38;
	[tilespmem:$0x1A000] =	vst v63  }
0x18: {  	_ =	swait.ge [sflag:s14], $0xA000  }
0x19: {  	s25 =	sand.u32 $0x70, s2;
	s26 =	sand.u32 $0xFE00, s2;
	[sflag:s14] =	ssyncset.done $0x0  }
0x1a: {  	s28 =	sor.u32 s25, s26;
	[sflag:s14] =	ssyncadd.s32 $0xFFFF6000  }
0x1b: {  	[tilespmem:s28+$0xA180] =	vst v0  }
0x1c: {  	[tilespmem:s28+$0xA000] =	vst v0  }
0x1d: {  	s25 =	simm.s32 $0x10;
	s26 =	simm.s32 $0x0;
	[tilespmem:s28+$0xA080] =	vst v0  }
.LBB2_2:
0x1e: {  	s29 =	sand.u32 $0x70, s25;
	[tilespmem:s28+$0xA100] =	vst v0;
	s26 =	sadd.s32 $0x40, s26;
	p0 =	sne.s32 s25, $0x27F0  }
.Ltmp2:
0x1f: {  	s25 =	sadd.s32 $0x10, s25;
	s28 =	sand.u32 $0xFE00, s26;
	(pc) =	sbr.rel @p0 .LBB2_2-.Ltmp2, $4  }
0x20: {  	s28 =	sor.u32 s29, s28  }
0x21: {  	[tilespmem:s28+$0xA180] =	vst v0  }
0x22: {  	[tilespmem:s28+$0xA000] =	vst v0  }
0x23: {  	[tilespmem:s28+$0xA080] =	vst v0  }
0x24: {  	[tilespmem:s28+$0xA100] =	vst v0;
	s25 =	simm.s32 $0x0  }
0x25: {  	[tilespmem:s15], [sflag:$0x1] =	stream.linear.gather [hbm4b:s3+s25], $0x1000, $0x38;
	[tilespmem:$0x1A000] =	vst v63  }
0x26: {  	_ = 	snop  }
0x27: {  	[tilespmem:s16], [sflag:$0x1] =	stream.linear.gather [hbm4b:s4+s25], $0x1000, $0x38;
	[tilespmem:$0x1A000] =	vst v63  }
0x28: {  	_ = 	snop  }
0x29: {  	[tilespmem:s17], [sflag:$0x1] =	stream.linear.gather [hbm4b:s5+s25], $0x1000, $0x38;
	[tilespmem:$0x1A000] =	vst v63  }
0x2a: {  	_ = 	snop  }
0x2b: {  	[tilespmem:s18], [sflag:$0x2] =	stream.linear.gather [hbm4b:s7+s25], $0x1000, $0x38;
	[tilespmem:$0x1A000] =	vst v63  }
0x2c: {  	_ = 	snop  }
0x2d: {  	[tilespmem:s19], [sflag:$0x2] =	stream.linear.gather [hbm4b:s8+s25], $0x1000, $0x38;
	[tilespmem:$0x1A000] =	vst v63  }
0x2e: {  	_ = 	snop  }
0x2f: {  	[tilespmem:s20], [sflag:$0x2] =	stream.linear.gather [hbm4b:s9+s25], $0x1000, $0x38;
	[tilespmem:$0x1A000] =	vst v63  }
.LBB2_4:
0x30: {  	_ =	swait.ge [sflag:s21], $0x1000  }
0x31: {  	[sflag:s21] =	ssyncset.done $0x0  }
0x32: {  	[sflag:s21] =	ssyncadd.s32 $0xFFFFF000  }
0x33: {  	_ =	swait.ge [sflag:s21], $0x1000  }
0x34: {  	[sflag:s21] =	ssyncset.done $0x0  }
0x35: {  	[sflag:s21] =	ssyncadd.s32 $0xFFFFF000  }
0x36: {  	_ =	swait.ge [sflag:s21], $0x1000  }
0x37: {  	[sflag:s21] =	ssyncset.done $0x0  }
0x38: {  	s28 =	simm.s32 $0x14020;
	[sflag:s21] =	ssyncadd.s32 $0xFFFFF000  }
0x39: {  	v1 =	vld [tilespmem:s28+$0x10];
	_ =	sdelay $0x2  }
0x3a: {  	v2 =	vld [tilespmem:s28+$0xFFFFFFF0]  }
0x3b: {  	v3 =	vld [tilespmem:s28+$0xFFFFFFE0]  }
0x3c: {  	s26 =	simm.s32 $0x16020;
	v4 =	vshll.u32 v1, $0x2  }
0x3d: {  	v6 =	vld [tilespmem:s26+$0x10];
	v1 =	vand.u32 $0x7F, v1;
	v4 =	vand.u32 $0xFFFFFE00, v4  }
0x3e: {  	v7 =	vld [tilespmem:s28+$0x0];
	v5 =	vor.u32 v1, v4  }
0x3f: {  	v1 =	vshll.u32 v2, $0x2  }
0x40: {  	v8 =	vld [tilespmem:s26+$0xFFFFFFE0];
	v2 =	vand.u32 $0x7F, v2;
	v4 =	vshll.u32 v3, $0x2;
	v1 =	vand.u32 $0xFFFFFE00, v1  }
0x41: {  	v10 =	vld [tilespmem:s26+$0xFFFFFFF0];
	s28 =	simm.s32 $0x18020;
	v3 =	vand.u32 $0x7F, v3;
	v9 =	vor.u32 v2, v1;
	v1 =	vand.u32 $0xFFFFFE00, v4  }
0x42: {  	v4 =	vld [tilespmem:s28+$0x10];
	v11 =	vor.u32 v3, v1;
	v1 =	vshll.u32 v6, $0x2  }
0x43: {  	v2 =	vand.u32 $0x7F, v6;
	v6 =	vshll.u32 v7, $0x2;
	v1 =	vand.u32 $0xFFFFFE00, v1;
	v3 =	vld.idx.msk [tilespmem:v5+s2+$0x0], $0xffff  }
0x44: {  	v12 =	vld [tilespmem:s26+$0x0];
	v7 =	vand.u32 $0x7F, v7;
	v15 =	vor.u32 v2, v1;
	v1 =	vand.u32 $0xFFFFFE00, v6  }
0x45: {  	v2 =	vshll.u32 v8, $0x2;
	v16 =	vor.u32 v7, v1;
	v1 =	vld [tilespmem:s28+$0xFFFFFFE0]  }
0x46: {  	v14 =	vor.u32 $0x80, v5;
	v7 =	vand.u32 $0xFFFFFE00, v2;
	v2 =	vld [tilespmem:s28+$0xFFFFFFF0]  }
0x47: {  	v6 =	vld.idx.msk [tilespmem:v11+s2+$0x0], $0xffff  }
0x48: {  	v17 =	vshll.u32 v10, $0x2;
	v8 =	vand.u32 $0x7F, v8;
	v13 =	vld.idx.msk [tilespmem:v9+s2+$0x0], $0xffff;
	v3 =	vmul.f32 v3, v4  }
0x49: {  	v10 =	vand.u32 $0x7F, v10;
	v17 =	vand.u32 $0xFFFFFE00, v17;
	v18 =	vor.u32 v8, v7  }
0x4a: {  	v17 =	vor.u32 v10, v17;
	[tilespmem:v15+s22+$0x0] =	vst.idx.add.f32.msk $0xffff, v3  }
0x4b: {  	v7 =	vor.u32 $0x80, v11;
	v8 =	vld.idx.msk [tilespmem:v14+s2+$0x0], $0xffff  }
0x4c: {  	v10 =	vor.u32 $0x80, v9;
	v3 =	vld [tilespmem:s28+$0x0];
	v6 =	vmul.f32 v6, v1  }
0x4d: {  	v19 =	vshll.u32 v12, $0x2;
	v20 =	vor.u32 $0x80, v15;
	v13 =	vmul.f32 v13, v2;
	v14 =	vld.idx.msk [tilespmem:v16+s2+$0x0], $0xffff  }
0x4e: {  	v12 =	vand.u32 $0x7F, v12;
	v19 =	vand.u32 $0xFFFFFE00, v19;
	[tilespmem:v18+s22+$0x0] =	vst.idx.add.f32.msk $0xffff, v6;
	v6 =	vor.u32 $0x100, v5  }
0x4f: {  	v19 =	vor.u32 v12, v19;
	[tilespmem:v17+s22+$0x0] =	vst.idx.add.f32.msk $0xffff, v13  }
0x50: {  	v12 =	vor.u32 $0x80, v16;
	v7 =	vld.idx.msk [tilespmem:v7+s2+$0x0], $0xffff;
	v8 =	vmul.f32 v8, v4  }
0x51: {  	v10 =	vld.idx.msk [tilespmem:v10+s2+$0x0], $0xffff  }
0x52: {  	v13 =	vor.u32 $0x80, v18;
	v14 =	vmul.f32 v14, v3;
	[tilespmem:v20+s22+$0x0] =	vst.idx.add.f32.msk $0xffff, v8  }
0x53: {  	v8 =	vor.u32 $0x80, v17;
	v6 =	vld.idx.msk [tilespmem:v6+s2+$0x0], $0xffff  }
0x54: {  	v20 =	vor.u32 $0x100, v11;
	[tilespmem:v19+s22+$0x0] =	vst.idx.add.f32.msk $0xffff, v14  }
0x55: {  	v14 =	vor.u32 $0x100, v15;
	v12 =	vld.idx.msk [tilespmem:v12+s2+$0x0], $0xffff;
	v7 =	vmul.f32 v7, v1  }
0x56: {  	v5 =	vor.u32 $0x180, v5;
	v10 =	vmul.f32 v10, v2  }
0x57: {  	v21 =	vor.u32 $0x80, v19;
	[tilespmem:v13+s22+$0x0] =	vst.idx.add.f32.msk $0xffff, v7  }
0x58: {  	v22 =	vor.u32 $0x100, v9;
	[tilespmem:v8+s22+$0x0] =	vst.idx.add.f32.msk $0xffff, v10;
	v6 =	vmul.f32 v6, v4  }
0x59: {  	v23 =	vor.u32 $0x100, v16;
	v20 =	vld.idx.msk [tilespmem:v20+s2+$0x0], $0xffff  }
0x5a: {  	v10 =	vmul.f32 v12, v3;
	[tilespmem:v14+s22+$0x0] =	vst.idx.add.f32.msk $0xffff, v6  }
0x5b: {  	v15 =	vor.u32 $0x180, v15;
	v7 =	vor.u32 $0x180, v11;
	v14 =	vld.idx.msk [tilespmem:v5+s2+$0x0], $0xffff  }
0x5c: {  	v13 =	vor.u32 $0x100, v17;
	v11 =	vor.u32 $0x100, v19;
	v8 =	vor.u32 $0x180, v9;
	[tilespmem:v21+s22+$0x0] =	vst.idx.add.f32.msk $0xffff, v10  }
0x5d: {  	v9 =	vor.u32 $0x180, v18;
	v12 =	vor.u32 $0x100, v18;
	v10 =	vor.u32 $0x180, v16;
	v16 =	vld.idx.msk [tilespmem:v22+s2+$0x0], $0xffff  }
0x5e: {  	s29 =	simm.s32 $0x0;
	s30 =	simm.s32 $0x14060;
	v6 =	vor.u32 $0x180, v19;
	v5 =	vor.u32 $0x180, v17;
	v17 =	vld.idx.msk [tilespmem:v23+s2+$0x0], $0xffff;
	v18 =	vmul.f32 v20, v1  }
.LBB2_5:
0x5f: {  	v19 =	vld [tilespmem:s30+$0x10];
	s29 =	sadd.s32 $0x4, s29  }
0x60: {  	v4 =	vmul.f32 v14, v4;
	v20 =	vld [tilespmem:s30+$0xFFFFFFF0];
	p0 =	slt.u32 s29, $0xFC  }
0x61: {  	v14 =	vld [tilespmem:s30+$0x0]  }
0x62: {  	v16 =	vmul.f32 v16, v2;
	[tilespmem:v15+s22+$0x0] =	vst.idx.add.f32.msk $0xffff, v4  }
0x63: {  	v15 =	vmul.f32 v17, v3;
	v4 =	vld [tilespmem:s30+$0xFFFFFFE0]  }
0x64: {  	v17 =	vshll.u32 v19, $0x2;
	[tilespmem:v12+s22+$0x0] =	vst.idx.add.f32.msk $0xffff, v18  }
0x65: {  	v18 =	vand.u32 $0x7F, v19;
	v12 =	vshll.u32 v20, $0x2;
	v17 =	vand.u32 $0xFFFFFE00, v17;
	[tilespmem:v13+s22+$0x0] =	vst.idx.add.f32.msk $0xffff, v16  }
0x66: {  	s26 =	sadd.s32 $0x40, s26;
	v12 =	vand.u32 $0xFFFFFE00, v12;
	v13 =	vshll.u32 v14, $0x2;
	v16 =	vor.u32 v18, v17;
	[tilespmem:v11+s22+$0x0] =	vst.idx.add.f32.msk $0xffff, v15  }
0x67: {  	v11 =	vand.u32 $0x7F, v20;
	v14 =	vand.u32 $0x7F, v14;
	v13 =	vand.u32 $0xFFFFFE00, v13;
	v15 =	vld [tilespmem:s26+$0x10]  }
0x68: {  	v11 =	vor.u32 v11, v12;
	v17 =	vld [tilespmem:s26+$0xFFFFFFE0];
	v18 =	vand.u32 $0x7F, v4;
	v4 =	vshll.u32 v4, $0x2  }
0x69: {  	v19 =	vor.u32 $0x80, v11;
	v14 =	vor.u32 v14, v13;
	v4 =	vand.u32 $0xFFFFFE00, v4;
	v12 =	vld [tilespmem:s26+$0xFFFFFFF0]  }
0x6a: {  	v21 =	vor.u32 $0x80, v14;
	v13 =	vor.u32 v18, v4;
	v18 =	vor.u32 $0x100, v11;
	v20 =	vld [tilespmem:s26+$0x0]  }
0x6b: {  	s28 =	sadd.s32 $0x40, s28;
	v24 =	vor.u32 $0x100, v14;
	v22 =	vor.u32 $0x80, v13;
	v23 =	vor.u32 $0x100, v13;
	v25 =	vld.idx.msk [tilespmem:v16+s2+$0x0], $0xffff  }
0x6c: {  	v27 =	vor.u32 $0x180, v11;
	v26 =	vor.u32 $0x180, v13;
	v4 =	vld [tilespmem:s28+$0x10];
	v28 =	vshll.u32 v15, $0x2  }
0x6d: {  	v29 =	vshll.u32 v17, $0x2;
	v30 =	vld.idx.msk [tilespmem:v11+s2+$0x0], $0xffff;
	v11 =	vand.u32 $0x7F, v15;
	v15 =	vand.u32 $0xFFFFFE00, v28  }
0x6e: {  	v28 =	vand.u32 $0xFFFFFE00, v29;
	v29 =	vshll.u32 v12, $0x2;
	v31 =	vld.idx.msk [tilespmem:v14+s2+$0x0], $0xffff;
	v15 =	vor.u32 v11, v15  }
0x6f: {  	v32 =	vld.idx.msk [tilespmem:v13+s2+$0x0], $0xffff;
	v11 =	vand.u32 $0xFFFFFE00, v29;
	v13 =	vshll.u32 v20, $0x2;
	v29 =	vor.u32 $0x80, v16  }
0x70: {  	v17 =	vand.u32 $0x7F, v17;
	v12 =	vand.u32 $0x7F, v12;
	v33 =	vld [tilespmem:s28+$0xFFFFFFE0];
	v13 =	vand.u32 $0xFFFFFE00, v13  }
0x71: {  	v17 =	vor.u32 v17, v28;
	v20 =	vand.u32 $0x7F, v20;
	v28 =	vld [tilespmem:s28+$0xFFFFFFF0];
	v25 =	vmul.f32 v25, v4  }
0x72: {  	v34 =	vor.u32 $0x80, v17;
	v35 =	vor.u32 v12, v11;
	v20 =	vor.u32 v20, v13;
	v36 =	vld [tilespmem:s28+$0x0]  }
0x73: {  	v12 =	vor.u32 $0x100, v17;
	v37 =	vor.u32 $0x80, v35;
	v38 =	vor.u32 $0x80, v20;
	[tilespmem:v15+s22+$0x0] =	vst.idx.add.f32.msk $0xffff, v25  }
0x74: {  	v14 =	vor.u32 $0x180, v14;
	v13 =	vor.u32 $0x100, v35;
	v11 =	vor.u32 $0x100, v20;
	v25 =	vld.idx.msk [tilespmem:v29+s2+$0x0], $0xffff  }
0x75: {  	v39 =	vor.u32 $0x180, v35;
	v29 =	vmul.f32 v32, v33;
	v32 =	vor.u32 $0x180, v17;
	v40 =	vld.idx.msk [tilespmem:v7+s2+$0x0], $0xffff;
	v7 =	vmovc v26  }
0x76: {  	v26 =	vmul.f32 v30, v28;
	v30 =	vor.u32 $0x180, v20;
	v41 =	vld.idx.msk [tilespmem:v8+s2+$0x0], $0xffff;
	v8 =	vmov v27  }
0x77: {  	v27 =	vor.u32 $0x80, v15;
	[tilespmem:v17+s22+$0x0] =	vst.idx.add.f32.msk $0xffff, v29;
	v17 =	vmul.f32 v31, v36  }
0x78: {  	[tilespmem:v35+s22+$0x0] =	vst.idx.add.f32.msk $0xffff, v26;
	v26 =	vor.u32 $0x100, v16  }
0x79: {  	[tilespmem:v20+s22+$0x0] =	vst.idx.add.f32.msk $0xffff, v17  }
0x7a: {  	v20 =	vmul.f32 v25, v4;
	v17 =	vld.idx.msk [tilespmem:v22+s2+$0x0], $0xffff  }
0x7b: {  	v22 =	vmul.f32 v40, v1;
	v1 =	vmov v33;
	v19 =	vld.idx.msk [tilespmem:v19+s2+$0x0], $0xffff  }
0x7c: {  	[tilespmem:v27+s22+$0x0] =	vst.idx.add.f32.msk $0xffff, v20;
	v20 =	vmul.f32 v41, v2;
	v2 =	vmov v28  }
0x7d: {  	v25 =	vld.idx.msk [tilespmem:v26+s2+$0x0], $0xffff  }
0x7e: {  	v21 =	vld.idx.msk [tilespmem:v21+s2+$0x0], $0xffff  }
0x7f: {  	v26 =	vld.idx.msk [tilespmem:v10+s2+$0x0], $0xffff;
	v10 =	vmov v14  }
0x80: {  	v14 =	vmul.f32 v17, v1;
	v17 =	vor.u32 $0x100, v15;
	[tilespmem:v9+s22+$0x0] =	vst.idx.add.f32.msk $0xffff, v22;
	v9 =	vmov v32  }
0x81: {  	v16 =	vor.u32 $0x180, v16;
	v19 =	vmul.f32 v19, v2;
	[tilespmem:v5+s22+$0x0] =	vst.idx.add.f32.msk $0xffff, v20;
	v5 =	vmov v39  }
0x82: {  	[tilespmem:v34+s22+$0x0] =	vst.idx.add.f32.msk $0xffff, v14  }
0x83: {  	v14 =	vmul.f32 v25, v4;
	[tilespmem:v37+s22+$0x0] =	vst.idx.add.f32.msk $0xffff, v19  }
0x84: {  	v20 =	vmul.f32 v21, v36;
	v19 =	vld.idx.msk [tilespmem:v23+s2+$0x0], $0xffff  }
0x85: {  	v21 =	vmul.f32 v26, v3;
	v3 =	vmov v36;
	[tilespmem:v17+s22+$0x0] =	vst.idx.add.f32.msk $0xffff, v14  }
.Ltmp3:
0x86: {  	v14 =	vld.idx.msk [tilespmem:v16+s2+$0x0], $0xffff;
	(pc) =	sbr.rel @p0 .LBB2_5-.Ltmp3, $4  }
0x87: {  	[tilespmem:v38+s22+$0x0] =	vst.idx.add.f32.msk $0xffff, v20  }
0x88: {  	v16 =	vld.idx.msk [tilespmem:v18+s2+$0x0], $0xffff  }
0x89: {  	v15 =	vor.u32 $0x180, v15;
	v17 =	vld.idx.msk [tilespmem:v24+s2+$0x0], $0xffff  }
0x8a: {  	s30 =	sadd.s32 $0x40, s30;
	v18 =	vmul.f32 v19, v1;
	[tilespmem:v6+s22+$0x0] =	vst.idx.add.f32.msk $0xffff, v21;
	v6 =	vmov v30  }
0x8b: {  	_ =	sdelay $0x3  }
0x8c: {  	[tilespmem:v12+s22+$0x0] =	vst.idx.add.f32.msk $0xffff, v18;
	v16 =	vmul.f32 v16, v2  }
0x8d: {  	v7 =	vld.idx.msk [tilespmem:v7+s2+$0x0], $0xffff;
	v17 =	vmul.f32 v17, v3  }
0x8e: {  	[tilespmem:v13+s22+$0x0] =	vst.idx.add.f32.msk $0xffff, v16  }
0x8f: {  	[tilespmem:v11+s22+$0x0] =	vst.idx.add.f32.msk $0xffff, v17  }
0x90: {  	v8 =	vld.idx.msk [tilespmem:v8+s2+$0x0], $0xffff  }
0x91: {  	v10 =	vld.idx.msk [tilespmem:v10+s2+$0x0], $0xffff;
	_ =	sdelay $0x1  }
0x92: {  	v4 =	vmul.f32 v14, v4  }
0x93: {  	v1 =	vmul.f32 v7, v1  }
0x94: {  	[tilespmem:v15+s22+$0x0] =	vst.idx.add.f32.msk $0xffff, v4;
	v2 =	vmul.f32 v8, v2  }
0x95: {  	s26 =	sshll.u32 s25, $0xA;
	p0 =	seq.s32 s25, $0x27;
	[tilespmem:v9+s22+$0x0] =	vst.idx.add.f32.msk $0xffff, v1;
	v1 =	vmul.f32 v10, v3  }
0x96: {  	s28 =	sadd.s32 @!p0 $0x400, s26;
	[tilespmem:v5+s22+$0x0] =	vst.idx.add.f32.msk $0xffff, v2  }
0x97: {  	s30 =	simm.s32 @!p0 $0x0;
	s31 =	simm.s32 @!p0 $0x14000;
	s29 =	sadd.s32 @!p0 s3, s28;
	[tilespmem:v6+s22+$0x0] =	vst.idx.add.f32.msk $0xffff, v1  }
0x98: {  	[tilespmem:s31], [sflag:$0x1] =	stream.linear.gather @!p0 [hbm4b:s29+s30], $0x1000, $0x38;
	[tilespmem:$0x1A000] =	vst v63  }
0x99: {  	s29 =	sadd.s32 @!p0 s4, s28;
	s31 =	simm.s32 @!p0 $0x16000  }
0x9a: {  	[tilespmem:s31], [sflag:$0x1] =	stream.linear.gather @!p0 [hbm4b:s29+s30], $0x1000, $0x38;
	[tilespmem:$0x1A000] =	vst v63  }
0x9b: {  	s28 =	sadd.s32 @!p0 s5, s28;
	s29 =	simm.s32 @!p0 $0x18000  }
0x9c: {  	[tilespmem:s29], [sflag:$0x1] =	stream.linear.gather @!p0 [hbm4b:s28+s30], $0x1000, $0x38;
	[tilespmem:$0x1A000] =	vst v63  }
0x9d: {  	_ =	swait.ge [sflag:s23], $0x1000  }
0x9e: {  	[sflag:s23] =	ssyncset.done $0x0  }
0x9f: {  	[sflag:s23] =	ssyncadd.s32 $0xFFFFF000  }
0xa0: {  	_ =	swait.ge [sflag:s23], $0x1000  }
0xa1: {  	[sflag:s23] =	ssyncset.done $0x0  }
0xa2: {  	[sflag:s23] =	ssyncadd.s32 $0xFFFFF000  }
0xa3: {  	_ =	swait.ge [sflag:s23], $0x1000  }
0xa4: {  	[sflag:s23] =	ssyncset.done $0x0  }
0xa5: {  	s29 =	simm.s32 $0x15020;
	[sflag:s23] =	ssyncadd.s32 $0xFFFFF000  }
0xa6: {  	v1 =	vld [tilespmem:s29+$0x10];
	_ =	sdelay $0x2  }
0xa7: {  	v2 =	vld [tilespmem:s29+$0xFFFFFFF0]  }
0xa8: {  	v3 =	vld [tilespmem:s29+$0xFFFFFFE0]  }
0xa9: {  	s28 =	simm.s32 $0x17020;
	v4 =	vshll.u32 v1, $0x2  }
0xaa: {  	v6 =	vld [tilespmem:s28+$0x10];
	v1 =	vand.u32 $0x7F, v1;
	v4 =	vand.u32 $0xFFFFFE00, v4  }
0xab: {  	v7 =	vld [tilespmem:s29+$0x0];
	v5 =	vor.u32 v1, v4  }
0xac: {  	v1 =	vshll.u32 v2, $0x2  }
0xad: {  	v8 =	vld [tilespmem:s28+$0xFFFFFFE0];
	v2 =	vand.u32 $0x7F, v2;
	v4 =	vshll.u32 v3, $0x2;
	v1 =	vand.u32 $0xFFFFFE00, v1  }
0xae: {  	v10 =	vld [tilespmem:s28+$0xFFFFFFF0];
	s29 =	simm.s32 $0x19020;
	v3 =	vand.u32 $0x7F, v3;
	v9 =	vor.u32 v2, v1;
	v1 =	vand.u32 $0xFFFFFE00, v4  }
0xaf: {  	v4 =	vld [tilespmem:s29+$0x10];
	v11 =	vor.u32 v3, v1;
	v1 =	vshll.u32 v6, $0x2  }
0xb0: {  	v2 =	vand.u32 $0x7F, v6;
	v6 =	vshll.u32 v7, $0x2;
	v1 =	vand.u32 $0xFFFFFE00, v1;
	v3 =	vld.idx.msk [tilespmem:v5+s2+$0x0], $0xffff  }
0xb1: {  	v12 =	vld [tilespmem:s28+$0x0];
	v7 =	vand.u32 $0x7F, v7;
	v15 =	vor.u32 v2, v1;
	v1 =	vand.u32 $0xFFFFFE00, v6  }
0xb2: {  	v2 =	vshll.u32 v8, $0x2;
	v7 =	vor.u32 v7, v1;
	v1 =	vld [tilespmem:s29+$0xFFFFFFE0]  }
0xb3: {  	v14 =	vor.u32 $0x80, v5;
	v16 =	vand.u32 $0xFFFFFE00, v2;
	v2 =	vld [tilespmem:s29+$0xFFFFFFF0]  }
0xb4: {  	v6 =	vld.idx.msk [tilespmem:v11+s2+$0x0], $0xffff  }
0xb5: {  	v17 =	vshll.u32 v10, $0x2;
	v8 =	vand.u32 $0x7F, v8;
	v13 =	vld.idx.msk [tilespmem:v9+s2+$0x0], $0xffff;
	v3 =	vmul.f32 v3, v4  }
0xb6: {  	v10 =	vand.u32 $0x7F, v10;
	v17 =	vand.u32 $0xFFFFFE00, v17;
	v8 =	vor.u32 v8, v16  }
0xb7: {  	v16 =	vor.u32 v10, v17;
	[tilespmem:v15+s22+$0x0] =	vst.idx.add.f32.msk $0xffff, v3  }
0xb8: {  	v10 =	vor.u32 $0x80, v11;
	v14 =	vld.idx.msk [tilespmem:v14+s2+$0x0], $0xffff  }
0xb9: {  	v17 =	vor.u32 $0x80, v9;
	v18 =	vld.idx.msk [tilespmem:v7+s2+$0x0], $0xffff;
	v6 =	vmul.f32 v6, v1  }
0xba: {  	v19 =	vshll.u32 v12, $0x2;
	v20 =	vor.u32 $0x80, v15;
	v3 =	vld [tilespmem:s29+$0x0];
	v13 =	vmul.f32 v13, v2  }
0xbb: {  	v12 =	vand.u32 $0x7F, v12;
	v19 =	vand.u32 $0xFFFFFE00, v19;
	[tilespmem:v8+s22+$0x0] =	vst.idx.add.f32.msk $0xffff, v6;
	v6 =	vor.u32 $0x100, v5  }
0xbc: {  	v19 =	vor.u32 v12, v19;
	[tilespmem:v16+s22+$0x0] =	vst.idx.add.f32.msk $0xffff, v13  }
0xbd: {  	v12 =	vor.u32 $0x80, v7;
	v10 =	vld.idx.msk [tilespmem:v10+s2+$0x0], $0xffff;
	v13 =	vmul.f32 v14, v4  }
0xbe: {  	v14 =	vld.idx.msk [tilespmem:v17+s2+$0x0], $0xffff  }
0xbf: {  	v18 =	vmul.f32 v18, v3;
	v17 =	vor.u32 $0x80, v8;
	[tilespmem:v20+s22+$0x0] =	vst.idx.add.f32.msk $0xffff, v13  }
0xc0: {  	v13 =	vor.u32 $0x80, v16;
	v6 =	vld.idx.msk [tilespmem:v6+s2+$0x0], $0xffff  }
0xc1: {  	[tilespmem:v19+s22+$0x0] =	vst.idx.add.f32.msk $0xffff, v18;
	v20 =	vor.u32 $0x100, v11  }
0xc2: {  	v18 =	vor.u32 $0x100, v15;
	v12 =	vld.idx.msk [tilespmem:v12+s2+$0x0], $0xffff;
	v10 =	vmul.f32 v10, v1  }
0xc3: {  	v21 =	vor.u32 $0x180, v5;
	v14 =	vmul.f32 v14, v2  }
0xc4: {  	v22 =	vor.u32 $0x80, v19;
	[tilespmem:v17+s22+$0x0] =	vst.idx.add.f32.msk $0xffff, v10  }
0xc5: {  	v17 =	vor.u32 $0x100, v9;
	[tilespmem:v13+s22+$0x0] =	vst.idx.add.f32.msk $0xffff, v14;
	v5 =	vmul.f32 v6, v4  }
0xc6: {  	v23 =	vor.u32 $0x100, v7;
	v20 =	vld.idx.msk [tilespmem:v20+s2+$0x0], $0xffff  }
0xc7: {  	v10 =	vmul.f32 v12, v3;
	[tilespmem:v18+s22+$0x0] =	vst.idx.add.f32.msk $0xffff, v5  }
0xc8: {  	v15 =	vor.u32 $0x180, v15;
	v12 =	vor.u32 $0x100, v8;
	v14 =	vld.idx.msk [tilespmem:v21+s2+$0x0], $0xffff  }
0xc9: {  	v13 =	vor.u32 $0x100, v16;
	v8 =	vor.u32 $0x180, v8;
	v6 =	vor.u32 $0x180, v9;
	[tilespmem:v22+s22+$0x0] =	vst.idx.add.f32.msk $0xffff, v10  }
0xca: {  	v9 =	vor.u32 $0x180, v19;
	v10 =	vor.u32 $0x180, v7;
	v7 =	vor.u32 $0x180, v16;
	v16 =	vld.idx.msk [tilespmem:v17+s2+$0x0], $0xffff  }
0xcb: {  	s31 =	simm.s32 $0x15060;
	s30 =	simm.s32 $0x0;
	v5 =	vor.u32 $0x180, v11;
	v11 =	vor.u32 $0x100, v19;
	v17 =	vld.idx.msk [tilespmem:v23+s2+$0x0], $0xffff;
	v18 =	vmul.f32 v20, v1  }
.LBB2_7:
0xcc: {  	v19 =	vld [tilespmem:s31+$0x10];
	s30 =	sadd.s32 $0x4, s30  }
0xcd: {  	v4 =	vmul.f32 v14, v4;
	v20 =	vld [tilespmem:s31+$0xFFFFFFF0];
	p1 =	slt.u32 s30, $0xFC  }
0xce: {  	v14 =	vld [tilespmem:s31+$0x0]  }
0xcf: {  	v16 =	vmul.f32 v16, v2;
	[tilespmem:v15+s22+$0x0] =	vst.idx.add.f32.msk $0xffff, v4  }
0xd0: {  	v15 =	vmul.f32 v17, v3;
	v4 =	vld [tilespmem:s31+$0xFFFFFFE0]  }
0xd1: {  	v17 =	vshll.u32 v19, $0x2;
	[tilespmem:v12+s22+$0x0] =	vst.idx.add.f32.msk $0xffff, v18  }
0xd2: {  	v18 =	vand.u32 $0x7F, v19;
	v12 =	vshll.u32 v20, $0x2;
	v17 =	vand.u32 $0xFFFFFE00, v17;
	[tilespmem:v13+s22+$0x0] =	vst.idx.add.f32.msk $0xffff, v16  }
0xd3: {  	s28 =	sadd.s32 $0x40, s28;
	v12 =	vand.u32 $0xFFFFFE00, v12;
	v13 =	vshll.u32 v14, $0x2;
	v16 =	vor.u32 v18, v17;
	[tilespmem:v11+s22+$0x0] =	vst.idx.add.f32.msk $0xffff, v15  }
0xd4: {  	v11 =	vand.u32 $0x7F, v20;
	v14 =	vand.u32 $0x7F, v14;
	v13 =	vand.u32 $0xFFFFFE00, v13;
	v15 =	vld [tilespmem:s28+$0x10]  }
0xd5: {  	v11 =	vor.u32 v11, v12;
	v17 =	vld [tilespmem:s28+$0xFFFFFFE0];
	v18 =	vand.u32 $0x7F, v4;
	v4 =	vshll.u32 v4, $0x2  }
0xd6: {  	v19 =	vor.u32 $0x80, v11;
	v14 =	vor.u32 v14, v13;
	v4 =	vand.u32 $0xFFFFFE00, v4;
	v12 =	vld [tilespmem:s28+$0xFFFFFFF0]  }
0xd7: {  	v21 =	vor.u32 $0x80, v14;
	v13 =	vor.u32 v18, v4;
	v18 =	vor.u32 $0x100, v11;
	v20 =	vld [tilespmem:s28+$0x0]  }
0xd8: {  	s29 =	sadd.s32 $0x40, s29;
	v24 =	vor.u32 $0x100, v14;
	v22 =	vor.u32 $0x80, v13;
	v23 =	vor.u32 $0x100, v13;
	v25 =	vld.idx.msk [tilespmem:v16+s2+$0x0], $0xffff  }
0xd9: {  	v27 =	vor.u32 $0x180, v11;
	v26 =	vor.u32 $0x180, v13;
	v4 =	vld [tilespmem:s29+$0x10];
	v28 =	vshll.u32 v15, $0x2  }
0xda: {  	v29 =	vshll.u32 v17, $0x2;
	v30 =	vld.idx.msk [tilespmem:v11+s2+$0x0], $0xffff;
	v11 =	vand.u32 $0x7F, v15;
	v15 =	vand.u32 $0xFFFFFE00, v28  }
0xdb: {  	v28 =	vand.u32 $0xFFFFFE00, v29;
	v29 =	vshll.u32 v12, $0x2;
	v31 =	vld.idx.msk [tilespmem:v14+s2+$0x0], $0xffff;
	v15 =	vor.u32 v11, v15  }
0xdc: {  	v32 =	vld.idx.msk [tilespmem:v13+s2+$0x0], $0xffff;
	v11 =	vand.u32 $0xFFFFFE00, v29;
	v13 =	vshll.u32 v20, $0x2;
	v29 =	vor.u32 $0x80, v16  }
0xdd: {  	v17 =	vand.u32 $0x7F, v17;
	v12 =	vand.u32 $0x7F, v12;
	v33 =	vld [tilespmem:s29+$0xFFFFFFE0];
	v13 =	vand.u32 $0xFFFFFE00, v13  }
0xde: {  	v17 =	vor.u32 v17, v28;
	v20 =	vand.u32 $0x7F, v20;
	v28 =	vld [tilespmem:s29+$0xFFFFFFF0];
	v25 =	vmul.f32 v25, v4  }
0xdf: {  	v34 =	vor.u32 $0x80, v17;
	v35 =	vor.u32 v12, v11;
	v20 =	vor.u32 v20, v13;
	v36 =	vld [tilespmem:s29+$0x0]  }
0xe0: {  	v12 =	vor.u32 $0x100, v17;
	v37 =	vor.u32 $0x80, v35;
	v38 =	vor.u32 $0x80, v20;
	[tilespmem:v15+s22+$0x0] =	vst.idx.add.f32.msk $0xffff, v25  }
0xe1: {  	v14 =	vor.u32 $0x180, v14;
	v13 =	vor.u32 $0x100, v35;
	v11 =	vor.u32 $0x100, v20;
	v25 =	vld.idx.msk [tilespmem:v29+s2+$0x0], $0xffff  }
0xe2: {  	v39 =	vor.u32 $0x180, v35;
	v29 =	vmul.f32 v32, v33;
	v32 =	vor.u32 $0x180, v17;
	v40 =	vld.idx.msk [tilespmem:v5+s2+$0x0], $0xffff;
	v5 =	vmovc v26  }
0xe3: {  	v26 =	vmul.f32 v30, v28;
	v30 =	vor.u32 $0x180, v20;
	v41 =	vld.idx.msk [tilespmem:v6+s2+$0x0], $0xffff;
	v6 =	vmov v27  }
0xe4: {  	v27 =	vor.u32 $0x80, v15;
	[tilespmem:v17+s22+$0x0] =	vst.idx.add.f32.msk $0xffff, v29;
	v17 =	vmul.f32 v31, v36  }
0xe5: {  	[tilespmem:v35+s22+$0x0] =	vst.idx.add.f32.msk $0xffff, v26;
	v26 =	vor.u32 $0x100, v16  }
0xe6: {  	[tilespmem:v20+s22+$0x0] =	vst.idx.add.f32.msk $0xffff, v17  }
0xe7: {  	v20 =	vmul.f32 v25, v4;
	v17 =	vld.idx.msk [tilespmem:v22+s2+$0x0], $0xffff  }
0xe8: {  	v22 =	vmul.f32 v40, v1;
	v1 =	vmov v33;
	v19 =	vld.idx.msk [tilespmem:v19+s2+$0x0], $0xffff  }
0xe9: {  	[tilespmem:v27+s22+$0x0] =	vst.idx.add.f32.msk $0xffff, v20;
	v20 =	vmul.f32 v41, v2;
	v2 =	vmov v28  }
0xea: {  	v25 =	vld.idx.msk [tilespmem:v26+s2+$0x0], $0xffff  }
0xeb: {  	v21 =	vld.idx.msk [tilespmem:v21+s2+$0x0], $0xffff  }
0xec: {  	v26 =	vld.idx.msk [tilespmem:v10+s2+$0x0], $0xffff;
	v10 =	vmov v14  }
0xed: {  	v14 =	vmul.f32 v17, v1;
	v17 =	vor.u32 $0x100, v15;
	[tilespmem:v8+s22+$0x0] =	vst.idx.add.f32.msk $0xffff, v22;
	v8 =	vmov v32  }
0xee: {  	v16 =	vor.u32 $0x180, v16;
	v19 =	vmul.f32 v19, v2;
	[tilespmem:v7+s22+$0x0] =	vst.idx.add.f32.msk $0xffff, v20;
	v7 =	vmov v39  }
0xef: {  	[tilespmem:v34+s22+$0x0] =	vst.idx.add.f32.msk $0xffff, v14  }
0xf0: {  	v14 =	vmul.f32 v25, v4;
	[tilespmem:v37+s22+$0x0] =	vst.idx.add.f32.msk $0xffff, v19  }
0xf1: {  	v20 =	vmul.f32 v21, v36;
	v19 =	vld.idx.msk [tilespmem:v23+s2+$0x0], $0xffff  }
0xf2: {  	v21 =	vmul.f32 v26, v3;
	v3 =	vmov v36;
	[tilespmem:v17+s22+$0x0] =	vst.idx.add.f32.msk $0xffff, v14  }
.Ltmp4:
0xf3: {  	v14 =	vld.idx.msk [tilespmem:v16+s2+$0x0], $0xffff;
	(pc) =	sbr.rel @p1 .LBB2_7-.Ltmp4, $4  }
0xf4: {  	[tilespmem:v38+s22+$0x0] =	vst.idx.add.f32.msk $0xffff, v20  }
0xf5: {  	v16 =	vld.idx.msk [tilespmem:v18+s2+$0x0], $0xffff  }
0xf6: {  	v15 =	vor.u32 $0x180, v15;
	v17 =	vld.idx.msk [tilespmem:v24+s2+$0x0], $0xffff  }
0xf7: {  	s31 =	sadd.s32 $0x40, s31;
	v18 =	vmul.f32 v19, v1;
	[tilespmem:v9+s22+$0x0] =	vst.idx.add.f32.msk $0xffff, v21;
	v9 =	vmov v30  }
0xf8: {  	_ =	sdelay $0x3  }
0xf9: {  	[tilespmem:v12+s22+$0x0] =	vst.idx.add.f32.msk $0xffff, v18;
	v16 =	vmul.f32 v16, v2  }
0xfa: {  	v5 =	vld.idx.msk [tilespmem:v5+s2+$0x0], $0xffff;
	v17 =	vmul.f32 v17, v3  }
0xfb: {  	[tilespmem:v13+s22+$0x0] =	vst.idx.add.f32.msk $0xffff, v16  }
0xfc: {  	[tilespmem:v11+s22+$0x0] =	vst.idx.add.f32.msk $0xffff, v17  }
0xfd: {  	v6 =	vld.idx.msk [tilespmem:v6+s2+$0x0], $0xffff  }
0xfe: {  	v10 =	vld.idx.msk [tilespmem:v10+s2+$0x0], $0xffff;
	_ =	sdelay $0x1  }
0xff: {  	v4 =	vmul.f32 v14, v4  }
.Ltmp5:
0x100: {  	v1 =	vmul.f32 v5, v1;
	(pc) =	sbr.rel @p0 .LBB2_10-.Ltmp5, $4  }
0x101: {  	[tilespmem:v15+s22+$0x0] =	vst.idx.add.f32.msk $0xffff, v4;
	v2 =	vmul.f32 v6, v2  }
0x102: {  	[tilespmem:v8+s22+$0x0] =	vst.idx.add.f32.msk $0xffff, v1;
	v1 =	vmul.f32 v10, v3  }
0x103: {  	[tilespmem:v7+s22+$0x0] =	vst.idx.add.f32.msk $0xffff, v2  }
0x104: {  	[tilespmem:v9+s22+$0x0] =	vst.idx.add.f32.msk $0xffff, v1  }
0x105: {  	s26 =	sadd.s32 $0x600, s26  }
0x106: {  	s28 =	sadd.s32 s3, s26  }
0x107: {  	[tilespmem:s18], [sflag:$0x2] =	stream.linear.gather [hbm4b:s28+s2], $0x1000, $0x38;
	[tilespmem:$0x1A000] =	vst v63  }
.Ltmp6:
0x108: {  	_ = 	snop;
	(pc) =	sbr.rel .LBB2_4-.Ltmp6, $4  }
0x109: {  	s31 =	sadd.s32 s4, s26  }
0x10a: {  	[tilespmem:s19], [sflag:$0x2] =	stream.linear.gather [hbm4b:s31+s2], $0x1000, $0x38;
	[tilespmem:$0x1A000] =	vst v63  }
0x10b: {  	s25 =	sadd.s32 $0x1, s25;
	s26 =	sadd.s32 s5, s26  }
0x10c: {  	[tilespmem:s20], [sflag:$0x2] =	stream.linear.gather [hbm4b:s26+s2], $0x1000, $0x38;
	[tilespmem:$0x1A000] =	vst v63  }
.LBB2_11:
0x10d: {  	_ =	sfence.sel $0x180000  }
0x10e: {  	[bflag:$0x0] =	sbarrier.arrive $0xFFFF  }
0x10f: {  	p0 =	sne.s32 s0, $0x0;
	_ =	strace $0x90000050  }
0x110: {  	s0 =	sadd.s32 @!p0 $0x100000, s1;
	[bflag:$0x2] =	sbarrier.arrive $0xFFFF  }
0x111: {  	[sflag:s0] =	ssyncadd.tile.s32 @!p0 $0x1;
	_ =	shalt  }
.Lfunc_end2:
_tile_overlayer_lowered:
.L_overlay_start_2:
0x112: {  	(tag) =	ssettag $0x2  }
0x113: {  	s0 =	rddreg [dreg:$0x0];
	s2 =	stileid.u32  }
0x114: {  	s1 =	rddreg [dreg:$0x1];
	p0 =	sne.s32 s2, $0x0  }
0x115: {  	s3 =	rddreg [dreg:$0x2];
	[bflag:$0x3] =	sbarrier.arrive $0xFFFF;
	s2 =	simm.s32 @!p0 $0x1C03  }
0x116: {  	[timem:s3], [sflag:s2] =	dma.local @!p0 [hbm:s0], s1  }
0x117: {  	s0 =	simm.s32 @!p0 $0x3  }
0x118: {  	_ =	swait.ge @!p0 [sflag:s0], s1  }
0x119: {  	s1 =	ssub.s32 @!p0 $0x0, s1;
	[sflag:s0] =	ssyncset.done @!p0 $0x0  }
0x11a: {  	[sflag:s0] =	ssyncadd.s32 @!p0 s1  }
0x11b: {  	[bflag:$0x3] =	sbarrier.arrive $0xFFFF  }
0x11c: {  	_ =	shalt  }

// kernel: kernel.30.cloned.1.call-start
scs
__scs_entry_jumppad:
0x0: {  	(pc) =	sbr.rel $0x88, $3  }
0x1: {  	(tag) =	ssettag $0x0;
	lr =	simm.s32 $0x1  }
0x2: {  	[smem:$0x3F95] =	sst lr;
	_ =	strace $0xD0000000  }
0x3: {  	_ = 	snop  }
0x4: {  	_ = 	snop  }
0x5: {  	_ = 	snop  }
0x6: {  	_ = 	snop  }
0x7: {  	_ = 	snop  }
__scs_overlays_trampoline_lowered:
0x8: {  	[smem:$0x3FA4] =	sst s0  }
0x9: {  	[smem:$0x3FA5] =	sst s1  }
0xa: {  	[smem:$0x3FA6] =	sst s2  }
0xb: {  	[smem:$0x3FA7] =	sst s3  }
0xc: {  	[smem:$0x3FA8] =	sst s4  }
0xd: {  	[smem:$0x3FA9] =	sst s5  }
0xe: {  	[smem:$0x3FAA] =	sst s6  }
0xf: {  	[smem:$0x3FAB] =	sst s7  }
0x10: {  	[smem:$0x3FAC] =	sst s8  }
0x11: {  	[smem:$0x3FAD] =	sst s9;
	s0 =	simm.s32 @!p0 $0x0  }
0x12: {  	s1 =	sld [smem:$0x3F93];
	s0 =	simm.s32 @p0 $0x1  }
0x13: {  	[smem:$0x3FAE] =	sst s0;
	s0 =	simm.s32 @!p1 $0x0  }
0x14: {  	s2 =	sld [smem:$0x3F92];
	s0 =	simm.s32 @p1 $0x1  }
0x15: {  	[smem:$0x3FAF] =	sst s0;
	s0 =	simm.s32 @!p2 $0x0  }
0x16: {  	s3 =	sld [smem:$0x3FDB];
	s0 =	simm.s32 @p2 $0x1  }
0x17: {  	s4 =	simm.s32 $0x1BF5;
	[smem:$0x3FB1] =	sst s0  }
0x18: {  	s0 =	sld [smem:$0x3F94];
	_ =	swait.ge [sflag:s4], $0x0  }
0x19: {  	s7 =	sld [smem:$0x3F95]  }
0x1a: {  	s8 =	sadd.s32 $0xFFFFE003, lr  }
0x1b: {  	s9 =	sadd.s32 $0xFFFFFEF7, lr;
	s5 =	simm.s32 $0xFFFFFFFF;
	p2 =	slt.u32 s8, $0xFFFFF086  }
0x1c: {  	p1 =	slt.u32 s9, $0xF7A;
	s5 =	simm.s32 @!p2 $0x0  }
0x1d: {  	s5 =	simm.s32 @p1 $0x1;
	p0 =	seq.s32 s7, s2  }
0x1e: {  	s7 =	smul.u32 @!p0 $0xF7A, s2;
	p2 =	seq.s32 @!p0 s5, $0x0  }
0x1f: {  	s9 =	smul.u32 $0xF7A, s1;
	s8 =	simm.s32 @!p0 $0x1BF5;
	p2 =	por !p2, p0  }
0x20: {  	[sflag:s8] =	ssyncset.s32 @!p0 $0xFFFFF086;
	s6 =	sadd.s32 @!p0 s3, s7;
	s7 =	simm.s32 @!p0 $0x108  }
0x21: {  	s3 =	sadd.s32 s3, s9;
	s6 =	sadd.s32 @!p0 $0x88, s6;
	s7 =	simm.s32 @p2 $0x1082  }
0x22: {  	[simem:s7], [sflag:s8] =	dma.local @!p0 [hbm:s6], $0xF7A  }
0x23: {  	s9 =	sor.u32 $0xD0000000, s2;
	s6 =	simm.s32 $0x108;
	_ =	swait.ge @!p0 [sflag:s8], $0x0  }
0x24: {  	s3 =	sadd.s32 $0x88, s3;
	s6 =	simm.s32 @!p1 $0x1082;
	[sflag:s4] =	ssyncset.s32 $0xFFFFF086  }
0x25: {  	[simem:s6], [sflag:s4] =	dma.local [hbm:s3], $0xF7A  }
0x26: {  	[smem:$0x3F95] =	sst s1;
	(tag) =	ssettag s2;
	_ =	strace s9  }
0x27: {  	s1 =	sld [smem:$0x3FA5]  }
0x28: {  	s2 =	sld [smem:$0x3FA6]  }
0x29: {  	s4 =	sld [smem:$0x3FA8]  }
0x2a: {  	p0 =	seq.s32 s5, $0x0;
	s5 =	sld [smem:$0x3FA9]  }
0x2b: {  	s6 =	sld [smem:$0x3FAA]  }
0x2c: {  	s7 =	sld [smem:$0x3FAB]  }
0x2d: {  	s3 =	simm.s32 $0x108;
	s8 =	sld [smem:$0x3FAC]  }
0x2e: {  	s3 =	simm.s32 @!p0 $0x1082;
	s9 =	sld [smem:$0x3FAD]  }
0x2f: {  	lr =	sadd.s32 s0, s3;
	s0 =	sld [smem:$0x3FA4]  }
0x30: {  	s3 =	sld [smem:$0x3FA7]  }
0x31: {  	[smem:$0x3FB0] =	sst s10  }
0x32: {  	s10 =	sld [smem:$0x3FAE];
	_ =	sdelay $0x3  }
0x33: {  	p0 =	seq.s32 s10, $0x1;
	s10 =	sld [smem:$0x3FB0];
	_ =	sdelay $0x3  }
0x34: {  	[smem:$0x3FB0] =	sst s10  }
0x35: {  	s10 =	sld [smem:$0x3FAF];
	_ =	sdelay $0x3  }
0x36: {  	p1 =	seq.s32 s10, $0x1;
	s10 =	sld [smem:$0x3FB0];
	_ =	sdelay $0x3  }
0x37: {  	[smem:$0x3FB0] =	sst s10  }
0x38: {  	s10 =	sld [smem:$0x3FB1]  }
0x39: {  	_ = 	snop;
	(pc) =	sbr.ind lr, $3  }
0x3a: {  	_ = 	snop  }
0x3b: {  	_ = 	snop  }
0x3c: {  	p2 =	seq.s32 s10, $0x1;
	s10 =	sld [smem:$0x3FB0]  }
0x3d: {  	_ =	shalt  }
0x3e: {  	_ =	shalt  }
0x3f: {  	_ =	shalt  }
0x40: {  	_ =	shalt  }
0x41: {  	_ =	shalt  }
0x42: {  	_ =	shalt  }
0x43: {  	_ =	shalt  }
0x44: {  	_ =	shalt  }
0x45: {  	_ =	shalt  }
0x46: {  	_ =	shalt  }
0x47: {  	_ =	shalt  }
0x48: {  	_ =	shalt  }
0x49: {  	_ =	shalt  }
0x4a: {  	_ =	shalt  }
0x4b: {  	_ =	shalt  }
0x4c: {  	_ =	shalt  }
0x4d: {  	_ =	shalt  }
0x4e: {  	_ =	shalt  }
0x4f: {  	_ =	shalt  }
0x50: {  	_ =	shalt  }
0x51: {  	_ =	shalt  }
0x52: {  	_ =	shalt  }
0x53: {  	_ =	shalt  }
0x54: {  	_ =	shalt  }
0x55: {  	_ =	shalt  }
0x56: {  	_ =	shalt  }
0x57: {  	_ =	shalt  }
0x58: {  	_ =	shalt  }
0x59: {  	_ =	shalt  }
0x5a: {  	_ =	shalt  }
0x5b: {  	_ =	shalt  }
0x5c: {  	_ =	shalt  }
0x5d: {  	_ =	shalt  }
0x5e: {  	_ =	shalt  }
0x5f: {  	_ =	shalt  }
0x60: {  	_ =	shalt  }
0x61: {  	_ =	shalt  }
0x62: {  	_ =	shalt  }
0x63: {  	_ =	shalt  }
0x64: {  	_ =	shalt  }
0x65: {  	_ =	shalt  }
0x66: {  	_ =	shalt  }
0x67: {  	_ =	shalt  }
0x68: {  	_ =	shalt  }
0x69: {  	_ =	shalt  }
0x6a: {  	_ =	shalt  }
0x6b: {  	_ =	shalt  }
0x6c: {  	_ =	shalt  }
0x6d: {  	_ =	shalt  }
0x6e: {  	_ =	shalt  }
0x6f: {  	_ =	shalt  }
0x70: {  	_ =	shalt  }
0x71: {  	_ =	shalt  }
0x72: {  	_ =	shalt  }
0x73: {  	_ =	shalt  }
0x74: {  	_ =	shalt  }
0x75: {  	_ =	shalt  }
0x76: {  	_ =	shalt  }
0x77: {  	_ =	shalt  }
0x78: {  	_ =	shalt  }
0x79: {  	_ =	shalt  }
0x7a: {  	_ =	shalt  }
0x7b: {  	_ =	shalt  }
0x7c: {  	_ =	shalt  }
0x7d: {  	_ =	shalt  }
0x7e: {  	_ =	shalt  }
0x7f: {  	_ =	shalt  }
0x80: {  	_ =	shalt  }
0x81: {  	_ =	shalt  }
0x82: {  	_ =	shalt  }
0x83: {  	_ =	shalt  }
0x84: {  	_ =	shalt  }
0x85: {  	_ =	shalt  }
0x86: {  	_ =	shalt  }
0x87: {  	_ =	shalt  }
.Lfunc_end0:
.L_simem_size_0:
called_computation.4_lowered:
.L_overlay_start_0:
0x88: {  	s2 =	sld [smem:$0x3FD9]  }
0x89: {  	s3 =	sld [smem:$0x3FFE];
	_ =	sdelay $0x1  }
0x8a: {  	s1 =	srdreg.scid  }
0x8b: {  	s0 =	sand.u32 $0x1, s1  }
0x8c: {  	s16 =	sshll.u32 s0, $0xA;
	s2 =	sadd.s32 s3, s2  }
0x8d: {  	s2 =	sadd.s32 s2, s16  }
0x8e: {  	[smem:$0x3FBC] =	sst s2  }
0x8f: {  	_ = 	snop  }
0x90: {  	(tm) =	ssettm $0x1  }
0x91: {  	s17 =	sld [smem:$0x3FFB];
	_ =	sdelay $0x3  }
0x92: {  	_ =	strace s17  }
0x93: {  	s2 =	sld [smem:$0x3FFC];
	_ =	sdelay $0x3  }
0x94: {  	_ =	strace s2  }
0x95: {  	s2 =	sld [smem:$0x3FFD];
	_ =	sdelay $0x3  }
0x96: {  	_ =	strace s2  }
0x97: {  	_ =	strace $0x8FFFFFFF  }
0x98: {  	s18 =	sld [smem:$0x3FDB];
	_ =	sdelay $0x1  }
0x99: {  	s19 =	simm.s32 $_scs_section_size  }
0x9a: {  	s4 =	simm.s32 $_size__tile_overlayer_lowered;
	s5 =	simm.s32 $_tile_overlayer_lowered  }
0x9b: {  	s22 =	simm.s32 $0x1BFF;
	s21 =	sshll.u32 s5, $0x1;
	s2 =	sadd.s32 s19, s18  }
0x9c: {  	s6 =	simm.s32 $0x0;
	s20 =	sshll.u32 s4, $0x1;
	s4 =	sadd.s32 s21, s2  }
0x9d: {  	[timem:s6], [sflag:s22] =	dma.local [hbm:s4], s20  }
0x9e: {  	_ =	swait.ge [sflag:s22], s20  }
0x9f: {  	s3 =	ssub.s32 $0x0, s20;
	[sflag:s22] =	ssyncset.done $0x0  }
0xa0: {  	[sflag:s22] =	ssyncadd.s32 s3;
	_ =	sdelay $0x1  }
0xa1: {  	s23 =	simm.s32 $0x1B8B  }
0xa2: {  	_ =	swait.ge [sflag:s23], $0x1  }
0xa3: {  	[sflag:s23] =	ssyncset.done $0x0  }
0xa4: {  	s25 =	simm.s32 $0x1B8E;
	s24 =	sld [smem:$0x3FFE];
	[sflag:s23] =	ssyncadd.s32 $0xFFFFFFFF  }
0xa5: {  	s26 =	simm.s32 $execute0_lowered;
	[smem:$0x3FD2] =	sst s25  }
0xa6: {  	s4 =	sshll.u32 s26, $0x1;
	_ =	strace $0x80000052;
	[dreg:$0x1] =	wrdreg $0xFFFFFFFF  }
0xa7: {  	s28 =	simm.s32 $_size_execute0_lowered;
	s2 =	sadd.s32 s2, s4;
	[dreg:$0x0] =	wrdreg $0x0  }
0xa8: {  	s4 =	sshll.u32 s28, $0x1;
	[dreg:$0x2] =	wrdreg s2  }
0xa9: {  	[dreg:$0x3] =	wrdreg s4  }
0xaa: {  	[dreg:$0x4] =	wrdreg $0xC0  }
0xab: {  	_ =	task [dreg:s6], $0x5FFFF  }
0xac: {  	[dreg:$0x1] =	wrdreg $0xFFFFFFFF  }
0xad: {  	[dreg:$0x0] =	wrdreg $0x60  }
0xae: {  	[dreg:$0x2] =	wrdreg s24  }
0xaf: {  	[dreg:$0x3] =	wrdreg $0x9  }
0xb0: {  	_ =	task.clear_ibuf [dreg:s6], $0x4FFFF;
	_ =	strace $0x90000052  }
0xb1: {  	s29 =	simm.s32 $0x9;
	_ =	strace $0x80000054  }
0xb2: {  	_ =	swait.ge [sflag:s29], $0x1  }
0xb3: {  	[sflag:s29] =	ssyncadd.s32 $0xFFFFFFFF  }
0xb4: {  	_ =	strace $0x90000054  }
0xb5: {  	_ =	sfence  }
0xb6: {  	s30 =	sld [smem:$0x0];
	_ =	sdelay $0x2  }
0xb7: {  	s31 =	sshll.u32 s1, $0xD;
	s1 =	sshrl.u32 s1, $0x2  }
0xb8: {  	s3 =	sand.u32 $0x4000, s31;
	s1 =	sadd.s32 s1, s30  }
0xb9: {  	s0 =	sor.u32 s3, s0;
	s1 =	sshll.u32 s1, $0x11  }
0xba: {  	s0 =	sor.u32 s1, s0  }
0xbb: {  	s0 =	sadd.s32 $0x8F2B, s0  }
0xbc: {  	[sflag:s0] =	ssyncadd.remote.s32 $0x1  }
0xbd: {  	_ =	sfence.sel $0xFFFF  }
0xbe: {  	[dreg:$0x0] =	wrdreg $0xFFFFFFFF;
	(pc) =	sbr.abs _section_cstart, $3  }
0xbf: {  	[dreg:$0x1] =	wrdreg $0xFFFFFFFF  }
0xc0: {  	_ =	task.clear_ibuf [dreg:s6], $0x2FFFF;
	_ =	strace $0x9FFFFFFF  }
0xc1: {  	(tm) =	ssettm $0x7FFFFFFF  }
tec
execute0_lowered:
.L_overlay_start_1:
0x0: {  	(tag) =	ssettag $0x1  }
0x1: {  	s1 =	srdreg.scid;
	s0 =	stileid.u32  }
0x2: {  	s9 =	rddreg [dreg:$0x0];
	s12 =	simm.s32 $0x200;
	s13 =	simm.s32 $0x400  }
0x3: {  	s14 =	simm.s32 $0x3;
	s15 =	simm.s32 $0x14000;
	s16 =	simm.s32 $0x16000  }
0x4: {  	s17 =	simm.s32 $0x18000;
	s18 =	simm.s32 $0x15000;
	s19 =	simm.s32 $0x17000  }
0x5: {  	s20 =	simm.s32 $0x19000;
	s21 =	simm.s32 $0x1;
	s22 =	simm.s32 $0xA000  }
0x6: {  	s23 =	simm.s32 $0x2;
	s24 =	simm.s32 $0x0;
	s4 =	sand.u32 $0x1, s1  }
0x7: {  	s2 =	sshll.u32 s0, $0x2;
	s5 =	sshll.u32 s0, $0x9;
	s1 =	sshll.u32 s4, $0x6  }
0x8: {  	s8 =	sadd.s32 $0x5C00, s9;
	s5 =	sand.u32 $0x200, s5;
	s2 =	sor.u32 s2, s1  }
0x9: {  	s6 =	ssub.s32 $0x2, s4;
	s4 =	sadd.s32 $0x5A00, s9;
	s3 =	sshrl.u32 s2, $0x3  }
0xa: {  	s1 =	rddreg [dreg:$0x1];
	s7 =	sshrl.u32 s6, $0x1;
	s3 =	smul.u32 $0x14000, s3  }
.Ltmp0:
0xb: {  	s2 =	simm.s32 $0x0;
	s11 =	ssub.s32 s6, s7;
	(pc) =	sbr.rel .LBB2_1-.Ltmp0, $4  }
0xc: {  	s7 =	sadd.s32 $0x23C00, s9;
	[smem:$0x7FF] =	sst s2;
	s5 =	sor.u32 s5, s3  }
0xd: {  	s11 =	smax.u32 s11, $0x1;
	_ =	strace $0x80000053;
	s5 =	sshrl.u32 s5, $0x3  }
0xe: {  	s3 =	sadd.s32 $0x23A00, s9;
	s10 =	sadd.s32 s5, s9;
	s5 =	sadd.s32 $0xFA00, s9  }
0xf: {  	v0 =	vimm.f32 $0.0e+00;
	s9 =	sadd.s32 $0xFC00, s9;
	s6 =	sadd.s32 $0x2DA00, s10;
	s10 =	sadd.s32 $0x55A00, s10  }
.LBB2_10:
0x10: {  	s24 =	sadd.s32 $0x1, s24  }
0x11: {  	p0 =	sne.s32 s24, s11  }
.Ltmp1:
0x12: {  	_ = 	snop;
	(pc) =	sbr.rel @!p0 .LBB2_11-.Ltmp1, $4  }
0x13: {  	[hbm4b:s10+s12] =	stream.strided.scatter [tilespmem:s22], [sflag:$0x3], $0xA000, s13, s12, $0x38;
	[tilespmem:$0x1A000] =	vst v63  }
0x14: {  	_ =	swait.ge [sflag:s14], $0xA000  }
0x15: {  	[sflag:s14] =	ssyncset.done $0x0  }
0x16: {  	[sflag:s14] =	ssyncadd.s32 $0xFFFF6000  }
.LBB2_1:
0x17: {  	[tilespmem:s2], [sflag:$0x3] =	stream.strided.gather [hbm4b:s6+s12], $0xA000, s13, s12, $0x38;
	[tilespmem:$0x1A000] =	vst v63  }
0x18: {  	_ =	swait.ge [sflag:s14], $0xA000  }
0x19: {  	s25 =	sand.u32 $0x70, s2;
	s26 =	sand.u32 $0xFE00, s2;
	[sflag:s14] =	ssyncset.done $0x0  }
0x1a: {  	s28 =	sor.u32 s25, s26;
	[sflag:s14] =	ssyncadd.s32 $0xFFFF6000  }
0x1b: {  	[tilespmem:s28+$0xA180] =	vst v0  }
0x1c: {  	[tilespmem:s28+$0xA000] =	vst v0  }
0x1d: {  	s25 =	simm.s32 $0x10;
	s26 =	simm.s32 $0x0;
	[tilespmem:s28+$0xA080] =	vst v0  }
.LBB2_2:
0x1e: {  	s29 =	sand.u32 $0x70, s25;
	[tilespmem:s28+$0xA100] =	vst v0;
	s26 =	sadd.s32 $0x40, s26;
	p0 =	sne.s32 s25, $0x27F0  }
.Ltmp2:
0x1f: {  	s25 =	sadd.s32 $0x10, s25;
	s28 =	sand.u32 $0xFE00, s26;
	(pc) =	sbr.rel @p0 .LBB2_2-.Ltmp2, $4  }
0x20: {  	s28 =	sor.u32 s29, s28  }
0x21: {  	[tilespmem:s28+$0xA180] =	vst v0  }
0x22: {  	[tilespmem:s28+$0xA000] =	vst v0  }
0x23: {  	[tilespmem:s28+$0xA080] =	vst v0  }
0x24: {  	[tilespmem:s28+$0xA100] =	vst v0;
	s25 =	simm.s32 $0x0  }
0x25: {  	[tilespmem:s15], [sflag:$0x1] =	stream.linear.gather [hbm4b:s3+s25], $0x1000, $0x38;
	[tilespmem:$0x1A000] =	vst v63  }
0x26: {  	_ = 	snop  }
0x27: {  	[tilespmem:s16], [sflag:$0x1] =	stream.linear.gather [hbm4b:s4+s25], $0x1000, $0x38;
	[tilespmem:$0x1A000] =	vst v63  }
0x28: {  	_ = 	snop  }
0x29: {  	[tilespmem:s17], [sflag:$0x1] =	stream.linear.gather [hbm4b:s5+s25], $0x1000, $0x38;
	[tilespmem:$0x1A000] =	vst v63  }
0x2a: {  	_ = 	snop  }
0x2b: {  	[tilespmem:s18], [sflag:$0x2] =	stream.linear.gather [hbm4b:s7+s25], $0x1000, $0x38;
	[tilespmem:$0x1A000] =	vst v63  }
0x2c: {  	_ = 	snop  }
0x2d: {  	[tilespmem:s19], [sflag:$0x2] =	stream.linear.gather [hbm4b:s8+s25], $0x1000, $0x38;
	[tilespmem:$0x1A000] =	vst v63  }
0x2e: {  	_ = 	snop  }
0x2f: {  	[tilespmem:s20], [sflag:$0x2] =	stream.linear.gather [hbm4b:s9+s25], $0x1000, $0x38;
	[tilespmem:$0x1A000] =	vst v63  }
.LBB2_4:
0x30: {  	_ =	swait.ge [sflag:s21], $0x1000  }
0x31: {  	[sflag:s21] =	ssyncset.done $0x0  }
0x32: {  	[sflag:s21] =	ssyncadd.s32 $0xFFFFF000  }
0x33: {  	_ =	swait.ge [sflag:s21], $0x1000  }
0x34: {  	[sflag:s21] =	ssyncset.done $0x0  }
0x35: {  	[sflag:s21] =	ssyncadd.s32 $0xFFFFF000  }
0x36: {  	_ =	swait.ge [sflag:s21], $0x1000  }
0x37: {  	[sflag:s21] =	ssyncset.done $0x0  }
0x38: {  	s28 =	simm.s32 $0x14020;
	[sflag:s21] =	ssyncadd.s32 $0xFFFFF000  }
0x39: {  	v1 =	vld [tilespmem:s28+$0x10];
	_ =	sdelay $0x2  }
0x3a: {  	v2 =	vld [tilespmem:s28+$0xFFFFFFF0]  }
0x3b: {  	v3 =	vld [tilespmem:s28+$0xFFFFFFE0]  }
0x3c: {  	s26 =	simm.s32 $0x16020;
	v4 =	vshll.u32 v1, $0x2  }
0x3d: {  	v6 =	vld [tilespmem:s26+$0x10];
	v1 =	vand.u32 $0x7F, v1;
	v4 =	vand.u32 $0xFFFFFE00, v4  }
0x3e: {  	v7 =	vld [tilespmem:s28+$0x0];
	v5 =	vor.u32 v1, v4  }
0x3f: {  	v1 =	vshll.u32 v2, $0x2  }
0x40: {  	v8 =	vld [tilespmem:s26+$0xFFFFFFE0];
	v2 =	vand.u32 $0x7F, v2;
	v4 =	vshll.u32 v3, $0x2;
	v1 =	vand.u32 $0xFFFFFE00, v1  }
0x41: {  	v10 =	vld [tilespmem:s26+$0xFFFFFFF0];
	s28 =	simm.s32 $0x18020;
	v3 =	vand.u32 $0x7F, v3;
	v9 =	vor.u32 v2, v1;
	v1 =	vand.u32 $0xFFFFFE00, v4  }
0x42: {  	v4 =	vld [tilespmem:s28+$0x10];
	v11 =	vor.u32 v3, v1;
	v1 =	vshll.u32 v6, $0x2  }
0x43: {  	v2 =	vand.u32 $0x7F, v6;
	v6 =	vshll.u32 v7, $0x2;
	v1 =	vand.u32 $0xFFFFFE00, v1;
	v3 =	vld.idx.msk [tilespmem:v5+s2+$0x0], $0xffff  }
0x44: {  	v12 =	vld [tilespmem:s26+$0x0];
	v7 =	vand.u32 $0x7F, v7;
	v15 =	vor.u32 v2, v1;
	v1 =	vand.u32 $0xFFFFFE00, v6  }
0x45: {  	v2 =	vshll.u32 v8, $0x2;
	v16 =	vor.u32 v7, v1;
	v1 =	vld [tilespmem:s28+$0xFFFFFFE0]  }
0x46: {  	v14 =	vor.u32 $0x80, v5;
	v7 =	vand.u32 $0xFFFFFE00, v2;
	v2 =	vld [tilespmem:s28+$0xFFFFFFF0]  }
0x47: {  	v6 =	vld.idx.msk [tilespmem:v11+s2+$0x0], $0xffff  }
0x48: {  	v17 =	vshll.u32 v10, $0x2;
	v8 =	vand.u32 $0x7F, v8;
	v13 =	vld.idx.msk [tilespmem:v9+s2+$0x0], $0xffff;
	v3 =	vmul.f32 v3, v4  }
0x49: {  	v10 =	vand.u32 $0x7F, v10;
	v17 =	vand.u32 $0xFFFFFE00, v17;
	v18 =	vor.u32 v8, v7  }
0x4a: {  	v17 =	vor.u32 v10, v17;
	[tilespmem:v15+s22+$0x0] =	vst.idx.add.f32.msk $0xffff, v3  }
0x4b: {  	v7 =	vor.u32 $0x80, v11;
	v8 =	vld.idx.msk [tilespmem:v14+s2+$0x0], $0xffff  }
0x4c: {  	v10 =	vor.u32 $0x80, v9;
	v3 =	vld [tilespmem:s28+$0x0];
	v6 =	vmul.f32 v6, v1  }
0x4d: {  	v19 =	vshll.u32 v12, $0x2;
	v20 =	vor.u32 $0x80, v15;
	v13 =	vmul.f32 v13, v2;
	v14 =	vld.idx.msk [tilespmem:v16+s2+$0x0], $0xffff  }
0x4e: {  	v12 =	vand.u32 $0x7F, v12;
	v19 =	vand.u32 $0xFFFFFE00, v19;
	[tilespmem:v18+s22+$0x0] =	vst.idx.add.f32.msk $0xffff, v6;
	v6 =	vor.u32 $0x100, v5  }
0x4f: {  	v19 =	vor.u32 v12, v19;
	[tilespmem:v17+s22+$0x0] =	vst.idx.add.f32.msk $0xffff, v13  }
0x50: {  	v12 =	vor.u32 $0x80, v16;
	v7 =	vld.idx.msk [tilespmem:v7+s2+$0x0], $0xffff;
	v8 =	vmul.f32 v8, v4  }
0x51: {  	v10 =	vld.idx.msk [tilespmem:v10+s2+$0x0], $0xffff  }
0x52: {  	v13 =	vor.u32 $0x80, v18;
	v14 =	vmul.f32 v14, v3;
	[tilespmem:v20+s22+$0x0] =	vst.idx.add.f32.msk $0xffff, v8  }
0x53: {  	v8 =	vor.u32 $0x80, v17;
	v6 =	vld.idx.msk [tilespmem:v6+s2+$0x0], $0xffff  }
0x54: {  	v20 =	vor.u32 $0x100, v11;
	[tilespmem:v19+s22+$0x0] =	vst.idx.add.f32.msk $0xffff, v14  }
0x55: {  	v14 =	vor.u32 $0x100, v15;
	v12 =	vld.idx.msk [tilespmem:v12+s2+$0x0], $0xffff;
	v7 =	vmul.f32 v7, v1  }
0x56: {  	v5 =	vor.u32 $0x180, v5;
	v10 =	vmul.f32 v10, v2  }
0x57: {  	v21 =	vor.u32 $0x80, v19;
	[tilespmem:v13+s22+$0x0] =	vst.idx.add.f32.msk $0xffff, v7  }
0x58: {  	v22 =	vor.u32 $0x100, v9;
	[tilespmem:v8+s22+$0x0] =	vst.idx.add.f32.msk $0xffff, v10;
	v6 =	vmul.f32 v6, v4  }
0x59: {  	v23 =	vor.u32 $0x100, v16;
	v20 =	vld.idx.msk [tilespmem:v20+s2+$0x0], $0xffff  }
0x5a: {  	v10 =	vmul.f32 v12, v3;
	[tilespmem:v14+s22+$0x0] =	vst.idx.add.f32.msk $0xffff, v6  }
0x5b: {  	v15 =	vor.u32 $0x180, v15;
	v7 =	vor.u32 $0x180, v11;
	v14 =	vld.idx.msk [tilespmem:v5+s2+$0x0], $0xffff  }
0x5c: {  	v13 =	vor.u32 $0x100, v17;
	v11 =	vor.u32 $0x100, v19;
	v8 =	vor.u32 $0x180, v9;
	[tilespmem:v21+s22+$0x0] =	vst.idx.add.f32.msk $0xffff, v10  }
0x5d: {  	v9 =	vor.u32 $0x180, v18;
	v12 =	vor.u32 $0x100, v18;
	v10 =	vor.u32 $0x180, v16;
	v16 =	vld.idx.msk [tilespmem:v22+s2+$0x0], $0xffff  }
0x5e: {  	s29 =	simm.s32 $0x0;
	s30 =	simm.s32 $0x14060;
	v6 =	vor.u32 $0x180, v19;
	v5 =	vor.u32 $0x180, v17;
	v17 =	vld.idx.msk [tilespmem:v23+s2+$0x0], $0xffff;
	v18 =	vmul.f32 v20, v1  }
.LBB2_5:
0x5f: {  	v19 =	vld [tilespmem:s30+$0x10];
	s29 =	sadd.s32 $0x4, s29  }
0x60: {  	v4 =	vmul.f32 v14, v4;
	v20 =	vld [tilespmem:s30+$0xFFFFFFF0];
	p0 =	slt.u32 s29, $0xFC  }
0x61: {  	v14 =	vld [tilespmem:s30+$0x0]  }
0x62: {  	v16 =	vmul.f32 v16, v2;
	[tilespmem:v15+s22+$0x0] =	vst.idx.add.f32.msk $0xffff, v4  }
0x63: {  	v15 =	vmul.f32 v17, v3;
	v4 =	vld [tilespmem:s30+$0xFFFFFFE0]  }
0x64: {  	v17 =	vshll.u32 v19, $0x2;
	[tilespmem:v12+s22+$0x0] =	vst.idx.add.f32.msk $0xffff, v18  }
0x65: {  	v18 =	vand.u32 $0x7F, v19;
	v12 =	vshll.u32 v20, $0x2;
	v17 =	vand.u32 $0xFFFFFE00, v17;
	[tilespmem:v13+s22+$0x0] =	vst.idx.add.f32.msk $0xffff, v16  }
0x66: {  	s26 =	sadd.s32 $0x40, s26;
	v12 =	vand.u32 $0xFFFFFE00, v12;
	v13 =	vshll.u32 v14, $0x2;
	v16 =	vor.u32 v18, v17;
	[tilespmem:v11+s22+$0x0] =	vst.idx.add.f32.msk $0xffff, v15  }
0x67: {  	v11 =	vand.u32 $0x7F, v20;
	v14 =	vand.u32 $0x7F, v14;
	v13 =	vand.u32 $0xFFFFFE00, v13;
	v15 =	vld [tilespmem:s26+$0x10]  }
0x68: {  	v11 =	vor.u32 v11, v12;
	v17 =	vld [tilespmem:s26+$0xFFFFFFE0];
	v18 =	vand.u32 $0x7F, v4;
	v4 =	vshll.u32 v4, $0x2  }
0x69: {  	v19 =	vor.u32 $0x80, v11;
	v14 =	vor.u32 v14, v13;
	v4 =	vand.u32 $0xFFFFFE00, v4;
	v12 =	vld [tilespmem:s26+$0xFFFFFFF0]  }
0x6a: {  	v21 =	vor.u32 $0x80, v14;
	v13 =	vor.u32 v18, v4;
	v18 =	vor.u32 $0x100, v11;
	v20 =	vld [tilespmem:s26+$0x0]  }
0x6b: {  	s28 =	sadd.s32 $0x40, s28;
	v24 =	vor.u32 $0x100, v14;
	v22 =	vor.u32 $0x80, v13;
	v23 =	vor.u32 $0x100, v13;
	v25 =	vld.idx.msk [tilespmem:v16+s2+$0x0], $0xffff  }
0x6c: {  	v27 =	vor.u32 $0x180, v11;
	v26 =	vor.u32 $0x180, v13;
	v4 =	vld [tilespmem:s28+$0x10];
	v28 =	vshll.u32 v15, $0x2  }
0x6d: {  	v29 =	vshll.u32 v17, $0x2;
	v30 =	vld.idx.msk [tilespmem:v11+s2+$0x0], $0xffff;
	v11 =	vand.u32 $0x7F, v15;
	v15 =	vand.u32 $0xFFFFFE00, v28  }
0x6e: {  	v28 =	vand.u32 $0xFFFFFE00, v29;
	v29 =	vshll.u32 v12, $0x2;
	v31 =	vld.idx.msk [tilespmem:v14+s2+$0x0], $0xffff;
	v15 =	vor.u32 v11, v15  }
0x6f: {  	v32 =	vld.idx.msk [tilespmem:v13+s2+$0x0], $0xffff;
	v11 =	vand.u32 $0xFFFFFE00, v29;
	v13 =	vshll.u32 v20, $0x2;
	v29 =	vor.u32 $0x80, v16  }
0x70: {  	v17 =	vand.u32 $0x7F, v17;
	v12 =	vand.u32 $0x7F, v12;
	v33 =	vld [tilespmem:s28+$0xFFFFFFE0];
	v13 =	vand.u32 $0xFFFFFE00, v13  }
0x71: {  	v17 =	vor.u32 v17, v28;
	v20 =	vand.u32 $0x7F, v20;
	v28 =	vld [tilespmem:s28+$0xFFFFFFF0];
	v25 =	vmul.f32 v25, v4  }
0x72: {  	v34 =	vor.u32 $0x80, v17;
	v35 =	vor.u32 v12, v11;
	v20 =	vor.u32 v20, v13;
	v36 =	vld [tilespmem:s28+$0x0]  }
0x73: {  	v12 =	vor.u32 $0x100, v17;
	v37 =	vor.u32 $0x80, v35;
	v38 =	vor.u32 $0x80, v20;
	[tilespmem:v15+s22+$0x0] =	vst.idx.add.f32.msk $0xffff, v25  }
0x74: {  	v14 =	vor.u32 $0x180, v14;
	v13 =	vor.u32 $0x100, v35;
	v11 =	vor.u32 $0x100, v20;
	v25 =	vld.idx.msk [tilespmem:v29+s2+$0x0], $0xffff  }
0x75: {  	v39 =	vor.u32 $0x180, v35;
	v29 =	vmul.f32 v32, v33;
	v32 =	vor.u32 $0x180, v17;
	v40 =	vld.idx.msk [tilespmem:v7+s2+$0x0], $0xffff;
	v7 =	vmovc v26  }
0x76: {  	v26 =	vmul.f32 v30, v28;
	v30 =	vor.u32 $0x180, v20;
	v41 =	vld.idx.msk [tilespmem:v8+s2+$0x0], $0xffff;
	v8 =	vmov v27  }
0x77: {  	v27 =	vor.u32 $0x80, v15;
	[tilespmem:v17+s22+$0x0] =	vst.idx.add.f32.msk $0xffff, v29;
	v17 =	vmul.f32 v31, v36  }
0x78: {  	[tilespmem:v35+s22+$0x0] =	vst.idx.add.f32.msk $0xffff, v26;
	v26 =	vor.u32 $0x100, v16  }
0x79: {  	[tilespmem:v20+s22+$0x0] =	vst.idx.add.f32.msk $0xffff, v17  }
0x7a: {  	v20 =	vmul.f32 v25, v4;
	v17 =	vld.idx.msk [tilespmem:v22+s2+$0x0], $0xffff  }
0x7b: {  	v22 =	vmul.f32 v40, v1;
	v1 =	vmov v33;
	v19 =	vld.idx.msk [tilespmem:v19+s2+$0x0], $0xffff  }
0x7c: {  	[tilespmem:v27+s22+$0x0] =	vst.idx.add.f32.msk $0xffff, v20;
	v20 =	vmul.f32 v41, v2;
	v2 =	vmov v28  }
0x7d: {  	v25 =	vld.idx.msk [tilespmem:v26+s2+$0x0], $0xffff  }
0x7e: {  	v21 =	vld.idx.msk [tilespmem:v21+s2+$0x0], $0xffff  }
0x7f: {  	v26 =	vld.idx.msk [tilespmem:v10+s2+$0x0], $0xffff;
	v10 =	vmov v14  }
0x80: {  	v14 =	vmul.f32 v17, v1;
	v17 =	vor.u32 $0x100, v15;
	[tilespmem:v9+s22+$0x0] =	vst.idx.add.f32.msk $0xffff, v22;
	v9 =	vmov v32  }
0x81: {  	v16 =	vor.u32 $0x180, v16;
	v19 =	vmul.f32 v19, v2;
	[tilespmem:v5+s22+$0x0] =	vst.idx.add.f32.msk $0xffff, v20;
	v5 =	vmov v39  }
0x82: {  	[tilespmem:v34+s22+$0x0] =	vst.idx.add.f32.msk $0xffff, v14  }
0x83: {  	v14 =	vmul.f32 v25, v4;
	[tilespmem:v37+s22+$0x0] =	vst.idx.add.f32.msk $0xffff, v19  }
0x84: {  	v20 =	vmul.f32 v21, v36;
	v19 =	vld.idx.msk [tilespmem:v23+s2+$0x0], $0xffff  }
0x85: {  	v21 =	vmul.f32 v26, v3;
	v3 =	vmov v36;
	[tilespmem:v17+s22+$0x0] =	vst.idx.add.f32.msk $0xffff, v14  }
.Ltmp3:
0x86: {  	v14 =	vld.idx.msk [tilespmem:v16+s2+$0x0], $0xffff;
	(pc) =	sbr.rel @p0 .LBB2_5-.Ltmp3, $4  }
0x87: {  	[tilespmem:v38+s22+$0x0] =	vst.idx.add.f32.msk $0xffff, v20  }
0x88: {  	v16 =	vld.idx.msk [tilespmem:v18+s2+$0x0], $0xffff  }
0x89: {  	v15 =	vor.u32 $0x180, v15;
	v17 =	vld.idx.msk [tilespmem:v24+s2+$0x0], $0xffff  }
0x8a: {  	s30 =	sadd.s32 $0x40, s30;
	v18 =	vmul.f32 v19, v1;
	[tilespmem:v6+s22+$0x0] =	vst.idx.add.f32.msk $0xffff, v21;
	v6 =	vmov v30  }
0x8b: {  	_ =	sdelay $0x3  }
0x8c: {  	[tilespmem:v12+s22+$0x0] =	vst.idx.add.f32.msk $0xffff, v18;
	v16 =	vmul.f32 v16, v2  }
0x8d: {  	v7 =	vld.idx.msk [tilespmem:v7+s2+$0x0], $0xffff;
	v17 =	vmul.f32 v17, v3  }
0x8e: {  	[tilespmem:v13+s22+$0x0] =	vst.idx.add.f32.msk $0xffff, v16  }
0x8f: {  	[tilespmem:v11+s22+$0x0] =	vst.idx.add.f32.msk $0xffff, v17  }
0x90: {  	v8 =	vld.idx.msk [tilespmem:v8+s2+$0x0], $0xffff  }
0x91: {  	v10 =	vld.idx.msk [tilespmem:v10+s2+$0x0], $0xffff;
	_ =	sdelay $0x1  }
0x92: {  	v4 =	vmul.f32 v14, v4  }
0x93: {  	v1 =	vmul.f32 v7, v1  }
0x94: {  	[tilespmem:v15+s22+$0x0] =	vst.idx.add.f32.msk $0xffff, v4;
	v2 =	vmul.f32 v8, v2  }
0x95: {  	s26 =	sshll.u32 s25, $0xA;
	p0 =	seq.s32 s25, $0x27;
	[tilespmem:v9+s22+$0x0] =	vst.idx.add.f32.msk $0xffff, v1;
	v1 =	vmul.f32 v10, v3  }
0x96: {  	s28 =	sadd.s32 @!p0 $0x400, s26;
	[tilespmem:v5+s22+$0x0] =	vst.idx.add.f32.msk $0xffff, v2  }
0x97: {  	s30 =	simm.s32 @!p0 $0x0;
	s31 =	simm.s32 @!p0 $0x14000;
	s29 =	sadd.s32 @!p0 s3, s28;
	[tilespmem:v6+s22+$0x0] =	vst.idx.add.f32.msk $0xffff, v1  }
0x98: {  	[tilespmem:s31], [sflag:$0x1] =	stream.linear.gather @!p0 [hbm4b:s29+s30], $0x1000, $0x38;
	[tilespmem:$0x1A000] =	vst v63  }
0x99: {  	s29 =	sadd.s32 @!p0 s4, s28;
	s31 =	simm.s32 @!p0 $0x16000  }
0x9a: {  	[tilespmem:s31], [sflag:$0x1] =	stream.linear.gather @!p0 [hbm4b:s29+s30], $0x1000, $0x38;
	[tilespmem:$0x1A000] =	vst v63  }
0x9b: {  	s28 =	sadd.s32 @!p0 s5, s28;
	s29 =	simm.s32 @!p0 $0x18000  }
0x9c: {  	[tilespmem:s29], [sflag:$0x1] =	stream.linear.gather @!p0 [hbm4b:s28+s30], $0x1000, $0x38;
	[tilespmem:$0x1A000] =	vst v63  }
0x9d: {  	_ =	swait.ge [sflag:s23], $0x1000  }
0x9e: {  	[sflag:s23] =	ssyncset.done $0x0  }
0x9f: {  	[sflag:s23] =	ssyncadd.s32 $0xFFFFF000  }
0xa0: {  	_ =	swait.ge [sflag:s23], $0x1000  }
0xa1: {  	[sflag:s23] =	ssyncset.done $0x0  }
0xa2: {  	[sflag:s23] =	ssyncadd.s32 $0xFFFFF000  }
0xa3: {  	_ =	swait.ge [sflag:s23], $0x1000  }
0xa4: {  	[sflag:s23] =	ssyncset.done $0x0  }
0xa5: {  	s29 =	simm.s32 $0x15020;
	[sflag:s23] =	ssyncadd.s32 $0xFFFFF000  }
0xa6: {  	v1 =	vld [tilespmem:s29+$0x10];
	_ =	sdelay $0x2  }
0xa7: {  	v2 =	vld [tilespmem:s29+$0xFFFFFFF0]  }
0xa8: {  	v3 =	vld [tilespmem:s29+$0xFFFFFFE0]  }
0xa9: {  	s28 =	simm.s32 $0x17020;
	v4 =	vshll.u32 v1, $0x2  }
0xaa: {  	v6 =	vld [tilespmem:s28+$0x10];
	v1 =	vand.u32 $0x7F, v1;
	v4 =	vand.u32 $0xFFFFFE00, v4  }
0xab: {  	v7 =	vld [tilespmem:s29+$0x0];
	v5 =	vor.u32 v1, v4  }
0xac: {  	v1 =	vshll.u32 v2, $0x2  }
0xad: {  	v8 =	vld [tilespmem:s28+$0xFFFFFFE0];
	v2 =	vand.u32 $0x7F, v2;
	v4 =	vshll.u32 v3, $0x2;
	v1 =	vand.u32 $0xFFFFFE00, v1  }
0xae: {  	v10 =	vld [tilespmem:s28+$0xFFFFFFF0];
	s29 =	simm.s32 $0x19020;
	v3 =	vand.u32 $0x7F, v3;
	v9 =	vor.u32 v2, v1;
	v1 =	vand.u32 $0xFFFFFE00, v4  }
0xaf: {  	v4 =	vld [tilespmem:s29+$0x10];
	v11 =	vor.u32 v3, v1;
	v1 =	vshll.u32 v6, $0x2  }
0xb0: {  	v2 =	vand.u32 $0x7F, v6;
	v6 =	vshll.u32 v7, $0x2;
	v1 =	vand.u32 $0xFFFFFE00, v1;
	v3 =	vld.idx.msk [tilespmem:v5+s2+$0x0], $0xffff  }
0xb1: {  	v12 =	vld [tilespmem:s28+$0x0];
	v7 =	vand.u32 $0x7F, v7;
	v15 =	vor.u32 v2, v1;
	v1 =	vand.u32 $0xFFFFFE00, v6  }
0xb2: {  	v2 =	vshll.u32 v8, $0x2;
	v7 =	vor.u32 v7, v1;
	v1 =	vld [tilespmem:s29+$0xFFFFFFE0]  }
0xb3: {  	v14 =	vor.u32 $0x80, v5;
	v16 =	vand.u32 $0xFFFFFE00, v2;
	v2 =	vld [tilespmem:s29+$0xFFFFFFF0]  }
0xb4: {  	v6 =	vld.idx.msk [tilespmem:v11+s2+$0x0], $0xffff  }
0xb5: {  	v17 =	vshll.u32 v10, $0x2;
	v8 =	vand.u32 $0x7F, v8;
	v13 =	vld.idx.msk [tilespmem:v9+s2+$0x0], $0xffff;
	v3 =	vmul.f32 v3, v4  }
0xb6: {  	v10 =	vand.u32 $0x7F, v10;
	v17 =	vand.u32 $0xFFFFFE00, v17;
	v8 =	vor.u32 v8, v16  }
0xb7: {  	v16 =	vor.u32 v10, v17;
	[tilespmem:v15+s22+$0x0] =	vst.idx.add.f32.msk $0xffff, v3  }
0xb8: {  	v10 =	vor.u32 $0x80, v11;
	v14 =	vld.idx.msk [tilespmem:v14+s2+$0x0], $0xffff  }
0xb9: {  	v17 =	vor.u32 $0x80, v9;
	v18 =	vld.idx.msk [tilespmem:v7+s2+$0x0], $0xffff;
	v6 =	vmul.f32 v6, v1  }
0xba: {  	v19 =	vshll.u32 v12, $0x2;
	v20 =	vor.u32 $0x80, v15;
	v3 =	vld [tilespmem:s29+$0x0];
	v13 =	vmul.f32 v13, v2  }
0xbb: {  	v12 =	vand.u32 $0x7F, v12;
	v19 =	vand.u32 $0xFFFFFE00, v19;
	[tilespmem:v8+s22+$0x0] =	vst.idx.add.f32.msk $0xffff, v6;
	v6 =	vor.u32 $0x100, v5  }
0xbc: {  	v19 =	vor.u32 v12, v19;
	[tilespmem:v16+s22+$0x0] =	vst.idx.add.f32.msk $0xffff, v13  }
0xbd: {  	v12 =	vor.u32 $0x80, v7;
	v10 =	vld.idx.msk [tilespmem:v10+s2+$0x0], $0xffff;
	v13 =	vmul.f32 v14, v4  }
0xbe: {  	v14 =	vld.idx.msk [tilespmem:v17+s2+$0x0], $0xffff  }
0xbf: {  	v18 =	vmul.f32 v18, v3;
	v17 =	vor.u32 $0x80, v8;
	[tilespmem:v20+s22+$0x0] =	vst.idx.add.f32.msk $0xffff, v13  }
0xc0: {  	v13 =	vor.u32 $0x80, v16;
	v6 =	vld.idx.msk [tilespmem:v6+s2+$0x0], $0xffff  }
0xc1: {  	[tilespmem:v19+s22+$0x0] =	vst.idx.add.f32.msk $0xffff, v18;
	v20 =	vor.u32 $0x100, v11  }
0xc2: {  	v18 =	vor.u32 $0x100, v15;
	v12 =	vld.idx.msk [tilespmem:v12+s2+$0x0], $0xffff;
	v10 =	vmul.f32 v10, v1  }
0xc3: {  	v21 =	vor.u32 $0x180, v5;
	v14 =	vmul.f32 v14, v2  }
0xc4: {  	v22 =	vor.u32 $0x80, v19;
	[tilespmem:v17+s22+$0x0] =	vst.idx.add.f32.msk $0xffff, v10  }
0xc5: {  	v17 =	vor.u32 $0x100, v9;
	[tilespmem:v13+s22+$0x0] =	vst.idx.add.f32.msk $0xffff, v14;
	v5 =	vmul.f32 v6, v4  }
0xc6: {  	v23 =	vor.u32 $0x100, v7;
	v20 =	vld.idx.msk [tilespmem:v20+s2+$0x0], $0xffff  }
0xc7: {  	v10 =	vmul.f32 v12, v3;
	[tilespmem:v18+s22+$0x0] =	vst.idx.add.f32.msk $0xffff, v5  }
0xc8: {  	v15 =	vor.u32 $0x180, v15;
	v12 =	vor.u32 $0x100, v8;
	v14 =	vld.idx.msk [tilespmem:v21+s2+$0x0], $0xffff  }
0xc9: {  	v13 =	vor.u32 $0x100, v16;
	v8 =	vor.u32 $0x180, v8;
	v6 =	vor.u32 $0x180, v9;
	[tilespmem:v22+s22+$0x0] =	vst.idx.add.f32.msk $0xffff, v10  }
0xca: {  	v9 =	vor.u32 $0x180, v19;
	v10 =	vor.u32 $0x180, v7;
	v7 =	vor.u32 $0x180, v16;
	v16 =	vld.idx.msk [tilespmem:v17+s2+$0x0], $0xffff  }
0xcb: {  	s31 =	simm.s32 $0x15060;
	s30 =	simm.s32 $0x0;
	v5 =	vor.u32 $0x180, v11;
	v11 =	vor.u32 $0x100, v19;
	v17 =	vld.idx.msk [tilespmem:v23+s2+$0x0], $0xffff;
	v18 =	vmul.f32 v20, v1  }
.LBB2_7:
0xcc: {  	v19 =	vld [tilespmem:s31+$0x10];
	s30 =	sadd.s32 $0x4, s30  }
0xcd: {  	v4 =	vmul.f32 v14, v4;
	v20 =	vld [tilespmem:s31+$0xFFFFFFF0];
	p1 =	slt.u32 s30, $0xFC  }
0xce: {  	v14 =	vld [tilespmem:s31+$0x0]  }
0xcf: {  	v16 =	vmul.f32 v16, v2;
	[tilespmem:v15+s22+$0x0] =	vst.idx.add.f32.msk $0xffff, v4  }
0xd0: {  	v15 =	vmul.f32 v17, v3;
	v4 =	vld [tilespmem:s31+$0xFFFFFFE0]  }
0xd1: {  	v17 =	vshll.u32 v19, $0x2;
	[tilespmem:v12+s22+$0x0] =	vst.idx.add.f32.msk $0xffff, v18  }
0xd2: {  	v18 =	vand.u32 $0x7F, v19;
	v12 =	vshll.u32 v20, $0x2;
	v17 =	vand.u32 $0xFFFFFE00, v17;
	[tilespmem:v13+s22+$0x0] =	vst.idx.add.f32.msk $0xffff, v16  }
0xd3: {  	s28 =	sadd.s32 $0x40, s28;
	v12 =	vand.u32 $0xFFFFFE00, v12;
	v13 =	vshll.u32 v14, $0x2;
	v16 =	vor.u32 v18, v17;
	[tilespmem:v11+s22+$0x0] =	vst.idx.add.f32.msk $0xffff, v15  }
0xd4: {  	v11 =	vand.u32 $0x7F, v20;
	v14 =	vand.u32 $0x7F, v14;
	v13 =	vand.u32 $0xFFFFFE00, v13;
	v15 =	vld [tilespmem:s28+$0x10]  }
0xd5: {  	v11 =	vor.u32 v11, v12;
	v17 =	vld [tilespmem:s28+$0xFFFFFFE0];
	v18 =	vand.u32 $0x7F, v4;
	v4 =	vshll.u32 v4, $0x2  }
0xd6: {  	v19 =	vor.u32 $0x80, v11;
	v14 =	vor.u32 v14, v13;
	v4 =	vand.u32 $0xFFFFFE00, v4;
	v12 =	vld [tilespmem:s28+$0xFFFFFFF0]  }
0xd7: {  	v21 =	vor.u32 $0x80, v14;
	v13 =	vor.u32 v18, v4;
	v18 =	vor.u32 $0x100, v11;
	v20 =	vld [tilespmem:s28+$0x0]  }
0xd8: {  	s29 =	sadd.s32 $0x40, s29;
	v24 =	vor.u32 $0x100, v14;
	v22 =	vor.u32 $0x80, v13;
	v23 =	vor.u32 $0x100, v13;
	v25 =	vld.idx.msk [tilespmem:v16+s2+$0x0], $0xffff  }
0xd9: {  	v27 =	vor.u32 $0x180, v11;
	v26 =	vor.u32 $0x180, v13;
	v4 =	vld [tilespmem:s29+$0x10];
	v28 =	vshll.u32 v15, $0x2  }
0xda: {  	v29 =	vshll.u32 v17, $0x2;
	v30 =	vld.idx.msk [tilespmem:v11+s2+$0x0], $0xffff;
	v11 =	vand.u32 $0x7F, v15;
	v15 =	vand.u32 $0xFFFFFE00, v28  }
0xdb: {  	v28 =	vand.u32 $0xFFFFFE00, v29;
	v29 =	vshll.u32 v12, $0x2;
	v31 =	vld.idx.msk [tilespmem:v14+s2+$0x0], $0xffff;
	v15 =	vor.u32 v11, v15  }
0xdc: {  	v32 =	vld.idx.msk [tilespmem:v13+s2+$0x0], $0xffff;
	v11 =	vand.u32 $0xFFFFFE00, v29;
	v13 =	vshll.u32 v20, $0x2;
	v29 =	vor.u32 $0x80, v16  }
0xdd: {  	v17 =	vand.u32 $0x7F, v17;
	v12 =	vand.u32 $0x7F, v12;
	v33 =	vld [tilespmem:s29+$0xFFFFFFE0];
	v13 =	vand.u32 $0xFFFFFE00, v13  }
0xde: {  	v17 =	vor.u32 v17, v28;
	v20 =	vand.u32 $0x7F, v20;
	v28 =	vld [tilespmem:s29+$0xFFFFFFF0];
	v25 =	vmul.f32 v25, v4  }
0xdf: {  	v34 =	vor.u32 $0x80, v17;
	v35 =	vor.u32 v12, v11;
	v20 =	vor.u32 v20, v13;
	v36 =	vld [tilespmem:s29+$0x0]  }
0xe0: {  	v12 =	vor.u32 $0x100, v17;
	v37 =	vor.u32 $0x80, v35;
	v38 =	vor.u32 $0x80, v20;
	[tilespmem:v15+s22+$0x0] =	vst.idx.add.f32.msk $0xffff, v25  }
0xe1: {  	v14 =	vor.u32 $0x180, v14;
	v13 =	vor.u32 $0x100, v35;
	v11 =	vor.u32 $0x100, v20;
	v25 =	vld.idx.msk [tilespmem:v29+s2+$0x0], $0xffff  }
0xe2: {  	v39 =	vor.u32 $0x180, v35;
	v29 =	vmul.f32 v32, v33;
	v32 =	vor.u32 $0x180, v17;
	v40 =	vld.idx.msk [tilespmem:v5+s2+$0x0], $0xffff;
	v5 =	vmovc v26  }
0xe3: {  	v26 =	vmul.f32 v30, v28;
	v30 =	vor.u32 $0x180, v20;
	v41 =	vld.idx.msk [tilespmem:v6+s2+$0x0], $0xffff;
	v6 =	vmov v27  }
0xe4: {  	v27 =	vor.u32 $0x80, v15;
	[tilespmem:v17+s22+$0x0] =	vst.idx.add.f32.msk $0xffff, v29;
	v17 =	vmul.f32 v31, v36  }
0xe5: {  	[tilespmem:v35+s22+$0x0] =	vst.idx.add.f32.msk $0xffff, v26;
	v26 =	vor.u32 $0x100, v16  }
0xe6: {  	[tilespmem:v20+s22+$0x0] =	vst.idx.add.f32.msk $0xffff, v17  }
0xe7: {  	v20 =	vmul.f32 v25, v4;
	v17 =	vld.idx.msk [tilespmem:v22+s2+$0x0], $0xffff  }
0xe8: {  	v22 =	vmul.f32 v40, v1;
	v1 =	vmov v33;
	v19 =	vld.idx.msk [tilespmem:v19+s2+$0x0], $0xffff  }
0xe9: {  	[tilespmem:v27+s22+$0x0] =	vst.idx.add.f32.msk $0xffff, v20;
	v20 =	vmul.f32 v41, v2;
	v2 =	vmov v28  }
0xea: {  	v25 =	vld.idx.msk [tilespmem:v26+s2+$0x0], $0xffff  }
0xeb: {  	v21 =	vld.idx.msk [tilespmem:v21+s2+$0x0], $0xffff  }
0xec: {  	v26 =	vld.idx.msk [tilespmem:v10+s2+$0x0], $0xffff;
	v10 =	vmov v14  }
0xed: {  	v14 =	vmul.f32 v17, v1;
	v17 =	vor.u32 $0x100, v15;
	[tilespmem:v8+s22+$0x0] =	vst.idx.add.f32.msk $0xffff, v22;
	v8 =	vmov v32  }
0xee: {  	v16 =	vor.u32 $0x180, v16;
	v19 =	vmul.f32 v19, v2;
	[tilespmem:v7+s22+$0x0] =	vst.idx.add.f32.msk $0xffff, v20;
	v7 =	vmov v39  }
0xef: {  	[tilespmem:v34+s22+$0x0] =	vst.idx.add.f32.msk $0xffff, v14  }
0xf0: {  	v14 =	vmul.f32 v25, v4;
	[tilespmem:v37+s22+$0x0] =	vst.idx.add.f32.msk $0xffff, v19  }
0xf1: {  	v20 =	vmul.f32 v21, v36;
	v19 =	vld.idx.msk [tilespmem:v23+s2+$0x0], $0xffff  }
0xf2: {  	v21 =	vmul.f32 v26, v3;
	v3 =	vmov v36;
	[tilespmem:v17+s22+$0x0] =	vst.idx.add.f32.msk $0xffff, v14  }
.Ltmp4:
0xf3: {  	v14 =	vld.idx.msk [tilespmem:v16+s2+$0x0], $0xffff;
	(pc) =	sbr.rel @p1 .LBB2_7-.Ltmp4, $4  }
0xf4: {  	[tilespmem:v38+s22+$0x0] =	vst.idx.add.f32.msk $0xffff, v20  }
0xf5: {  	v16 =	vld.idx.msk [tilespmem:v18+s2+$0x0], $0xffff  }
0xf6: {  	v15 =	vor.u32 $0x180, v15;
	v17 =	vld.idx.msk [tilespmem:v24+s2+$0x0], $0xffff  }
0xf7: {  	s31 =	sadd.s32 $0x40, s31;
	v18 =	vmul.f32 v19, v1;
	[tilespmem:v9+s22+$0x0] =	vst.idx.add.f32.msk $0xffff, v21;
	v9 =	vmov v30  }
0xf8: {  	_ =	sdelay $0x3  }
0xf9: {  	[tilespmem:v12+s22+$0x0] =	vst.idx.add.f32.msk $0xffff, v18;
	v16 =	vmul.f32 v16, v2  }
0xfa: {  	v5 =	vld.idx.msk [tilespmem:v5+s2+$0x0], $0xffff;
	v17 =	vmul.f32 v17, v3  }
0xfb: {  	[tilespmem:v13+s22+$0x0] =	vst.idx.add.f32.msk $0xffff, v16  }
0xfc: {  	[tilespmem:v11+s22+$0x0] =	vst.idx.add.f32.msk $0xffff, v17  }
0xfd: {  	v6 =	vld.idx.msk [tilespmem:v6+s2+$0x0], $0xffff  }
0xfe: {  	v10 =	vld.idx.msk [tilespmem:v10+s2+$0x0], $0xffff;
	_ =	sdelay $0x1  }
0xff: {  	v4 =	vmul.f32 v14, v4  }
.Ltmp5:
0x100: {  	v1 =	vmul.f32 v5, v1;
	(pc) =	sbr.rel @p0 .LBB2_10-.Ltmp5, $4  }
0x101: {  	[tilespmem:v15+s22+$0x0] =	vst.idx.add.f32.msk $0xffff, v4;
	v2 =	vmul.f32 v6, v2  }
0x102: {  	[tilespmem:v8+s22+$0x0] =	vst.idx.add.f32.msk $0xffff, v1;
	v1 =	vmul.f32 v10, v3  }
0x103: {  	[tilespmem:v7+s22+$0x0] =	vst.idx.add.f32.msk $0xffff, v2  }
0x104: {  	[tilespmem:v9+s22+$0x0] =	vst.idx.add.f32.msk $0xffff, v1  }
0x105: {  	s26 =	sadd.s32 $0x600, s26  }
0x106: {  	s28 =	sadd.s32 s3, s26  }
0x107: {  	[tilespmem:s18], [sflag:$0x2] =	stream.linear.gather [hbm4b:s28+s2], $0x1000, $0x38;
	[tilespmem:$0x1A000] =	vst v63  }
.Ltmp6:
0x108: {  	_ = 	snop;
	(pc) =	sbr.rel .LBB2_4-.Ltmp6, $4  }
0x109: {  	s31 =	sadd.s32 s4, s26  }
0x10a: {  	[tilespmem:s19], [sflag:$0x2] =	stream.linear.gather [hbm4b:s31+s2], $0x1000, $0x38;
	[tilespmem:$0x1A000] =	vst v63  }
0x10b: {  	s25 =	sadd.s32 $0x1, s25;
	s26 =	sadd.s32 s5, s26  }
0x10c: {  	[tilespmem:s20], [sflag:$0x2] =	stream.linear.gather [hbm4b:s26+s2], $0x1000, $0x38;
	[tilespmem:$0x1A000] =	vst v63  }
.LBB2_11:
0x10d: {  	_ =	sfence.sel $0x180000  }
0x10e: {  	[bflag:$0x0] =	sbarrier.arrive $0xFFFF  }
0x10f: {  	p0 =	sne.s32 s0, $0x0;
	_ =	strace $0x90000053  }
0x110: {  	s0 =	sadd.s32 @!p0 $0x100000, s1;
	[bflag:$0x2] =	sbarrier.arrive $0xFFFF  }
0x111: {  	[sflag:s0] =	ssyncadd.tile.s32 @!p0 $0x1;
	_ =	shalt  }
.Lfunc_end2:
_tile_overlayer_lowered:
.L_overlay_start_2:
0x112: {  	(tag) =	ssettag $0x2  }
0x113: {  	s0 =	rddreg [dreg:$0x0];
	s2 =	stileid.u32  }
0x114: {  	s1 =	rddreg [dreg:$0x1];
	p0 =	sne.s32 s2, $0x0  }
0x115: {  	s3 =	rddreg [dreg:$0x2];
	[bflag:$0x3] =	sbarrier.arrive $0xFFFF;
	s2 =	simm.s32 @!p0 $0x1C03  }
0x116: {  	[timem:s3], [sflag:s2] =	dma.local @!p0 [hbm:s0], s1  }
0x117: {  	s0 =	simm.s32 @!p0 $0x3  }
0x118: {  	_ =	swait.ge @!p0 [sflag:s0], s1  }
0x119: {  	s1 =	ssub.s32 @!p0 $0x0, s1;
	[sflag:s0] =	ssyncset.done @!p0 $0x0  }
0x11a: {  	[sflag:s0] =	ssyncadd.s32 @!p0 s1  }
0x11b: {  	[bflag:$0x3] =	sbarrier.arrive $0xFFFF  }
0x11c: {  	_ =	shalt  }

// kernel: kernel.33.cloned.1.call-start
scs
__scs_entry_jumppad:
0x0: {  	(pc) =	sbr.rel $0x88, $3  }
0x1: {  	(tag) =	ssettag $0x0;
	lr =	simm.s32 $0x1  }
0x2: {  	[smem:$0x3F95] =	sst lr;
	_ =	strace $0xD0000000  }
0x3: {  	_ = 	snop  }
0x4: {  	_ = 	snop  }
0x5: {  	_ = 	snop  }
0x6: {  	_ = 	snop  }
0x7: {  	_ = 	snop  }
__scs_overlays_trampoline_lowered:
0x8: {  	[smem:$0x3FA4] =	sst s0  }
0x9: {  	[smem:$0x3FA5] =	sst s1  }
0xa: {  	[smem:$0x3FA6] =	sst s2  }
0xb: {  	[smem:$0x3FA7] =	sst s3  }
0xc: {  	[smem:$0x3FA8] =	sst s4  }
0xd: {  	[smem:$0x3FA9] =	sst s5  }
0xe: {  	[smem:$0x3FAA] =	sst s6  }
0xf: {  	[smem:$0x3FAB] =	sst s7  }
0x10: {  	[smem:$0x3FAC] =	sst s8  }
0x11: {  	[smem:$0x3FAD] =	sst s9;
	s0 =	simm.s32 @!p0 $0x0  }
0x12: {  	s1 =	sld [smem:$0x3F93];
	s0 =	simm.s32 @p0 $0x1  }
0x13: {  	[smem:$0x3FAE] =	sst s0;
	s0 =	simm.s32 @!p1 $0x0  }
0x14: {  	s2 =	sld [smem:$0x3F92];
	s0 =	simm.s32 @p1 $0x1  }
0x15: {  	[smem:$0x3FAF] =	sst s0;
	s0 =	simm.s32 @!p2 $0x0  }
0x16: {  	s3 =	sld [smem:$0x3FDB];
	s0 =	simm.s32 @p2 $0x1  }
0x17: {  	s4 =	simm.s32 $0x1BF5;
	[smem:$0x3FB1] =	sst s0  }
0x18: {  	s0 =	sld [smem:$0x3F94];
	_ =	swait.ge [sflag:s4], $0x0  }
0x19: {  	s7 =	sld [smem:$0x3F95]  }
0x1a: {  	s8 =	sadd.s32 $0xFFFFE003, lr  }
0x1b: {  	s9 =	sadd.s32 $0xFFFFFEF7, lr;
	s5 =	simm.s32 $0xFFFFFFFF;
	p2 =	slt.u32 s8, $0xFFFFF086  }
0x1c: {  	p1 =	slt.u32 s9, $0xF7A;
	s5 =	simm.s32 @!p2 $0x0  }
0x1d: {  	s5 =	simm.s32 @p1 $0x1;
	p0 =	seq.s32 s7, s2  }
0x1e: {  	s7 =	smul.u32 @!p0 $0xF7A, s2;
	p2 =	seq.s32 @!p0 s5, $0x0  }
0x1f: {  	s9 =	smul.u32 $0xF7A, s1;
	s8 =	simm.s32 @!p0 $0x1BF5;
	p2 =	por !p2, p0  }
0x20: {  	[sflag:s8] =	ssyncset.s32 @!p0 $0xFFFFF086;
	s6 =	sadd.s32 @!p0 s3, s7;
	s7 =	simm.s32 @!p0 $0x108  }
0x21: {  	s3 =	sadd.s32 s3, s9;
	s6 =	sadd.s32 @!p0 $0x88, s6;
	s7 =	simm.s32 @p2 $0x1082  }
0x22: {  	[simem:s7], [sflag:s8] =	dma.local @!p0 [hbm:s6], $0xF7A  }
0x23: {  	s9 =	sor.u32 $0xD0000000, s2;
	s6 =	simm.s32 $0x108;
	_ =	swait.ge @!p0 [sflag:s8], $0x0  }
0x24: {  	s3 =	sadd.s32 $0x88, s3;
	s6 =	simm.s32 @!p1 $0x1082;
	[sflag:s4] =	ssyncset.s32 $0xFFFFF086  }
0x25: {  	[simem:s6], [sflag:s4] =	dma.local [hbm:s3], $0xF7A  }
0x26: {  	[smem:$0x3F95] =	sst s1;
	(tag) =	ssettag s2;
	_ =	strace s9  }
0x27: {  	s1 =	sld [smem:$0x3FA5]  }
0x28: {  	s2 =	sld [smem:$0x3FA6]  }
0x29: {  	s4 =	sld [smem:$0x3FA8]  }
0x2a: {  	p0 =	seq.s32 s5, $0x0;
	s5 =	sld [smem:$0x3FA9]  }
0x2b: {  	s6 =	sld [smem:$0x3FAA]  }
0x2c: {  	s7 =	sld [smem:$0x3FAB]  }
0x2d: {  	s3 =	simm.s32 $0x108;
	s8 =	sld [smem:$0x3FAC]  }
0x2e: {  	s3 =	simm.s32 @!p0 $0x1082;
	s9 =	sld [smem:$0x3FAD]  }
0x2f: {  	lr =	sadd.s32 s0, s3;
	s0 =	sld [smem:$0x3FA4]  }
0x30: {  	s3 =	sld [smem:$0x3FA7]  }
0x31: {  	[smem:$0x3FB0] =	sst s10  }
0x32: {  	s10 =	sld [smem:$0x3FAE];
	_ =	sdelay $0x3  }
0x33: {  	p0 =	seq.s32 s10, $0x1;
	s10 =	sld [smem:$0x3FB0];
	_ =	sdelay $0x3  }
0x34: {  	[smem:$0x3FB0] =	sst s10  }
0x35: {  	s10 =	sld [smem:$0x3FAF];
	_ =	sdelay $0x3  }
0x36: {  	p1 =	seq.s32 s10, $0x1;
	s10 =	sld [smem:$0x3FB0];
	_ =	sdelay $0x3  }
0x37: {  	[smem:$0x3FB0] =	sst s10  }
0x38: {  	s10 =	sld [smem:$0x3FB1]  }
0x39: {  	_ = 	snop;
	(pc) =	sbr.ind lr, $3  }
0x3a: {  	_ = 	snop  }
0x3b: {  	_ = 	snop  }
0x3c: {  	p2 =	seq.s32 s10, $0x1;
	s10 =	sld [smem:$0x3FB0]  }
0x3d: {  	_ =	shalt  }
0x3e: {  	_ =	shalt  }
0x3f: {  	_ =	shalt  }
0x40: {  	_ =	shalt  }
0x41: {  	_ =	shalt  }
0x42: {  	_ =	shalt  }
0x43: {  	_ =	shalt  }
0x44: {  	_ =	shalt  }
0x45: {  	_ =	shalt  }
0x46: {  	_ =	shalt  }
0x47: {  	_ =	shalt  }
0x48: {  	_ =	shalt  }
0x49: {  	_ =	shalt  }
0x4a: {  	_ =	shalt  }
0x4b: {  	_ =	shalt  }
0x4c: {  	_ =	shalt  }
0x4d: {  	_ =	shalt  }
0x4e: {  	_ =	shalt  }
0x4f: {  	_ =	shalt  }
0x50: {  	_ =	shalt  }
0x51: {  	_ =	shalt  }
0x52: {  	_ =	shalt  }
0x53: {  	_ =	shalt  }
0x54: {  	_ =	shalt  }
0x55: {  	_ =	shalt  }
0x56: {  	_ =	shalt  }
0x57: {  	_ =	shalt  }
0x58: {  	_ =	shalt  }
0x59: {  	_ =	shalt  }
0x5a: {  	_ =	shalt  }
0x5b: {  	_ =	shalt  }
0x5c: {  	_ =	shalt  }
0x5d: {  	_ =	shalt  }
0x5e: {  	_ =	shalt  }
0x5f: {  	_ =	shalt  }
0x60: {  	_ =	shalt  }
0x61: {  	_ =	shalt  }
0x62: {  	_ =	shalt  }
0x63: {  	_ =	shalt  }
0x64: {  	_ =	shalt  }
0x65: {  	_ =	shalt  }
0x66: {  	_ =	shalt  }
0x67: {  	_ =	shalt  }
0x68: {  	_ =	shalt  }
0x69: {  	_ =	shalt  }
0x6a: {  	_ =	shalt  }
0x6b: {  	_ =	shalt  }
0x6c: {  	_ =	shalt  }
0x6d: {  	_ =	shalt  }
0x6e: {  	_ =	shalt  }
0x6f: {  	_ =	shalt  }
0x70: {  	_ =	shalt  }
0x71: {  	_ =	shalt  }
0x72: {  	_ =	shalt  }
0x73: {  	_ =	shalt  }
0x74: {  	_ =	shalt  }
0x75: {  	_ =	shalt  }
0x76: {  	_ =	shalt  }
0x77: {  	_ =	shalt  }
0x78: {  	_ =	shalt  }
0x79: {  	_ =	shalt  }
0x7a: {  	_ =	shalt  }
0x7b: {  	_ =	shalt  }
0x7c: {  	_ =	shalt  }
0x7d: {  	_ =	shalt  }
0x7e: {  	_ =	shalt  }
0x7f: {  	_ =	shalt  }
0x80: {  	_ =	shalt  }
0x81: {  	_ =	shalt  }
0x82: {  	_ =	shalt  }
0x83: {  	_ =	shalt  }
0x84: {  	_ =	shalt  }
0x85: {  	_ =	shalt  }
0x86: {  	_ =	shalt  }
0x87: {  	_ =	shalt  }
.Lfunc_end0:
.L_simem_size_0:
called_computation.5_lowered:
.L_overlay_start_0:
0x88: {  	s2 =	sld [smem:$0x3FD9]  }
0x89: {  	s3 =	sld [smem:$0x3FFE];
	_ =	sdelay $0x1  }
0x8a: {  	s1 =	srdreg.scid  }
0x8b: {  	s0 =	sand.u32 $0x1, s1  }
0x8c: {  	s16 =	sshll.u32 s0, $0xA;
	s2 =	sadd.s32 s3, s2  }
0x8d: {  	s2 =	sadd.s32 s2, s16  }
0x8e: {  	[smem:$0x3FBC] =	sst s2  }
0x8f: {  	_ = 	snop  }
0x90: {  	(tm) =	ssettm $0x1  }
0x91: {  	s17 =	sld [smem:$0x3FFB];
	_ =	sdelay $0x3  }
0x92: {  	_ =	strace s17  }
0x93: {  	s2 =	sld [smem:$0x3FFC];
	_ =	sdelay $0x3  }
0x94: {  	_ =	strace s2  }
0x95: {  	s2 =	sld [smem:$0x3FFD];
	_ =	sdelay $0x3  }
0x96: {  	_ =	strace s2  }
0x97: {  	_ =	strace $0x8FFFFFFF  }
0x98: {  	s18 =	sld [smem:$0x3FDB];
	_ =	sdelay $0x1  }
0x99: {  	s19 =	simm.s32 $_scs_section_size  }
0x9a: {  	s4 =	simm.s32 $_size__tile_overlayer_lowered;
	s5 =	simm.s32 $_tile_overlayer_lowered  }
0x9b: {  	s22 =	simm.s32 $0x1BFF;
	s21 =	sshll.u32 s5, $0x1;
	s2 =	sadd.s32 s19, s18  }
0x9c: {  	s6 =	simm.s32 $0x0;
	s20 =	sshll.u32 s4, $0x1;
	s4 =	sadd.s32 s21, s2  }
0x9d: {  	[timem:s6], [sflag:s22] =	dma.local [hbm:s4], s20  }
0x9e: {  	_ =	swait.ge [sflag:s22], s20  }
0x9f: {  	s3 =	ssub.s32 $0x0, s20;
	[sflag:s22] =	ssyncset.done $0x0  }
0xa0: {  	[sflag:s22] =	ssyncadd.s32 s3;
	_ =	sdelay $0x1  }
0xa1: {  	s23 =	simm.s32 $0x1B8B  }
0xa2: {  	_ =	swait.ge [sflag:s23], $0x1  }
0xa3: {  	[sflag:s23] =	ssyncset.done $0x0  }
0xa4: {  	s25 =	simm.s32 $0x1B8E;
	s24 =	sld [smem:$0x3FFE];
	[sflag:s23] =	ssyncadd.s32 $0xFFFFFFFF  }
0xa5: {  	s26 =	simm.s32 $execute0_lowered;
	[smem:$0x3FD2] =	sst s25  }
0xa6: {  	s4 =	sshll.u32 s26, $0x1;
	_ =	strace $0x80000055;
	[dreg:$0x1] =	wrdreg $0xFFFFFFFF  }
0xa7: {  	s28 =	simm.s32 $_size_execute0_lowered;
	s2 =	sadd.s32 s2, s4;
	[dreg:$0x0] =	wrdreg $0x0  }
0xa8: {  	s4 =	sshll.u32 s28, $0x1;
	[dreg:$0x2] =	wrdreg s2  }
0xa9: {  	[dreg:$0x3] =	wrdreg s4  }
0xaa: {  	[dreg:$0x4] =	wrdreg $0xC0  }
0xab: {  	_ =	task [dreg:s6], $0x5FFFF  }
0xac: {  	[dreg:$0x1] =	wrdreg $0xFFFFFFFF  }
0xad: {  	[dreg:$0x0] =	wrdreg $0x60  }
0xae: {  	[dreg:$0x2] =	wrdreg s24  }
0xaf: {  	[dreg:$0x3] =	wrdreg $0x9  }
0xb0: {  	_ =	task.clear_ibuf [dreg:s6], $0x4FFFF;
	_ =	strace $0x90000055  }
0xb1: {  	s29 =	simm.s32 $0x9;
	_ =	strace $0x80000057  }
0xb2: {  	_ =	swait.ge [sflag:s29], $0x1  }
0xb3: {  	[sflag:s29] =	ssyncadd.s32 $0xFFFFFFFF  }
0xb4: {  	_ =	strace $0x90000057  }
0xb5: {  	_ =	sfence  }
0xb6: {  	s30 =	sld [smem:$0x0];
	_ =	sdelay $0x2  }
0xb7: {  	s31 =	sshll.u32 s1, $0xD;
	s1 =	sshrl.u32 s1, $0x2  }
0xb8: {  	s3 =	sand.u32 $0x4000, s31;
	s1 =	sadd.s32 s1, s30  }
0xb9: {  	s0 =	sor.u32 s3, s0;
	s1 =	sshll.u32 s1, $0x11  }
0xba: {  	s0 =	sor.u32 s1, s0  }
0xbb: {  	s0 =	sadd.s32 $0x8F2B, s0  }
0xbc: {  	[sflag:s0] =	ssyncadd.remote.s32 $0x1  }
0xbd: {  	_ =	sfence.sel $0xFFFF  }
0xbe: {  	[dreg:$0x0] =	wrdreg $0xFFFFFFFF;
	(pc) =	sbr.abs _section_cstart, $3  }
0xbf: {  	[dreg:$0x1] =	wrdreg $0xFFFFFFFF  }
0xc0: {  	_ =	task.clear_ibuf [dreg:s6], $0x2FFFF;
	_ =	strace $0x9FFFFFFF  }
0xc1: {  	(tm) =	ssettm $0x7FFFFFFF  }
tec
execute0_lowered:
.L_overlay_start_1:
0x0: {  	(tag) =	ssettag $0x1  }
0x1: {  	s1 =	srdreg.scid;
	s0 =	stileid.u32  }
0x2: {  	s9 =	rddreg [dreg:$0x0];
	s12 =	simm.s32 $0x200;
	s13 =	simm.s32 $0x400  }
0x3: {  	s14 =	simm.s32 $0x3;
	s15 =	simm.s32 $0x14000;
	s16 =	simm.s32 $0x16000  }
0x4: {  	s17 =	simm.s32 $0x18000;
	s18 =	simm.s32 $0x15000;
	s19 =	simm.s32 $0x17000  }
0x5: {  	s20 =	simm.s32 $0x19000;
	s21 =	simm.s32 $0x1;
	s22 =	simm.s32 $0xA000  }
0x6: {  	s23 =	simm.s32 $0x2;
	s24 =	simm.s32 $0x0;
	s4 =	sand.u32 $0x1, s1  }
0x7: {  	s2 =	sshll.u32 s0, $0x2;
	s5 =	sshll.u32 s0, $0x9;
	s1 =	sshll.u32 s4, $0x6  }
0x8: {  	s8 =	sadd.s32 $0x5C00, s9;
	s5 =	sand.u32 $0x200, s5;
	s2 =	sor.u32 s2, s1  }
0x9: {  	s6 =	ssub.s32 $0x2, s4;
	s4 =	sadd.s32 $0x5A00, s9;
	s3 =	sshrl.u32 s2, $0x3  }
0xa: {  	s1 =	rddreg [dreg:$0x1];
	s7 =	sshrl.u32 s6, $0x1;
	s3 =	smul.u32 $0x14000, s3  }
.Ltmp0:
0xb: {  	s2 =	simm.s32 $0x0;
	s11 =	ssub.s32 s6, s7;
	(pc) =	sbr.rel .LBB2_1-.Ltmp0, $4  }
0xc: {  	s7 =	sadd.s32 $0x23C00, s9;
	[smem:$0x7FF] =	sst s2;
	s5 =	sor.u32 s5, s3  }
0xd: {  	s11 =	smax.u32 s11, $0x1;
	_ =	strace $0x80000056;
	s5 =	sshrl.u32 s5, $0x3  }
0xe: {  	s3 =	sadd.s32 $0x23A00, s9;
	s10 =	sadd.s32 s5, s9;
	s5 =	sadd.s32 $0xFA00, s9  }
0xf: {  	v0 =	vimm.f32 $0.0e+00;
	s9 =	sadd.s32 $0xFC00, s9;
	s6 =	sadd.s32 $0x2DA00, s10;
	s10 =	sadd.s32 $0x55A00, s10  }
.LBB2_10:
0x10: {  	s24 =	sadd.s32 $0x1, s24  }
0x11: {  	p0 =	sne.s32 s24, s11  }
.Ltmp1:
0x12: {  	_ = 	snop;
	(pc) =	sbr.rel @!p0 .LBB2_11-.Ltmp1, $4  }
0x13: {  	[hbm4b:s10+s12] =	stream.strided.scatter [tilespmem:s22], [sflag:$0x3], $0xA000, s13, s12, $0x38;
	[tilespmem:$0x1A000] =	vst v63  }
0x14: {  	_ =	swait.ge [sflag:s14], $0xA000  }
0x15: {  	[sflag:s14] =	ssyncset.done $0x0  }
0x16: {  	[sflag:s14] =	ssyncadd.s32 $0xFFFF6000  }
.LBB2_1:
0x17: {  	[tilespmem:s2], [sflag:$0x3] =	stream.strided.gather [hbm4b:s6+s12], $0xA000, s13, s12, $0x38;
	[tilespmem:$0x1A000] =	vst v63  }
0x18: {  	_ =	swait.ge [sflag:s14], $0xA000  }
0x19: {  	s25 =	sand.u32 $0x70, s2;
	s26 =	sand.u32 $0xFE00, s2;
	[sflag:s14] =	ssyncset.done $0x0  }
0x1a: {  	s28 =	sor.u32 s25, s26;
	[sflag:s14] =	ssyncadd.s32 $0xFFFF6000  }
0x1b: {  	[tilespmem:s28+$0xA180] =	vst v0  }
0x1c: {  	[tilespmem:s28+$0xA000] =	vst v0  }
0x1d: {  	s25 =	simm.s32 $0x10;
	s26 =	simm.s32 $0x0;
	[tilespmem:s28+$0xA080] =	vst v0  }
.LBB2_2:
0x1e: {  	s29 =	sand.u32 $0x70, s25;
	[tilespmem:s28+$0xA100] =	vst v0;
	s26 =	sadd.s32 $0x40, s26;
	p0 =	sne.s32 s25, $0x27F0  }
.Ltmp2:
0x1f: {  	s25 =	sadd.s32 $0x10, s25;
	s28 =	sand.u32 $0xFE00, s26;
	(pc) =	sbr.rel @p0 .LBB2_2-.Ltmp2, $4  }
0x20: {  	s28 =	sor.u32 s29, s28  }
0x21: {  	[tilespmem:s28+$0xA180] =	vst v0  }
0x22: {  	[tilespmem:s28+$0xA000] =	vst v0  }
0x23: {  	[tilespmem:s28+$0xA080] =	vst v0  }
0x24: {  	[tilespmem:s28+$0xA100] =	vst v0;
	s25 =	simm.s32 $0x0  }
0x25: {  	[tilespmem:s15], [sflag:$0x1] =	stream.linear.gather [hbm4b:s3+s25], $0x1000, $0x38;
	[tilespmem:$0x1A000] =	vst v63  }
0x26: {  	_ = 	snop  }
0x27: {  	[tilespmem:s16], [sflag:$0x1] =	stream.linear.gather [hbm4b:s4+s25], $0x1000, $0x38;
	[tilespmem:$0x1A000] =	vst v63  }
0x28: {  	_ = 	snop  }
0x29: {  	[tilespmem:s17], [sflag:$0x1] =	stream.linear.gather [hbm4b:s5+s25], $0x1000, $0x38;
	[tilespmem:$0x1A000] =	vst v63  }
0x2a: {  	_ = 	snop  }
0x2b: {  	[tilespmem:s18], [sflag:$0x2] =	stream.linear.gather [hbm4b:s7+s25], $0x1000, $0x38;
	[tilespmem:$0x1A000] =	vst v63  }
0x2c: {  	_ = 	snop  }
0x2d: {  	[tilespmem:s19], [sflag:$0x2] =	stream.linear.gather [hbm4b:s8+s25], $0x1000, $0x38;
	[tilespmem:$0x1A000] =	vst v63  }
0x2e: {  	_ = 	snop  }
0x2f: {  	[tilespmem:s20], [sflag:$0x2] =	stream.linear.gather [hbm4b:s9+s25], $0x1000, $0x38;
	[tilespmem:$0x1A000] =	vst v63  }
.LBB2_4:
0x30: {  	_ =	swait.ge [sflag:s21], $0x1000  }
0x31: {  	[sflag:s21] =	ssyncset.done $0x0  }
0x32: {  	[sflag:s21] =	ssyncadd.s32 $0xFFFFF000  }
0x33: {  	_ =	swait.ge [sflag:s21], $0x1000  }
0x34: {  	[sflag:s21] =	ssyncset.done $0x0  }
0x35: {  	[sflag:s21] =	ssyncadd.s32 $0xFFFFF000  }
0x36: {  	_ =	swait.ge [sflag:s21], $0x1000  }
0x37: {  	[sflag:s21] =	ssyncset.done $0x0  }
0x38: {  	s28 =	simm.s32 $0x14020;
	[sflag:s21] =	ssyncadd.s32 $0xFFFFF000  }
0x39: {  	v1 =	vld [tilespmem:s28+$0x10];
	_ =	sdelay $0x2  }
0x3a: {  	v2 =	vld [tilespmem:s28+$0xFFFFFFF0]  }
0x3b: {  	v3 =	vld [tilespmem:s28+$0xFFFFFFE0]  }
0x3c: {  	s26 =	simm.s32 $0x16020;
	v4 =	vshll.u32 v1, $0x2  }
0x3d: {  	v6 =	vld [tilespmem:s26+$0x10];
	v1 =	vand.u32 $0x7F, v1;
	v4 =	vand.u32 $0xFFFFFE00, v4  }
0x3e: {  	v7 =	vld [tilespmem:s28+$0x0];
	v5 =	vor.u32 v1, v4  }
0x3f: {  	v1 =	vshll.u32 v2, $0x2  }
0x40: {  	v8 =	vld [tilespmem:s26+$0xFFFFFFE0];
	v2 =	vand.u32 $0x7F, v2;
	v4 =	vshll.u32 v3, $0x2;
	v1 =	vand.u32 $0xFFFFFE00, v1  }
0x41: {  	v10 =	vld [tilespmem:s26+$0xFFFFFFF0];
	s28 =	simm.s32 $0x18020;
	v3 =	vand.u32 $0x7F, v3;
	v9 =	vor.u32 v2, v1;
	v1 =	vand.u32 $0xFFFFFE00, v4  }
0x42: {  	v4 =	vld [tilespmem:s28+$0x10];
	v11 =	vor.u32 v3, v1;
	v1 =	vshll.u32 v6, $0x2  }
0x43: {  	v2 =	vand.u32 $0x7F, v6;
	v6 =	vshll.u32 v7, $0x2;
	v1 =	vand.u32 $0xFFFFFE00, v1;
	v3 =	vld.idx.msk [tilespmem:v5+s2+$0x0], $0xffff  }
0x44: {  	v12 =	vld [tilespmem:s26+$0x0];
	v7 =	vand.u32 $0x7F, v7;
	v15 =	vor.u32 v2, v1;
	v1 =	vand.u32 $0xFFFFFE00, v6  }
0x45: {  	v2 =	vshll.u32 v8, $0x2;
	v16 =	vor.u32 v7, v1;
	v1 =	vld [tilespmem:s28+$0xFFFFFFE0]  }
0x46: {  	v14 =	vor.u32 $0x80, v5;
	v7 =	vand.u32 $0xFFFFFE00, v2;
	v2 =	vld [tilespmem:s28+$0xFFFFFFF0]  }
0x47: {  	v6 =	vld.idx.msk [tilespmem:v11+s2+$0x0], $0xffff  }
0x48: {  	v17 =	vshll.u32 v10, $0x2;
	v8 =	vand.u32 $0x7F, v8;
	v13 =	vld.idx.msk [tilespmem:v9+s2+$0x0], $0xffff;
	v3 =	vmul.f32 v3, v4  }
0x49: {  	v10 =	vand.u32 $0x7F, v10;
	v17 =	vand.u32 $0xFFFFFE00, v17;
	v18 =	vor.u32 v8, v7  }
0x4a: {  	v17 =	vor.u32 v10, v17;
	[tilespmem:v15+s22+$0x0] =	vst.idx.add.f32.msk $0xffff, v3  }
0x4b: {  	v7 =	vor.u32 $0x80, v11;
	v8 =	vld.idx.msk [tilespmem:v14+s2+$0x0], $0xffff  }
0x4c: {  	v10 =	vor.u32 $0x80, v9;
	v3 =	vld [tilespmem:s28+$0x0];
	v6 =	vmul.f32 v6, v1  }
0x4d: {  	v19 =	vshll.u32 v12, $0x2;
	v20 =	vor.u32 $0x80, v15;
	v13 =	vmul.f32 v13, v2;
	v14 =	vld.idx.msk [tilespmem:v16+s2+$0x0], $0xffff  }
0x4e: {  	v12 =	vand.u32 $0x7F, v12;
	v19 =	vand.u32 $0xFFFFFE00, v19;
	[tilespmem:v18+s22+$0x0] =	vst.idx.add.f32.msk $0xffff, v6;
	v6 =	vor.u32 $0x100, v5  }
0x4f: {  	v19 =	vor.u32 v12, v19;
	[tilespmem:v17+s22+$0x0] =	vst.idx.add.f32.msk $0xffff, v13  }
0x50: {  	v12 =	vor.u32 $0x80, v16;
	v7 =	vld.idx.msk [tilespmem:v7+s2+$0x0], $0xffff;
	v8 =	vmul.f32 v8, v4  }
0x51: {  	v10 =	vld.idx.msk [tilespmem:v10+s2+$0x0], $0xffff  }
0x52: {  	v13 =	vor.u32 $0x80, v18;
	v14 =	vmul.f32 v14, v3;
	[tilespmem:v20+s22+$0x0] =	vst.idx.add.f32.msk $0xffff, v8  }
0x53: {  	v8 =	vor.u32 $0x80, v17;
	v6 =	vld.idx.msk [tilespmem:v6+s2+$0x0], $0xffff  }
0x54: {  	v20 =	vor.u32 $0x100, v11;
	[tilespmem:v19+s22+$0x0] =	vst.idx.add.f32.msk $0xffff, v14  }
0x55: {  	v14 =	vor.u32 $0x100, v15;
	v12 =	vld.idx.msk [tilespmem:v12+s2+$0x0], $0xffff;
	v7 =	vmul.f32 v7, v1  }
0x56: {  	v5 =	vor.u32 $0x180, v5;
	v10 =	vmul.f32 v10, v2  }
0x57: {  	v21 =	vor.u32 $0x80, v19;
	[tilespmem:v13+s22+$0x0] =	vst.idx.add.f32.msk $0xffff, v7  }
0x58: {  	v22 =	vor.u32 $0x100, v9;
	[tilespmem:v8+s22+$0x0] =	vst.idx.add.f32.msk $0xffff, v10;
	v6 =	vmul.f32 v6, v4  }
0x59: {  	v23 =	vor.u32 $0x100, v16;
	v20 =	vld.idx.msk [tilespmem:v20+s2+$0x0], $0xffff  }
0x5a: {  	v10 =	vmul.f32 v12, v3;
	[tilespmem:v14+s22+$0x0] =	vst.idx.add.f32.msk $0xffff, v6  }
0x5b: {  	v15 =	vor.u32 $0x180, v15;
	v7 =	vor.u32 $0x180, v11;
	v14 =	vld.idx.msk [tilespmem:v5+s2+$0x0], $0xffff  }
0x5c: {  	v13 =	vor.u32 $0x100, v17;
	v11 =	vor.u32 $0x100, v19;
	v8 =	vor.u32 $0x180, v9;
	[tilespmem:v21+s22+$0x0] =	vst.idx.add.f32.msk $0xffff, v10  }
0x5d: {  	v9 =	vor.u32 $0x180, v18;
	v12 =	vor.u32 $0x100, v18;
	v10 =	vor.u32 $0x180, v16;
	v16 =	vld.idx.msk [tilespmem:v22+s2+$0x0], $0xffff  }
0x5e: {  	s29 =	simm.s32 $0x0;
	s30 =	simm.s32 $0x14060;
	v6 =	vor.u32 $0x180, v19;
	v5 =	vor.u32 $0x180, v17;
	v17 =	vld.idx.msk [tilespmem:v23+s2+$0x0], $0xffff;
	v18 =	vmul.f32 v20, v1  }
.LBB2_5:
0x5f: {  	v19 =	vld [tilespmem:s30+$0x10];
	s29 =	sadd.s32 $0x4, s29  }
0x60: {  	v4 =	vmul.f32 v14, v4;
	v20 =	vld [tilespmem:s30+$0xFFFFFFF0];
	p0 =	slt.u32 s29, $0xFC  }
0x61: {  	v14 =	vld [tilespmem:s30+$0x0]  }
0x62: {  	v16 =	vmul.f32 v16, v2;
	[tilespmem:v15+s22+$0x0] =	vst.idx.add.f32.msk $0xffff, v4  }
0x63: {  	v15 =	vmul.f32 v17, v3;
	v4 =	vld [tilespmem:s30+$0xFFFFFFE0]  }
0x64: {  	v17 =	vshll.u32 v19, $0x2;
	[tilespmem:v12+s22+$0x0] =	vst.idx.add.f32.msk $0xffff, v18  }
0x65: {  	v18 =	vand.u32 $0x7F, v19;
	v12 =	vshll.u32 v20, $0x2;
	v17 =	vand.u32 $0xFFFFFE00, v17;
	[tilespmem:v13+s22+$0x0] =	vst.idx.add.f32.msk $0xffff, v16  }
0x66: {  	s26 =	sadd.s32 $0x40, s26;
	v12 =	vand.u32 $0xFFFFFE00, v12;
	v13 =	vshll.u32 v14, $0x2;
	v16 =	vor.u32 v18, v17;
	[tilespmem:v11+s22+$0x0] =	vst.idx.add.f32.msk $0xffff, v15  }
0x67: {  	v11 =	vand.u32 $0x7F, v20;
	v14 =	vand.u32 $0x7F, v14;
	v13 =	vand.u32 $0xFFFFFE00, v13;
	v15 =	vld [tilespmem:s26+$0x10]  }
0x68: {  	v11 =	vor.u32 v11, v12;
	v17 =	vld [tilespmem:s26+$0xFFFFFFE0];
	v18 =	vand.u32 $0x7F, v4;
	v4 =	vshll.u32 v4, $0x2  }
0x69: {  	v19 =	vor.u32 $0x80, v11;
	v14 =	vor.u32 v14, v13;
	v4 =	vand.u32 $0xFFFFFE00, v4;
	v12 =	vld [tilespmem:s26+$0xFFFFFFF0]  }
0x6a: {  	v21 =	vor.u32 $0x80, v14;
	v13 =	vor.u32 v18, v4;
	v18 =	vor.u32 $0x100, v11;
	v20 =	vld [tilespmem:s26+$0x0]  }
0x6b: {  	s28 =	sadd.s32 $0x40, s28;
	v24 =	vor.u32 $0x100, v14;
	v22 =	vor.u32 $0x80, v13;
	v23 =	vor.u32 $0x100, v13;
	v25 =	vld.idx.msk [tilespmem:v16+s2+$0x0], $0xffff  }
0x6c: {  	v27 =	vor.u32 $0x180, v11;
	v26 =	vor.u32 $0x180, v13;
	v4 =	vld [tilespmem:s28+$0x10];
	v28 =	vshll.u32 v15, $0x2  }
0x6d: {  	v29 =	vshll.u32 v17, $0x2;
	v30 =	vld.idx.msk [tilespmem:v11+s2+$0x0], $0xffff;
	v11 =	vand.u32 $0x7F, v15;
	v15 =	vand.u32 $0xFFFFFE00, v28  }
0x6e: {  	v28 =	vand.u32 $0xFFFFFE00, v29;
	v29 =	vshll.u32 v12, $0x2;
	v31 =	vld.idx.msk [tilespmem:v14+s2+$0x0], $0xffff;
	v15 =	vor.u32 v11, v15  }
0x6f: {  	v32 =	vld.idx.msk [tilespmem:v13+s2+$0x0], $0xffff;
	v11 =	vand.u32 $0xFFFFFE00, v29;
	v13 =	vshll.u32 v20, $0x2;
	v29 =	vor.u32 $0x80, v16  }
0x70: {  	v17 =	vand.u32 $0x7F, v17;
	v12 =	vand.u32 $0x7F, v12;
	v33 =	vld [tilespmem:s28+$0xFFFFFFE0];
	v13 =	vand.u32 $0xFFFFFE00, v13  }
0x71: {  	v17 =	vor.u32 v17, v28;
	v20 =	vand.u32 $0x7F, v20;
	v28 =	vld [tilespmem:s28+$0xFFFFFFF0];
	v25 =	vmul.f32 v25, v4  }
0x72: {  	v34 =	vor.u32 $0x80, v17;
	v35 =	vor.u32 v12, v11;
	v20 =	vor.u32 v20, v13;
	v36 =	vld [tilespmem:s28+$0x0]  }
0x73: {  	v12 =	vor.u32 $0x100, v17;
	v37 =	vor.u32 $0x80, v35;
	v38 =	vor.u32 $0x80, v20;
	[tilespmem:v15+s22+$0x0] =	vst.idx.add.f32.msk $0xffff, v25  }
0x74: {  	v14 =	vor.u32 $0x180, v14;
	v13 =	vor.u32 $0x100, v35;
	v11 =	vor.u32 $0x100, v20;
	v25 =	vld.idx.msk [tilespmem:v29+s2+$0x0], $0xffff  }
0x75: {  	v39 =	vor.u32 $0x180, v35;
	v29 =	vmul.f32 v32, v33;
	v32 =	vor.u32 $0x180, v17;
	v40 =	vld.idx.msk [tilespmem:v7+s2+$0x0], $0xffff;
	v7 =	vmovc v26  }
0x76: {  	v26 =	vmul.f32 v30, v28;
	v30 =	vor.u32 $0x180, v20;
	v41 =	vld.idx.msk [tilespmem:v8+s2+$0x0], $0xffff;
	v8 =	vmov v27  }
0x77: {  	v27 =	vor.u32 $0x80, v15;
	[tilespmem:v17+s22+$0x0] =	vst.idx.add.f32.msk $0xffff, v29;
	v17 =	vmul.f32 v31, v36  }
0x78: {  	[tilespmem:v35+s22+$0x0] =	vst.idx.add.f32.msk $0xffff, v26;
	v26 =	vor.u32 $0x100, v16  }
0x79: {  	[tilespmem:v20+s22+$0x0] =	vst.idx.add.f32.msk $0xffff, v17  }
0x7a: {  	v20 =	vmul.f32 v25, v4;
	v17 =	vld.idx.msk [tilespmem:v22+s2+$0x0], $0xffff  }
0x7b: {  	v22 =	vmul.f32 v40, v1;
	v1 =	vmov v33;
	v19 =	vld.idx.msk [tilespmem:v19+s2+$0x0], $0xffff  }
0x7c: {  	[tilespmem:v27+s22+$0x0] =	vst.idx.add.f32.msk $0xffff, v20;
	v20 =	vmul.f32 v41, v2;
	v2 =	vmov v28  }
0x7d: {  	v25 =	vld.idx.msk [tilespmem:v26+s2+$0x0], $0xffff  }
0x7e: {  	v21 =	vld.idx.msk [tilespmem:v21+s2+$0x0], $0xffff  }
0x7f: {  	v26 =	vld.idx.msk [tilespmem:v10+s2+$0x0], $0xffff;
	v10 =	vmov v14  }
0x80: {  	v14 =	vmul.f32 v17, v1;
	v17 =	vor.u32 $0x100, v15;
	[tilespmem:v9+s22+$0x0] =	vst.idx.add.f32.msk $0xffff, v22;
	v9 =	vmov v32  }
0x81: {  	v16 =	vor.u32 $0x180, v16;
	v19 =	vmul.f32 v19, v2;
	[tilespmem:v5+s22+$0x0] =	vst.idx.add.f32.msk $0xffff, v20;
	v5 =	vmov v39  }
0x82: {  	[tilespmem:v34+s22+$0x0] =	vst.idx.add.f32.msk $0xffff, v14  }
0x83: {  	v14 =	vmul.f32 v25, v4;
	[tilespmem:v37+s22+$0x0] =	vst.idx.add.f32.msk $0xffff, v19  }
0x84: {  	v20 =	vmul.f32 v21, v36;
	v19 =	vld.idx.msk [tilespmem:v23+s2+$0x0], $0xffff  }
0x85: {  	v21 =	vmul.f32 v26, v3;
	v3 =	vmov v36;
	[tilespmem:v17+s22+$0x0] =	vst.idx.add.f32.msk $0xffff, v14  }
.Ltmp3:
0x86: {  	v14 =	vld.idx.msk [tilespmem:v16+s2+$0x0], $0xffff;
	(pc) =	sbr.rel @p0 .LBB2_5-.Ltmp3, $4  }
0x87: {  	[tilespmem:v38+s22+$0x0] =	vst.idx.add.f32.msk $0xffff, v20  }
0x88: {  	v16 =	vld.idx.msk [tilespmem:v18+s2+$0x0], $0xffff  }
0x89: {  	v15 =	vor.u32 $0x180, v15;
	v17 =	vld.idx.msk [tilespmem:v24+s2+$0x0], $0xffff  }
0x8a: {  	s30 =	sadd.s32 $0x40, s30;
	v18 =	vmul.f32 v19, v1;
	[tilespmem:v6+s22+$0x0] =	vst.idx.add.f32.msk $0xffff, v21;
	v6 =	vmov v30  }
0x8b: {  	_ =	sdelay $0x3  }
0x8c: {  	[tilespmem:v12+s22+$0x0] =	vst.idx.add.f32.msk $0xffff, v18;
	v16 =	vmul.f32 v16, v2  }
0x8d: {  	v7 =	vld.idx.msk [tilespmem:v7+s2+$0x0], $0xffff;
	v17 =	vmul.f32 v17, v3  }
0x8e: {  	[tilespmem:v13+s22+$0x0] =	vst.idx.add.f32.msk $0xffff, v16  }
0x8f: {  	[tilespmem:v11+s22+$0x0] =	vst.idx.add.f32.msk $0xffff, v17  }
0x90: {  	v8 =	vld.idx.msk [tilespmem:v8+s2+$0x0], $0xffff  }
0x91: {  	v10 =	vld.idx.msk [tilespmem:v10+s2+$0x0], $0xffff;
	_ =	sdelay $0x1  }
0x92: {  	v4 =	vmul.f32 v14, v4  }
0x93: {  	v1 =	vmul.f32 v7, v1  }
0x94: {  	[tilespmem:v15+s22+$0x0] =	vst.idx.add.f32.msk $0xffff, v4;
	v2 =	vmul.f32 v8, v2  }
0x95: {  	s26 =	sshll.u32 s25, $0xA;
	p0 =	seq.s32 s25, $0x27;
	[tilespmem:v9+s22+$0x0] =	vst.idx.add.f32.msk $0xffff, v1;
	v1 =	vmul.f32 v10, v3  }
0x96: {  	s28 =	sadd.s32 @!p0 $0x400, s26;
	[tilespmem:v5+s22+$0x0] =	vst.idx.add.f32.msk $0xffff, v2  }
0x97: {  	s30 =	simm.s32 @!p0 $0x0;
	s31 =	simm.s32 @!p0 $0x14000;
	s29 =	sadd.s32 @!p0 s3, s28;
	[tilespmem:v6+s22+$0x0] =	vst.idx.add.f32.msk $0xffff, v1  }
0x98: {  	[tilespmem:s31], [sflag:$0x1] =	stream.linear.gather @!p0 [hbm4b:s29+s30], $0x1000, $0x38;
	[tilespmem:$0x1A000] =	vst v63  }
0x99: {  	s29 =	sadd.s32 @!p0 s4, s28;
	s31 =	simm.s32 @!p0 $0x16000  }
0x9a: {  	[tilespmem:s31], [sflag:$0x1] =	stream.linear.gather @!p0 [hbm4b:s29+s30], $0x1000, $0x38;
	[tilespmem:$0x1A000] =	vst v63  }
0x9b: {  	s28 =	sadd.s32 @!p0 s5, s28;
	s29 =	simm.s32 @!p0 $0x18000  }
0x9c: {  	[tilespmem:s29], [sflag:$0x1] =	stream.linear.gather @!p0 [hbm4b:s28+s30], $0x1000, $0x38;
	[tilespmem:$0x1A000] =	vst v63  }
0x9d: {  	_ =	swait.ge [sflag:s23], $0x1000  }
0x9e: {  	[sflag:s23] =	ssyncset.done $0x0  }
0x9f: {  	[sflag:s23] =	ssyncadd.s32 $0xFFFFF000  }
0xa0: {  	_ =	swait.ge [sflag:s23], $0x1000  }
0xa1: {  	[sflag:s23] =	ssyncset.done $0x0  }
0xa2: {  	[sflag:s23] =	ssyncadd.s32 $0xFFFFF000  }
0xa3: {  	_ =	swait.ge [sflag:s23], $0x1000  }
0xa4: {  	[sflag:s23] =	ssyncset.done $0x0  }
0xa5: {  	s29 =	simm.s32 $0x15020;
	[sflag:s23] =	ssyncadd.s32 $0xFFFFF000  }
0xa6: {  	v1 =	vld [tilespmem:s29+$0x10];
	_ =	sdelay $0x2  }
0xa7: {  	v2 =	vld [tilespmem:s29+$0xFFFFFFF0]  }
0xa8: {  	v3 =	vld [tilespmem:s29+$0xFFFFFFE0]  }
0xa9: {  	s28 =	simm.s32 $0x17020;
	v4 =	vshll.u32 v1, $0x2  }
0xaa: {  	v6 =	vld [tilespmem:s28+$0x10];
	v1 =	vand.u32 $0x7F, v1;
	v4 =	vand.u32 $0xFFFFFE00, v4  }
0xab: {  	v7 =	vld [tilespmem:s29+$0x0];
	v5 =	vor.u32 v1, v4  }
0xac: {  	v1 =	vshll.u32 v2, $0x2  }
0xad: {  	v8 =	vld [tilespmem:s28+$0xFFFFFFE0];
	v2 =	vand.u32 $0x7F, v2;
	v4 =	vshll.u32 v3, $0x2;
	v1 =	vand.u32 $0xFFFFFE00, v1  }
0xae: {  	v10 =	vld [tilespmem:s28+$0xFFFFFFF0];
	s29 =	simm.s32 $0x19020;
	v3 =	vand.u32 $0x7F, v3;
	v9 =	vor.u32 v2, v1;
	v1 =	vand.u32 $0xFFFFFE00, v4  }
0xaf: {  	v4 =	vld [tilespmem:s29+$0x10];
	v11 =	vor.u32 v3, v1;
	v1 =	vshll.u32 v6, $0x2  }
0xb0: {  	v2 =	vand.u32 $0x7F, v6;
	v6 =	vshll.u32 v7, $0x2;
	v1 =	vand.u32 $0xFFFFFE00, v1;
	v3 =	vld.idx.msk [tilespmem:v5+s2+$0x0], $0xffff  }
0xb1: {  	v12 =	vld [tilespmem:s28+$0x0];
	v7 =	vand.u32 $0x7F, v7;
	v15 =	vor.u32 v2, v1;
	v1 =	vand.u32 $0xFFFFFE00, v6  }
0xb2: {  	v2 =	vshll.u32 v8, $0x2;
	v7 =	vor.u32 v7, v1;
	v1 =	vld [tilespmem:s29+$0xFFFFFFE0]  }
0xb3: {  	v14 =	vor.u32 $0x80, v5;
	v16 =	vand.u32 $0xFFFFFE00, v2;
	v2 =	vld [tilespmem:s29+$0xFFFFFFF0]  }
0xb4: {  	v6 =	vld.idx.msk [tilespmem:v11+s2+$0x0], $0xffff  }
0xb5: {  	v17 =	vshll.u32 v10, $0x2;
	v8 =	vand.u32 $0x7F, v8;
	v13 =	vld.idx.msk [tilespmem:v9+s2+$0x0], $0xffff;
	v3 =	vmul.f32 v3, v4  }
0xb6: {  	v10 =	vand.u32 $0x7F, v10;
	v17 =	vand.u32 $0xFFFFFE00, v17;
	v8 =	vor.u32 v8, v16  }
0xb7: {  	v16 =	vor.u32 v10, v17;
	[tilespmem:v15+s22+$0x0] =	vst.idx.add.f32.msk $0xffff, v3  }
0xb8: {  	v10 =	vor.u32 $0x80, v11;
	v14 =	vld.idx.msk [tilespmem:v14+s2+$0x0], $0xffff  }
0xb9: {  	v17 =	vor.u32 $0x80, v9;
	v18 =	vld.idx.msk [tilespmem:v7+s2+$0x0], $0xffff;
	v6 =	vmul.f32 v6, v1  }
0xba: {  	v19 =	vshll.u32 v12, $0x2;
	v20 =	vor.u32 $0x80, v15;
	v3 =	vld [tilespmem:s29+$0x0];
	v13 =	vmul.f32 v13, v2  }
0xbb: {  	v12 =	vand.u32 $0x7F, v12;
	v19 =	vand.u32 $0xFFFFFE00, v19;
	[tilespmem:v8+s22+$0x0] =	vst.idx.add.f32.msk $0xffff, v6;
	v6 =	vor.u32 $0x100, v5  }
0xbc: {  	v19 =	vor.u32 v12, v19;
	[tilespmem:v16+s22+$0x0] =	vst.idx.add.f32.msk $0xffff, v13  }
0xbd: {  	v12 =	vor.u32 $0x80, v7;
	v10 =	vld.idx.msk [tilespmem:v10+s2+$0x0], $0xffff;
	v13 =	vmul.f32 v14, v4  }
0xbe: {  	v14 =	vld.idx.msk [tilespmem:v17+s2+$0x0], $0xffff  }
0xbf: {  	v18 =	vmul.f32 v18, v3;
	v17 =	vor.u32 $0x80, v8;
	[tilespmem:v20+s22+$0x0] =	vst.idx.add.f32.msk $0xffff, v13  }
0xc0: {  	v13 =	vor.u32 $0x80, v16;
	v6 =	vld.idx.msk [tilespmem:v6+s2+$0x0], $0xffff  }
0xc1: {  	[tilespmem:v19+s22+$0x0] =	vst.idx.add.f32.msk $0xffff, v18;
	v20 =	vor.u32 $0x100, v11  }
0xc2: {  	v18 =	vor.u32 $0x100, v15;
	v12 =	vld.idx.msk [tilespmem:v12+s2+$0x0], $0xffff;
	v10 =	vmul.f32 v10, v1  }
0xc3: {  	v21 =	vor.u32 $0x180, v5;
	v14 =	vmul.f32 v14, v2  }
0xc4: {  	v22 =	vor.u32 $0x80, v19;
	[tilespmem:v17+s22+$0x0] =	vst.idx.add.f32.msk $0xffff, v10  }
0xc5: {  	v17 =	vor.u32 $0x100, v9;
	[tilespmem:v13+s22+$0x0] =	vst.idx.add.f32.msk $0xffff, v14;
	v5 =	vmul.f32 v6, v4  }
0xc6: {  	v23 =	vor.u32 $0x100, v7;
	v20 =	vld.idx.msk [tilespmem:v20+s2+$0x0], $0xffff  }
0xc7: {  	v10 =	vmul.f32 v12, v3;
	[tilespmem:v18+s22+$0x0] =	vst.idx.add.f32.msk $0xffff, v5  }
0xc8: {  	v15 =	vor.u32 $0x180, v15;
	v12 =	vor.u32 $0x100, v8;
	v14 =	vld.idx.msk [tilespmem:v21+s2+$0x0], $0xffff  }
0xc9: {  	v13 =	vor.u32 $0x100, v16;
	v8 =	vor.u32 $0x180, v8;
	v6 =	vor.u32 $0x180, v9;
	[tilespmem:v22+s22+$0x0] =	vst.idx.add.f32.msk $0xffff, v10  }
0xca: {  	v9 =	vor.u32 $0x180, v19;
	v10 =	vor.u32 $0x180, v7;
	v7 =	vor.u32 $0x180, v16;
	v16 =	vld.idx.msk [tilespmem:v17+s2+$0x0], $0xffff  }
0xcb: {  	s31 =	simm.s32 $0x15060;
	s30 =	simm.s32 $0x0;
	v5 =	vor.u32 $0x180, v11;
	v11 =	vor.u32 $0x100, v19;
	v17 =	vld.idx.msk [tilespmem:v23+s2+$0x0], $0xffff;
	v18 =	vmul.f32 v20, v1  }
.LBB2_7:
0xcc: {  	v19 =	vld [tilespmem:s31+$0x10];
	s30 =	sadd.s32 $0x4, s30  }
0xcd: {  	v4 =	vmul.f32 v14, v4;
	v20 =	vld [tilespmem:s31+$0xFFFFFFF0];
	p1 =	slt.u32 s30, $0xFC  }
0xce: {  	v14 =	vld [tilespmem:s31+$0x0]  }
0xcf: {  	v16 =	vmul.f32 v16, v2;
	[tilespmem:v15+s22+$0x0] =	vst.idx.add.f32.msk $0xffff, v4  }
0xd0: {  	v15 =	vmul.f32 v17, v3;
	v4 =	vld [tilespmem:s31+$0xFFFFFFE0]  }
0xd1: {  	v17 =	vshll.u32 v19, $0x2;
	[tilespmem:v12+s22+$0x0] =	vst.idx.add.f32.msk $0xffff, v18  }
0xd2: {  	v18 =	vand.u32 $0x7F, v19;
	v12 =	vshll.u32 v20, $0x2;
	v17 =	vand.u32 $0xFFFFFE00, v17;
	[tilespmem:v13+s22+$0x0] =	vst.idx.add.f32.msk $0xffff, v16  }
0xd3: {  	s28 =	sadd.s32 $0x40, s28;
	v12 =	vand.u32 $0xFFFFFE00, v12;
	v13 =	vshll.u32 v14, $0x2;
	v16 =	vor.u32 v18, v17;
	[tilespmem:v11+s22+$0x0] =	vst.idx.add.f32.msk $0xffff, v15  }
0xd4: {  	v11 =	vand.u32 $0x7F, v20;
	v14 =	vand.u32 $0x7F, v14;
	v13 =	vand.u32 $0xFFFFFE00, v13;
	v15 =	vld [tilespmem:s28+$0x10]  }
0xd5: {  	v11 =	vor.u32 v11, v12;
	v17 =	vld [tilespmem:s28+$0xFFFFFFE0];
	v18 =	vand.u32 $0x7F, v4;
	v4 =	vshll.u32 v4, $0x2  }
0xd6: {  	v19 =	vor.u32 $0x80, v11;
	v14 =	vor.u32 v14, v13;
	v4 =	vand.u32 $0xFFFFFE00, v4;
	v12 =	vld [tilespmem:s28+$0xFFFFFFF0]  }
0xd7: {  	v21 =	vor.u32 $0x80, v14;
	v13 =	vor.u32 v18, v4;
	v18 =	vor.u32 $0x100, v11;
	v20 =	vld [tilespmem:s28+$0x0]  }
0xd8: {  	s29 =	sadd.s32 $0x40, s29;
	v24 =	vor.u32 $0x100, v14;
	v22 =	vor.u32 $0x80, v13;
	v23 =	vor.u32 $0x100, v13;
	v25 =	vld.idx.msk [tilespmem:v16+s2+$0x0], $0xffff  }
0xd9: {  	v27 =	vor.u32 $0x180, v11;
	v26 =	vor.u32 $0x180, v13;
	v4 =	vld [tilespmem:s29+$0x10];
	v28 =	vshll.u32 v15, $0x2  }
0xda: {  	v29 =	vshll.u32 v17, $0x2;
	v30 =	vld.idx.msk [tilespmem:v11+s2+$0x0], $0xffff;
	v11 =	vand.u32 $0x7F, v15;
	v15 =	vand.u32 $0xFFFFFE00, v28  }
0xdb: {  	v28 =	vand.u32 $0xFFFFFE00, v29;
	v29 =	vshll.u32 v12, $0x2;
	v31 =	vld.idx.msk [tilespmem:v14+s2+$0x0], $0xffff;
	v15 =	vor.u32 v11, v15  }
0xdc: {  	v32 =	vld.idx.msk [tilespmem:v13+s2+$0x0], $0xffff;
	v11 =	vand.u32 $0xFFFFFE00, v29;
	v13 =	vshll.u32 v20, $0x2;
	v29 =	vor.u32 $0x80, v16  }
0xdd: {  	v17 =	vand.u32 $0x7F, v17;
	v12 =	vand.u32 $0x7F, v12;
	v33 =	vld [tilespmem:s29+$0xFFFFFFE0];
	v13 =	vand.u32 $0xFFFFFE00, v13  }
0xde: {  	v17 =	vor.u32 v17, v28;
	v20 =	vand.u32 $0x7F, v20;
	v28 =	vld [tilespmem:s29+$0xFFFFFFF0];
	v25 =	vmul.f32 v25, v4  }
0xdf: {  	v34 =	vor.u32 $0x80, v17;
	v35 =	vor.u32 v12, v11;
	v20 =	vor.u32 v20, v13;
	v36 =	vld [tilespmem:s29+$0x0]  }
0xe0: {  	v12 =	vor.u32 $0x100, v17;
	v37 =	vor.u32 $0x80, v35;
	v38 =	vor.u32 $0x80, v20;
	[tilespmem:v15+s22+$0x0] =	vst.idx.add.f32.msk $0xffff, v25  }
0xe1: {  	v14 =	vor.u32 $0x180, v14;
	v13 =	vor.u32 $0x100, v35;
	v11 =	vor.u32 $0x100, v20;
	v25 =	vld.idx.msk [tilespmem:v29+s2+$0x0], $0xffff  }
0xe2: {  	v39 =	vor.u32 $0x180, v35;
	v29 =	vmul.f32 v32, v33;
	v32 =	vor.u32 $0x180, v17;
	v40 =	vld.idx.msk [tilespmem:v5+s2+$0x0], $0xffff;
	v5 =	vmovc v26  }
0xe3: {  	v26 =	vmul.f32 v30, v28;
	v30 =	vor.u32 $0x180, v20;
	v41 =	vld.idx.msk [tilespmem:v6+s2+$0x0], $0xffff;
	v6 =	vmov v27  }
0xe4: {  	v27 =	vor.u32 $0x80, v15;
	[tilespmem:v17+s22+$0x0] =	vst.idx.add.f32.msk $0xffff, v29;
	v17 =	vmul.f32 v31, v36  }
0xe5: {  	[tilespmem:v35+s22+$0x0] =	vst.idx.add.f32.msk $0xffff, v26;
	v26 =	vor.u32 $0x100, v16  }
0xe6: {  	[tilespmem:v20+s22+$0x0] =	vst.idx.add.f32.msk $0xffff, v17  }
0xe7: {  	v20 =	vmul.f32 v25, v4;
	v17 =	vld.idx.msk [tilespmem:v22+s2+$0x0], $0xffff  }
0xe8: {  	v22 =	vmul.f32 v40, v1;
	v1 =	vmov v33;
	v19 =	vld.idx.msk [tilespmem:v19+s2+$0x0], $0xffff  }
0xe9: {  	[tilespmem:v27+s22+$0x0] =	vst.idx.add.f32.msk $0xffff, v20;
	v20 =	vmul.f32 v41, v2;
	v2 =	vmov v28  }
0xea: {  	v25 =	vld.idx.msk [tilespmem:v26+s2+$0x0], $0xffff  }
0xeb: {  	v21 =	vld.idx.msk [tilespmem:v21+s2+$0x0], $0xffff  }
0xec: {  	v26 =	vld.idx.msk [tilespmem:v10+s2+$0x0], $0xffff;
	v10 =	vmov v14  }
0xed: {  	v14 =	vmul.f32 v17, v1;
	v17 =	vor.u32 $0x100, v15;
	[tilespmem:v8+s22+$0x0] =	vst.idx.add.f32.msk $0xffff, v22;
	v8 =	vmov v32  }
0xee: {  	v16 =	vor.u32 $0x180, v16;
	v19 =	vmul.f32 v19, v2;
	[tilespmem:v7+s22+$0x0] =	vst.idx.add.f32.msk $0xffff, v20;
	v7 =	vmov v39  }
0xef: {  	[tilespmem:v34+s22+$0x0] =	vst.idx.add.f32.msk $0xffff, v14  }
0xf0: {  	v14 =	vmul.f32 v25, v4;
	[tilespmem:v37+s22+$0x0] =	vst.idx.add.f32.msk $0xffff, v19  }
0xf1: {  	v20 =	vmul.f32 v21, v36;
	v19 =	vld.idx.msk [tilespmem:v23+s2+$0x0], $0xffff  }
0xf2: {  	v21 =	vmul.f32 v26, v3;
	v3 =	vmov v36;
	[tilespmem:v17+s22+$0x0] =	vst.idx.add.f32.msk $0xffff, v14  }
.Ltmp4:
0xf3: {  	v14 =	vld.idx.msk [tilespmem:v16+s2+$0x0], $0xffff;
	(pc) =	sbr.rel @p1 .LBB2_7-.Ltmp4, $4  }
0xf4: {  	[tilespmem:v38+s22+$0x0] =	vst.idx.add.f32.msk $0xffff, v20  }
0xf5: {  	v16 =	vld.idx.msk [tilespmem:v18+s2+$0x0], $0xffff  }
0xf6: {  	v15 =	vor.u32 $0x180, v15;
	v17 =	vld.idx.msk [tilespmem:v24+s2+$0x0], $0xffff  }
0xf7: {  	s31 =	sadd.s32 $0x40, s31;
	v18 =	vmul.f32 v19, v1;
	[tilespmem:v9+s22+$0x0] =	vst.idx.add.f32.msk $0xffff, v21;
	v9 =	vmov v30  }
0xf8: {  	_ =	sdelay $0x3  }
0xf9: {  	[tilespmem:v12+s22+$0x0] =	vst.idx.add.f32.msk $0xffff, v18;
	v16 =	vmul.f32 v16, v2  }
0xfa: {  	v5 =	vld.idx.msk [tilespmem:v5+s2+$0x0], $0xffff;
	v17 =	vmul.f32 v17, v3  }
0xfb: {  	[tilespmem:v13+s22+$0x0] =	vst.idx.add.f32.msk $0xffff, v16  }
0xfc: {  	[tilespmem:v11+s22+$0x0] =	vst.idx.add.f32.msk $0xffff, v17  }
0xfd: {  	v6 =	vld.idx.msk [tilespmem:v6+s2+$0x0], $0xffff  }
0xfe: {  	v10 =	vld.idx.msk [tilespmem:v10+s2+$0x0], $0xffff;
	_ =	sdelay $0x1  }
0xff: {  	v4 =	vmul.f32 v14, v4  }
.Ltmp5:
0x100: {  	v1 =	vmul.f32 v5, v1;
	(pc) =	sbr.rel @p0 .LBB2_10-.Ltmp5, $4  }
0x101: {  	[tilespmem:v15+s22+$0x0] =	vst.idx.add.f32.msk $0xffff, v4;
	v2 =	vmul.f32 v6, v2  }
0x102: {  	[tilespmem:v8+s22+$0x0] =	vst.idx.add.f32.msk $0xffff, v1;
	v1 =	vmul.f32 v10, v3  }
0x103: {  	[tilespmem:v7+s22+$0x0] =	vst.idx.add.f32.msk $0xffff, v2  }
0x104: {  	[tilespmem:v9+s22+$0x0] =	vst.idx.add.f32.msk $0xffff, v1  }
0x105: {  	s26 =	sadd.s32 $0x600, s26  }
0x106: {  	s28 =	sadd.s32 s3, s26  }
0x107: {  	[tilespmem:s18], [sflag:$0x2] =	stream.linear.gather [hbm4b:s28+s2], $0x1000, $0x38;
	[tilespmem:$0x1A000] =	vst v63  }
.Ltmp6:
0x108: {  	_ = 	snop;
	(pc) =	sbr.rel .LBB2_4-.Ltmp6, $4  }
0x109: {  	s31 =	sadd.s32 s4, s26  }
0x10a: {  	[tilespmem:s19], [sflag:$0x2] =	stream.linear.gather [hbm4b:s31+s2], $0x1000, $0x38;
	[tilespmem:$0x1A000] =	vst v63  }
0x10b: {  	s25 =	sadd.s32 $0x1, s25;
	s26 =	sadd.s32 s5, s26  }
0x10c: {  	[tilespmem:s20], [sflag:$0x2] =	stream.linear.gather [hbm4b:s26+s2], $0x1000, $0x38;
	[tilespmem:$0x1A000] =	vst v63  }
.LBB2_11:
0x10d: {  	_ =	sfence.sel $0x180000  }
0x10e: {  	[bflag:$0x0] =	sbarrier.arrive $0xFFFF  }
0x10f: {  	p0 =	sne.s32 s0, $0x0;
	_ =	strace $0x90000056  }
0x110: {  	s0 =	sadd.s32 @!p0 $0x100000, s1;
	[bflag:$0x2] =	sbarrier.arrive $0xFFFF  }
0x111: {  	[sflag:s0] =	ssyncadd.tile.s32 @!p0 $0x1;
	_ =	shalt  }
.Lfunc_end2:
_tile_overlayer_lowered:
.L_overlay_start_2:
0x112: {  	(tag) =	ssettag $0x2  }
0x113: {  	s0 =	rddreg [dreg:$0x0];
	s2 =	stileid.u32  }
0x114: {  	s1 =	rddreg [dreg:$0x1];
	p0 =	sne.s32 s2, $0x0  }
0x115: {  	s3 =	rddreg [dreg:$0x2];
	[bflag:$0x3] =	sbarrier.arrive $0xFFFF;
	s2 =	simm.s32 @!p0 $0x1C03  }
0x116: {  	[timem:s3], [sflag:s2] =	dma.local @!p0 [hbm:s0], s1  }
0x117: {  	s0 =	simm.s32 @!p0 $0x3  }
0x118: {  	_ =	swait.ge @!p0 [sflag:s0], s1  }
0x119: {  	s1 =	ssub.s32 @!p0 $0x0, s1;
	[sflag:s0] =	ssyncset.done @!p0 $0x0  }
0x11a: {  	[sflag:s0] =	ssyncadd.s32 @!p0 s1  }
0x11b: {  	[bflag:$0x3] =	sbarrier.arrive $0xFFFF  }
0x11c: {  	_ =	shalt  }

// kernel: kernel.36.cloned.1.call-start
scs
__scs_entry_jumppad:
0x0: {  	(pc) =	sbr.rel $0x88, $3  }
0x1: {  	(tag) =	ssettag $0x0;
	lr =	simm.s32 $0x1  }
0x2: {  	[smem:$0x3F95] =	sst lr;
	_ =	strace $0xD0000000  }
0x3: {  	_ = 	snop  }
0x4: {  	_ = 	snop  }
0x5: {  	_ = 	snop  }
0x6: {  	_ = 	snop  }
0x7: {  	_ = 	snop  }
__scs_overlays_trampoline_lowered:
0x8: {  	[smem:$0x3FA4] =	sst s0  }
0x9: {  	[smem:$0x3FA5] =	sst s1  }
0xa: {  	[smem:$0x3FA6] =	sst s2  }
0xb: {  	[smem:$0x3FA7] =	sst s3  }
0xc: {  	[smem:$0x3FA8] =	sst s4  }
0xd: {  	[smem:$0x3FA9] =	sst s5  }
0xe: {  	[smem:$0x3FAA] =	sst s6  }
0xf: {  	[smem:$0x3FAB] =	sst s7  }
0x10: {  	[smem:$0x3FAC] =	sst s8  }
0x11: {  	[smem:$0x3FAD] =	sst s9;
	s0 =	simm.s32 @!p0 $0x0  }
0x12: {  	s1 =	sld [smem:$0x3F93];
	s0 =	simm.s32 @p0 $0x1  }
0x13: {  	[smem:$0x3FAE] =	sst s0;
	s0 =	simm.s32 @!p1 $0x0  }
0x14: {  	s2 =	sld [smem:$0x3F92];
	s0 =	simm.s32 @p1 $0x1  }
0x15: {  	[smem:$0x3FAF] =	sst s0;
	s0 =	simm.s32 @!p2 $0x0  }
0x16: {  	s3 =	sld [smem:$0x3FDB];
	s0 =	simm.s32 @p2 $0x1  }
0x17: {  	s4 =	simm.s32 $0x1BF5;
	[smem:$0x3FB1] =	sst s0  }
0x18: {  	s0 =	sld [smem:$0x3F94];
	_ =	swait.ge [sflag:s4], $0x0  }
0x19: {  	s7 =	sld [smem:$0x3F95]  }
0x1a: {  	s8 =	sadd.s32 $0xFFFFE003, lr  }
0x1b: {  	s9 =	sadd.s32 $0xFFFFFEF7, lr;
	s5 =	simm.s32 $0xFFFFFFFF;
	p2 =	slt.u32 s8, $0xFFFFF086  }
0x1c: {  	p1 =	slt.u32 s9, $0xF7A;
	s5 =	simm.s32 @!p2 $0x0  }
0x1d: {  	s5 =	simm.s32 @p1 $0x1;
	p0 =	seq.s32 s7, s2  }
0x1e: {  	s7 =	smul.u32 @!p0 $0xF7A, s2;
	p2 =	seq.s32 @!p0 s5, $0x0  }
0x1f: {  	s9 =	smul.u32 $0xF7A, s1;
	s8 =	simm.s32 @!p0 $0x1BF5;
	p2 =	por !p2, p0  }
0x20: {  	[sflag:s8] =	ssyncset.s32 @!p0 $0xFFFFF086;
	s6 =	sadd.s32 @!p0 s3, s7;
	s7 =	simm.s32 @!p0 $0x108  }
0x21: {  	s3 =	sadd.s32 s3, s9;
	s6 =	sadd.s32 @!p0 $0x88, s6;
	s7 =	simm.s32 @p2 $0x1082  }
0x22: {  	[simem:s7], [sflag:s8] =	dma.local @!p0 [hbm:s6], $0xF7A  }
0x23: {  	s9 =	sor.u32 $0xD0000000, s2;
	s6 =	simm.s32 $0x108;
	_ =	swait.ge @!p0 [sflag:s8], $0x0  }
0x24: {  	s3 =	sadd.s32 $0x88, s3;
	s6 =	simm.s32 @!p1 $0x1082;
	[sflag:s4] =	ssyncset.s32 $0xFFFFF086  }
0x25: {  	[simem:s6], [sflag:s4] =	dma.local [hbm:s3], $0xF7A  }
0x26: {  	[smem:$0x3F95] =	sst s1;
	(tag) =	ssettag s2;
	_ =	strace s9  }
0x27: {  	s1 =	sld [smem:$0x3FA5]  }
0x28: {  	s2 =	sld [smem:$0x3FA6]  }
0x29: {  	s4 =	sld [smem:$0x3FA8]  }
0x2a: {  	p0 =	seq.s32 s5, $0x0;
	s5 =	sld [smem:$0x3FA9]  }
0x2b: {  	s6 =	sld [smem:$0x3FAA]  }
0x2c: {  	s7 =	sld [smem:$0x3FAB]  }
0x2d: {  	s3 =	simm.s32 $0x108;
	s8 =	sld [smem:$0x3FAC]  }
0x2e: {  	s3 =	simm.s32 @!p0 $0x1082;
	s9 =	sld [smem:$0x3FAD]  }
0x2f: {  	lr =	sadd.s32 s0, s3;
	s0 =	sld [smem:$0x3FA4]  }
0x30: {  	s3 =	sld [smem:$0x3FA7]  }
0x31: {  	[smem:$0x3FB0] =	sst s10  }
0x32: {  	s10 =	sld [smem:$0x3FAE];
	_ =	sdelay $0x3  }
0x33: {  	p0 =	seq.s32 s10, $0x1;
	s10 =	sld [smem:$0x3FB0];
	_ =	sdelay $0x3  }
0x34: {  	[smem:$0x3FB0] =	sst s10  }
0x35: {  	s10 =	sld [smem:$0x3FAF];
	_ =	sdelay $0x3  }
0x36: {  	p1 =	seq.s32 s10, $0x1;
	s10 =	sld [smem:$0x3FB0];
	_ =	sdelay $0x3  }
0x37: {  	[smem:$0x3FB0] =	sst s10  }
0x38: {  	s10 =	sld [smem:$0x3FB1]  }
0x39: {  	_ = 	snop;
	(pc) =	sbr.ind lr, $3  }
0x3a: {  	_ = 	snop  }
0x3b: {  	_ = 	snop  }
0x3c: {  	p2 =	seq.s32 s10, $0x1;
	s10 =	sld [smem:$0x3FB0]  }
0x3d: {  	_ =	shalt  }
0x3e: {  	_ =	shalt  }
0x3f: {  	_ =	shalt  }
0x40: {  	_ =	shalt  }
0x41: {  	_ =	shalt  }
0x42: {  	_ =	shalt  }
0x43: {  	_ =	shalt  }
0x44: {  	_ =	shalt  }
0x45: {  	_ =	shalt  }
0x46: {  	_ =	shalt  }
0x47: {  	_ =	shalt  }
0x48: {  	_ =	shalt  }
0x49: {  	_ =	shalt  }
0x4a: {  	_ =	shalt  }
0x4b: {  	_ =	shalt  }
0x4c: {  	_ =	shalt  }
0x4d: {  	_ =	shalt  }
0x4e: {  	_ =	shalt  }
0x4f: {  	_ =	shalt  }
0x50: {  	_ =	shalt  }
0x51: {  	_ =	shalt  }
0x52: {  	_ =	shalt  }
0x53: {  	_ =	shalt  }
0x54: {  	_ =	shalt  }
0x55: {  	_ =	shalt  }
0x56: {  	_ =	shalt  }
0x57: {  	_ =	shalt  }
0x58: {  	_ =	shalt  }
0x59: {  	_ =	shalt  }
0x5a: {  	_ =	shalt  }
0x5b: {  	_ =	shalt  }
0x5c: {  	_ =	shalt  }
0x5d: {  	_ =	shalt  }
0x5e: {  	_ =	shalt  }
0x5f: {  	_ =	shalt  }
0x60: {  	_ =	shalt  }
0x61: {  	_ =	shalt  }
0x62: {  	_ =	shalt  }
0x63: {  	_ =	shalt  }
0x64: {  	_ =	shalt  }
0x65: {  	_ =	shalt  }
0x66: {  	_ =	shalt  }
0x67: {  	_ =	shalt  }
0x68: {  	_ =	shalt  }
0x69: {  	_ =	shalt  }
0x6a: {  	_ =	shalt  }
0x6b: {  	_ =	shalt  }
0x6c: {  	_ =	shalt  }
0x6d: {  	_ =	shalt  }
0x6e: {  	_ =	shalt  }
0x6f: {  	_ =	shalt  }
0x70: {  	_ =	shalt  }
0x71: {  	_ =	shalt  }
0x72: {  	_ =	shalt  }
0x73: {  	_ =	shalt  }
0x74: {  	_ =	shalt  }
0x75: {  	_ =	shalt  }
0x76: {  	_ =	shalt  }
0x77: {  	_ =	shalt  }
0x78: {  	_ =	shalt  }
0x79: {  	_ =	shalt  }
0x7a: {  	_ =	shalt  }
0x7b: {  	_ =	shalt  }
0x7c: {  	_ =	shalt  }
0x7d: {  	_ =	shalt  }
0x7e: {  	_ =	shalt  }
0x7f: {  	_ =	shalt  }
0x80: {  	_ =	shalt  }
0x81: {  	_ =	shalt  }
0x82: {  	_ =	shalt  }
0x83: {  	_ =	shalt  }
0x84: {  	_ =	shalt  }
0x85: {  	_ =	shalt  }
0x86: {  	_ =	shalt  }
0x87: {  	_ =	shalt  }
.Lfunc_end0:
.L_simem_size_0:
called_computation.6_lowered:
.L_overlay_start_0:
0x88: {  	s2 =	sld [smem:$0x3FD9]  }
0x89: {  	s3 =	sld [smem:$0x3FFE];
	_ =	sdelay $0x1  }
0x8a: {  	s1 =	srdreg.scid  }
0x8b: {  	s0 =	sand.u32 $0x1, s1  }
0x8c: {  	s16 =	sshll.u32 s0, $0xA;
	s2 =	sadd.s32 s3, s2  }
0x8d: {  	s2 =	sadd.s32 s2, s16  }
0x8e: {  	[smem:$0x3FBC] =	sst s2  }
0x8f: {  	_ = 	snop  }
0x90: {  	(tm) =	ssettm $0x1  }
0x91: {  	s17 =	sld [smem:$0x3FFB];
	_ =	sdelay $0x3  }
0x92: {  	_ =	strace s17  }
0x93: {  	s2 =	sld [smem:$0x3FFC];
	_ =	sdelay $0x3  }
0x94: {  	_ =	strace s2  }
0x95: {  	s2 =	sld [smem:$0x3FFD];
	_ =	sdelay $0x3  }
0x96: {  	_ =	strace s2  }
0x97: {  	_ =	strace $0x8FFFFFFF  }
0x98: {  	s18 =	sld [smem:$0x3FDB];
	_ =	sdelay $0x1  }
0x99: {  	s19 =	simm.s32 $_scs_section_size  }
0x9a: {  	s4 =	simm.s32 $_size__tile_overlayer_lowered;
	s5 =	simm.s32 $_tile_overlayer_lowered  }
0x9b: {  	s22 =	simm.s32 $0x1BFF;
	s21 =	sshll.u32 s5, $0x1;
	s2 =	sadd.s32 s19, s18  }
0x9c: {  	s6 =	simm.s32 $0x0;
	s20 =	sshll.u32 s4, $0x1;
	s4 =	sadd.s32 s21, s2  }
0x9d: {  	[timem:s6], [sflag:s22] =	dma.local [hbm:s4], s20  }
0x9e: {  	_ =	swait.ge [sflag:s22], s20  }
0x9f: {  	s3 =	ssub.s32 $0x0, s20;
	[sflag:s22] =	ssyncset.done $0x0  }
0xa0: {  	[sflag:s22] =	ssyncadd.s32 s3;
	_ =	sdelay $0x1  }
0xa1: {  	s23 =	simm.s32 $0x1B8B  }
0xa2: {  	_ =	swait.ge [sflag:s23], $0x1  }
0xa3: {  	[sflag:s23] =	ssyncset.done $0x0  }
0xa4: {  	s25 =	simm.s32 $0x1B8E;
	s24 =	sld [smem:$0x3FFE];
	[sflag:s23] =	ssyncadd.s32 $0xFFFFFFFF  }
0xa5: {  	s26 =	simm.s32 $execute0_lowered;
	[smem:$0x3FD2] =	sst s25  }
0xa6: {  	s4 =	sshll.u32 s26, $0x1;
	_ =	strace $0x80000058;
	[dreg:$0x1] =	wrdreg $0xFFFFFFFF  }
0xa7: {  	s28 =	simm.s32 $_size_execute0_lowered;
	s2 =	sadd.s32 s2, s4;
	[dreg:$0x0] =	wrdreg $0x0  }
0xa8: {  	s4 =	sshll.u32 s28, $0x1;
	[dreg:$0x2] =	wrdreg s2  }
0xa9: {  	[dreg:$0x3] =	wrdreg s4  }
0xaa: {  	[dreg:$0x4] =	wrdreg $0xC0  }
0xab: {  	_ =	task [dreg:s6], $0x5FFFF  }
0xac: {  	[dreg:$0x1] =	wrdreg $0xFFFFFFFF  }
0xad: {  	[dreg:$0x0] =	wrdreg $0x60  }
0xae: {  	[dreg:$0x2] =	wrdreg s24  }
0xaf: {  	[dreg:$0x3] =	wrdreg $0x9  }
0xb0: {  	_ =	task.clear_ibuf [dreg:s6], $0x4FFFF;
	_ =	strace $0x90000058  }
0xb1: {  	s29 =	simm.s32 $0x9;
	_ =	strace $0x8000005A  }
0xb2: {  	_ =	swait.ge [sflag:s29], $0x1  }
0xb3: {  	[sflag:s29] =	ssyncadd.s32 $0xFFFFFFFF  }
0xb4: {  	_ =	strace $0x9000005A  }
0xb5: {  	_ =	sfence  }
0xb6: {  	s30 =	sld [smem:$0x0];
	_ =	sdelay $0x2  }
0xb7: {  	s31 =	sshll.u32 s1, $0xD;
	s1 =	sshrl.u32 s1, $0x2  }
0xb8: {  	s3 =	sand.u32 $0x4000, s31;
	s1 =	sadd.s32 s1, s30  }
0xb9: {  	s0 =	sor.u32 s3, s0;
	s1 =	sshll.u32 s1, $0x11  }
0xba: {  	s0 =	sor.u32 s1, s0  }
0xbb: {  	s0 =	sadd.s32 $0x8F2B, s0  }
0xbc: {  	[sflag:s0] =	ssyncadd.remote.s32 $0x1  }
0xbd: {  	_ =	sfence.sel $0xFFFF  }
0xbe: {  	[dreg:$0x0] =	wrdreg $0xFFFFFFFF;
	(pc) =	sbr.abs _section_cstart, $3  }
0xbf: {  	[dreg:$0x1] =	wrdreg $0xFFFFFFFF  }
0xc0: {  	_ =	task.clear_ibuf [dreg:s6], $0x2FFFF;
	_ =	strace $0x9FFFFFFF  }
0xc1: {  	(tm) =	ssettm $0x7FFFFFFF  }
tec
execute0_lowered:
.L_overlay_start_1:
0x0: {  	(tag) =	ssettag $0x1  }
0x1: {  	s1 =	srdreg.scid;
	s0 =	stileid.u32  }
0x2: {  	s9 =	rddreg [dreg:$0x0];
	s12 =	simm.s32 $0x200;
	s13 =	simm.s32 $0x400  }
0x3: {  	s14 =	simm.s32 $0x3;
	s15 =	simm.s32 $0x14000;
	s16 =	simm.s32 $0x16000  }
0x4: {  	s17 =	simm.s32 $0x18000;
	s18 =	simm.s32 $0x15000;
	s19 =	simm.s32 $0x17000  }
0x5: {  	s20 =	simm.s32 $0x19000;
	s21 =	simm.s32 $0x1;
	s22 =	simm.s32 $0xA000  }
0x6: {  	s23 =	simm.s32 $0x2;
	s24 =	simm.s32 $0x0;
	s4 =	sand.u32 $0x1, s1  }
0x7: {  	s2 =	sshll.u32 s0, $0x2;
	s5 =	sshll.u32 s0, $0x9;
	s1 =	sshll.u32 s4, $0x6  }
0x8: {  	s8 =	sadd.s32 $0x5C00, s9;
	s5 =	sand.u32 $0x200, s5;
	s2 =	sor.u32 s2, s1  }
0x9: {  	s6 =	ssub.s32 $0x2, s4;
	s4 =	sadd.s32 $0x5A00, s9;
	s3 =	sshrl.u32 s2, $0x3  }
0xa: {  	s1 =	rddreg [dreg:$0x1];
	s7 =	sshrl.u32 s6, $0x1;
	s3 =	smul.u32 $0x14000, s3  }
.Ltmp0:
0xb: {  	s2 =	simm.s32 $0x0;
	s11 =	ssub.s32 s6, s7;
	(pc) =	sbr.rel .LBB2_1-.Ltmp0, $4  }
0xc: {  	s7 =	sadd.s32 $0x23C00, s9;
	[smem:$0x7FF] =	sst s2;
	s5 =	sor.u32 s5, s3  }
0xd: {  	s11 =	smax.u32 s11, $0x1;
	_ =	strace $0x80000059;
	s5 =	sshrl.u32 s5, $0x3  }
0xe: {  	s3 =	sadd.s32 $0x23A00, s9;
	s10 =	sadd.s32 s5, s9;
	s5 =	sadd.s32 $0xFA00, s9  }
0xf: {  	v0 =	vimm.f32 $0.0e+00;
	s9 =	sadd.s32 $0xFC00, s9;
	s6 =	sadd.s32 $0x2DA00, s10;
	s10 =	sadd.s32 $0x55A00, s10  }
.LBB2_10:
0x10: {  	s24 =	sadd.s32 $0x1, s24  }
0x11: {  	p0 =	sne.s32 s24, s11  }
.Ltmp1:
0x12: {  	_ = 	snop;
	(pc) =	sbr.rel @!p0 .LBB2_11-.Ltmp1, $4  }
0x13: {  	[hbm4b:s10+s12] =	stream.strided.scatter [tilespmem:s22], [sflag:$0x3], $0xA000, s13, s12, $0x38;
	[tilespmem:$0x1A000] =	vst v63  }
0x14: {  	_ =	swait.ge [sflag:s14], $0xA000  }
0x15: {  	[sflag:s14] =	ssyncset.done $0x0  }
0x16: {  	[sflag:s14] =	ssyncadd.s32 $0xFFFF6000  }
.LBB2_1:
0x17: {  	[tilespmem:s2], [sflag:$0x3] =	stream.strided.gather [hbm4b:s6+s12], $0xA000, s13, s12, $0x38;
	[tilespmem:$0x1A000] =	vst v63  }
0x18: {  	_ =	swait.ge [sflag:s14], $0xA000  }
0x19: {  	s25 =	sand.u32 $0x70, s2;
	s26 =	sand.u32 $0xFE00, s2;
	[sflag:s14] =	ssyncset.done $0x0  }
0x1a: {  	s28 =	sor.u32 s25, s26;
	[sflag:s14] =	ssyncadd.s32 $0xFFFF6000  }
0x1b: {  	[tilespmem:s28+$0xA180] =	vst v0  }
0x1c: {  	[tilespmem:s28+$0xA000] =	vst v0  }
0x1d: {  	s25 =	simm.s32 $0x10;
	s26 =	simm.s32 $0x0;
	[tilespmem:s28+$0xA080] =	vst v0  }
.LBB2_2:
0x1e: {  	s29 =	sand.u32 $0x70, s25;
	[tilespmem:s28+$0xA100] =	vst v0;
	s26 =	sadd.s32 $0x40, s26;
	p0 =	sne.s32 s25, $0x27F0  }
.Ltmp2:
0x1f: {  	s25 =	sadd.s32 $0x10, s25;
	s28 =	sand.u32 $0xFE00, s26;
	(pc) =	sbr.rel @p0 .LBB2_2-.Ltmp2, $4  }
0x20: {  	s28 =	sor.u32 s29, s28  }
0x21: {  	[tilespmem:s28+$0xA180] =	vst v0  }
0x22: {  	[tilespmem:s28+$0xA000] =	vst v0  }
0x23: {  	[tilespmem:s28+$0xA080] =	vst v0  }
0x24: {  	[tilespmem:s28+$0xA100] =	vst v0;
	s25 =	simm.s32 $0x0  }
0x25: {  	[tilespmem:s15], [sflag:$0x1] =	stream.linear.gather [hbm4b:s3+s25], $0x1000, $0x38;
	[tilespmem:$0x1A000] =	vst v63  }
0x26: {  	_ = 	snop  }
0x27: {  	[tilespmem:s16], [sflag:$0x1] =	stream.linear.gather [hbm4b:s4+s25], $0x1000, $0x38;
	[tilespmem:$0x1A000] =	vst v63  }
0x28: {  	_ = 	snop  }
0x29: {  	[tilespmem:s17], [sflag:$0x1] =	stream.linear.gather [hbm4b:s5+s25], $0x1000, $0x38;
	[tilespmem:$0x1A000] =	vst v63  }
0x2a: {  	_ = 	snop  }
0x2b: {  	[tilespmem:s18], [sflag:$0x2] =	stream.linear.gather [hbm4b:s7+s25], $0x1000, $0x38;
	[tilespmem:$0x1A000] =	vst v63  }
0x2c: {  	_ = 	snop  }
0x2d: {  	[tilespmem:s19], [sflag:$0x2] =	stream.linear.gather [hbm4b:s8+s25], $0x1000, $0x38;
	[tilespmem:$0x1A000] =	vst v63  }
0x2e: {  	_ = 	snop  }
0x2f: {  	[tilespmem:s20], [sflag:$0x2] =	stream.linear.gather [hbm4b:s9+s25], $0x1000, $0x38;
	[tilespmem:$0x1A000] =	vst v63  }
.LBB2_4:
0x30: {  	_ =	swait.ge [sflag:s21], $0x1000  }
0x31: {  	[sflag:s21] =	ssyncset.done $0x0  }
0x32: {  	[sflag:s21] =	ssyncadd.s32 $0xFFFFF000  }
0x33: {  	_ =	swait.ge [sflag:s21], $0x1000  }
0x34: {  	[sflag:s21] =	ssyncset.done $0x0  }
0x35: {  	[sflag:s21] =	ssyncadd.s32 $0xFFFFF000  }
0x36: {  	_ =	swait.ge [sflag:s21], $0x1000  }
0x37: {  	[sflag:s21] =	ssyncset.done $0x0  }
0x38: {  	s28 =	simm.s32 $0x14020;
	[sflag:s21] =	ssyncadd.s32 $0xFFFFF000  }
0x39: {  	v1 =	vld [tilespmem:s28+$0x10];
	_ =	sdelay $0x2  }
0x3a: {  	v2 =	vld [tilespmem:s28+$0xFFFFFFF0]  }
0x3b: {  	v3 =	vld [tilespmem:s28+$0xFFFFFFE0]  }
0x3c: {  	s26 =	simm.s32 $0x16020;
	v4 =	vshll.u32 v1, $0x2  }
0x3d: {  	v6 =	vld [tilespmem:s26+$0x10];
	v1 =	vand.u32 $0x7F, v1;
	v4 =	vand.u32 $0xFFFFFE00, v4  }
0x3e: {  	v7 =	vld [tilespmem:s28+$0x0];
	v5 =	vor.u32 v1, v4  }
0x3f: {  	v1 =	vshll.u32 v2, $0x2  }
0x40: {  	v8 =	vld [tilespmem:s26+$0xFFFFFFE0];
	v2 =	vand.u32 $0x7F, v2;
	v4 =	vshll.u32 v3, $0x2;
	v1 =	vand.u32 $0xFFFFFE00, v1  }
0x41: {  	v10 =	vld [tilespmem:s26+$0xFFFFFFF0];
	s28 =	simm.s32 $0x18020;
	v3 =	vand.u32 $0x7F, v3;
	v9 =	vor.u32 v2, v1;
	v1 =	vand.u32 $0xFFFFFE00, v4  }
0x42: {  	v4 =	vld [tilespmem:s28+$0x10];
	v11 =	vor.u32 v3, v1;
	v1 =	vshll.u32 v6, $0x2  }
0x43: {  	v2 =	vand.u32 $0x7F, v6;
	v6 =	vshll.u32 v7, $0x2;
	v1 =	vand.u32 $0xFFFFFE00, v1;
	v3 =	vld.idx.msk [tilespmem:v5+s2+$0x0], $0xffff  }
0x44: {  	v12 =	vld [tilespmem:s26+$0x0];
	v7 =	vand.u32 $0x7F, v7;
	v15 =	vor.u32 v2, v1;
	v1 =	vand.u32 $0xFFFFFE00, v6  }
0x45: {  	v2 =	vshll.u32 v8, $0x2;
	v16 =	vor.u32 v7, v1;
	v1 =	vld [tilespmem:s28+$0xFFFFFFE0]  }
0x46: {  	v14 =	vor.u32 $0x80, v5;
	v7 =	vand.u32 $0xFFFFFE00, v2;
	v2 =	vld [tilespmem:s28+$0xFFFFFFF0]  }
0x47: {  	v6 =	vld.idx.msk [tilespmem:v11+s2+$0x0], $0xffff  }
0x48: {  	v17 =	vshll.u32 v10, $0x2;
	v8 =	vand.u32 $0x7F, v8;
	v13 =	vld.idx.msk [tilespmem:v9+s2+$0x0], $0xffff;
	v3 =	vmul.f32 v3, v4  }
0x49: {  	v10 =	vand.u32 $0x7F, v10;
	v17 =	vand.u32 $0xFFFFFE00, v17;
	v18 =	vor.u32 v8, v7  }
0x4a: {  	v17 =	vor.u32 v10, v17;
	[tilespmem:v15+s22+$0x0] =	vst.idx.add.f32.msk $0xffff, v3  }
0x4b: {  	v7 =	vor.u32 $0x80, v11;
	v8 =	vld.idx.msk [tilespmem:v14+s2+$0x0], $0xffff  }
0x4c: {  	v10 =	vor.u32 $0x80, v9;
	v3 =	vld [tilespmem:s28+$0x0];
	v6 =	vmul.f32 v6, v1  }
0x4d: {  	v19 =	vshll.u32 v12, $0x2;
	v20 =	vor.u32 $0x80, v15;
	v13 =	vmul.f32 v13, v2;
	v14 =	vld.idx.msk [tilespmem:v16+s2+$0x0], $0xffff  }
0x4e: {  	v12 =	vand.u32 $0x7F, v12;
	v19 =	vand.u32 $0xFFFFFE00, v19;
	[tilespmem:v18+s22+$0x0] =	vst.idx.add.f32.msk $0xffff, v6;
	v6 =	vor.u32 $0x100, v5  }
0x4f: {  	v19 =	vor.u32 v12, v19;
	[tilespmem:v17+s22+$0x0] =	vst.idx.add.f32.msk $0xffff, v13  }
0x50: {  	v12 =	vor.u32 $0x80, v16;
	v7 =	vld.idx.msk [tilespmem:v7+s2+$0x0], $0xffff;
	v8 =	vmul.f32 v8, v4  }
0x51: {  	v10 =	vld.idx.msk [tilespmem:v10+s2+$0x0], $0xffff  }
0x52: {  	v13 =	vor.u32 $0x80, v18;
	v14 =	vmul.f32 v14, v3;
	[tilespmem:v20+s22+$0x0] =	vst.idx.add.f32.msk $0xffff, v8  }
0x53: {  	v8 =	vor.u32 $0x80, v17;
	v6 =	vld.idx.msk [tilespmem:v6+s2+$0x0], $0xffff  }
0x54: {  	v20 =	vor.u32 $0x100, v11;
	[tilespmem:v19+s22+$0x0] =	vst.idx.add.f32.msk $0xffff, v14  }
0x55: {  	v14 =	vor.u32 $0x100, v15;
	v12 =	vld.idx.msk [tilespmem:v12+s2+$0x0], $0xffff;
	v7 =	vmul.f32 v7, v1  }
0x56: {  	v5 =	vor.u32 $0x180, v5;
	v10 =	vmul.f32 v10, v2  }
0x57: {  	v21 =	vor.u32 $0x80, v19;
	[tilespmem:v13+s22+$0x0] =	vst.idx.add.f32.msk $0xffff, v7  }
0x58: {  	v22 =	vor.u32 $0x100, v9;
	[tilespmem:v8+s22+$0x0] =	vst.idx.add.f32.msk $0xffff, v10;
	v6 =	vmul.f32 v6, v4  }
0x59: {  	v23 =	vor.u32 $0x100, v16;
	v20 =	vld.idx.msk [tilespmem:v20+s2+$0x0], $0xffff  }
0x5a: {  	v10 =	vmul.f32 v12, v3;
	[tilespmem:v14+s22+$0x0] =	vst.idx.add.f32.msk $0xffff, v6  }
0x5b: {  	v15 =	vor.u32 $0x180, v15;
	v7 =	vor.u32 $0x180, v11;
	v14 =	vld.idx.msk [tilespmem:v5+s2+$0x0], $0xffff  }
0x5c: {  	v13 =	vor.u32 $0x100, v17;
	v11 =	vor.u32 $0x100, v19;
	v8 =	vor.u32 $0x180, v9;
	[tilespmem:v21+s22+$0x0] =	vst.idx.add.f32.msk $0xffff, v10  }
0x5d: {  	v9 =	vor.u32 $0x180, v18;
	v12 =	vor.u32 $0x100, v18;
	v10 =	vor.u32 $0x180, v16;
	v16 =	vld.idx.msk [tilespmem:v22+s2+$0x0], $0xffff  }
0x5e: {  	s29 =	simm.s32 $0x0;
	s30 =	simm.s32 $0x14060;
	v6 =	vor.u32 $0x180, v19;
	v5 =	vor.u32 $0x180, v17;
	v17 =	vld.idx.msk [tilespmem:v23+s2+$0x0], $0xffff;
	v18 =	vmul.f32 v20, v1  }
.LBB2_5:
0x5f: {  	v19 =	vld [tilespmem:s30+$0x10];
	s29 =	sadd.s32 $0x4, s29  }
0x60: {  	v4 =	vmul.f32 v14, v4;
	v20 =	vld [tilespmem:s30+$0xFFFFFFF0];
	p0 =	slt.u32 s29, $0xFC  }
0x61: {  	v14 =	vld [tilespmem:s30+$0x0]  }
0x62: {  	v16 =	vmul.f32 v16, v2;
	[tilespmem:v15+s22+$0x0] =	vst.idx.add.f32.msk $0xffff, v4  }
0x63: {  	v15 =	vmul.f32 v17, v3;
	v4 =	vld [tilespmem:s30+$0xFFFFFFE0]  }
0x64: {  	v17 =	vshll.u32 v19, $0x2;
	[tilespmem:v12+s22+$0x0] =	vst.idx.add.f32.msk $0xffff, v18  }
0x65: {  	v18 =	vand.u32 $0x7F, v19;
	v12 =	vshll.u32 v20, $0x2;
	v17 =	vand.u32 $0xFFFFFE00, v17;
	[tilespmem:v13+s22+$0x0] =	vst.idx.add.f32.msk $0xffff, v16  }
0x66: {  	s26 =	sadd.s32 $0x40, s26;
	v12 =	vand.u32 $0xFFFFFE00, v12;
	v13 =	vshll.u32 v14, $0x2;
	v16 =	vor.u32 v18, v17;
	[tilespmem:v11+s22+$0x0] =	vst.idx.add.f32.msk $0xffff, v15  }
0x67: {  	v11 =	vand.u32 $0x7F, v20;
	v14 =	vand.u32 $0x7F, v14;
	v13 =	vand.u32 $0xFFFFFE00, v13;
	v15 =	vld [tilespmem:s26+$0x10]  }
0x68: {  	v11 =	vor.u32 v11, v12;
	v17 =	vld [tilespmem:s26+$0xFFFFFFE0];
	v18 =	vand.u32 $0x7F, v4;
	v4 =	vshll.u32 v4, $0x2  }
0x69: {  	v19 =	vor.u32 $0x80, v11;
	v14 =	vor.u32 v14, v13;
	v4 =	vand.u32 $0xFFFFFE00, v4;
	v12 =	vld [tilespmem:s26+$0xFFFFFFF0]  }
0x6a: {  	v21 =	vor.u32 $0x80, v14;
	v13 =	vor.u32 v18, v4;
	v18 =	vor.u32 $0x100, v11;
	v20 =	vld [tilespmem:s26+$0x0]  }
0x6b: {  	s28 =	sadd.s32 $0x40, s28;
	v24 =	vor.u32 $0x100, v14;
	v22 =	vor.u32 $0x80, v13;
	v23 =	vor.u32 $0x100, v13;
	v25 =	vld.idx.msk [tilespmem:v16+s2+$0x0], $0xffff  }
0x6c: {  	v27 =	vor.u32 $0x180, v11;
	v26 =	vor.u32 $0x180, v13;
	v4 =	vld [tilespmem:s28+$0x10];
	v28 =	vshll.u32 v15, $0x2  }
0x6d: {  	v29 =	vshll.u32 v17, $0x2;
	v30 =	vld.idx.msk [tilespmem:v11+s2+$0x0], $0xffff;
	v11 =	vand.u32 $0x7F, v15;
	v15 =	vand.u32 $0xFFFFFE00, v28  }
0x6e: {  	v28 =	vand.u32 $0xFFFFFE00, v29;
	v29 =	vshll.u32 v12, $0x2;
	v31 =	vld.idx.msk [tilespmem:v14+s2+$0x0], $0xffff;
	v15 =	vor.u32 v11, v15  }
0x6f: {  	v32 =	vld.idx.msk [tilespmem:v13+s2+$0x0], $0xffff;
	v11 =	vand.u32 $0xFFFFFE00, v29;
	v13 =	vshll.u32 v20, $0x2;
	v29 =	vor.u32 $0x80, v16  }
0x70: {  	v17 =	vand.u32 $0x7F, v17;
	v12 =	vand.u32 $0x7F, v12;
	v33 =	vld [tilespmem:s28+$0xFFFFFFE0];
	v13 =	vand.u32 $0xFFFFFE00, v13  }
0x71: {  	v17 =	vor.u32 v17, v28;
	v20 =	vand.u32 $0x7F, v20;
	v28 =	vld [tilespmem:s28+$0xFFFFFFF0];
	v25 =	vmul.f32 v25, v4  }
0x72: {  	v34 =	vor.u32 $0x80, v17;
	v35 =	vor.u32 v12, v11;
	v20 =	vor.u32 v20, v13;
	v36 =	vld [tilespmem:s28+$0x0]  }
0x73: {  	v12 =	vor.u32 $0x100, v17;
	v37 =	vor.u32 $0x80, v35;
	v38 =	vor.u32 $0x80, v20;
	[tilespmem:v15+s22+$0x0] =	vst.idx.add.f32.msk $0xffff, v25  }
0x74: {  	v14 =	vor.u32 $0x180, v14;
	v13 =	vor.u32 $0x100, v35;
	v11 =	vor.u32 $0x100, v20;
	v25 =	vld.idx.msk [tilespmem:v29+s2+$0x0], $0xffff  }
0x75: {  	v39 =	vor.u32 $0x180, v35;
	v29 =	vmul.f32 v32, v33;
	v32 =	vor.u32 $0x180, v17;
	v40 =	vld.idx.msk [tilespmem:v7+s2+$0x0], $0xffff;
	v7 =	vmovc v26  }
0x76: {  	v26 =	vmul.f32 v30, v28;
	v30 =	vor.u32 $0x180, v20;
	v41 =	vld.idx.msk [tilespmem:v8+s2+$0x0], $0xffff;
	v8 =	vmov v27  }
0x77: {  	v27 =	vor.u32 $0x80, v15;
	[tilespmem:v17+s22+$0x0] =	vst.idx.add.f32.msk $0xffff, v29;
	v17 =	vmul.f32 v31, v36  }
0x78: {  	[tilespmem:v35+s22+$0x0] =	vst.idx.add.f32.msk $0xffff, v26;
	v26 =	vor.u32 $0x100, v16  }
0x79: {  	[tilespmem:v20+s22+$0x0] =	vst.idx.add.f32.msk $0xffff, v17  }
0x7a: {  	v20 =	vmul.f32 v25, v4;
	v17 =	vld.idx.msk [tilespmem:v22+s2+$0x0], $0xffff  }
0x7b: {  	v22 =	vmul.f32 v40, v1;
	v1 =	vmov v33;
	v19 =	vld.idx.msk [tilespmem:v19+s2+$0x0], $0xffff  }
0x7c: {  	[tilespmem:v27+s22+$0x0] =	vst.idx.add.f32.msk $0xffff, v20;
	v20 =	vmul.f32 v41, v2;
	v2 =	vmov v28  }
0x7d: {  	v25 =	vld.idx.msk [tilespmem:v26+s2+$0x0], $0xffff  }
0x7e: {  	v21 =	vld.idx.msk [tilespmem:v21+s2+$0x0], $0xffff  }
0x7f: {  	v26 =	vld.idx.msk [tilespmem:v10+s2+$0x0], $0xffff;
	v10 =	vmov v14  }
0x80: {  	v14 =	vmul.f32 v17, v1;
	v17 =	vor.u32 $0x100, v15;
	[tilespmem:v9+s22+$0x0] =	vst.idx.add.f32.msk $0xffff, v22;
	v9 =	vmov v32  }
0x81: {  	v16 =	vor.u32 $0x180, v16;
	v19 =	vmul.f32 v19, v2;
	[tilespmem:v5+s22+$0x0] =	vst.idx.add.f32.msk $0xffff, v20;
	v5 =	vmov v39  }
0x82: {  	[tilespmem:v34+s22+$0x0] =	vst.idx.add.f32.msk $0xffff, v14  }
0x83: {  	v14 =	vmul.f32 v25, v4;
	[tilespmem:v37+s22+$0x0] =	vst.idx.add.f32.msk $0xffff, v19  }
0x84: {  	v20 =	vmul.f32 v21, v36;
	v19 =	vld.idx.msk [tilespmem:v23+s2+$0x0], $0xffff  }
0x85: {  	v21 =	vmul.f32 v26, v3;
	v3 =	vmov v36;
	[tilespmem:v17+s22+$0x0] =	vst.idx.add.f32.msk $0xffff, v14  }
.Ltmp3:
0x86: {  	v14 =	vld.idx.msk [tilespmem:v16+s2+$0x0], $0xffff;
	(pc) =	sbr.rel @p0 .LBB2_5-.Ltmp3, $4  }
0x87: {  	[tilespmem:v38+s22+$0x0] =	vst.idx.add.f32.msk $0xffff, v20  }
0x88: {  	v16 =	vld.idx.msk [tilespmem:v18+s2+$0x0], $0xffff  }
0x89: {  	v15 =	vor.u32 $0x180, v15;
	v17 =	vld.idx.msk [tilespmem:v24+s2+$0x0], $0xffff  }
0x8a: {  	s30 =	sadd.s32 $0x40, s30;
	v18 =	vmul.f32 v19, v1;
	[tilespmem:v6+s22+$0x0] =	vst.idx.add.f32.msk $0xffff, v21;
	v6 =	vmov v30  }
0x8b: {  	_ =	sdelay $0x3  }
0x8c: {  	[tilespmem:v12+s22+$0x0] =	vst.idx.add.f32.msk $0xffff, v18;
	v16 =	vmul.f32 v16, v2  }
0x8d: {  	v7 =	vld.idx.msk [tilespmem:v7+s2+$0x0], $0xffff;
	v17 =	vmul.f32 v17, v3  }
0x8e: {  	[tilespmem:v13+s22+$0x0] =	vst.idx.add.f32.msk $0xffff, v16  }
0x8f: {  	[tilespmem:v11+s22+$0x0] =	vst.idx.add.f32.msk $0xffff, v17  }
0x90: {  	v8 =	vld.idx.msk [tilespmem:v8+s2+$0x0], $0xffff  }
0x91: {  	v10 =	vld.idx.msk [tilespmem:v10+s2+$0x0], $0xffff;
	_ =	sdelay $0x1  }
0x92: {  	v4 =	vmul.f32 v14, v4  }
0x93: {  	v1 =	vmul.f32 v7, v1  }
0x94: {  	[tilespmem:v15+s22+$0x0] =	vst.idx.add.f32.msk $0xffff, v4;
	v2 =	vmul.f32 v8, v2  }
0x95: {  	s26 =	sshll.u32 s25, $0xA;
	p0 =	seq.s32 s25, $0x27;
	[tilespmem:v9+s22+$0x0] =	vst.idx.add.f32.msk $0xffff, v1;
	v1 =	vmul.f32 v10, v3  }
0x96: {  	s28 =	sadd.s32 @!p0 $0x400, s26;
	[tilespmem:v5+s22+$0x0] =	vst.idx.add.f32.msk $0xffff, v2  }
0x97: {  	s30 =	simm.s32 @!p0 $0x0;
	s31 =	simm.s32 @!p0 $0x14000;
	s29 =	sadd.s32 @!p0 s3, s28;
	[tilespmem:v6+s22+$0x0] =	vst.idx.add.f32.msk $0xffff, v1  }
0x98: {  	[tilespmem:s31], [sflag:$0x1] =	stream.linear.gather @!p0 [hbm4b:s29+s30], $0x1000, $0x38;
	[tilespmem:$0x1A000] =	vst v63  }
0x99: {  	s29 =	sadd.s32 @!p0 s4, s28;
	s31 =	simm.s32 @!p0 $0x16000  }
0x9a: {  	[tilespmem:s31], [sflag:$0x1] =	stream.linear.gather @!p0 [hbm4b:s29+s30], $0x1000, $0x38;
	[tilespmem:$0x1A000] =	vst v63  }
0x9b: {  	s28 =	sadd.s32 @!p0 s5, s28;
	s29 =	simm.s32 @!p0 $0x18000  }
0x9c: {  	[tilespmem:s29], [sflag:$0x1] =	stream.linear.gather @!p0 [hbm4b:s28+s30], $0x1000, $0x38;
	[tilespmem:$0x1A000] =	vst v63  }
0x9d: {  	_ =	swait.ge [sflag:s23], $0x1000  }
0x9e: {  	[sflag:s23] =	ssyncset.done $0x0  }
0x9f: {  	[sflag:s23] =	ssyncadd.s32 $0xFFFFF000  }
0xa0: {  	_ =	swait.ge [sflag:s23], $0x1000  }
0xa1: {  	[sflag:s23] =	ssyncset.done $0x0  }
0xa2: {  	[sflag:s23] =	ssyncadd.s32 $0xFFFFF000  }
0xa3: {  	_ =	swait.ge [sflag:s23], $0x1000  }
0xa4: {  	[sflag:s23] =	ssyncset.done $0x0  }
0xa5: {  	s29 =	simm.s32 $0x15020;
	[sflag:s23] =	ssyncadd.s32 $0xFFFFF000  }
0xa6: {  	v1 =	vld [tilespmem:s29+$0x10];
	_ =	sdelay $0x2  }
0xa7: {  	v2 =	vld [tilespmem:s29+$0xFFFFFFF0]  }
0xa8: {  	v3 =	vld [tilespmem:s29+$0xFFFFFFE0]  }
0xa9: {  	s28 =	simm.s32 $0x17020;
	v4 =	vshll.u32 v1, $0x2  }
0xaa: {  	v6 =	vld [tilespmem:s28+$0x10];
	v1 =	vand.u32 $0x7F, v1;
	v4 =	vand.u32 $0xFFFFFE00, v4  }
0xab: {  	v7 =	vld [tilespmem:s29+$0x0];
	v5 =	vor.u32 v1, v4  }
0xac: {  	v1 =	vshll.u32 v2, $0x2  }
0xad: {  	v8 =	vld [tilespmem:s28+$0xFFFFFFE0];
	v2 =	vand.u32 $0x7F, v2;
	v4 =	vshll.u32 v3, $0x2;
	v1 =	vand.u32 $0xFFFFFE00, v1  }
0xae: {  	v10 =	vld [tilespmem:s28+$0xFFFFFFF0];
	s29 =	simm.s32 $0x19020;
	v3 =	vand.u32 $0x7F, v3;
	v9 =	vor.u32 v2, v1;
	v1 =	vand.u32 $0xFFFFFE00, v4  }
0xaf: {  	v4 =	vld [tilespmem:s29+$0x10];
	v11 =	vor.u32 v3, v1;
	v1 =	vshll.u32 v6, $0x2  }
0xb0: {  	v2 =	vand.u32 $0x7F, v6;
	v6 =	vshll.u32 v7, $0x2;
	v1 =	vand.u32 $0xFFFFFE00, v1;
	v3 =	vld.idx.msk [tilespmem:v5+s2+$0x0], $0xffff  }
0xb1: {  	v12 =	vld [tilespmem:s28+$0x0];
	v7 =	vand.u32 $0x7F, v7;
	v15 =	vor.u32 v2, v1;
	v1 =	vand.u32 $0xFFFFFE00, v6  }
0xb2: {  	v2 =	vshll.u32 v8, $0x2;
	v7 =	vor.u32 v7, v1;
	v1 =	vld [tilespmem:s29+$0xFFFFFFE0]  }
0xb3: {  	v14 =	vor.u32 $0x80, v5;
	v16 =	vand.u32 $0xFFFFFE00, v2;
	v2 =	vld [tilespmem:s29+$0xFFFFFFF0]  }
0xb4: {  	v6 =	vld.idx.msk [tilespmem:v11+s2+$0x0], $0xffff  }
0xb5: {  	v17 =	vshll.u32 v10, $0x2;
	v8 =	vand.u32 $0x7F, v8;
	v13 =	vld.idx.msk [tilespmem:v9+s2+$0x0], $0xffff;
	v3 =	vmul.f32 v3, v4  }
0xb6: {  	v10 =	vand.u32 $0x7F, v10;
	v17 =	vand.u32 $0xFFFFFE00, v17;
	v8 =	vor.u32 v8, v16  }
0xb7: {  	v16 =	vor.u32 v10, v17;
	[tilespmem:v15+s22+$0x0] =	vst.idx.add.f32.msk $0xffff, v3  }
0xb8: {  	v10 =	vor.u32 $0x80, v11;
	v14 =	vld.idx.msk [tilespmem:v14+s2+$0x0], $0xffff  }
0xb9: {  	v17 =	vor.u32 $0x80, v9;
	v18 =	vld.idx.msk [tilespmem:v7+s2+$0x0], $0xffff;
	v6 =	vmul.f32 v6, v1  }
0xba: {  	v19 =	vshll.u32 v12, $0x2;
	v20 =	vor.u32 $0x80, v15;
	v3 =	vld [tilespmem:s29+$0x0];
	v13 =	vmul.f32 v13, v2  }
0xbb: {  	v12 =	vand.u32 $0x7F, v12;
	v19 =	vand.u32 $0xFFFFFE00, v19;
	[tilespmem:v8+s22+$0x0] =	vst.idx.add.f32.msk $0xffff, v6;
	v6 =	vor.u32 $0x100, v5  }
0xbc: {  	v19 =	vor.u32 v12, v19;
	[tilespmem:v16+s22+$0x0] =	vst.idx.add.f32.msk $0xffff, v13  }
0xbd: {  	v12 =	vor.u32 $0x80, v7;
	v10 =	vld.idx.msk [tilespmem:v10+s2+$0x0], $0xffff;
	v13 =	vmul.f32 v14, v4  }
0xbe: {  	v14 =	vld.idx.msk [tilespmem:v17+s2+$0x0], $0xffff  }
0xbf: {  	v18 =	vmul.f32 v18, v3;
	v17 =	vor.u32 $0x80, v8;
	[tilespmem:v20+s22+$0x0] =	vst.idx.add.f32.msk $0xffff, v13  }
0xc0: {  	v13 =	vor.u32 $0x80, v16;
	v6 =	vld.idx.msk [tilespmem:v6+s2+$0x0], $0xffff  }
0xc1: {  	[tilespmem:v19+s22+$0x0] =	vst.idx.add.f32.msk $0xffff, v18;
	v20 =	vor.u32 $0x100, v11  }
0xc2: {  	v18 =	vor.u32 $0x100, v15;
	v12 =	vld.idx.msk [tilespmem:v12+s2+$0x0], $0xffff;
	v10 =	vmul.f32 v10, v1  }
0xc3: {  	v21 =	vor.u32 $0x180, v5;
	v14 =	vmul.f32 v14, v2  }
0xc4: {  	v22 =	vor.u32 $0x80, v19;
	[tilespmem:v17+s22+$0x0] =	vst.idx.add.f32.msk $0xffff, v10  }
0xc5: {  	v17 =	vor.u32 $0x100, v9;
	[tilespmem:v13+s22+$0x0] =	vst.idx.add.f32.msk $0xffff, v14;
	v5 =	vmul.f32 v6, v4  }
0xc6: {  	v23 =	vor.u32 $0x100, v7;
	v20 =	vld.idx.msk [tilespmem:v20+s2+$0x0], $0xffff  }
0xc7: {  	v10 =	vmul.f32 v12, v3;
	[tilespmem:v18+s22+$0x0] =	vst.idx.add.f32.msk $0xffff, v5  }
0xc8: {  	v15 =	vor.u32 $0x180, v15;
	v12 =	vor.u32 $0x100, v8;
	v14 =	vld.idx.msk [tilespmem:v21+s2+$0x0], $0xffff  }
0xc9: {  	v13 =	vor.u32 $0x100, v16;
	v8 =	vor.u32 $0x180, v8;
	v6 =	vor.u32 $0x180, v9;
	[tilespmem:v22+s22+$0x0] =	vst.idx.add.f32.msk $0xffff, v10  }
0xca: {  	v9 =	vor.u32 $0x180, v19;
	v10 =	vor.u32 $0x180, v7;
	v7 =	vor.u32 $0x180, v16;
	v16 =	vld.idx.msk [tilespmem:v17+s2+$0x0], $0xffff  }
0xcb: {  	s31 =	simm.s32 $0x15060;
	s30 =	simm.s32 $0x0;
	v5 =	vor.u32 $0x180, v11;
	v11 =	vor.u32 $0x100, v19;
	v17 =	vld.idx.msk [tilespmem:v23+s2+$0x0], $0xffff;
	v18 =	vmul.f32 v20, v1  }
.LBB2_7:
0xcc: {  	v19 =	vld [tilespmem:s31+$0x10];
	s30 =	sadd.s32 $0x4, s30  }
0xcd: {  	v4 =	vmul.f32 v14, v4;
	v20 =	vld [tilespmem:s31+$0xFFFFFFF0];
	p1 =	slt.u32 s30, $0xFC  }
0xce: {  	v14 =	vld [tilespmem:s31+$0x0]  }
0xcf: {  	v16 =	vmul.f32 v16, v2;
	[tilespmem:v15+s22+$0x0] =	vst.idx.add.f32.msk $0xffff, v4  }
0xd0: {  	v15 =	vmul.f32 v17, v3;
	v4 =	vld [tilespmem:s31+$0xFFFFFFE0]  }
0xd1: {  	v17 =	vshll.u32 v19, $0x2;
	[tilespmem:v12+s22+$0x0] =	vst.idx.add.f32.msk $0xffff, v18  }
0xd2: {  	v18 =	vand.u32 $0x7F, v19;
	v12 =	vshll.u32 v20, $0x2;
	v17 =	vand.u32 $0xFFFFFE00, v17;
	[tilespmem:v13+s22+$0x0] =	vst.idx.add.f32.msk $0xffff, v16  }
0xd3: {  	s28 =	sadd.s32 $0x40, s28;
	v12 =	vand.u32 $0xFFFFFE00, v12;
	v13 =	vshll.u32 v14, $0x2;
	v16 =	vor.u32 v18, v17;
	[tilespmem:v11+s22+$0x0] =	vst.idx.add.f32.msk $0xffff, v15  }
0xd4: {  	v11 =	vand.u32 $0x7F, v20;
	v14 =	vand.u32 $0x7F, v14;
	v13 =	vand.u32 $0xFFFFFE00, v13;
	v15 =	vld [tilespmem:s28+$0x10]  }
0xd5: {  	v11 =	vor.u32 v11, v12;
	v17 =	vld [tilespmem:s28+$0xFFFFFFE0];
	v18 =	vand.u32 $0x7F, v4;
	v4 =	vshll.u32 v4, $0x2  }
0xd6: {  	v19 =	vor.u32 $0x80, v11;
	v14 =	vor.u32 v14, v13;
	v4 =	vand.u32 $0xFFFFFE00, v4;
	v12 =	vld [tilespmem:s28+$0xFFFFFFF0]  }
0xd7: {  	v21 =	vor.u32 $0x80, v14;
	v13 =	vor.u32 v18, v4;
	v18 =	vor.u32 $0x100, v11;
	v20 =	vld [tilespmem:s28+$0x0]  }
0xd8: {  	s29 =	sadd.s32 $0x40, s29;
	v24 =	vor.u32 $0x100, v14;
	v22 =	vor.u32 $0x80, v13;
	v23 =	vor.u32 $0x100, v13;
	v25 =	vld.idx.msk [tilespmem:v16+s2+$0x0], $0xffff  }
0xd9: {  	v27 =	vor.u32 $0x180, v11;
	v26 =	vor.u32 $0x180, v13;
	v4 =	vld [tilespmem:s29+$0x10];
	v28 =	vshll.u32 v15, $0x2  }
0xda: {  	v29 =	vshll.u32 v17, $0x2;
	v30 =	vld.idx.msk [tilespmem:v11+s2+$0x0], $0xffff;
	v11 =	vand.u32 $0x7F, v15;
	v15 =	vand.u32 $0xFFFFFE00, v28  }
0xdb: {  	v28 =	vand.u32 $0xFFFFFE00, v29;
	v29 =	vshll.u32 v12, $0x2;
	v31 =	vld.idx.msk [tilespmem:v14+s2+$0x0], $0xffff;
	v15 =	vor.u32 v11, v15  }
0xdc: {  	v32 =	vld.idx.msk [tilespmem:v13+s2+$0x0], $0xffff;
	v11 =	vand.u32 $0xFFFFFE00, v29;
	v13 =	vshll.u32 v20, $0x2;
	v29 =	vor.u32 $0x80, v16  }
0xdd: {  	v17 =	vand.u32 $0x7F, v17;
	v12 =	vand.u32 $0x7F, v12;
	v33 =	vld [tilespmem:s29+$0xFFFFFFE0];
	v13 =	vand.u32 $0xFFFFFE00, v13  }
0xde: {  	v17 =	vor.u32 v17, v28;
	v20 =	vand.u32 $0x7F, v20;
	v28 =	vld [tilespmem:s29+$0xFFFFFFF0];
	v25 =	vmul.f32 v25, v4  }
0xdf: {  	v34 =	vor.u32 $0x80, v17;
	v35 =	vor.u32 v12, v11;
	v20 =	vor.u32 v20, v13;
	v36 =	vld [tilespmem:s29+$0x0]  }
0xe0: {  	v12 =	vor.u32 $0x100, v17;
	v37 =	vor.u32 $0x80, v35;
	v38 =	vor.u32 $0x80, v20;
	[tilespmem:v15+s22+$0x0] =	vst.idx.add.f32.msk $0xffff, v25  }
0xe1: {  	v14 =	vor.u32 $0x180, v14;
	v13 =	vor.u32 $0x100, v35;
	v11 =	vor.u32 $0x100, v20;
	v25 =	vld.idx.msk [tilespmem:v29+s2+$0x0], $0xffff  }
0xe2: {  	v39 =	vor.u32 $0x180, v35;
	v29 =	vmul.f32 v32, v33;
	v32 =	vor.u32 $0x180, v17;
	v40 =	vld.idx.msk [tilespmem:v5+s2+$0x0], $0xffff;
	v5 =	vmovc v26  }
0xe3: {  	v26 =	vmul.f32 v30, v28;
	v30 =	vor.u32 $0x180, v20;
	v41 =	vld.idx.msk [tilespmem:v6+s2+$0x0], $0xffff;
	v6 =	vmov v27  }
0xe4: {  	v27 =	vor.u32 $0x80, v15;
	[tilespmem:v17+s22+$0x0] =	vst.idx.add.f32.msk $0xffff, v29;
	v17 =	vmul.f32 v31, v36  }
0xe5: {  	[tilespmem:v35+s22+$0x0] =	vst.idx.add.f32.msk $0xffff, v26;
	v26 =	vor.u32 $0x100, v16  }
0xe6: {  	[tilespmem:v20+s22+$0x0] =	vst.idx.add.f32.msk $0xffff, v17  }
0xe7: {  	v20 =	vmul.f32 v25, v4;
	v17 =	vld.idx.msk [tilespmem:v22+s2+$0x0], $0xffff  }
0xe8: {  	v22 =	vmul.f32 v40, v1;
	v1 =	vmov v33;
	v19 =	vld.idx.msk [tilespmem:v19+s2+$0x0], $0xffff  }
0xe9: {  	[tilespmem:v27+s22+$0x0] =	vst.idx.add.f32.msk $0xffff, v20;
	v20 =	vmul.f32 v41, v2;
	v2 =	vmov v28  }
0xea: {  	v25 =	vld.idx.msk [tilespmem:v26+s2+$0x0], $0xffff  }
0xeb: {  	v21 =	vld.idx.msk [tilespmem:v21+s2+$0x0], $0xffff  }
0xec: {  	v26 =	vld.idx.msk [tilespmem:v10+s2+$0x0], $0xffff;
	v10 =	vmov v14  }
0xed: {  	v14 =	vmul.f32 v17, v1;
	v17 =	vor.u32 $0x100, v15;
	[tilespmem:v8+s22+$0x0] =	vst.idx.add.f32.msk $0xffff, v22;
	v8 =	vmov v32  }
0xee: {  	v16 =	vor.u32 $0x180, v16;
	v19 =	vmul.f32 v19, v2;
	[tilespmem:v7+s22+$0x0] =	vst.idx.add.f32.msk $0xffff, v20;
	v7 =	vmov v39  }
0xef: {  	[tilespmem:v34+s22+$0x0] =	vst.idx.add.f32.msk $0xffff, v14  }
0xf0: {  	v14 =	vmul.f32 v25, v4;
	[tilespmem:v37+s22+$0x0] =	vst.idx.add.f32.msk $0xffff, v19  }
0xf1: {  	v20 =	vmul.f32 v21, v36;
	v19 =	vld.idx.msk [tilespmem:v23+s2+$0x0], $0xffff  }
0xf2: {  	v21 =	vmul.f32 v26, v3;
	v3 =	vmov v36;
	[tilespmem:v17+s22+$0x0] =	vst.idx.add.f32.msk $0xffff, v14  }
.Ltmp4:
0xf3: {  	v14 =	vld.idx.msk [tilespmem:v16+s2+$0x0], $0xffff;
	(pc) =	sbr.rel @p1 .LBB2_7-.Ltmp4, $4  }
0xf4: {  	[tilespmem:v38+s22+$0x0] =	vst.idx.add.f32.msk $0xffff, v20  }
0xf5: {  	v16 =	vld.idx.msk [tilespmem:v18+s2+$0x0], $0xffff  }
0xf6: {  	v15 =	vor.u32 $0x180, v15;
	v17 =	vld.idx.msk [tilespmem:v24+s2+$0x0], $0xffff  }
0xf7: {  	s31 =	sadd.s32 $0x40, s31;
	v18 =	vmul.f32 v19, v1;
	[tilespmem:v9+s22+$0x0] =	vst.idx.add.f32.msk $0xffff, v21;
	v9 =	vmov v30  }
0xf8: {  	_ =	sdelay $0x3  }
0xf9: {  	[tilespmem:v12+s22+$0x0] =	vst.idx.add.f32.msk $0xffff, v18;
	v16 =	vmul.f32 v16, v2  }
0xfa: {  	v5 =	vld.idx.msk [tilespmem:v5+s2+$0x0], $0xffff;
	v17 =	vmul.f32 v17, v3  }
0xfb: {  	[tilespmem:v13+s22+$0x0] =	vst.idx.add.f32.msk $0xffff, v16  }
0xfc: {  	[tilespmem:v11+s22+$0x0] =	vst.idx.add.f32.msk $0xffff, v17  }
0xfd: {  	v6 =	vld.idx.msk [tilespmem:v6+s2+$0x0], $0xffff  }
0xfe: {  	v10 =	vld.idx.msk [tilespmem:v10+s2+$0x0], $0xffff;
	_ =	sdelay $0x1  }
0xff: {  	v4 =	vmul.f32 v14, v4  }
.Ltmp5:
0x100: {  	v1 =	vmul.f32 v5, v1;
	(pc) =	sbr.rel @p0 .LBB2_10-.Ltmp5, $4  }
0x101: {  	[tilespmem:v15+s22+$0x0] =	vst.idx.add.f32.msk $0xffff, v4;
	v2 =	vmul.f32 v6, v2  }
0x102: {  	[tilespmem:v8+s22+$0x0] =	vst.idx.add.f32.msk $0xffff, v1;
	v1 =	vmul.f32 v10, v3  }
0x103: {  	[tilespmem:v7+s22+$0x0] =	vst.idx.add.f32.msk $0xffff, v2  }
0x104: {  	[tilespmem:v9+s22+$0x0] =	vst.idx.add.f32.msk $0xffff, v1  }
0x105: {  	s26 =	sadd.s32 $0x600, s26  }
0x106: {  	s28 =	sadd.s32 s3, s26  }
0x107: {  	[tilespmem:s18], [sflag:$0x2] =	stream.linear.gather [hbm4b:s28+s2], $0x1000, $0x38;
	[tilespmem:$0x1A000] =	vst v63  }
.Ltmp6:
0x108: {  	_ = 	snop;
	(pc) =	sbr.rel .LBB2_4-.Ltmp6, $4  }
0x109: {  	s31 =	sadd.s32 s4, s26  }
0x10a: {  	[tilespmem:s19], [sflag:$0x2] =	stream.linear.gather [hbm4b:s31+s2], $0x1000, $0x38;
	[tilespmem:$0x1A000] =	vst v63  }
0x10b: {  	s25 =	sadd.s32 $0x1, s25;
	s26 =	sadd.s32 s5, s26  }
0x10c: {  	[tilespmem:s20], [sflag:$0x2] =	stream.linear.gather [hbm4b:s26+s2], $0x1000, $0x38;
	[tilespmem:$0x1A000] =	vst v63  }
.LBB2_11:
0x10d: {  	_ =	sfence.sel $0x180000  }
0x10e: {  	[bflag:$0x0] =	sbarrier.arrive $0xFFFF  }
0x10f: {  	p0 =	sne.s32 s0, $0x0;
	_ =	strace $0x90000059  }
0x110: {  	s0 =	sadd.s32 @!p0 $0x100000, s1;
	[bflag:$0x2] =	sbarrier.arrive $0xFFFF  }
0x111: {  	[sflag:s0] =	ssyncadd.tile.s32 @!p0 $0x1;
	_ =	shalt  }
.Lfunc_end2:
_tile_overlayer_lowered:
.L_overlay_start_2:
0x112: {  	(tag) =	ssettag $0x2  }
0x113: {  	s0 =	rddreg [dreg:$0x0];
	s2 =	stileid.u32  }
0x114: {  	s1 =	rddreg [dreg:$0x1];
	p0 =	sne.s32 s2, $0x0  }
0x115: {  	s3 =	rddreg [dreg:$0x2];
	[bflag:$0x3] =	sbarrier.arrive $0xFFFF;
	s2 =	simm.s32 @!p0 $0x1C03  }
0x116: {  	[timem:s3], [sflag:s2] =	dma.local @!p0 [hbm:s0], s1  }
0x117: {  	s0 =	simm.s32 @!p0 $0x3  }
0x118: {  	_ =	swait.ge @!p0 [sflag:s0], s1  }
0x119: {  	s1 =	ssub.s32 @!p0 $0x0, s1;
	[sflag:s0] =	ssyncset.done @!p0 $0x0  }
0x11a: {  	[sflag:s0] =	ssyncadd.s32 @!p0 s1  }
0x11b: {  	[bflag:$0x3] =	sbarrier.arrive $0xFFFF  }
0x11c: {  	_ =	shalt  }

</sc_bundles>
